<compile_context>
chip_gen: v7x
topology: tpu7x:2x2x1
jax: 0.10.2.dev20260603
libtpu: 0.0.44.dev20260713+nightly
codegen_flags: <defaults>
</compile_context>

<pallas_src>
import functools
import math

import jax
import jax.numpy as jnp
import numpy as np
from jax import lax
from jax.experimental import pallas as pl
from jax.experimental.pallas import tpu as pltpu
from jax.experimental.pallas import tpu_sc as plsc

_B, _S, _D = 4, 4096, 1024
_DIO = 256
_DOUT = _D + _D + _DIO

_NC, _NS = 2, 16
_NW = _NC * _NS
_RW = _S // _NW
_CH = 16
_NCHUNK = _RW // _CH
_NT = _NCHUNK * _B
_NXB = 5
_NPB = 2


def _pe_buffer(max_len, d_model):
    position = np.arange(max_len, dtype=np.float32)[:, None]
    div_term = np.exp(
        np.arange(0, d_model, 2, dtype=np.float32) * (-math.log(10000.0) / d_model)
    )
    pe = np.zeros((max_len, d_model), dtype=np.float32)
    pe[:, 0::2] = np.sin(position * div_term)
    pe[:, 1::2] = np.cos(position * div_term)
    return pe


_PE_BUF = _pe_buffer(_S, _D)

_mesh = plsc.VectorSubcoreMesh(core_axis_name="c", subcore_axis_name="s")


@functools.partial(
    pl.kernel,
    out_type=jax.ShapeDtypeStruct((_B, _S, _DOUT), jnp.float32),
    mesh=_mesh,
    scratch_types=(
        [pltpu.VMEM((_CH, _D), jnp.float32)] * _NXB
        + [pltpu.VMEM_SHARED((_NS, _NPB, _CH, _D), jnp.float32)]
        + [pltpu.VMEM((_CH, _DIO), jnp.float32)]
        + [pltpu.SemaphoreType.DMA] * (2 * _NXB + 2 * _NPB + 1)
    ),
)
def _sc_concat(x_hbm, table_hbm, pe_hbm, out_hbm, *scr):
    xvs = list(scr[:_NXB])
    pe_sh = scr[_NXB]
    io_v = scr[_NXB + 1]
    sems = list(scr[_NXB + 2:])
    sid = lax.axis_index("s")
    pvs = [pe_sh.at[sid, q] for q in range(_NPB)]
    slx = sems[:_NXB]
    ssx = sems[_NXB:2 * _NXB]
    slp = sems[2 * _NXB:2 * _NXB + _NPB]
    ssp = sems[2 * _NXB + _NPB:2 * _NXB + 2 * _NPB]
    ssio = sems[-1]

    wid = lax.axis_index("s") * _NC + lax.axis_index("c")
    base = wid * _RW

    iob = [
        pltpu.async_copy(table_hbm, io_v.at[pl.ds(2 * r, 2), :], ssio)
        for r in range(_CH // 2)
    ]
    for c in iob:
        c.wait()

    def rows_of(i):
        return pl.ds(base + i * _CH, _CH)

    def start_x(t):
        i, b = divmod(t, _B)
        return pltpu.async_copy(
            x_hbm.at[b, rows_of(i), :], xvs[t % _NXB], slx[t % _NXB]
        )

    def start_pe(i):
        return pltpu.async_copy(pe_hbm.at[rows_of(i), :], pvs[i % _NPB], slp[i % _NPB])

    xload = [None] * _NT
    peload = [None] * _NCHUNK
    xstore = [None] * _NT
    pestore = [None] * _NT
    iostore = [None] * _NT

    _LEAD = _NXB - 1
    for t in range(min(_LEAD, _NT)):
        xload[t] = start_x(t)
    for i in range(min(_NPB, _NCHUNK)):
        peload[i] = start_pe(i)

    for t in range(_NT):
        i, b = divmod(t, _B)
        xload[t].wait()
        if b == 0:
            peload[i].wait()
        rows = rows_of(i)
        xstore[t] = pltpu.async_copy(
            xvs[t % _NXB], out_hbm.at[b, rows, pl.ds(0, _D)], ssx[t % _NXB]
        )
        pestore[t] = pltpu.async_copy(
            pvs[i % _NPB], out_hbm.at[b, rows, pl.ds(_D, _D)], ssp[i % _NPB]
        )
        iostore[t] = pltpu.async_copy(
            io_v, out_hbm.at[b, rows, pl.ds(2 * _D, _DIO)], ssio
        )
        if t + _LEAD < _NT:
            if t + _LEAD - _NXB >= 0:
                xstore[t + _LEAD - _NXB].wait()
            xload[t + _LEAD] = start_x(t + _LEAD)
        if b == 1 and i + 1 < _NCHUNK and i - 1 >= 0:
            for tb in range(_B):
                pestore[(i - 1) * _B + tb].wait()
            peload[i + 1] = start_pe(i + 1)

    for t in range(_NT - _NXB, _NT):
        if t >= 0:
            xstore[t].wait()
    for i in range(max(0, _NCHUNK - _NPB), _NCHUNK):
        for tb in range(_B):
            pestore[i * _B + tb].wait()
    for t in range(_NT):
        iostore[t].wait()


def kernel(x, in_out_table):
    pe = jnp.asarray(_PE_BUF)
    return _sc_concat(x, in_out_table, pe)

# --- scband reference (transcript-rebuilt; emitter-appended) ---
"""Pipeline reference for scband-positional-encoding-60765197304210 (READ-ONLY COPY).

The authoritative reference and input builder live on the scoring server;
editing this copy changes nothing except your own understanding.
"""

import jax, jax.numpy as jnp
import numpy as np
import math

MAX_LEN = 4096
D_MODEL = 1024

def _make_pe(max_len, d_model):
    position = np.arange(max_len, dtype=np.float32)[:, None]
    div_term = np.exp(np.arange(0, d_model, 2, dtype=np.float32) * (-math.log(10000.0) / d_model))
    pe = np.zeros((max_len, d_model), dtype=np.float32)
    pe[:, 0::2] = np.sin(position * div_term)
    pe[:, 1::2] = np.cos(position * div_term)
    return jnp.asarray(pe)

_PE = _make_pe(MAX_LEN, D_MODEL)

def setup_inputs(seed: int = 0) -> dict:
    key = jax.random.key(seed)
    k1, k2 = jax.random.split(key)
    x = jax.random.normal(k1, (4, 4096, 1024), dtype=jnp.float32)
    # learned nn.Embedding(2, 256) table ('in_out')
    in_out_table = jax.random.normal(k2, (2, 256), dtype=jnp.float32)
    return {"x": x, "in_out_table": in_out_table}

def reference(x, in_out_table):
    # pe_type='sin', position_ids=None branch of the torch forward.
    B, S, D = x.shape
    # self.pe[:, :x.size(1)].repeat(x.shape[0], 1, 1)
    pe_slice = _PE[:S]  # [S, d_model], constant buffer
    pe_b = jnp.broadcast_to(pe_slice[None, :, :], (B, S, pe_slice.shape[-1]))
    x = jnp.concatenate([x, pe_b], axis=-1)
    # self.in_out(torch.tensor([0,1]).repeat(S//2)) -> [S, 256]
    idx = jnp.tile(jnp.array([0, 1], dtype=jnp.int32), S // 2)
    io = jnp.take(in_out_table, idx, axis=0)  # embedding gather
    io_b = jnp.broadcast_to(io[None, :, :], (B, S, io.shape[-1]))
    x = jnp.concatenate([x, io_b], axis=-1)
    return x

if __name__ == "__main__":
    import jax
    _d = setup_inputs()
    print(jax.jit(kernel)(*tuple(_d.values())))

</pallas_src>

<mosaic_0001>
#map = affine_map<(d0, d1) -> (0, 0, 0)>
#map1 = affine_map<(d0, d1) -> (0, 0)>
module attributes {stable_mosaic.version = 14 : i64} {
  func.func @_sc_concat(%arg0: i32, %arg1: i32, %arg2: memref<4x4096x1024xf32, #tpu.memory_space<hbm>>, %arg3: memref<2x256xf32, #tpu.memory_space<hbm>>, %arg4: memref<4096x1024xf32, #tpu.memory_space<hbm>>, %arg5: memref<4x4096x2304xf32, #tpu.memory_space<hbm>>, %arg6: memref<16x1024xf32, #tpu.memory_space<vmem>>, %arg7: memref<16x1024xf32, #tpu.memory_space<vmem>>, %arg8: memref<16x1024xf32, #tpu.memory_space<vmem>>, %arg9: memref<16x1024xf32, #tpu.memory_space<vmem>>, %arg10: memref<16x1024xf32, #tpu.memory_space<vmem>>, %arg11: memref<16x2x16x1024xf32, #tpu.memory_space<vmem_shared>>, %arg12: memref<16x256xf32, #tpu.memory_space<vmem>>, %arg13: memref<!tpu.dma_semaphore, #tpu.memory_space<semaphore_mem>>, %arg14: memref<!tpu.dma_semaphore, #tpu.memory_space<semaphore_mem>>, %arg15: memref<!tpu.dma_semaphore, #tpu.memory_space<semaphore_mem>>, %arg16: memref<!tpu.dma_semaphore, #tpu.memory_space<semaphore_mem>>, %arg17: memref<!tpu.dma_semaphore, #tpu.memory_space<semaphore_mem>>, %arg18: memref<!tpu.dma_semaphore, #tpu.memory_space<semaphore_mem>>, %arg19: memref<!tpu.dma_semaphore, #tpu.memory_space<semaphore_mem>>, %arg20: memref<!tpu.dma_semaphore, #tpu.memory_space<semaphore_mem>>, %arg21: memref<!tpu.dma_semaphore, #tpu.memory_space<semaphore_mem>>, %arg22: memref<!tpu.dma_semaphore, #tpu.memory_space<semaphore_mem>>, %arg23: memref<!tpu.dma_semaphore, #tpu.memory_space<semaphore_mem>>, %arg24: memref<!tpu.dma_semaphore, #tpu.memory_space<semaphore_mem>>, %arg25: memref<!tpu.dma_semaphore, #tpu.memory_space<semaphore_mem>>, %arg26: memref<!tpu.dma_semaphore, #tpu.memory_space<semaphore_mem>>, %arg27: memref<!tpu.dma_semaphore, #tpu.memory_space<semaphore_mem>>) attributes {dimension_semantics = [#tpu.dimension_semantics<core_parallel>, #tpu.dimension_semantics<subcore_parallel>], iteration_bounds = array<i64: 2, 16>, scalar_prefetch = 0 : i64, scratch_operands = 22 : i64, tpu.core_type = #tpu.core_type<sc_vector_subcore>, window_params = [{transform_indices = #map}, {transform_indices = #map1}, {transform_indices = #map1}, {transform_indices = #map}]} {
    %mul3A = arith.constant 2 : i32
    %mul3A_0 = arith.muli %arg1, %mul3A : i32
    %add3A = arith.addi %mul3A_0, %arg0 : i32
    %mul3A_1 = arith.constant 128 : i32
    %mul3A_2 = arith.muli %add3A, %mul3A_1 : i32
    %dma_start3A = arith.constant 0 : i32
    %dma_start3A_3 = arith.constant 0 : i32
    %dma_start3A_4 = tpu.memref_slice %arg12[%dma_start3A, %dma_start3A_3] : memref<16x256xf32, #tpu.memory_space<vmem>> -> memref<2x256xf32, #tpu.memory_space<vmem>>
    %dma_start3A_5 = arith.constant 0 : i32
    %dma_start3A_6 = arith.constant 0 : i32
    %dma_start3A_7 = tpu.memref_slice %arg12[%dma_start3A_5, %dma_start3A_6] : memref<16x256xf32, #tpu.memory_space<vmem>> -> memref<2x256xf32, #tpu.memory_space<vmem>>
    tpu.enqueue_dma source(%arg3 : memref<2x256xf32, #tpu.memory_space<hbm>>) target(%dma_start3A_7 : memref<2x256xf32, #tpu.memory_space<vmem>>) target_semaphore(%arg27 : memref<!tpu.dma_semaphore, #tpu.memory_space<semaphore_mem>>)
    %dma_start3A_8 = arith.constant 2 : i32
    %dma_start3A_9 = arith.constant 0 : i32
    %dma_start3A_10 = tpu.memref_slice %arg12[%dma_start3A_8, %dma_start3A_9] : memref<16x256xf32, #tpu.memory_space<vmem>> -> memref<2x256xf32, #tpu.memory_space<vmem>>
    %dma_start3A_11 = arith.constant 2 : i32
    %dma_start3A_12 = arith.constant 0 : i32
    %dma_start3A_13 = tpu.memref_slice %arg12[%dma_start3A_11, %dma_start3A_12] : memref<16x256xf32, #tpu.memory_space<vmem>> -> memref<2x256xf32, #tpu.memory_space<vmem>>
    tpu.enqueue_dma source(%arg3 : memref<2x256xf32, #tpu.memory_space<hbm>>) target(%dma_start3A_13 : memref<2x256xf32, #tpu.memory_space<vmem>>) target_semaphore(%arg27 : memref<!tpu.dma_semaphore, #tpu.memory_space<semaphore_mem>>)
    %dma_start3A_14 = arith.constant 4 : i32
    %dma_start3A_15 = arith.constant 0 : i32
    %dma_start3A_16 = tpu.memref_slice %arg12[%dma_start3A_14, %dma_start3A_15] : memref<16x256xf32, #tpu.memory_space<vmem>> -> memref<2x256xf32, #tpu.memory_space<vmem>>
    %dma_start3A_17 = arith.constant 4 : i32
    %dma_start3A_18 = arith.constant 0 : i32
    %dma_start3A_19 = tpu.memref_slice %arg12[%dma_start3A_17, %dma_start3A_18] : memref<16x256xf32, #tpu.memory_space<vmem>> -> memref<2x256xf32, #tpu.memory_space<vmem>>
    tpu.enqueue_dma source(%arg3 : memref<2x256xf32, #tpu.memory_space<hbm>>) target(%dma_start3A_19 : memref<2x256xf32, #tpu.memory_space<vmem>>) target_semaphore(%arg27 : memref<!tpu.dma_semaphore, #tpu.memory_space<semaphore_mem>>)
    %dma_start3A_20 = arith.constant 6 : i32
    %dma_start3A_21 = arith.constant 0 : i32
    %dma_start3A_22 = tpu.memref_slice %arg12[%dma_start3A_20, %dma_start3A_21] : memref<16x256xf32, #tpu.memory_space<vmem>> -> memref<2x256xf32, #tpu.memory_space<vmem>>
    %dma_start3A_23 = arith.constant 6 : i32
    %dma_start3A_24 = arith.constant 0 : i32
    %dma_start3A_25 = tpu.memref_slice %arg12[%dma_start3A_23, %dma_start3A_24] : memref<16x256xf32, #tpu.memory_space<vmem>> -> memref<2x256xf32, #tpu.memory_space<vmem>>
    tpu.enqueue_dma source(%arg3 : memref<2x256xf32, #tpu.memory_space<hbm>>) target(%dma_start3A_25 : memref<2x256xf32, #tpu.memory_space<vmem>>) target_semaphore(%arg27 : memref<!tpu.dma_semaphore, #tpu.memory_space<semaphore_mem>>)
    %dma_start3A_26 = arith.constant 8 : i32
    %dma_start3A_27 = arith.constant 0 : i32
    %dma_start3A_28 = tpu.memref_slice %arg12[%dma_start3A_26, %dma_start3A_27] : memref<16x256xf32, #tpu.memory_space<vmem>> -> memref<2x256xf32, #tpu.memory_space<vmem>>
    %dma_start3A_29 = arith.constant 8 : i32
    %dma_start3A_30 = arith.constant 0 : i32
    %dma_start3A_31 = tpu.memref_slice %arg12[%dma_start3A_29, %dma_start3A_30] : memref<16x256xf32, #tpu.memory_space<vmem>> -> memref<2x256xf32, #tpu.memory_space<vmem>>
    tpu.enqueue_dma source(%arg3 : memref<2x256xf32, #tpu.memory_space<hbm>>) target(%dma_start3A_31 : memref<2x256xf32, #tpu.memory_space<vmem>>) target_semaphore(%arg27 : memref<!tpu.dma_semaphore, #tpu.memory_space<semaphore_mem>>)
    %dma_start3A_32 = arith.constant 10 : i32
    %dma_start3A_33 = arith.constant 0 : i32
    %dma_start3A_34 = tpu.memref_slice %arg12[%dma_start3A_32, %dma_start3A_33] : memref<16x256xf32, #tpu.memory_space<vmem>> -> memref<2x256xf32, #tpu.memory_space<vmem>>
    %dma_start3A_35 = arith.constant 10 : i32
    %dma_start3A_36 = arith.constant 0 : i32
    %dma_start3A_37 = tpu.memref_slice %arg12[%dma_start3A_35, %dma_start3A_36] : memref<16x256xf32, #tpu.memory_space<vmem>> -> memref<2x256xf32, #tpu.memory_space<vmem>>
    tpu.enqueue_dma source(%arg3 : memref<2x256xf32, #tpu.memory_space<hbm>>) target(%dma_start3A_37 : memref<2x256xf32, #tpu.memory_space<vmem>>) target_semaphore(%arg27 : memref<!tpu.dma_semaphore, #tpu.memory_space<semaphore_mem>>)
    %dma_start3A_38 = arith.constant 12 : i32
    %dma_start3A_39 = arith.constant 0 : i32
    %dma_start3A_40 = tpu.memref_slice %arg12[%dma_start3A_38, %dma_start3A_39] : memref<16x256xf32, #tpu.memory_space<vmem>> -> memref<2x256xf32, #tpu.memory_space<vmem>>
    %dma_start3A_41 = arith.constant 12 : i32
    %dma_start3A_42 = arith.constant 0 : i32
    %dma_start3A_43 = tpu.memref_slice %arg12[%dma_start3A_41, %dma_start3A_42] : memref<16x256xf32, #tpu.memory_space<vmem>> -> memref<2x256xf32, #tpu.memory_space<vmem>>
    tpu.enqueue_dma source(%arg3 : memref<2x256xf32, #tpu.memory_space<hbm>>) target(%dma_start3A_43 : memref<2x256xf32, #tpu.memory_space<vmem>>) target_semaphore(%arg27 : memref<!tpu.dma_semaphore, #tpu.memory_space<semaphore_mem>>)
    %dma_start3A_44 = arith.constant 14 : i32
    %dma_start3A_45 = arith.constant 0 : i32
    %dma_start3A_46 = tpu.memref_slice %arg12[%dma_start3A_44, %dma_start3A_45] : memref<16x256xf32, #tpu.memory_space<vmem>> -> memref<2x256xf32, #tpu.memory_space<vmem>>
    %dma_start3A_47 = arith.constant 14 : i32
    %dma_start3A_48 = arith.constant 0 : i32
    %dma_start3A_49 = tpu.memref_slice %arg12[%dma_start3A_47, %dma_start3A_48] : memref<16x256xf32, #tpu.memory_space<vmem>> -> memref<2x256xf32, #tpu.memory_space<vmem>>
    tpu.enqueue_dma source(%arg3 : memref<2x256xf32, #tpu.memory_space<hbm>>) target(%dma_start3A_49 : memref<2x256xf32, #tpu.memory_space<vmem>>) target_semaphore(%arg27 : memref<!tpu.dma_semaphore, #tpu.memory_space<semaphore_mem>>)
    %dma_wait3A = arith.constant 0 : i32
    %dma_wait3A_50 = arith.constant 0 : i32
    %dma_wait3A_51 = tpu.memref_slice %arg12[%dma_wait3A, %dma_wait3A_50] : memref<16x256xf32, #tpu.memory_space<vmem>> -> memref<2x256xf32, #tpu.memory_space<vmem>>
    %dma_wait3A_52 = arith.constant 0 : i32
    %dma_wait3A_53 = arith.constant 0 : i32
    %dma_wait3A_54 = tpu.memref_slice %arg12[%dma_wait3A_52, %dma_wait3A_53] : memref<16x256xf32, #tpu.memory_space<vmem>> -> memref<2x256xf32, #tpu.memory_space<vmem>>
    tpu.wait_dma2 semaphore(%arg27 : memref<!tpu.dma_semaphore, #tpu.memory_space<semaphore_mem>>) src(%arg3 : memref<2x256xf32, #tpu.memory_space<hbm>>) dst(%dma_wait3A_54 : memref<2x256xf32, #tpu.memory_space<vmem>>)
    %dma_wait3A_55 = arith.constant 2 : i32
    %dma_wait3A_56 = arith.constant 0 : i32
    %dma_wait3A_57 = tpu.memref_slice %arg12[%dma_wait3A_55, %dma_wait3A_56] : memref<16x256xf32, #tpu.memory_space<vmem>> -> memref<2x256xf32, #tpu.memory_space<vmem>>
    %dma_wait3A_58 = arith.constant 2 : i32
    %dma_wait3A_59 = arith.constant 0 : i32
    %dma_wait3A_60 = tpu.memref_slice %arg12[%dma_wait3A_58, %dma_wait3A_59] : memref<16x256xf32, #tpu.memory_space<vmem>> -> memref<2x256xf32, #tpu.memory_space<vmem>>
    tpu.wait_dma2 semaphore(%arg27 : memref<!tpu.dma_semaphore, #tpu.memory_space<semaphore_mem>>) src(%arg3 : memref<2x256xf32, #tpu.memory_space<hbm>>) dst(%dma_wait3A_60 : memref<2x256xf32, #tpu.memory_space<vmem>>)
    %dma_wait3A_61 = arith.constant 4 : i32
    %dma_wait3A_62 = arith.constant 0 : i32
    %dma_wait3A_63 = tpu.memref_slice %arg12[%dma_wait3A_61, %dma_wait3A_62] : memref<16x256xf32, #tpu.memory_space<vmem>> -> memref<2x256xf32, #tpu.memory_space<vmem>>
    %dma_wait3A_64 = arith.constant 4 : i32
    %dma_wait3A_65 = arith.constant 0 : i32
    %dma_wait3A_66 = tpu.memref_slice %arg12[%dma_wait3A_64, %dma_wait3A_65] : memref<16x256xf32, #tpu.memory_space<vmem>> -> memref<2x256xf32, #tpu.memory_space<vmem>>
    tpu.wait_dma2 semaphore(%arg27 : memref<!tpu.dma_semaphore, #tpu.memory_space<semaphore_mem>>) src(%arg3 : memref<2x256xf32, #tpu.memory_space<hbm>>) dst(%dma_wait3A_66 : memref<2x256xf32, #tpu.memory_space<vmem>>)
    %dma_wait3A_67 = arith.constant 6 : i32
    %dma_wait3A_68 = arith.constant 0 : i32
    %dma_wait3A_69 = tpu.memref_slice %arg12[%dma_wait3A_67, %dma_wait3A_68] : memref<16x256xf32, #tpu.memory_space<vmem>> -> memref<2x256xf32, #tpu.memory_space<vmem>>
    %dma_wait3A_70 = arith.constant 6 : i32
    %dma_wait3A_71 = arith.constant 0 : i32
    %dma_wait3A_72 = tpu.memref_slice %arg12[%dma_wait3A_70, %dma_wait3A_71] : memref<16x256xf32, #tpu.memory_space<vmem>> -> memref<2x256xf32, #tpu.memory_space<vmem>>
    tpu.wait_dma2 semaphore(%arg27 : memref<!tpu.dma_semaphore, #tpu.memory_space<semaphore_mem>>) src(%arg3 : memref<2x256xf32, #tpu.memory_space<hbm>>) dst(%dma_wait3A_72 : memref<2x256xf32, #tpu.memory_space<vmem>>)
    %dma_wait3A_73 = arith.constant 8 : i32
    %dma_wait3A_74 = arith.constant 0 : i32
    %dma_wait3A_75 = tpu.memref_slice %arg12[%dma_wait3A_73, %dma_wait3A_74] : memref<16x256xf32, #tpu.memory_space<vmem>> -> memref<2x256xf32, #tpu.memory_space<vmem>>
    %dma_wait3A_76 = arith.constant 8 : i32
    %dma_wait3A_77 = arith.constant 0 : i32
    %dma_wait3A_78 = tpu.memref_slice %arg12[%dma_wait3A_76, %dma_wait3A_77] : memref<16x256xf32, #tpu.memory_space<vmem>> -> memref<2x256xf32, #tpu.memory_space<vmem>>
    tpu.wait_dma2 semaphore(%arg27 : memref<!tpu.dma_semaphore, #tpu.memory_space<semaphore_mem>>) src(%arg3 : memref<2x256xf32, #tpu.memory_space<hbm>>) dst(%dma_wait3A_78 : memref<2x256xf32, #tpu.memory_space<vmem>>)
    %dma_wait3A_79 = arith.constant 10 : i32
    %dma_wait3A_80 = arith.constant 0 : i32
    %dma_wait3A_81 = tpu.memref_slice %arg12[%dma_wait3A_79, %dma_wait3A_80] : memref<16x256xf32, #tpu.memory_space<vmem>> -> memref<2x256xf32, #tpu.memory_space<vmem>>
    %dma_wait3A_82 = arith.constant 10 : i32
    %dma_wait3A_83 = arith.constant 0 : i32
    %dma_wait3A_84 = tpu.memref_slice %arg12[%dma_wait3A_82, %dma_wait3A_83] : memref<16x256xf32, #tpu.memory_space<vmem>> -> memref<2x256xf32, #tpu.memory_space<vmem>>
    tpu.wait_dma2 semaphore(%arg27 : memref<!tpu.dma_semaphore, #tpu.memory_space<semaphore_mem>>) src(%arg3 : memref<2x256xf32, #tpu.memory_space<hbm>>) dst(%dma_wait3A_84 : memref<2x256xf32, #tpu.memory_space<vmem>>)
    %dma_wait3A_85 = arith.constant 12 : i32
    %dma_wait3A_86 = arith.constant 0 : i32
    %dma_wait3A_87 = tpu.memref_slice %arg12[%dma_wait3A_85, %dma_wait3A_86] : memref<16x256xf32, #tpu.memory_space<vmem>> -> memref<2x256xf32, #tpu.memory_space<vmem>>
    %dma_wait3A_88 = arith.constant 12 : i32
    %dma_wait3A_89 = arith.constant 0 : i32
    %dma_wait3A_90 = tpu.memref_slice %arg12[%dma_wait3A_88, %dma_wait3A_89] : memref<16x256xf32, #tpu.memory_space<vmem>> -> memref<2x256xf32, #tpu.memory_space<vmem>>
    tpu.wait_dma2 semaphore(%arg27 : memref<!tpu.dma_semaphore, #tpu.memory_space<semaphore_mem>>) src(%arg3 : memref<2x256xf32, #tpu.memory_space<hbm>>) dst(%dma_wait3A_90 : memref<2x256xf32, #tpu.memory_space<vmem>>)
    %dma_wait3A_91 = arith.constant 14 : i32
    %dma_wait3A_92 = arith.constant 0 : i32
    %dma_wait3A_93 = tpu.memref_slice %arg12[%dma_wait3A_91, %dma_wait3A_92] : memref<16x256xf32, #tpu.memory_space<vmem>> -> memref<2x256xf32, #tpu.memory_space<vmem>>
    %dma_wait3A_94 = arith.constant 14 : i32
    %dma_wait3A_95 = arith.constant 0 : i32
    %dma_wait3A_96 = tpu.memref_slice %arg12[%dma_wait3A_94, %dma_wait3A_95] : memref<16x256xf32, #tpu.memory_space<vmem>> -> memref<2x256xf32, #tpu.memory_space<vmem>>
    tpu.wait_dma2 semaphore(%arg27 : memref<!tpu.dma_semaphore, #tpu.memory_space<semaphore_mem>>) src(%arg3 : memref<2x256xf32, #tpu.memory_space<hbm>>) dst(%dma_wait3A_96 : memref<2x256xf32, #tpu.memory_space<vmem>>)
    %add3A_97 = arith.constant 0 : i32
    %add3A_98 = arith.addi %mul3A_2, %add3A_97 : i32
    %dma_start3A_99 = arith.constant 0 : i32
    %dma_start3A_100 = arith.constant 0 : i32
    %dma_start3A_101 = tpu.memref_slice %arg2[%dma_start3A_99, %add3A_98, %dma_start3A_100] : memref<4x4096x1024xf32, #tpu.memory_space<hbm>> -> memref<1x16x1024xf32, #tpu.memory_space<hbm>>
    %dma_start3A_102 = tpu.memref_squeeze %dma_start3A_101 : memref<1x16x1024xf32, #tpu.memory_space<hbm>> -> memref<16x1024xf32, #tpu.memory_space<hbm>>
    %dma_start3A_103 = arith.constant 0 : i32
    %dma_start3A_104 = tpu.memref_slice %arg2[%dma_start3A_99, %add3A_98, %dma_start3A_103] : memref<4x4096x1024xf32, #tpu.memory_space<hbm>> -> memref<1x16x1024xf32, #tpu.memory_space<hbm>>
    %dma_start3A_105 = tpu.memref_squeeze %dma_start3A_104 : memref<1x16x1024xf32, #tpu.memory_space<hbm>> -> memref<16x1024xf32, #tpu.memory_space<hbm>>
    tpu.enqueue_dma source(%dma_start3A_105 : memref<16x1024xf32, #tpu.memory_space<hbm>>) target(%arg6 : memref<16x1024xf32, #tpu.memory_space<vmem>>) target_semaphore(%arg13 : memref<!tpu.dma_semaphore, #tpu.memory_space<semaphore_mem>>)
    %add3A_106 = arith.constant 0 : i32
    %add3A_107 = arith.addi %mul3A_2, %add3A_106 : i32
    %dma_start3A_108 = arith.constant 1 : i32
    %dma_start3A_109 = arith.constant 0 : i32
    %dma_start3A_110 = tpu.memref_slice %arg2[%dma_start3A_108, %add3A_107, %dma_start3A_109] : memref<4x4096x1024xf32, #tpu.memory_space<hbm>> -> memref<1x16x1024xf32, #tpu.memory_space<hbm>>
    %dma_start3A_111 = tpu.memref_squeeze %dma_start3A_110 : memref<1x16x1024xf32, #tpu.memory_space<hbm>> -> memref<16x1024xf32, #tpu.memory_space<hbm>>
    %dma_start3A_112 = arith.constant 0 : i32
    %dma_start3A_113 = tpu.memref_slice %arg2[%dma_start3A_108, %add3A_107, %dma_start3A_112] : memref<4x4096x1024xf32, #tpu.memory_space<hbm>> -> memref<1x16x1024xf32, #tpu.memory_space<hbm>>
    %dma_start3A_114 = tpu.memref_squeeze %dma_start3A_113 : memref<1x16x1024xf32, #tpu.memory_space<hbm>> -> memref<16x1024xf32, #tpu.memory_space<hbm>>
    tpu.enqueue_dma source(%dma_start3A_114 : memref<16x1024xf32, #tpu.memory_space<hbm>>) target(%arg7 : memref<16x1024xf32, #tpu.memory_space<vmem>>) target_semaphore(%arg14 : memref<!tpu.dma_semaphore, #tpu.memory_space<semaphore_mem>>)
    %add3A_115 = arith.constant 0 : i32
    %add3A_116 = arith.addi %mul3A_2, %add3A_115 : i32
    %dma_start3A_117 = arith.constant 2 : i32
    %dma_start3A_118 = arith.constant 0 : i32
    %dma_start3A_119 = tpu.memref_slice %arg2[%dma_start3A_117, %add3A_116, %dma_start3A_118] : memref<4x4096x1024xf32, #tpu.memory_space<hbm>> -> memref<1x16x1024xf32, #tpu.memory_space<hbm>>
    %dma_start3A_120 = tpu.memref_squeeze %dma_start3A_119 : memref<1x16x1024xf32, #tpu.memory_space<hbm>> -> memref<16x1024xf32, #tpu.memory_space<hbm>>
    %dma_start3A_121 = arith.constant 0 : i32
    %dma_start3A_122 = tpu.memref_slice %arg2[%dma_start3A_117, %add3A_116, %dma_start3A_121] : memref<4x4096x1024xf32, #tpu.memory_space<hbm>> -> memref<1x16x1024xf32, #tpu.memory_space<hbm>>
    %dma_start3A_123 = tpu.memref_squeeze %dma_start3A_122 : memref<1x16x1024xf32, #tpu.memory_space<hbm>> -> memref<16x1024xf32, #tpu.memory_space<hbm>>
    tpu.enqueue_dma source(%dma_start3A_123 : memref<16x1024xf32, #tpu.memory_space<hbm>>) target(%arg8 : memref<16x1024xf32, #tpu.memory_space<vmem>>) target_semaphore(%arg15 : memref<!tpu.dma_semaphore, #tpu.memory_space<semaphore_mem>>)
    %add3A_124 = arith.constant 0 : i32
    %add3A_125 = arith.addi %mul3A_2, %add3A_124 : i32
    %dma_start3A_126 = arith.constant 3 : i32
    %dma_start3A_127 = arith.constant 0 : i32
    %dma_start3A_128 = tpu.memref_slice %arg2[%dma_start3A_126, %add3A_125, %dma_start3A_127] : memref<4x4096x1024xf32, #tpu.memory_space<hbm>> -> memref<1x16x1024xf32, #tpu.memory_space<hbm>>
    %dma_start3A_129 = tpu.memref_squeeze %dma_start3A_128 : memref<1x16x1024xf32, #tpu.memory_space<hbm>> -> memref<16x1024xf32, #tpu.memory_space<hbm>>
    %dma_start3A_130 = arith.constant 0 : i32
    %dma_start3A_131 = tpu.memref_slice %arg2[%dma_start3A_126, %add3A_125, %dma_start3A_130] : memref<4x4096x1024xf32, #tpu.memory_space<hbm>> -> memref<1x16x1024xf32, #tpu.memory_space<hbm>>
    %dma_start3A_132 = tpu.memref_squeeze %dma_start3A_131 : memref<1x16x1024xf32, #tpu.memory_space<hbm>> -> memref<16x1024xf32, #tpu.memory_space<hbm>>
    tpu.enqueue_dma source(%dma_start3A_132 : memref<16x1024xf32, #tpu.memory_space<hbm>>) target(%arg9 : memref<16x1024xf32, #tpu.memory_space<vmem>>) target_semaphore(%arg16 : memref<!tpu.dma_semaphore, #tpu.memory_space<semaphore_mem>>)
    %add3A_133 = arith.constant 0 : i32
    %add3A_134 = arith.addi %mul3A_2, %add3A_133 : i32
    %dma_start3A_135 = arith.constant 0 : i32
    %dma_start3A_136 = arith.constant 0 : i32
    %dma_start3A_137 = arith.constant 0 : i32
    %dma_start3A_138 = tpu.memref_slice %arg11[%arg1, %dma_start3A_135, %dma_start3A_136, %dma_start3A_137] : memref<16x2x16x1024xf32, #tpu.memory_space<vmem_shared>> -> memref<1x1x16x1024xf32, #tpu.memory_space<vmem_shared>>
    %dma_start3A_139 = tpu.memref_squeeze %dma_start3A_138 : memref<1x1x16x1024xf32, #tpu.memory_space<vmem_shared>> -> memref<16x1024xf32, #tpu.memory_space<vmem_shared>>
    %dma_start3A_140 = arith.constant 0 : i32
    %dma_start3A_141 = tpu.memref_slice %arg4[%add3A_134, %dma_start3A_140] : memref<4096x1024xf32, #tpu.memory_space<hbm>> -> memref<16x1024xf32, #tpu.memory_space<hbm>>
    tpu.enqueue_dma source(%dma_start3A_141 : memref<16x1024xf32, #tpu.memory_space<hbm>>) target(%dma_start3A_139 : memref<16x1024xf32, #tpu.memory_space<vmem_shared>>) target_semaphore(%arg23 : memref<!tpu.dma_semaphore, #tpu.memory_space<semaphore_mem>>)
    %add3A_142 = arith.constant 16 : i32
    %add3A_143 = arith.addi %mul3A_2, %add3A_142 : i32
    %dma_start3A_144 = arith.constant 1 : i32
    %dma_start3A_145 = arith.constant 0 : i32
    %dma_start3A_146 = arith.constant 0 : i32
    %dma_start3A_147 = tpu.memref_slice %arg11[%arg1, %dma_start3A_144, %dma_start3A_145, %dma_start3A_146] : memref<16x2x16x1024xf32, #tpu.memory_space<vmem_shared>> -> memref<1x1x16x1024xf32, #tpu.memory_space<vmem_shared>>
    %dma_start3A_148 = tpu.memref_squeeze %dma_start3A_147 : memref<1x1x16x1024xf32, #tpu.memory_space<vmem_shared>> -> memref<16x1024xf32, #tpu.memory_space<vmem_shared>>
    %dma_start3A_149 = arith.constant 0 : i32
    %dma_start3A_150 = tpu.memref_slice %arg4[%add3A_143, %dma_start3A_149] : memref<4096x1024xf32, #tpu.memory_space<hbm>> -> memref<16x1024xf32, #tpu.memory_space<hbm>>
    tpu.enqueue_dma source(%dma_start3A_150 : memref<16x1024xf32, #tpu.memory_space<hbm>>) target(%dma_start3A_148 : memref<16x1024xf32, #tpu.memory_space<vmem_shared>>) target_semaphore(%arg24 : memref<!tpu.dma_semaphore, #tpu.memory_space<semaphore_mem>>)
    %dma_wait3A_151 = arith.constant 0 : i32
    %dma_wait3A_152 = arith.constant 0 : i32
    %dma_wait3A_153 = tpu.memref_slice %arg2[%dma_wait3A_151, %add3A_98, %dma_wait3A_152] : memref<4x4096x1024xf32, #tpu.memory_space<hbm>> -> memref<1x16x1024xf32, #tpu.memory_space<hbm>>
    %dma_wait3A_154 = tpu.memref_squeeze %dma_wait3A_153 : memref<1x16x1024xf32, #tpu.memory_space<hbm>> -> memref<16x1024xf32, #tpu.memory_space<hbm>>
    %dma_wait3A_155 = arith.constant 0 : i32
    %dma_wait3A_156 = tpu.memref_slice %arg2[%dma_wait3A_151, %add3A_98, %dma_wait3A_155] : memref<4x4096x1024xf32, #tpu.memory_space<hbm>> -> memref<1x16x1024xf32, #tpu.memory_space<hbm>>
    %dma_wait3A_157 = tpu.memref_squeeze %dma_wait3A_156 : memref<1x16x1024xf32, #tpu.memory_space<hbm>> -> memref<16x1024xf32, #tpu.memory_space<hbm>>
    tpu.wait_dma2 semaphore(%arg13 : memref<!tpu.dma_semaphore, #tpu.memory_space<semaphore_mem>>) src(%dma_wait3A_157 : memref<16x1024xf32, #tpu.memory_space<hbm>>) dst(%arg6 : memref<16x1024xf32, #tpu.memory_space<vmem>>)
    %dma_wait3A_158 = arith.constant 0 : i32
    %dma_wait3A_159 = arith.constant 0 : i32
    %dma_wait3A_160 = arith.constant 0 : i32
    %dma_wait3A_161 = tpu.memref_slice %arg11[%arg1, %dma_wait3A_158, %dma_wait3A_159, %dma_wait3A_160] : memref<16x2x16x1024xf32, #tpu.memory_space<vmem_shared>> -> memref<1x1x16x1024xf32, #tpu.memory_space<vmem_shared>>
    %dma_wait3A_162 = tpu.memref_squeeze %dma_wait3A_161 : memref<1x1x16x1024xf32, #tpu.memory_space<vmem_shared>> -> memref<16x1024xf32, #tpu.memory_space<vmem_shared>>
    %dma_wait3A_163 = arith.constant 0 : i32
    %dma_wait3A_164 = tpu.memref_slice %arg4[%add3A_134, %dma_wait3A_163] : memref<4096x1024xf32, #tpu.memory_space<hbm>> -> memref<16x1024xf32, #tpu.memory_space<hbm>>
    tpu.wait_dma2 semaphore(%arg23 : memref<!tpu.dma_semaphore, #tpu.memory_space<semaphore_mem>>) src(%dma_wait3A_164 : memref<16x1024xf32, #tpu.memory_space<hbm>>) dst(%dma_wait3A_162 : memref<16x1024xf32, #tpu.memory_space<vmem_shared>>)
    %add3A_165 = arith.constant 0 : i32
    %add3A_166 = arith.addi %mul3A_2, %add3A_165 : i32
    %dma_start3A_167 = arith.constant 0 : i32
    %dma_start3A_168 = arith.constant 0 : i32
    %dma_start3A_169 = tpu.memref_slice %arg5[%dma_start3A_167, %add3A_166, %dma_start3A_168] : memref<4x4096x2304xf32, #tpu.memory_space<hbm>> -> memref<1x16x1024xf32, #tpu.memory_space<hbm>>
    %dma_start3A_170 = tpu.memref_squeeze %dma_start3A_169 : memref<1x16x1024xf32, #tpu.memory_space<hbm>> -> memref<16x1024xf32, #tpu.memory_space<hbm>>
    %dma_start3A_171 = arith.constant 0 : i32
    %dma_start3A_172 = tpu.memref_slice %arg5[%dma_start3A_167, %add3A_166, %dma_start3A_171] : memref<4x4096x2304xf32, #tpu.memory_space<hbm>> -> memref<1x16x1024xf32, #tpu.memory_space<hbm>>
    %dma_start3A_173 = tpu.memref_squeeze %dma_start3A_172 : memref<1x16x1024xf32, #tpu.memory_space<hbm>> -> memref<16x1024xf32, #tpu.memory_space<hbm>>
    tpu.enqueue_dma source(%arg6 : memref<16x1024xf32, #tpu.memory_space<vmem>>) target(%dma_start3A_173 : memref<16x1024xf32, #tpu.memory_space<hbm>>) target_semaphore(%arg18 : memref<!tpu.dma_semaphore, #tpu.memory_space<semaphore_mem>>)
    %dma_start3A_174 = arith.constant 0 : i32
    %dma_start3A_175 = arith.constant 0 : i32
    %dma_start3A_176 = arith.constant 1024 : i32
    %dma_start3A_177 = tpu.memref_slice %arg5[%dma_start3A_175, %add3A_166, %dma_start3A_176] : memref<4x4096x2304xf32, #tpu.memory_space<hbm>> -> memref<1x16x1024xf32, #tpu.memory_space<hbm>>
    %dma_start3A_178 = tpu.memref_squeeze %dma_start3A_177 : memref<1x16x1024xf32, #tpu.memory_space<hbm>> -> memref<16x1024xf32, #tpu.memory_space<hbm>>
    %dma_start3A_179 = arith.constant 0 : i32
    %dma_start3A_180 = arith.constant 0 : i32
    %dma_start3A_181 = tpu.memref_slice %arg11[%arg1, %dma_start3A_174, %dma_start3A_179, %dma_start3A_180] : memref<16x2x16x1024xf32, #tpu.memory_space<vmem_shared>> -> memref<1x1x16x1024xf32, #tpu.memory_space<vmem_shared>>
    %dma_start3A_182 = tpu.memref_squeeze %dma_start3A_181 : memref<1x1x16x1024xf32, #tpu.memory_space<vmem_shared>> -> memref<16x1024xf32, #tpu.memory_space<vmem_shared>>
    tpu.enqueue_dma source(%dma_start3A_182 : memref<16x1024xf32, #tpu.memory_space<vmem_shared>>) target(%dma_start3A_178 : memref<16x1024xf32, #tpu.memory_space<hbm>>) target_semaphore(%arg25 : memref<!tpu.dma_semaphore, #tpu.memory_space<semaphore_mem>>)
    %dma_start3A_183 = arith.constant 0 : i32
    %dma_start3A_184 = arith.constant 2048 : i32
    %dma_start3A_185 = tpu.memref_slice %arg5[%dma_start3A_183, %add3A_166, %dma_start3A_184] : memref<4x4096x2304xf32, #tpu.memory_space<hbm>> -> memref<1x16x256xf32, #tpu.memory_space<hbm>>
    %dma_start3A_186 = tpu.memref_squeeze %dma_start3A_185 : memref<1x16x256xf32, #tpu.memory_space<hbm>> -> memref<16x256xf32, #tpu.memory_space<hbm>>
    %dma_start3A_187 = arith.constant 2048 : i32
    %dma_start3A_188 = tpu.memref_slice %arg5[%dma_start3A_183, %add3A_166, %dma_start3A_187] : memref<4x4096x2304xf32, #tpu.memory_space<hbm>> -> memref<1x16x256xf32, #tpu.memory_space<hbm>>
    %dma_start3A_189 = tpu.memref_squeeze %dma_start3A_188 : memref<1x16x256xf32, #tpu.memory_space<hbm>> -> memref<16x256xf32, #tpu.memory_space<hbm>>
    tpu.enqueue_dma source(%arg12 : memref<16x256xf32, #tpu.memory_space<vmem>>) target(%dma_start3A_189 : memref<16x256xf32, #tpu.memory_space<hbm>>) target_semaphore(%arg27 : memref<!tpu.dma_semaphore, #tpu.memory_space<semaphore_mem>>)
    %add3A_190 = arith.constant 16 : i32
    %add3A_191 = arith.addi %mul3A_2, %add3A_190 : i32
    %dma_start3A_192 = arith.constant 0 : i32
    %dma_start3A_193 = arith.constant 0 : i32
    %dma_start3A_194 = tpu.memref_slice %arg2[%dma_start3A_192, %add3A_191, %dma_start3A_193] : memref<4x4096x1024xf32, #tpu.memory_space<hbm>> -> memref<1x16x1024xf32, #tpu.memory_space<hbm>>
    %dma_start3A_195 = tpu.memref_squeeze %dma_start3A_194 : memref<1x16x1024xf32, #tpu.memory_space<hbm>> -> memref<16x1024xf32, #tpu.memory_space<hbm>>
    %dma_start3A_196 = arith.constant 0 : i32
    %dma_start3A_197 = tpu.memref_slice %arg2[%dma_start3A_192, %add3A_191, %dma_start3A_196] : memref<4x4096x1024xf32, #tpu.memory_space<hbm>> -> memref<1x16x1024xf32, #tpu.memory_space<hbm>>
    %dma_start3A_198 = tpu.memref_squeeze %dma_start3A_197 : memref<1x16x1024xf32, #tpu.memory_space<hbm>> -> memref<16x1024xf32, #tpu.memory_space<hbm>>
    tpu.enqueue_dma source(%dma_start3A_198 : memref<16x1024xf32, #tpu.memory_space<hbm>>) target(%arg10 : memref<16x1024xf32, #tpu.memory_space<vmem>>) target_semaphore(%arg17 : memref<!tpu.dma_semaphore, #tpu.memory_space<semaphore_mem>>)
    %dma_wait3A_199 = arith.constant 1 : i32
    %dma_wait3A_200 = arith.constant 0 : i32
    %dma_wait3A_201 = tpu.memref_slice %arg2[%dma_wait3A_199, %add3A_107, %dma_wait3A_200] : memref<4x4096x1024xf32, #tpu.memory_space<hbm>> -> memref<1x16x1024xf32, #tpu.memory_space<hbm>>
    %dma_wait3A_202 = tpu.memref_squeeze %dma_wait3A_201 : memref<1x16x1024xf32, #tpu.memory_space<hbm>> -> memref<16x1024xf32, #tpu.memory_space<hbm>>
    %dma_wait3A_203 = arith.constant 0 : i32
    %dma_wait3A_204 = tpu.memref_slice %arg2[%dma_wait3A_199, %add3A_107, %dma_wait3A_203] : memref<4x4096x1024xf32, #tpu.memory_space<hbm>> -> memref<1x16x1024xf32, #tpu.memory_space<hbm>>
    %dma_wait3A_205 = tpu.memref_squeeze %dma_wait3A_204 : memref<1x16x1024xf32, #tpu.memory_space<hbm>> -> memref<16x1024xf32, #tpu.memory_space<hbm>>
    tpu.wait_dma2 semaphore(%arg14 : memref<!tpu.dma_semaphore, #tpu.memory_space<semaphore_mem>>) src(%dma_wait3A_205 : memref<16x1024xf32, #tpu.memory_space<hbm>>) dst(%arg7 : memref<16x1024xf32, #tpu.memory_space<vmem>>)
    %add3A_206 = arith.constant 0 : i32
    %add3A_207 = arith.addi %mul3A_2, %add3A_206 : i32
    %dma_start3A_208 = arith.constant 1 : i32
    %dma_start3A_209 = arith.constant 0 : i32
    %dma_start3A_210 = tpu.memref_slice %arg5[%dma_start3A_208, %add3A_207, %dma_start3A_209] : memref<4x4096x2304xf32, #tpu.memory_space<hbm>> -> memref<1x16x1024xf32, #tpu.memory_space<hbm>>
    %dma_start3A_211 = tpu.memref_squeeze %dma_start3A_210 : memref<1x16x1024xf32, #tpu.memory_space<hbm>> -> memref<16x1024xf32, #tpu.memory_space<hbm>>
    %dma_start3A_212 = arith.constant 0 : i32
    %dma_start3A_213 = tpu.memref_slice %arg5[%dma_start3A_208, %add3A_207, %dma_start3A_212] : memref<4x4096x2304xf32, #tpu.memory_space<hbm>> -> memref<1x16x1024xf32, #tpu.memory_space<hbm>>
    %dma_start3A_214 = tpu.memref_squeeze %dma_start3A_213 : memref<1x16x1024xf32, #tpu.memory_space<hbm>> -> memref<16x1024xf32, #tpu.memory_space<hbm>>
    tpu.enqueue_dma source(%arg7 : memref<16x1024xf32, #tpu.memory_space<vmem>>) target(%dma_start3A_214 : memref<16x1024xf32, #tpu.memory_space<hbm>>) target_semaphore(%arg19 : memref<!tpu.dma_semaphore, #tpu.memory_space<semaphore_mem>>)
    %dma_start3A_215 = arith.constant 0 : i32
    %dma_start3A_216 = arith.constant 1 : i32
    %dma_start3A_217 = arith.constant 1024 : i32
    %dma_start3A_218 = tpu.memref_slice %arg5[%dma_start3A_216, %add3A_207, %dma_start3A_217] : memref<4x4096x2304xf32, #tpu.memory_space<hbm>> -> memref<1x16x1024xf32, #tpu.memory_space<hbm>>
    %dma_start3A_219 = tpu.memref_squeeze %dma_start3A_218 : memref<1x16x1024xf32, #tpu.memory_space<hbm>> -> memref<16x1024xf32, #tpu.memory_space<hbm>>
    %dma_start3A_220 = arith.constant 0 : i32
    %dma_start3A_221 = arith.constant 0 : i32
    %dma_start3A_222 = tpu.memref_slice %arg11[%arg1, %dma_start3A_215, %dma_start3A_220, %dma_start3A_221] : memref<16x2x16x1024xf32, #tpu.memory_space<vmem_shared>> -> memref<1x1x16x1024xf32, #tpu.memory_space<vmem_shared>>
    %dma_start3A_223 = tpu.memref_squeeze %dma_start3A_222 : memref<1x1x16x1024xf32, #tpu.memory_space<vmem_shared>> -> memref<16x1024xf32, #tpu.memory_space<vmem_shared>>
    tpu.enqueue_dma source(%dma_start3A_223 : memref<16x1024xf32, #tpu.memory_space<vmem_shared>>) target(%dma_start3A_219 : memref<16x1024xf32, #tpu.memory_space<hbm>>) target_semaphore(%arg25 : memref<!tpu.dma_semaphore, #tpu.memory_space<semaphore_mem>>)
    %dma_start3A_224 = arith.constant 1 : i32
    %dma_start3A_225 = arith.constant 2048 : i32
    %dma_start3A_226 = tpu.memref_slice %arg5[%dma_start3A_224, %add3A_207, %dma_start3A_225] : memref<4x4096x2304xf32, #tpu.memory_space<hbm>> -> memref<1x16x256xf32, #tpu.memory_space<hbm>>
    %dma_start3A_227 = tpu.memref_squeeze %dma_start3A_226 : memref<1x16x256xf32, #tpu.memory_space<hbm>> -> memref<16x256xf32, #tpu.memory_space<hbm>>
    %dma_start3A_228 = arith.constant 2048 : i32
    %dma_start3A_229 = tpu.memref_slice %arg5[%dma_start3A_224, %add3A_207, %dma_start3A_228] : memref<4x4096x2304xf32, #tpu.memory_space<hbm>> -> memref<1x16x256xf32, #tpu.memory_space<hbm>>
    %dma_start3A_230 = tpu.memref_squeeze %dma_start3A_229 : memref<1x16x256xf32, #tpu.memory_space<hbm>> -> memref<16x256xf32, #tpu.memory_space<hbm>>
    tpu.enqueue_dma source(%arg12 : memref<16x256xf32, #tpu.memory_space<vmem>>) target(%dma_start3A_230 : memref<16x256xf32, #tpu.memory_space<hbm>>) target_semaphore(%arg27 : memref<!tpu.dma_semaphore, #tpu.memory_space<semaphore_mem>>)
    %dma_wait3A_231 = arith.constant 0 : i32
    %dma_wait3A_232 = arith.constant 0 : i32
    %dma_wait3A_233 = tpu.memref_slice %arg5[%dma_wait3A_231, %add3A_166, %dma_wait3A_232] : memref<4x4096x2304xf32, #tpu.memory_space<hbm>> -> memref<1x16x1024xf32, #tpu.memory_space<hbm>>
    %dma_wait3A_234 = tpu.memref_squeeze %dma_wait3A_233 : memref<1x16x1024xf32, #tpu.memory_space<hbm>> -> memref<16x1024xf32, #tpu.memory_space<hbm>>
    %dma_wait3A_235 = arith.constant 0 : i32
    %dma_wait3A_236 = tpu.memref_slice %arg5[%dma_wait3A_231, %add3A_166, %dma_wait3A_235] : memref<4x4096x2304xf32, #tpu.memory_space<hbm>> -> memref<1x16x1024xf32, #tpu.memory_space<hbm>>
    %dma_wait3A_237 = tpu.memref_squeeze %dma_wait3A_236 : memref<1x16x1024xf32, #tpu.memory_space<hbm>> -> memref<16x1024xf32, #tpu.memory_space<hbm>>
    tpu.wait_dma2 semaphore(%arg18 : memref<!tpu.dma_semaphore, #tpu.memory_space<semaphore_mem>>) src(%arg6 : memref<16x1024xf32, #tpu.memory_space<vmem>>) dst(%dma_wait3A_237 : memref<16x1024xf32, #tpu.memory_space<hbm>>)
    %add3A_238 = arith.constant 16 : i32
    %add3A_239 = arith.addi %mul3A_2, %add3A_238 : i32
    %dma_start3A_240 = arith.constant 1 : i32
    %dma_start3A_241 = arith.constant 0 : i32
    %dma_start3A_242 = tpu.memref_slice %arg2[%dma_start3A_240, %add3A_239, %dma_start3A_241] : memref<4x4096x1024xf32, #tpu.memory_space<hbm>> -> memref<1x16x1024xf32, #tpu.memory_space<hbm>>
    %dma_start3A_243 = tpu.memref_squeeze %dma_start3A_242 : memref<1x16x1024xf32, #tpu.memory_space<hbm>> -> memref<16x1024xf32, #tpu.memory_space<hbm>>
    %dma_start3A_244 = arith.constant 0 : i32
    %dma_start3A_245 = tpu.memref_slice %arg2[%dma_start3A_240, %add3A_239, %dma_start3A_244] : memref<4x4096x1024xf32, #tpu.memory_space<hbm>> -> memref<1x16x1024xf32, #tpu.memory_space<hbm>>
    %dma_start3A_246 = tpu.memref_squeeze %dma_start3A_245 : memref<1x16x1024xf32, #tpu.memory_space<hbm>> -> memref<16x1024xf32, #tpu.memory_space<hbm>>
    tpu.enqueue_dma source(%dma_start3A_246 : memref<16x1024xf32, #tpu.memory_space<hbm>>) target(%arg6 : memref<16x1024xf32, #tpu.memory_space<vmem>>) target_semaphore(%arg13 : memref<!tpu.dma_semaphore, #tpu.memory_space<semaphore_mem>>)
    %dma_wait3A_247 = arith.constant 2 : i32
    %dma_wait3A_248 = arith.constant 0 : i32
    %dma_wait3A_249 = tpu.memref_slice %arg2[%dma_wait3A_247, %add3A_116, %dma_wait3A_248] : memref<4x4096x1024xf32, #tpu.memory_space<hbm>> -> memref<1x16x1024xf32, #tpu.memory_space<hbm>>
    %dma_wait3A_250 = tpu.memref_squeeze %dma_wait3A_249 : memref<1x16x1024xf32, #tpu.memory_space<hbm>> -> memref<16x1024xf32, #tpu.memory_space<hbm>>
    %dma_wait3A_251 = arith.constant 0 : i32
    %dma_wait3A_252 = tpu.memref_slice %arg2[%dma_wait3A_247, %add3A_116, %dma_wait3A_251] : memref<4x4096x1024xf32, #tpu.memory_space<hbm>> -> memref<1x16x1024xf32, #tpu.memory_space<hbm>>
    %dma_wait3A_253 = tpu.memref_squeeze %dma_wait3A_252 : memref<1x16x1024xf32, #tpu.memory_space<hbm>> -> memref<16x1024xf32, #tpu.memory_space<hbm>>
    tpu.wait_dma2 semaphore(%arg15 : memref<!tpu.dma_semaphore, #tpu.memory_space<semaphore_mem>>) src(%dma_wait3A_253 : memref<16x1024xf32, #tpu.memory_space<hbm>>) dst(%arg8 : memref<16x1024xf32, #tpu.memory_space<vmem>>)
    %add3A_254 = arith.constant 0 : i32
    %add3A_255 = arith.addi %mul3A_2, %add3A_254 : i32
    %dma_start3A_256 = arith.constant 2 : i32
    %dma_start3A_257 = arith.constant 0 : i32
    %dma_start3A_258 = tpu.memref_slice %arg5[%dma_start3A_256, %add3A_255, %dma_start3A_257] : memref<4x4096x2304xf32, #tpu.memory_space<hbm>> -> memref<1x16x1024xf32, #tpu.memory_space<hbm>>
    %dma_start3A_259 = tpu.memref_squeeze %dma_start3A_258 : memref<1x16x1024xf32, #tpu.memory_space<hbm>> -> memref<16x1024xf32, #tpu.memory_space<hbm>>
    %dma_start3A_260 = arith.constant 0 : i32
    %dma_start3A_261 = tpu.memref_slice %arg5[%dma_start3A_256, %add3A_255, %dma_start3A_260] : memref<4x4096x2304xf32, #tpu.memory_space<hbm>> -> memref<1x16x1024xf32, #tpu.memory_space<hbm>>
    %dma_start3A_262 = tpu.memref_squeeze %dma_start3A_261 : memref<1x16x1024xf32, #tpu.memory_space<hbm>> -> memref<16x1024xf32, #tpu.memory_space<hbm>>
    tpu.enqueue_dma source(%arg8 : memref<16x1024xf32, #tpu.memory_space<vmem>>) target(%dma_start3A_262 : memref<16x1024xf32, #tpu.memory_space<hbm>>) target_semaphore(%arg20 : memref<!tpu.dma_semaphore, #tpu.memory_space<semaphore_mem>>)
    %dma_start3A_263 = arith.constant 0 : i32
    %dma_start3A_264 = arith.constant 2 : i32
    %dma_start3A_265 = arith.constant 1024 : i32
    %dma_start3A_266 = tpu.memref_slice %arg5[%dma_start3A_264, %add3A_255, %dma_start3A_265] : memref<4x4096x2304xf32, #tpu.memory_space<hbm>> -> memref<1x16x1024xf32, #tpu.memory_space<hbm>>
    %dma_start3A_267 = tpu.memref_squeeze %dma_start3A_266 : memref<1x16x1024xf32, #tpu.memory_space<hbm>> -> memref<16x1024xf32, #tpu.memory_space<hbm>>
    %dma_start3A_268 = arith.constant 0 : i32
    %dma_start3A_269 = arith.constant 0 : i32
    %dma_start3A_270 = tpu.memref_slice %arg11[%arg1, %dma_start3A_263, %dma_start3A_268, %dma_start3A_269] : memref<16x2x16x1024xf32, #tpu.memory_space<vmem_shared>> -> memref<1x1x16x1024xf32, #tpu.memory_space<vmem_shared>>
    %dma_start3A_271 = tpu.memref_squeeze %dma_start3A_270 : memref<1x1x16x1024xf32, #tpu.memory_space<vmem_shared>> -> memref<16x1024xf32, #tpu.memory_space<vmem_shared>>
    tpu.enqueue_dma source(%dma_start3A_271 : memref<16x1024xf32, #tpu.memory_space<vmem_shared>>) target(%dma_start3A_267 : memref<16x1024xf32, #tpu.memory_space<hbm>>) target_semaphore(%arg25 : memref<!tpu.dma_semaphore, #tpu.memory_space<semaphore_mem>>)
    %dma_start3A_272 = arith.constant 2 : i32
    %dma_start3A_273 = arith.constant 2048 : i32
    %dma_start3A_274 = tpu.memref_slice %arg5[%dma_start3A_272, %add3A_255, %dma_start3A_273] : memref<4x4096x2304xf32, #tpu.memory_space<hbm>> -> memref<1x16x256xf32, #tpu.memory_space<hbm>>
    %dma_start3A_275 = tpu.memref_squeeze %dma_start3A_274 : memref<1x16x256xf32, #tpu.memory_space<hbm>> -> memref<16x256xf32, #tpu.memory_space<hbm>>
    %dma_start3A_276 = arith.constant 2048 : i32
    %dma_start3A_277 = tpu.memref_slice %arg5[%dma_start3A_272, %add3A_255, %dma_start3A_276] : memref<4x4096x2304xf32, #tpu.memory_space<hbm>> -> memref<1x16x256xf32, #tpu.memory_space<hbm>>
    %dma_start3A_278 = tpu.memref_squeeze %dma_start3A_277 : memref<1x16x256xf32, #tpu.memory_space<hbm>> -> memref<16x256xf32, #tpu.memory_space<hbm>>
    tpu.enqueue_dma source(%arg12 : memref<16x256xf32, #tpu.memory_space<vmem>>) target(%dma_start3A_278 : memref<16x256xf32, #tpu.memory_space<hbm>>) target_semaphore(%arg27 : memref<!tpu.dma_semaphore, #tpu.memory_space<semaphore_mem>>)
    %dma_wait3A_279 = arith.constant 1 : i32
    %dma_wait3A_280 = arith.constant 0 : i32
    %dma_wait3A_281 = tpu.memref_slice %arg5[%dma_wait3A_279, %add3A_207, %dma_wait3A_280] : memref<4x4096x2304xf32, #tpu.memory_space<hbm>> -> memref<1x16x1024xf32, #tpu.memory_space<hbm>>
    %dma_wait3A_282 = tpu.memref_squeeze %dma_wait3A_281 : memref<1x16x1024xf32, #tpu.memory_space<hbm>> -> memref<16x1024xf32, #tpu.memory_space<hbm>>
    %dma_wait3A_283 = arith.constant 0 : i32
    %dma_wait3A_284 = tpu.memref_slice %arg5[%dma_wait3A_279, %add3A_207, %dma_wait3A_283] : memref<4x4096x2304xf32, #tpu.memory_space<hbm>> -> memref<1x16x1024xf32, #tpu.memory_space<hbm>>
    %dma_wait3A_285 = tpu.memref_squeeze %dma_wait3A_284 : memref<1x16x1024xf32, #tpu.memory_space<hbm>> -> memref<16x1024xf32, #tpu.memory_space<hbm>>
    tpu.wait_dma2 semaphore(%arg19 : memref<!tpu.dma_semaphore, #tpu.memory_space<semaphore_mem>>) src(%arg7 : memref<16x1024xf32, #tpu.memory_space<vmem>>) dst(%dma_wait3A_285 : memref<16x1024xf32, #tpu.memory_space<hbm>>)
    %add3A_286 = arith.constant 16 : i32
    %add3A_287 = arith.addi %mul3A_2, %add3A_286 : i32
    %dma_start3A_288 = arith.constant 2 : i32
    %dma_start3A_289 = arith.constant 0 : i32
    %dma_start3A_290 = tpu.memref_slice %arg2[%dma_start3A_288, %add3A_287, %dma_start3A_289] : memref<4x4096x1024xf32, #tpu.memory_space<hbm>> -> memref<1x16x1024xf32, #tpu.memory_space<hbm>>
    %dma_start3A_291 = tpu.memref_squeeze %dma_start3A_290 : memref<1x16x1024xf32, #tpu.memory_space<hbm>> -> memref<16x1024xf32, #tpu.memory_space<hbm>>
    %dma_start3A_292 = arith.constant 0 : i32
    %dma_start3A_293 = tpu.memref_slice %arg2[%dma_start3A_288, %add3A_287, %dma_start3A_292] : memref<4x4096x1024xf32, #tpu.memory_space<hbm>> -> memref<1x16x1024xf32, #tpu.memory_space<hbm>>
    %dma_start3A_294 = tpu.memref_squeeze %dma_start3A_293 : memref<1x16x1024xf32, #tpu.memory_space<hbm>> -> memref<16x1024xf32, #tpu.memory_space<hbm>>
    tpu.enqueue_dma source(%dma_start3A_294 : memref<16x1024xf32, #tpu.memory_space<hbm>>) target(%arg7 : memref<16x1024xf32, #tpu.memory_space<vmem>>) target_semaphore(%arg14 : memref<!tpu.dma_semaphore, #tpu.memory_space<semaphore_mem>>)
    %dma_wait3A_295 = arith.constant 3 : i32
    %dma_wait3A_296 = arith.constant 0 : i32
    %dma_wait3A_297 = tpu.memref_slice %arg2[%dma_wait3A_295, %add3A_125, %dma_wait3A_296] : memref<4x4096x1024xf32, #tpu.memory_space<hbm>> -> memref<1x16x1024xf32, #tpu.memory_space<hbm>>
    %dma_wait3A_298 = tpu.memref_squeeze %dma_wait3A_297 : memref<1x16x1024xf32, #tpu.memory_space<hbm>> -> memref<16x1024xf32, #tpu.memory_space<hbm>>
    %dma_wait3A_299 = arith.constant 0 : i32
    %dma_wait3A_300 = tpu.memref_slice %arg2[%dma_wait3A_295, %add3A_125, %dma_wait3A_299] : memref<4x4096x1024xf32, #tpu.memory_space<hbm>> -> memref<1x16x1024xf32, #tpu.memory_space<hbm>>
    %dma_wait3A_301 = tpu.memref_squeeze %dma_wait3A_300 : memref<1x16x1024xf32, #tpu.memory_space<hbm>> -> memref<16x1024xf32, #tpu.memory_space<hbm>>
    tpu.wait_dma2 semaphore(%arg16 : memref<!tpu.dma_semaphore, #tpu.memory_space<semaphore_mem>>) src(%dma_wait3A_301 : memref<16x1024xf32, #tpu.memory_space<hbm>>) dst(%arg9 : memref<16x1024xf32, #tpu.memory_space<vmem>>)
    %add3A_302 = arith.constant 0 : i32
    %add3A_303 = arith.addi %mul3A_2, %add3A_302 : i32
    %dma_start3A_304 = arith.constant 3 : i32
    %dma_start3A_305 = arith.constant 0 : i32
    %dma_start3A_306 = tpu.memref_slice %arg5[%dma_start3A_304, %add3A_303, %dma_start3A_305] : memref<4x4096x2304xf32, #tpu.memory_space<hbm>> -> memref<1x16x1024xf32, #tpu.memory_space<hbm>>
    %dma_start3A_307 = tpu.memref_squeeze %dma_start3A_306 : memref<1x16x1024xf32, #tpu.memory_space<hbm>> -> memref<16x1024xf32, #tpu.memory_space<hbm>>
    %dma_start3A_308 = arith.constant 0 : i32
    %dma_start3A_309 = tpu.memref_slice %arg5[%dma_start3A_304, %add3A_303, %dma_start3A_308] : memref<4x4096x2304xf32, #tpu.memory_space<hbm>> -> memref<1x16x1024xf32, #tpu.memory_space<hbm>>
    %dma_start3A_310 = tpu.memref_squeeze %dma_start3A_309 : memref<1x16x1024xf32, #tpu.memory_space<hbm>> -> memref<16x1024xf32, #tpu.memory_space<hbm>>
    tpu.enqueue_dma source(%arg9 : memref<16x1024xf32, #tpu.memory_space<vmem>>) target(%dma_start3A_310 : memref<16x1024xf32, #tpu.memory_space<hbm>>) target_semaphore(%arg21 : memref<!tpu.dma_semaphore, #tpu.memory_space<semaphore_mem>>)
    %dma_start3A_311 = arith.constant 0 : i32
    %dma_start3A_312 = arith.constant 3 : i32
    %dma_start3A_313 = arith.constant 1024 : i32
    %dma_start3A_314 = tpu.memref_slice %arg5[%dma_start3A_312, %add3A_303, %dma_start3A_313] : memref<4x4096x2304xf32, #tpu.memory_space<hbm>> -> memref<1x16x1024xf32, #tpu.memory_space<hbm>>
    %dma_start3A_315 = tpu.memref_squeeze %dma_start3A_314 : memref<1x16x1024xf32, #tpu.memory_space<hbm>> -> memref<16x1024xf32, #tpu.memory_space<hbm>>
    %dma_start3A_316 = arith.constant 0 : i32
    %dma_start3A_317 = arith.constant 0 : i32
    %dma_start3A_318 = tpu.memref_slice %arg11[%arg1, %dma_start3A_311, %dma_start3A_316, %dma_start3A_317] : memref<16x2x16x1024xf32, #tpu.memory_space<vmem_shared>> -> memref<1x1x16x1024xf32, #tpu.memory_space<vmem_shared>>
    %dma_start3A_319 = tpu.memref_squeeze %dma_start3A_318 : memref<1x1x16x1024xf32, #tpu.memory_space<vmem_shared>> -> memref<16x1024xf32, #tpu.memory_space<vmem_shared>>
    tpu.enqueue_dma source(%dma_start3A_319 : memref<16x1024xf32, #tpu.memory_space<vmem_shared>>) target(%dma_start3A_315 : memref<16x1024xf32, #tpu.memory_space<hbm>>) target_semaphore(%arg25 : memref<!tpu.dma_semaphore, #tpu.memory_space<semaphore_mem>>)
    %dma_start3A_320 = arith.constant 3 : i32
    %dma_start3A_321 = arith.constant 2048 : i32
    %dma_start3A_322 = tpu.memref_slice %arg5[%dma_start3A_320, %add3A_303, %dma_start3A_321] : memref<4x4096x2304xf32, #tpu.memory_space<hbm>> -> memref<1x16x256xf32, #tpu.memory_space<hbm>>
    %dma_start3A_323 = tpu.memref_squeeze %dma_start3A_322 : memref<1x16x256xf32, #tpu.memory_space<hbm>> -> memref<16x256xf32, #tpu.memory_space<hbm>>
    %dma_start3A_324 = arith.constant 2048 : i32
    %dma_start3A_325 = tpu.memref_slice %arg5[%dma_start3A_320, %add3A_303, %dma_start3A_324] : memref<4x4096x2304xf32, #tpu.memory_space<hbm>> -> memref<1x16x256xf32, #tpu.memory_space<hbm>>
    %dma_start3A_326 = tpu.memref_squeeze %dma_start3A_325 : memref<1x16x256xf32, #tpu.memory_space<hbm>> -> memref<16x256xf32, #tpu.memory_space<hbm>>
    tpu.enqueue_dma source(%arg12 : memref<16x256xf32, #tpu.memory_space<vmem>>) target(%dma_start3A_326 : memref<16x256xf32, #tpu.memory_space<hbm>>) target_semaphore(%arg27 : memref<!tpu.dma_semaphore, #tpu.memory_space<semaphore_mem>>)
    %dma_wait3A_327 = arith.constant 2 : i32
    %dma_wait3A_328 = arith.constant 0 : i32
    %dma_wait3A_329 = tpu.memref_slice %arg5[%dma_wait3A_327, %add3A_255, %dma_wait3A_328] : memref<4x4096x2304xf32, #tpu.memory_space<hbm>> -> memref<1x16x1024xf32, #tpu.memory_space<hbm>>
    %dma_wait3A_330 = tpu.memref_squeeze %dma_wait3A_329 : memref<1x16x1024xf32, #tpu.memory_space<hbm>> -> memref<16x1024xf32, #tpu.memory_space<hbm>>
    %dma_wait3A_331 = arith.constant 0 : i32
    %dma_wait3A_332 = tpu.memref_slice %arg5[%dma_wait3A_327, %add3A_255, %dma_wait3A_331] : memref<4x4096x2304xf32, #tpu.memory_space<hbm>> -> memref<1x16x1024xf32, #tpu.memory_space<hbm>>
    %dma_wait3A_333 = tpu.memref_squeeze %dma_wait3A_332 : memref<1x16x1024xf32, #tpu.memory_space<hbm>> -> memref<16x1024xf32, #tpu.memory_space<hbm>>
    tpu.wait_dma2 semaphore(%arg20 : memref<!tpu.dma_semaphore, #tpu.memory_space<semaphore_mem>>) src(%arg8 : memref<16x1024xf32, #tpu.memory_space<vmem>>) dst(%dma_wait3A_333 : memref<16x1024xf32, #tpu.memory_space<hbm>>)
    %add3A_334 = arith.constant 16 : i32
    %add3A_335 = arith.addi %mul3A_2, %add3A_334 : i32
    %dma_start3A_336 = arith.constant 3 : i32
    %dma_start3A_337 = arith.constant 0 : i32
    %dma_start3A_338 = tpu.memref_slice %arg2[%dma_start3A_336, %add3A_335, %dma_start3A_337] : memref<4x4096x1024xf32, #tpu.memory_space<hbm>> -> memref<1x16x1024xf32, #tpu.memory_space<hbm>>
    %dma_start3A_339 = tpu.memref_squeeze %dma_start3A_338 : memref<1x16x1024xf32, #tpu.memory_space<hbm>> -> memref<16x1024xf32, #tpu.memory_space<hbm>>
    %dma_start3A_340 = arith.constant 0 : i32
    %dma_start3A_341 = tpu.memref_slice %arg2[%dma_start3A_336, %add3A_335, %dma_start3A_340] : memref<4x4096x1024xf32, #tpu.memory_space<hbm>> -> memref<1x16x1024xf32, #tpu.memory_space<hbm>>
    %dma_start3A_342 = tpu.memref_squeeze %dma_start3A_341 : memref<1x16x1024xf32, #tpu.memory_space<hbm>> -> memref<16x1024xf32, #tpu.memory_space<hbm>>
    tpu.enqueue_dma source(%dma_start3A_342 : memref<16x1024xf32, #tpu.memory_space<hbm>>) target(%arg8 : memref<16x1024xf32, #tpu.memory_space<vmem>>) target_semaphore(%arg15 : memref<!tpu.dma_semaphore, #tpu.memory_space<semaphore_mem>>)
    %dma_wait3A_343 = arith.constant 0 : i32
    %dma_wait3A_344 = arith.constant 0 : i32
    %dma_wait3A_345 = tpu.memref_slice %arg2[%dma_wait3A_343, %add3A_191, %dma_wait3A_344] : memref<4x4096x1024xf32, #tpu.memory_space<hbm>> -> memref<1x16x1024xf32, #tpu.memory_space<hbm>>
    %dma_wait3A_346 = tpu.memref_squeeze %dma_wait3A_345 : memref<1x16x1024xf32, #tpu.memory_space<hbm>> -> memref<16x1024xf32, #tpu.memory_space<hbm>>
    %dma_wait3A_347 = arith.constant 0 : i32
    %dma_wait3A_348 = tpu.memref_slice %arg2[%dma_wait3A_343, %add3A_191, %dma_wait3A_347] : memref<4x4096x1024xf32, #tpu.memory_space<hbm>> -> memref<1x16x1024xf32, #tpu.memory_space<hbm>>
    %dma_wait3A_349 = tpu.memref_squeeze %dma_wait3A_348 : memref<1x16x1024xf32, #tpu.memory_space<hbm>> -> memref<16x1024xf32, #tpu.memory_space<hbm>>
    tpu.wait_dma2 semaphore(%arg17 : memref<!tpu.dma_semaphore, #tpu.memory_space<semaphore_mem>>) src(%dma_wait3A_349 : memref<16x1024xf32, #tpu.memory_space<hbm>>) dst(%arg10 : memref<16x1024xf32, #tpu.memory_space<vmem>>)
    %dma_wait3A_350 = arith.constant 1 : i32
    %dma_wait3A_351 = arith.constant 0 : i32
    %dma_wait3A_352 = arith.constant 0 : i32
    %dma_wait3A_353 = tpu.memref_slice %arg11[%arg1, %dma_wait3A_350, %dma_wait3A_351, %dma_wait3A_352] : memref<16x2x16x1024xf32, #tpu.memory_space<vmem_shared>> -> memref<1x1x16x1024xf32, #tpu.memory_space<vmem_shared>>
    %dma_wait3A_354 = tpu.memref_squeeze %dma_wait3A_353 : memref<1x1x16x1024xf32, #tpu.memory_space<vmem_shared>> -> memref<16x1024xf32, #tpu.memory_space<vmem_shared>>
    %dma_wait3A_355 = arith.constant 0 : i32
    %dma_wait3A_356 = tpu.memref_slice %arg4[%add3A_143, %dma_wait3A_355] : memref<4096x1024xf32, #tpu.memory_space<hbm>> -> memref<16x1024xf32, #tpu.memory_space<hbm>>
    tpu.wait_dma2 semaphore(%arg24 : memref<!tpu.dma_semaphore, #tpu.memory_space<semaphore_mem>>) src(%dma_wait3A_356 : memref<16x1024xf32, #tpu.memory_space<hbm>>) dst(%dma_wait3A_354 : memref<16x1024xf32, #tpu.memory_space<vmem_shared>>)
    %add3A_357 = arith.constant 16 : i32
    %add3A_358 = arith.addi %mul3A_2, %add3A_357 : i32
    %dma_start3A_359 = arith.constant 0 : i32
    %dma_start3A_360 = arith.constant 0 : i32
    %dma_start3A_361 = tpu.memref_slice %arg5[%dma_start3A_359, %add3A_358, %dma_start3A_360] : memref<4x4096x2304xf32, #tpu.memory_space<hbm>> -> memref<1x16x1024xf32, #tpu.memory_space<hbm>>
    %dma_start3A_362 = tpu.memref_squeeze %dma_start3A_361 : memref<1x16x1024xf32, #tpu.memory_space<hbm>> -> memref<16x1024xf32, #tpu.memory_space<hbm>>
    %dma_start3A_363 = arith.constant 0 : i32
    %dma_start3A_364 = tpu.memref_slice %arg5[%dma_start3A_359, %add3A_358, %dma_start3A_363] : memref<4x4096x2304xf32, #tpu.memory_space<hbm>> -> memref<1x16x1024xf32, #tpu.memory_space<hbm>>
    %dma_start3A_365 = tpu.memref_squeeze %dma_start3A_364 : memref<1x16x1024xf32, #tpu.memory_space<hbm>> -> memref<16x1024xf32, #tpu.memory_space<hbm>>
    tpu.enqueue_dma source(%arg10 : memref<16x1024xf32, #tpu.memory_space<vmem>>) target(%dma_start3A_365 : memref<16x1024xf32, #tpu.memory_space<hbm>>) target_semaphore(%arg22 : memref<!tpu.dma_semaphore, #tpu.memory_space<semaphore_mem>>)
    %dma_start3A_366 = arith.constant 1 : i32
    %dma_start3A_367 = arith.constant 0 : i32
    %dma_start3A_368 = arith.constant 1024 : i32
    %dma_start3A_369 = tpu.memref_slice %arg5[%dma_start3A_367, %add3A_358, %dma_start3A_368] : memref<4x4096x2304xf32, #tpu.memory_space<hbm>> -> memref<1x16x1024xf32, #tpu.memory_space<hbm>>
    %dma_start3A_370 = tpu.memref_squeeze %dma_start3A_369 : memref<1x16x1024xf32, #tpu.memory_space<hbm>> -> memref<16x1024xf32, #tpu.memory_space<hbm>>
    %dma_start3A_371 = arith.constant 0 : i32
    %dma_start3A_372 = arith.constant 0 : i32
    %dma_start3A_373 = tpu.memref_slice %arg11[%arg1, %dma_start3A_366, %dma_start3A_371, %dma_start3A_372] : memref<16x2x16x1024xf32, #tpu.memory_space<vmem_shared>> -> memref<1x1x16x1024xf32, #tpu.memory_space<vmem_shared>>
    %dma_start3A_374 = tpu.memref_squeeze %dma_start3A_373 : memref<1x1x16x1024xf32, #tpu.memory_space<vmem_shared>> -> memref<16x1024xf32, #tpu.memory_space<vmem_shared>>
    tpu.enqueue_dma source(%dma_start3A_374 : memref<16x1024xf32, #tpu.memory_space<vmem_shared>>) target(%dma_start3A_370 : memref<16x1024xf32, #tpu.memory_space<hbm>>) target_semaphore(%arg26 : memref<!tpu.dma_semaphore, #tpu.memory_space<semaphore_mem>>)
    %dma_start3A_375 = arith.constant 0 : i32
    %dma_start3A_376 = arith.constant 2048 : i32
    %dma_start3A_377 = tpu.memref_slice %arg5[%dma_start3A_375, %add3A_358, %dma_start3A_376] : memref<4x4096x2304xf32, #tpu.memory_space<hbm>> -> memref<1x16x256xf32, #tpu.memory_space<hbm>>
    %dma_start3A_378 = tpu.memref_squeeze %dma_start3A_377 : memref<1x16x256xf32, #tpu.memory_space<hbm>> -> memref<16x256xf32, #tpu.memory_space<hbm>>
    %dma_start3A_379 = arith.constant 2048 : i32
    %dma_start3A_380 = tpu.memref_slice %arg5[%dma_start3A_375, %add3A_358, %dma_start3A_379] : memref<4x4096x2304xf32, #tpu.memory_space<hbm>> -> memref<1x16x256xf32, #tpu.memory_space<hbm>>
    %dma_start3A_381 = tpu.memref_squeeze %dma_start3A_380 : memref<1x16x256xf32, #tpu.memory_space<hbm>> -> memref<16x256xf32, #tpu.memory_space<hbm>>
    tpu.enqueue_dma source(%arg12 : memref<16x256xf32, #tpu.memory_space<vmem>>) target(%dma_start3A_381 : memref<16x256xf32, #tpu.memory_space<hbm>>) target_semaphore(%arg27 : memref<!tpu.dma_semaphore, #tpu.memory_space<semaphore_mem>>)
    %dma_wait3A_382 = arith.constant 3 : i32
    %dma_wait3A_383 = arith.constant 0 : i32
    %dma_wait3A_384 = tpu.memref_slice %arg5[%dma_wait3A_382, %add3A_303, %dma_wait3A_383] : memref<4x4096x2304xf32, #tpu.memory_space<hbm>> -> memref<1x16x1024xf32, #tpu.memory_space<hbm>>
    %dma_wait3A_385 = tpu.memref_squeeze %dma_wait3A_384 : memref<1x16x1024xf32, #tpu.memory_space<hbm>> -> memref<16x1024xf32, #tpu.memory_space<hbm>>
    %dma_wait3A_386 = arith.constant 0 : i32
    %dma_wait3A_387 = tpu.memref_slice %arg5[%dma_wait3A_382, %add3A_303, %dma_wait3A_386] : memref<4x4096x2304xf32, #tpu.memory_space<hbm>> -> memref<1x16x1024xf32, #tpu.memory_space<hbm>>
    %dma_wait3A_388 = tpu.memref_squeeze %dma_wait3A_387 : memref<1x16x1024xf32, #tpu.memory_space<hbm>> -> memref<16x1024xf32, #tpu.memory_space<hbm>>
    tpu.wait_dma2 semaphore(%arg21 : memref<!tpu.dma_semaphore, #tpu.memory_space<semaphore_mem>>) src(%arg9 : memref<16x1024xf32, #tpu.memory_space<vmem>>) dst(%dma_wait3A_388 : memref<16x1024xf32, #tpu.memory_space<hbm>>)
    %add3A_389 = arith.constant 32 : i32
    %add3A_390 = arith.addi %mul3A_2, %add3A_389 : i32
    %dma_start3A_391 = arith.constant 0 : i32
    %dma_start3A_392 = arith.constant 0 : i32
    %dma_start3A_393 = tpu.memref_slice %arg2[%dma_start3A_391, %add3A_390, %dma_start3A_392] : memref<4x4096x1024xf32, #tpu.memory_space<hbm>> -> memref<1x16x1024xf32, #tpu.memory_space<hbm>>
    %dma_start3A_394 = tpu.memref_squeeze %dma_start3A_393 : memref<1x16x1024xf32, #tpu.memory_space<hbm>> -> memref<16x1024xf32, #tpu.memory_space<hbm>>
    %dma_start3A_395 = arith.constant 0 : i32
    %dma_start3A_396 = tpu.memref_slice %arg2[%dma_start3A_391, %add3A_390, %dma_start3A_395] : memref<4x4096x1024xf32, #tpu.memory_space<hbm>> -> memref<1x16x1024xf32, #tpu.memory_space<hbm>>
    %dma_start3A_397 = tpu.memref_squeeze %dma_start3A_396 : memref<1x16x1024xf32, #tpu.memory_space<hbm>> -> memref<16x1024xf32, #tpu.memory_space<hbm>>
    tpu.enqueue_dma source(%dma_start3A_397 : memref<16x1024xf32, #tpu.memory_space<hbm>>) target(%arg9 : memref<16x1024xf32, #tpu.memory_space<vmem>>) target_semaphore(%arg16 : memref<!tpu.dma_semaphore, #tpu.memory_space<semaphore_mem>>)
    %dma_wait3A_398 = arith.constant 1 : i32
    %dma_wait3A_399 = arith.constant 0 : i32
    %dma_wait3A_400 = tpu.memref_slice %arg2[%dma_wait3A_398, %add3A_239, %dma_wait3A_399] : memref<4x4096x1024xf32, #tpu.memory_space<hbm>> -> memref<1x16x1024xf32, #tpu.memory_space<hbm>>
    %dma_wait3A_401 = tpu.memref_squeeze %dma_wait3A_400 : memref<1x16x1024xf32, #tpu.memory_space<hbm>> -> memref<16x1024xf32, #tpu.memory_space<hbm>>
    %dma_wait3A_402 = arith.constant 0 : i32
    %dma_wait3A_403 = tpu.memref_slice %arg2[%dma_wait3A_398, %add3A_239, %dma_wait3A_402] : memref<4x4096x1024xf32, #tpu.memory_space<hbm>> -> memref<1x16x1024xf32, #tpu.memory_space<hbm>>
    %dma_wait3A_404 = tpu.memref_squeeze %dma_wait3A_403 : memref<1x16x1024xf32, #tpu.memory_space<hbm>> -> memref<16x1024xf32, #tpu.memory_space<hbm>>
    tpu.wait_dma2 semaphore(%arg13 : memref<!tpu.dma_semaphore, #tpu.memory_space<semaphore_mem>>) src(%dma_wait3A_404 : memref<16x1024xf32, #tpu.memory_space<hbm>>) dst(%arg6 : memref<16x1024xf32, #tpu.memory_space<vmem>>)
    %add3A_405 = arith.constant 16 : i32
    %add3A_406 = arith.addi %mul3A_2, %add3A_405 : i32
    %dma_start3A_407 = arith.constant 1 : i32
    %dma_start3A_408 = arith.constant 0 : i32
    %dma_start3A_409 = tpu.memref_slice %arg5[%dma_start3A_407, %add3A_406, %dma_start3A_408] : memref<4x4096x2304xf32, #tpu.memory_space<hbm>> -> memref<1x16x1024xf32, #tpu.memory_space<hbm>>
    %dma_start3A_410 = tpu.memref_squeeze %dma_start3A_409 : memref<1x16x1024xf32, #tpu.memory_space<hbm>> -> memref<16x1024xf32, #tpu.memory_space<hbm>>
    %dma_start3A_411 = arith.constant 0 : i32
    %dma_start3A_412 = tpu.memref_slice %arg5[%dma_start3A_407, %add3A_406, %dma_start3A_411] : memref<4x4096x2304xf32, #tpu.memory_space<hbm>> -> memref<1x16x1024xf32, #tpu.memory_space<hbm>>
    %dma_start3A_413 = tpu.memref_squeeze %dma_start3A_412 : memref<1x16x1024xf32, #tpu.memory_space<hbm>> -> memref<16x1024xf32, #tpu.memory_space<hbm>>
    tpu.enqueue_dma source(%arg6 : memref<16x1024xf32, #tpu.memory_space<vmem>>) target(%dma_start3A_413 : memref<16x1024xf32, #tpu.memory_space<hbm>>) target_semaphore(%arg18 : memref<!tpu.dma_semaphore, #tpu.memory_space<semaphore_mem>>)
    %dma_start3A_414 = arith.constant 1 : i32
    %dma_start3A_415 = arith.constant 1 : i32
    %dma_start3A_416 = arith.constant 1024 : i32
    %dma_start3A_417 = tpu.memref_slice %arg5[%dma_start3A_415, %add3A_406, %dma_start3A_416] : memref<4x4096x2304xf32, #tpu.memory_space<hbm>> -> memref<1x16x1024xf32, #tpu.memory_space<hbm>>
    %dma_start3A_418 = tpu.memref_squeeze %dma_start3A_417 : memref<1x16x1024xf32, #tpu.memory_space<hbm>> -> memref<16x1024xf32, #tpu.memory_space<hbm>>
    %dma_start3A_419 = arith.constant 0 : i32
    %dma_start3A_420 = arith.constant 0 : i32
    %dma_start3A_421 = tpu.memref_slice %arg11[%arg1, %dma_start3A_414, %dma_start3A_419, %dma_start3A_420] : memref<16x2x16x1024xf32, #tpu.memory_space<vmem_shared>> -> memref<1x1x16x1024xf32, #tpu.memory_space<vmem_shared>>
    %dma_start3A_422 = tpu.memref_squeeze %dma_start3A_421 : memref<1x1x16x1024xf32, #tpu.memory_space<vmem_shared>> -> memref<16x1024xf32, #tpu.memory_space<vmem_shared>>
    tpu.enqueue_dma source(%dma_start3A_422 : memref<16x1024xf32, #tpu.memory_space<vmem_shared>>) target(%dma_start3A_418 : memref<16x1024xf32, #tpu.memory_space<hbm>>) target_semaphore(%arg26 : memref<!tpu.dma_semaphore, #tpu.memory_space<semaphore_mem>>)
    %dma_start3A_423 = arith.constant 1 : i32
    %dma_start3A_424 = arith.constant 2048 : i32
    %dma_start3A_425 = tpu.memref_slice %arg5[%dma_start3A_423, %add3A_406, %dma_start3A_424] : memref<4x4096x2304xf32, #tpu.memory_space<hbm>> -> memref<1x16x256xf32, #tpu.memory_space<hbm>>
    %dma_start3A_426 = tpu.memref_squeeze %dma_start3A_425 : memref<1x16x256xf32, #tpu.memory_space<hbm>> -> memref<16x256xf32, #tpu.memory_space<hbm>>
    %dma_start3A_427 = arith.constant 2048 : i32
    %dma_start3A_428 = tpu.memref_slice %arg5[%dma_start3A_423, %add3A_406, %dma_start3A_427] : memref<4x4096x2304xf32, #tpu.memory_space<hbm>> -> memref<1x16x256xf32, #tpu.memory_space<hbm>>
    %dma_start3A_429 = tpu.memref_squeeze %dma_start3A_428 : memref<1x16x256xf32, #tpu.memory_space<hbm>> -> memref<16x256xf32, #tpu.memory_space<hbm>>
    tpu.enqueue_dma source(%arg12 : memref<16x256xf32, #tpu.memory_space<vmem>>) target(%dma_start3A_429 : memref<16x256xf32, #tpu.memory_space<hbm>>) target_semaphore(%arg27 : memref<!tpu.dma_semaphore, #tpu.memory_space<semaphore_mem>>)
    %dma_wait3A_430 = arith.constant 0 : i32
    %dma_wait3A_431 = arith.constant 0 : i32
    %dma_wait3A_432 = tpu.memref_slice %arg5[%dma_wait3A_430, %add3A_358, %dma_wait3A_431] : memref<4x4096x2304xf32, #tpu.memory_space<hbm>> -> memref<1x16x1024xf32, #tpu.memory_space<hbm>>
    %dma_wait3A_433 = tpu.memref_squeeze %dma_wait3A_432 : memref<1x16x1024xf32, #tpu.memory_space<hbm>> -> memref<16x1024xf32, #tpu.memory_space<hbm>>
    %dma_wait3A_434 = arith.constant 0 : i32
    %dma_wait3A_435 = tpu.memref_slice %arg5[%dma_wait3A_430, %add3A_358, %dma_wait3A_434] : memref<4x4096x2304xf32, #tpu.memory_space<hbm>> -> memref<1x16x1024xf32, #tpu.memory_space<hbm>>
    %dma_wait3A_436 = tpu.memref_squeeze %dma_wait3A_435 : memref<1x16x1024xf32, #tpu.memory_space<hbm>> -> memref<16x1024xf32, #tpu.memory_space<hbm>>
    tpu.wait_dma2 semaphore(%arg22 : memref<!tpu.dma_semaphore, #tpu.memory_space<semaphore_mem>>) src(%arg10 : memref<16x1024xf32, #tpu.memory_space<vmem>>) dst(%dma_wait3A_436 : memref<16x1024xf32, #tpu.memory_space<hbm>>)
    %add3A_437 = arith.constant 32 : i32
    %add3A_438 = arith.addi %mul3A_2, %add3A_437 : i32
    %dma_start3A_439 = arith.constant 1 : i32
    %dma_start3A_440 = arith.constant 0 : i32
    %dma_start3A_441 = tpu.memref_slice %arg2[%dma_start3A_439, %add3A_438, %dma_start3A_440] : memref<4x4096x1024xf32, #tpu.memory_space<hbm>> -> memref<1x16x1024xf32, #tpu.memory_space<hbm>>
    %dma_start3A_442 = tpu.memref_squeeze %dma_start3A_441 : memref<1x16x1024xf32, #tpu.memory_space<hbm>> -> memref<16x1024xf32, #tpu.memory_space<hbm>>
    %dma_start3A_443 = arith.constant 0 : i32
    %dma_start3A_444 = tpu.memref_slice %arg2[%dma_start3A_439, %add3A_438, %dma_start3A_443] : memref<4x4096x1024xf32, #tpu.memory_space<hbm>> -> memref<1x16x1024xf32, #tpu.memory_space<hbm>>
    %dma_start3A_445 = tpu.memref_squeeze %dma_start3A_444 : memref<1x16x1024xf32, #tpu.memory_space<hbm>> -> memref<16x1024xf32, #tpu.memory_space<hbm>>
    tpu.enqueue_dma source(%dma_start3A_445 : memref<16x1024xf32, #tpu.memory_space<hbm>>) target(%arg10 : memref<16x1024xf32, #tpu.memory_space<vmem>>) target_semaphore(%arg17 : memref<!tpu.dma_semaphore, #tpu.memory_space<semaphore_mem>>)
    %dma_wait3A_446 = arith.constant 0 : i32
    %dma_wait3A_447 = arith.constant 0 : i32
    %dma_wait3A_448 = arith.constant 1024 : i32
    %dma_wait3A_449 = tpu.memref_slice %arg5[%dma_wait3A_447, %add3A_166, %dma_wait3A_448] : memref<4x4096x2304xf32, #tpu.memory_space<hbm>> -> memref<1x16x1024xf32, #tpu.memory_space<hbm>>
    %dma_wait3A_450 = tpu.memref_squeeze %dma_wait3A_449 : memref<1x16x1024xf32, #tpu.memory_space<hbm>> -> memref<16x1024xf32, #tpu.memory_space<hbm>>
    %dma_wait3A_451 = arith.constant 0 : i32
    %dma_wait3A_452 = arith.constant 0 : i32
    %dma_wait3A_453 = tpu.memref_slice %arg11[%arg1, %dma_wait3A_446, %dma_wait3A_451, %dma_wait3A_452] : memref<16x2x16x1024xf32, #tpu.memory_space<vmem_shared>> -> memref<1x1x16x1024xf32, #tpu.memory_space<vmem_shared>>
    %dma_wait3A_454 = tpu.memref_squeeze %dma_wait3A_453 : memref<1x1x16x1024xf32, #tpu.memory_space<vmem_shared>> -> memref<16x1024xf32, #tpu.memory_space<vmem_shared>>
    tpu.wait_dma2 semaphore(%arg25 : memref<!tpu.dma_semaphore, #tpu.memory_space<semaphore_mem>>) src(%dma_wait3A_454 : memref<16x1024xf32, #tpu.memory_space<vmem_shared>>) dst(%dma_wait3A_450 : memref<16x1024xf32, #tpu.memory_space<hbm>>)
    %dma_wait3A_455 = arith.constant 0 : i32
    %dma_wait3A_456 = arith.constant 1 : i32
    %dma_wait3A_457 = arith.constant 1024 : i32
    %dma_wait3A_458 = tpu.memref_slice %arg5[%dma_wait3A_456, %add3A_207, %dma_wait3A_457] : memref<4x4096x2304xf32, #tpu.memory_space<hbm>> -> memref<1x16x1024xf32, #tpu.memory_space<hbm>>
    %dma_wait3A_459 = tpu.memref_squeeze %dma_wait3A_458 : memref<1x16x1024xf32, #tpu.memory_space<hbm>> -> memref<16x1024xf32, #tpu.memory_space<hbm>>
    %dma_wait3A_460 = arith.constant 0 : i32
    %dma_wait3A_461 = arith.constant 0 : i32
    %dma_wait3A_462 = tpu.memref_slice %arg11[%arg1, %dma_wait3A_455, %dma_wait3A_460, %dma_wait3A_461] : memref<16x2x16x1024xf32, #tpu.memory_space<vmem_shared>> -> memref<1x1x16x1024xf32, #tpu.memory_space<vmem_shared>>
    %dma_wait3A_463 = tpu.memref_squeeze %dma_wait3A_462 : memref<1x1x16x1024xf32, #tpu.memory_space<vmem_shared>> -> memref<16x1024xf32, #tpu.memory_space<vmem_shared>>
    tpu.wait_dma2 semaphore(%arg25 : memref<!tpu.dma_semaphore, #tpu.memory_space<semaphore_mem>>) src(%dma_wait3A_463 : memref<16x1024xf32, #tpu.memory_space<vmem_shared>>) dst(%dma_wait3A_459 : memref<16x1024xf32, #tpu.memory_space<hbm>>)
    %dma_wait3A_464 = arith.constant 0 : i32
    %dma_wait3A_465 = arith.constant 2 : i32
    %dma_wait3A_466 = arith.constant 1024 : i32
    %dma_wait3A_467 = tpu.memref_slice %arg5[%dma_wait3A_465, %add3A_255, %dma_wait3A_466] : memref<4x4096x2304xf32, #tpu.memory_space<hbm>> -> memref<1x16x1024xf32, #tpu.memory_space<hbm>>
    %dma_wait3A_468 = tpu.memref_squeeze %dma_wait3A_467 : memref<1x16x1024xf32, #tpu.memory_space<hbm>> -> memref<16x1024xf32, #tpu.memory_space<hbm>>
    %dma_wait3A_469 = arith.constant 0 : i32
    %dma_wait3A_470 = arith.constant 0 : i32
    %dma_wait3A_471 = tpu.memref_slice %arg11[%arg1, %dma_wait3A_464, %dma_wait3A_469, %dma_wait3A_470] : memref<16x2x16x1024xf32, #tpu.memory_space<vmem_shared>> -> memref<1x1x16x1024xf32, #tpu.memory_space<vmem_shared>>
    %dma_wait3A_472 = tpu.memref_squeeze %dma_wait3A_471 : memref<1x1x16x1024xf32, #tpu.memory_space<vmem_shared>> -> memref<16x1024xf32, #tpu.memory_space<vmem_shared>>
    tpu.wait_dma2 semaphore(%arg25 : memref<!tpu.dma_semaphore, #tpu.memory_space<semaphore_mem>>) src(%dma_wait3A_472 : memref<16x1024xf32, #tpu.memory_space<vmem_shared>>) dst(%dma_wait3A_468 : memref<16x1024xf32, #tpu.memory_space<hbm>>)
    %dma_wait3A_473 = arith.constant 0 : i32
    %dma_wait3A_474 = arith.constant 3 : i32
    %dma_wait3A_475 = arith.constant 1024 : i32
    %dma_wait3A_476 = tpu.memref_slice %arg5[%dma_wait3A_474, %add3A_303, %dma_wait3A_475] : memref<4x4096x2304xf32, #tpu.memory_space<hbm>> -> memref<1x16x1024xf32, #tpu.memory_space<hbm>>
    %dma_wait3A_477 = tpu.memref_squeeze %dma_wait3A_476 : memref<1x16x1024xf32, #tpu.memory_space<hbm>> -> memref<16x1024xf32, #tpu.memory_space<hbm>>
    %dma_wait3A_478 = arith.constant 0 : i32
    %dma_wait3A_479 = arith.constant 0 : i32
    %dma_wait3A_480 = tpu.memref_slice %arg11[%arg1, %dma_wait3A_473, %dma_wait3A_478, %dma_wait3A_479] : memref<16x2x16x1024xf32, #tpu.memory_space<vmem_shared>> -> memref<1x1x16x1024xf32, #tpu.memory_space<vmem_shared>>
    %dma_wait3A_481 = tpu.memref_squeeze %dma_wait3A_480 : memref<1x1x16x1024xf32, #tpu.memory_space<vmem_shared>> -> memref<16x1024xf32, #tpu.memory_space<vmem_shared>>
    tpu.wait_dma2 semaphore(%arg25 : memref<!tpu.dma_semaphore, #tpu.memory_space<semaphore_mem>>) src(%dma_wait3A_481 : memref<16x1024xf32, #tpu.memory_space<vmem_shared>>) dst(%dma_wait3A_477 : memref<16x1024xf32, #tpu.memory_space<hbm>>)
    %add3A_482 = arith.constant 32 : i32
    %add3A_483 = arith.addi %mul3A_2, %add3A_482 : i32
    %dma_start3A_484 = arith.constant 0 : i32
    %dma_start3A_485 = arith.constant 0 : i32
    %dma_start3A_486 = arith.constant 0 : i32
    %dma_start3A_487 = tpu.memref_slice %arg11[%arg1, %dma_start3A_484, %dma_start3A_485, %dma_start3A_486] : memref<16x2x16x1024xf32, #tpu.memory_space<vmem_shared>> -> memref<1x1x16x1024xf32, #tpu.memory_space<vmem_shared>>
    %dma_start3A_488 = tpu.memref_squeeze %dma_start3A_487 : memref<1x1x16x1024xf32, #tpu.memory_space<vmem_shared>> -> memref<16x1024xf32, #tpu.memory_space<vmem_shared>>
    %dma_start3A_489 = arith.constant 0 : i32
    %dma_start3A_490 = tpu.memref_slice %arg4[%add3A_483, %dma_start3A_489] : memref<4096x1024xf32, #tpu.memory_space<hbm>> -> memref<16x1024xf32, #tpu.memory_space<hbm>>
    tpu.enqueue_dma source(%dma_start3A_490 : memref<16x1024xf32, #tpu.memory_space<hbm>>) target(%dma_start3A_488 : memref<16x1024xf32, #tpu.memory_space<vmem_shared>>) target_semaphore(%arg23 : memref<!tpu.dma_semaphore, #tpu.memory_space<semaphore_mem>>)
    %dma_wait3A_491 = arith.constant 2 : i32
    %dma_wait3A_492 = arith.constant 0 : i32
    %dma_wait3A_493 = tpu.memref_slice %arg2[%dma_wait3A_491, %add3A_287, %dma_wait3A_492] : memref<4x4096x1024xf32, #tpu.memory_space<hbm>> -> memref<1x16x1024xf32, #tpu.memory_space<hbm>>
    %dma_wait3A_494 = tpu.memref_squeeze %dma_wait3A_493 : memref<1x16x1024xf32, #tpu.memory_space<hbm>> -> memref<16x1024xf32, #tpu.memory_space<hbm>>
    %dma_wait3A_495 = arith.constant 0 : i32
    %dma_wait3A_496 = tpu.memref_slice %arg2[%dma_wait3A_491, %add3A_287, %dma_wait3A_495] : memref<4x4096x1024xf32, #tpu.memory_space<hbm>> -> memref<1x16x1024xf32, #tpu.memory_space<hbm>>
    %dma_wait3A_497 = tpu.memref_squeeze %dma_wait3A_496 : memref<1x16x1024xf32, #tpu.memory_space<hbm>> -> memref<16x1024xf32, #tpu.memory_space<hbm>>
    tpu.wait_dma2 semaphore(%arg14 : memref<!tpu.dma_semaphore, #tpu.memory_space<semaphore_mem>>) src(%dma_wait3A_497 : memref<16x1024xf32, #tpu.memory_space<hbm>>) dst(%arg7 : memref<16x1024xf32, #tpu.memory_space<vmem>>)
    %add3A_498 = arith.constant 16 : i32
    %add3A_499 = arith.addi %mul3A_2, %add3A_498 : i32
    %dma_start3A_500 = arith.constant 2 : i32
    %dma_start3A_501 = arith.constant 0 : i32
    %dma_start3A_502 = tpu.memref_slice %arg5[%dma_start3A_500, %add3A_499, %dma_start3A_501] : memref<4x4096x2304xf32, #tpu.memory_space<hbm>> -> memref<1x16x1024xf32, #tpu.memory_space<hbm>>
    %dma_start3A_503 = tpu.memref_squeeze %dma_start3A_502 : memref<1x16x1024xf32, #tpu.memory_space<hbm>> -> memref<16x1024xf32, #tpu.memory_space<hbm>>
    %dma_start3A_504 = arith.constant 0 : i32
    %dma_start3A_505 = tpu.memref_slice %arg5[%dma_start3A_500, %add3A_499, %dma_start3A_504] : memref<4x4096x2304xf32, #tpu.memory_space<hbm>> -> memref<1x16x1024xf32, #tpu.memory_space<hbm>>
    %dma_start3A_506 = tpu.memref_squeeze %dma_start3A_505 : memref<1x16x1024xf32, #tpu.memory_space<hbm>> -> memref<16x1024xf32, #tpu.memory_space<hbm>>
    tpu.enqueue_dma source(%arg7 : memref<16x1024xf32, #tpu.memory_space<vmem>>) target(%dma_start3A_506 : memref<16x1024xf32, #tpu.memory_space<hbm>>) target_semaphore(%arg19 : memref<!tpu.dma_semaphore, #tpu.memory_space<semaphore_mem>>)
    %dma_start3A_507 = arith.constant 1 : i32
    %dma_start3A_508 = arith.constant 2 : i32
    %dma_start3A_509 = arith.constant 1024 : i32
    %dma_start3A_510 = tpu.memref_slice %arg5[%dma_start3A_508, %add3A_499, %dma_start3A_509] : memref<4x4096x2304xf32, #tpu.memory_space<hbm>> -> memref<1x16x1024xf32, #tpu.memory_space<hbm>>
    %dma_start3A_511 = tpu.memref_squeeze %dma_start3A_510 : memref<1x16x1024xf32, #tpu.memory_space<hbm>> -> memref<16x1024xf32, #tpu.memory_space<hbm>>
    %dma_start3A_512 = arith.constant 0 : i32
    %dma_start3A_513 = arith.constant 0 : i32
    %dma_start3A_514 = tpu.memref_slice %arg11[%arg1, %dma_start3A_507, %dma_start3A_512, %dma_start3A_513] : memref<16x2x16x1024xf32, #tpu.memory_space<vmem_shared>> -> memref<1x1x16x1024xf32, #tpu.memory_space<vmem_shared>>
    %dma_start3A_515 = tpu.memref_squeeze %dma_start3A_514 : memref<1x1x16x1024xf32, #tpu.memory_space<vmem_shared>> -> memref<16x1024xf32, #tpu.memory_space<vmem_shared>>
    tpu.enqueue_dma source(%dma_start3A_515 : memref<16x1024xf32, #tpu.memory_space<vmem_shared>>) target(%dma_start3A_511 : memref<16x1024xf32, #tpu.memory_space<hbm>>) target_semaphore(%arg26 : memref<!tpu.dma_semaphore, #tpu.memory_space<semaphore_mem>>)
    %dma_start3A_516 = arith.constant 2 : i32
    %dma_start3A_517 = arith.constant 2048 : i32
    %dma_start3A_518 = tpu.memref_slice %arg5[%dma_start3A_516, %add3A_499, %dma_start3A_517] : memref<4x4096x2304xf32, #tpu.memory_space<hbm>> -> memref<1x16x256xf32, #tpu.memory_space<hbm>>
    %dma_start3A_519 = tpu.memref_squeeze %dma_start3A_518 : memref<1x16x256xf32, #tpu.memory_space<hbm>> -> memref<16x256xf32, #tpu.memory_space<hbm>>
    %dma_start3A_520 = arith.constant 2048 : i32
    %dma_start3A_521 = tpu.memref_slice %arg5[%dma_start3A_516, %add3A_499, %dma_start3A_520] : memref<4x4096x2304xf32, #tpu.memory_space<hbm>> -> memref<1x16x256xf32, #tpu.memory_space<hbm>>
    %dma_start3A_522 = tpu.memref_squeeze %dma_start3A_521 : memref<1x16x256xf32, #tpu.memory_space<hbm>> -> memref<16x256xf32, #tpu.memory_space<hbm>>
    tpu.enqueue_dma source(%arg12 : memref<16x256xf32, #tpu.memory_space<vmem>>) target(%dma_start3A_522 : memref<16x256xf32, #tpu.memory_space<hbm>>) target_semaphore(%arg27 : memref<!tpu.dma_semaphore, #tpu.memory_space<semaphore_mem>>)
    %dma_wait3A_523 = arith.constant 1 : i32
    %dma_wait3A_524 = arith.constant 0 : i32
    %dma_wait3A_525 = tpu.memref_slice %arg5[%dma_wait3A_523, %add3A_406, %dma_wait3A_524] : memref<4x4096x2304xf32, #tpu.memory_space<hbm>> -> memref<1x16x1024xf32, #tpu.memory_space<hbm>>
    %dma_wait3A_526 = tpu.memref_squeeze %dma_wait3A_525 : memref<1x16x1024xf32, #tpu.memory_space<hbm>> -> memref<16x1024xf32, #tpu.memory_space<hbm>>
    %dma_wait3A_527 = arith.constant 0 : i32
    %dma_wait3A_528 = tpu.memref_slice %arg5[%dma_wait3A_523, %add3A_406, %dma_wait3A_527] : memref<4x4096x2304xf32, #tpu.memory_space<hbm>> -> memref<1x16x1024xf32, #tpu.memory_space<hbm>>
    %dma_wait3A_529 = tpu.memref_squeeze %dma_wait3A_528 : memref<1x16x1024xf32, #tpu.memory_space<hbm>> -> memref<16x1024xf32, #tpu.memory_space<hbm>>
    tpu.wait_dma2 semaphore(%arg18 : memref<!tpu.dma_semaphore, #tpu.memory_space<semaphore_mem>>) src(%arg6 : memref<16x1024xf32, #tpu.memory_space<vmem>>) dst(%dma_wait3A_529 : memref<16x1024xf32, #tpu.memory_space<hbm>>)
    %add3A_530 = arith.constant 32 : i32
    %add3A_531 = arith.addi %mul3A_2, %add3A_530 : i32
    %dma_start3A_532 = arith.constant 2 : i32
    %dma_start3A_533 = arith.constant 0 : i32
    %dma_start3A_534 = tpu.memref_slice %arg2[%dma_start3A_532, %add3A_531, %dma_start3A_533] : memref<4x4096x1024xf32, #tpu.memory_space<hbm>> -> memref<1x16x1024xf32, #tpu.memory_space<hbm>>
    %dma_start3A_535 = tpu.memref_squeeze %dma_start3A_534 : memref<1x16x1024xf32, #tpu.memory_space<hbm>> -> memref<16x1024xf32, #tpu.memory_space<hbm>>
    %dma_start3A_536 = arith.constant 0 : i32
    %dma_start3A_537 = tpu.memref_slice %arg2[%dma_start3A_532, %add3A_531, %dma_start3A_536] : memref<4x4096x1024xf32, #tpu.memory_space<hbm>> -> memref<1x16x1024xf32, #tpu.memory_space<hbm>>
    %dma_start3A_538 = tpu.memref_squeeze %dma_start3A_537 : memref<1x16x1024xf32, #tpu.memory_space<hbm>> -> memref<16x1024xf32, #tpu.memory_space<hbm>>
    tpu.enqueue_dma source(%dma_start3A_538 : memref<16x1024xf32, #tpu.memory_space<hbm>>) target(%arg6 : memref<16x1024xf32, #tpu.memory_space<vmem>>) target_semaphore(%arg13 : memref<!tpu.dma_semaphore, #tpu.memory_space<semaphore_mem>>)
    %dma_wait3A_539 = arith.constant 3 : i32
    %dma_wait3A_540 = arith.constant 0 : i32
    %dma_wait3A_541 = tpu.memref_slice %arg2[%dma_wait3A_539, %add3A_335, %dma_wait3A_540] : memref<4x4096x1024xf32, #tpu.memory_space<hbm>> -> memref<1x16x1024xf32, #tpu.memory_space<hbm>>
    %dma_wait3A_542 = tpu.memref_squeeze %dma_wait3A_541 : memref<1x16x1024xf32, #tpu.memory_space<hbm>> -> memref<16x1024xf32, #tpu.memory_space<hbm>>
    %dma_wait3A_543 = arith.constant 0 : i32
    %dma_wait3A_544 = tpu.memref_slice %arg2[%dma_wait3A_539, %add3A_335, %dma_wait3A_543] : memref<4x4096x1024xf32, #tpu.memory_space<hbm>> -> memref<1x16x1024xf32, #tpu.memory_space<hbm>>
    %dma_wait3A_545 = tpu.memref_squeeze %dma_wait3A_544 : memref<1x16x1024xf32, #tpu.memory_space<hbm>> -> memref<16x1024xf32, #tpu.memory_space<hbm>>
    tpu.wait_dma2 semaphore(%arg15 : memref<!tpu.dma_semaphore, #tpu.memory_space<semaphore_mem>>) src(%dma_wait3A_545 : memref<16x1024xf32, #tpu.memory_space<hbm>>) dst(%arg8 : memref<16x1024xf32, #tpu.memory_space<vmem>>)
    %add3A_546 = arith.constant 16 : i32
    %add3A_547 = arith.addi %mul3A_2, %add3A_546 : i32
    %dma_start3A_548 = arith.constant 3 : i32
    %dma_start3A_549 = arith.constant 0 : i32
    %dma_start3A_550 = tpu.memref_slice %arg5[%dma_start3A_548, %add3A_547, %dma_start3A_549] : memref<4x4096x2304xf32, #tpu.memory_space<hbm>> -> memref<1x16x1024xf32, #tpu.memory_space<hbm>>
    %dma_start3A_551 = tpu.memref_squeeze %dma_start3A_550 : memref<1x16x1024xf32, #tpu.memory_space<hbm>> -> memref<16x1024xf32, #tpu.memory_space<hbm>>
    %dma_start3A_552 = arith.constant 0 : i32
    %dma_start3A_553 = tpu.memref_slice %arg5[%dma_start3A_548, %add3A_547, %dma_start3A_552] : memref<4x4096x2304xf32, #tpu.memory_space<hbm>> -> memref<1x16x1024xf32, #tpu.memory_space<hbm>>
    %dma_start3A_554 = tpu.memref_squeeze %dma_start3A_553 : memref<1x16x1024xf32, #tpu.memory_space<hbm>> -> memref<16x1024xf32, #tpu.memory_space<hbm>>
    tpu.enqueue_dma source(%arg8 : memref<16x1024xf32, #tpu.memory_space<vmem>>) target(%dma_start3A_554 : memref<16x1024xf32, #tpu.memory_space<hbm>>) target_semaphore(%arg20 : memref<!tpu.dma_semaphore, #tpu.memory_space<semaphore_mem>>)
    %dma_start3A_555 = arith.constant 1 : i32
    %dma_start3A_556 = arith.constant 3 : i32
    %dma_start3A_557 = arith.constant 1024 : i32
    %dma_start3A_558 = tpu.memref_slice %arg5[%dma_start3A_556, %add3A_547, %dma_start3A_557] : memref<4x4096x2304xf32, #tpu.memory_space<hbm>> -> memref<1x16x1024xf32, #tpu.memory_space<hbm>>
    %dma_start3A_559 = tpu.memref_squeeze %dma_start3A_558 : memref<1x16x1024xf32, #tpu.memory_space<hbm>> -> memref<16x1024xf32, #tpu.memory_space<hbm>>
    %dma_start3A_560 = arith.constant 0 : i32
    %dma_start3A_561 = arith.constant 0 : i32
    %dma_start3A_562 = tpu.memref_slice %arg11[%arg1, %dma_start3A_555, %dma_start3A_560, %dma_start3A_561] : memref<16x2x16x1024xf32, #tpu.memory_space<vmem_shared>> -> memref<1x1x16x1024xf32, #tpu.memory_space<vmem_shared>>
    %dma_start3A_563 = tpu.memref_squeeze %dma_start3A_562 : memref<1x1x16x1024xf32, #tpu.memory_space<vmem_shared>> -> memref<16x1024xf32, #tpu.memory_space<vmem_shared>>
    tpu.enqueue_dma source(%dma_start3A_563 : memref<16x1024xf32, #tpu.memory_space<vmem_shared>>) target(%dma_start3A_559 : memref<16x1024xf32, #tpu.memory_space<hbm>>) target_semaphore(%arg26 : memref<!tpu.dma_semaphore, #tpu.memory_space<semaphore_mem>>)
    %dma_start3A_564 = arith.constant 3 : i32
    %dma_start3A_565 = arith.constant 2048 : i32
    %dma_start3A_566 = tpu.memref_slice %arg5[%dma_start3A_564, %add3A_547, %dma_start3A_565] : memref<4x4096x2304xf32, #tpu.memory_space<hbm>> -> memref<1x16x256xf32, #tpu.memory_space<hbm>>
    %dma_start3A_567 = tpu.memref_squeeze %dma_start3A_566 : memref<1x16x256xf32, #tpu.memory_space<hbm>> -> memref<16x256xf32, #tpu.memory_space<hbm>>
    %dma_start3A_568 = arith.constant 2048 : i32
    %dma_start3A_569 = tpu.memref_slice %arg5[%dma_start3A_564, %add3A_547, %dma_start3A_568] : memref<4x4096x2304xf32, #tpu.memory_space<hbm>> -> memref<1x16x256xf32, #tpu.memory_space<hbm>>
    %dma_start3A_570 = tpu.memref_squeeze %dma_start3A_569 : memref<1x16x256xf32, #tpu.memory_space<hbm>> -> memref<16x256xf32, #tpu.memory_space<hbm>>
    tpu.enqueue_dma source(%arg12 : memref<16x256xf32, #tpu.memory_space<vmem>>) target(%dma_start3A_570 : memref<16x256xf32, #tpu.memory_space<hbm>>) target_semaphore(%arg27 : memref<!tpu.dma_semaphore, #tpu.memory_space<semaphore_mem>>)
    %dma_wait3A_571 = arith.constant 2 : i32
    %dma_wait3A_572 = arith.constant 0 : i32
    %dma_wait3A_573 = tpu.memref_slice %arg5[%dma_wait3A_571, %add3A_499, %dma_wait3A_572] : memref<4x4096x2304xf32, #tpu.memory_space<hbm>> -> memref<1x16x1024xf32, #tpu.memory_space<hbm>>
    %dma_wait3A_574 = tpu.memref_squeeze %dma_wait3A_573 : memref<1x16x1024xf32, #tpu.memory_space<hbm>> -> memref<16x1024xf32, #tpu.memory_space<hbm>>
    %dma_wait3A_575 = arith.constant 0 : i32
    %dma_wait3A_576 = tpu.memref_slice %arg5[%dma_wait3A_571, %add3A_499, %dma_wait3A_575] : memref<4x4096x2304xf32, #tpu.memory_space<hbm>> -> memref<1x16x1024xf32, #tpu.memory_space<hbm>>
    %dma_wait3A_577 = tpu.memref_squeeze %dma_wait3A_576 : memref<1x16x1024xf32, #tpu.memory_space<hbm>> -> memref<16x1024xf32, #tpu.memory_space<hbm>>
    tpu.wait_dma2 semaphore(%arg19 : memref<!tpu.dma_semaphore, #tpu.memory_space<semaphore_mem>>) src(%arg7 : memref<16x1024xf32, #tpu.memory_space<vmem>>) dst(%dma_wait3A_577 : memref<16x1024xf32, #tpu.memory_space<hbm>>)
    %add3A_578 = arith.constant 32 : i32
    %add3A_579 = arith.addi %mul3A_2, %add3A_578 : i32
    %dma_start3A_580 = arith.constant 3 : i32
    %dma_start3A_581 = arith.constant 0 : i32
    %dma_start3A_582 = tpu.memref_slice %arg2[%dma_start3A_580, %add3A_579, %dma_start3A_581] : memref<4x4096x1024xf32, #tpu.memory_space<hbm>> -> memref<1x16x1024xf32, #tpu.memory_space<hbm>>
    %dma_start3A_583 = tpu.memref_squeeze %dma_start3A_582 : memref<1x16x1024xf32, #tpu.memory_space<hbm>> -> memref<16x1024xf32, #tpu.memory_space<hbm>>
    %dma_start3A_584 = arith.constant 0 : i32
    %dma_start3A_585 = tpu.memref_slice %arg2[%dma_start3A_580, %add3A_579, %dma_start3A_584] : memref<4x4096x1024xf32, #tpu.memory_space<hbm>> -> memref<1x16x1024xf32, #tpu.memory_space<hbm>>
    %dma_start3A_586 = tpu.memref_squeeze %dma_start3A_585 : memref<1x16x1024xf32, #tpu.memory_space<hbm>> -> memref<16x1024xf32, #tpu.memory_space<hbm>>
    tpu.enqueue_dma source(%dma_start3A_586 : memref<16x1024xf32, #tpu.memory_space<hbm>>) target(%arg7 : memref<16x1024xf32, #tpu.memory_space<vmem>>) target_semaphore(%arg14 : memref<!tpu.dma_semaphore, #tpu.memory_space<semaphore_mem>>)
    %dma_wait3A_587 = arith.constant 0 : i32
    %dma_wait3A_588 = arith.constant 0 : i32
    %dma_wait3A_589 = tpu.memref_slice %arg2[%dma_wait3A_587, %add3A_390, %dma_wait3A_588] : memref<4x4096x1024xf32, #tpu.memory_space<hbm>> -> memref<1x16x1024xf32, #tpu.memory_space<hbm>>
    %dma_wait3A_590 = tpu.memref_squeeze %dma_wait3A_589 : memref<1x16x1024xf32, #tpu.memory_space<hbm>> -> memref<16x1024xf32, #tpu.memory_space<hbm>>
    %dma_wait3A_591 = arith.constant 0 : i32
    %dma_wait3A_592 = tpu.memref_slice %arg2[%dma_wait3A_587, %add3A_390, %dma_wait3A_591] : memref<4x4096x1024xf32, #tpu.memory_space<hbm>> -> memref<1x16x1024xf32, #tpu.memory_space<hbm>>
    %dma_wait3A_593 = tpu.memref_squeeze %dma_wait3A_592 : memref<1x16x1024xf32, #tpu.memory_space<hbm>> -> memref<16x1024xf32, #tpu.memory_space<hbm>>
    tpu.wait_dma2 semaphore(%arg16 : memref<!tpu.dma_semaphore, #tpu.memory_space<semaphore_mem>>) src(%dma_wait3A_593 : memref<16x1024xf32, #tpu.memory_space<hbm>>) dst(%arg9 : memref<16x1024xf32, #tpu.memory_space<vmem>>)
    %dma_wait3A_594 = arith.constant 0 : i32
    %dma_wait3A_595 = arith.constant 0 : i32
    %dma_wait3A_596 = arith.constant 0 : i32
    %dma_wait3A_597 = tpu.memref_slice %arg11[%arg1, %dma_wait3A_594, %dma_wait3A_595, %dma_wait3A_596] : memref<16x2x16x1024xf32, #tpu.memory_space<vmem_shared>> -> memref<1x1x16x1024xf32, #tpu.memory_space<vmem_shared>>
    %dma_wait3A_598 = tpu.memref_squeeze %dma_wait3A_597 : memref<1x1x16x1024xf32, #tpu.memory_space<vmem_shared>> -> memref<16x1024xf32, #tpu.memory_space<vmem_shared>>
    %dma_wait3A_599 = arith.constant 0 : i32
    %dma_wait3A_600 = tpu.memref_slice %arg4[%add3A_483, %dma_wait3A_599] : memref<4096x1024xf32, #tpu.memory_space<hbm>> -> memref<16x1024xf32, #tpu.memory_space<hbm>>
    tpu.wait_dma2 semaphore(%arg23 : memref<!tpu.dma_semaphore, #tpu.memory_space<semaphore_mem>>) src(%dma_wait3A_600 : memref<16x1024xf32, #tpu.memory_space<hbm>>) dst(%dma_wait3A_598 : memref<16x1024xf32, #tpu.memory_space<vmem_shared>>)
    %add3A_601 = arith.constant 32 : i32
    %add3A_602 = arith.addi %mul3A_2, %add3A_601 : i32
    %dma_start3A_603 = arith.constant 0 : i32
    %dma_start3A_604 = arith.constant 0 : i32
    %dma_start3A_605 = tpu.memref_slice %arg5[%dma_start3A_603, %add3A_602, %dma_start3A_604] : memref<4x4096x2304xf32, #tpu.memory_space<hbm>> -> memref<1x16x1024xf32, #tpu.memory_space<hbm>>
    %dma_start3A_606 = tpu.memref_squeeze %dma_start3A_605 : memref<1x16x1024xf32, #tpu.memory_space<hbm>> -> memref<16x1024xf32, #tpu.memory_space<hbm>>
    %dma_start3A_607 = arith.constant 0 : i32
    %dma_start3A_608 = tpu.memref_slice %arg5[%dma_start3A_603, %add3A_602, %dma_start3A_607] : memref<4x4096x2304xf32, #tpu.memory_space<hbm>> -> memref<1x16x1024xf32, #tpu.memory_space<hbm>>
    %dma_start3A_609 = tpu.memref_squeeze %dma_start3A_608 : memref<1x16x1024xf32, #tpu.memory_space<hbm>> -> memref<16x1024xf32, #tpu.memory_space<hbm>>
    tpu.enqueue_dma source(%arg9 : memref<16x1024xf32, #tpu.memory_space<vmem>>) target(%dma_start3A_609 : memref<16x1024xf32, #tpu.memory_space<hbm>>) target_semaphore(%arg21 : memref<!tpu.dma_semaphore, #tpu.memory_space<semaphore_mem>>)
    %dma_start3A_610 = arith.constant 0 : i32
    %dma_start3A_611 = arith.constant 0 : i32
    %dma_start3A_612 = arith.constant 1024 : i32
    %dma_start3A_613 = tpu.memref_slice %arg5[%dma_start3A_611, %add3A_602, %dma_start3A_612] : memref<4x4096x2304xf32, #tpu.memory_space<hbm>> -> memref<1x16x1024xf32, #tpu.memory_space<hbm>>
    %dma_start3A_614 = tpu.memref_squeeze %dma_start3A_613 : memref<1x16x1024xf32, #tpu.memory_space<hbm>> -> memref<16x1024xf32, #tpu.memory_space<hbm>>
    %dma_start3A_615 = arith.constant 0 : i32
    %dma_start3A_616 = arith.constant 0 : i32
    %dma_start3A_617 = tpu.memref_slice %arg11[%arg1, %dma_start3A_610, %dma_start3A_615, %dma_start3A_616] : memref<16x2x16x1024xf32, #tpu.memory_space<vmem_shared>> -> memref<1x1x16x1024xf32, #tpu.memory_space<vmem_shared>>
    %dma_start3A_618 = tpu.memref_squeeze %dma_start3A_617 : memref<1x1x16x1024xf32, #tpu.memory_space<vmem_shared>> -> memref<16x1024xf32, #tpu.memory_space<vmem_shared>>
    tpu.enqueue_dma source(%dma_start3A_618 : memref<16x1024xf32, #tpu.memory_space<vmem_shared>>) target(%dma_start3A_614 : memref<16x1024xf32, #tpu.memory_space<hbm>>) target_semaphore(%arg25 : memref<!tpu.dma_semaphore, #tpu.memory_space<semaphore_mem>>)
    %dma_start3A_619 = arith.constant 0 : i32
    %dma_start3A_620 = arith.constant 2048 : i32
    %dma_start3A_621 = tpu.memref_slice %arg5[%dma_start3A_619, %add3A_602, %dma_start3A_620] : memref<4x4096x2304xf32, #tpu.memory_space<hbm>> -> memref<1x16x256xf32, #tpu.memory_space<hbm>>
    %dma_start3A_622 = tpu.memref_squeeze %dma_start3A_621 : memref<1x16x256xf32, #tpu.memory_space<hbm>> -> memref<16x256xf32, #tpu.memory_space<hbm>>
    %dma_start3A_623 = arith.constant 2048 : i32
    %dma_start3A_624 = tpu.memref_slice %arg5[%dma_start3A_619, %add3A_602, %dma_start3A_623] : memref<4x4096x2304xf32, #tpu.memory_space<hbm>> -> memref<1x16x256xf32, #tpu.memory_space<hbm>>
    %dma_start3A_625 = tpu.memref_squeeze %dma_start3A_624 : memref<1x16x256xf32, #tpu.memory_space<hbm>> -> memref<16x256xf32, #tpu.memory_space<hbm>>
    tpu.enqueue_dma source(%arg12 : memref<16x256xf32, #tpu.memory_space<vmem>>) target(%dma_start3A_625 : memref<16x256xf32, #tpu.memory_space<hbm>>) target_semaphore(%arg27 : memref<!tpu.dma_semaphore, #tpu.memory_space<semaphore_mem>>)
    %dma_wait3A_626 = arith.constant 3 : i32
    %dma_wait3A_627 = arith.constant 0 : i32
    %dma_wait3A_628 = tpu.memref_slice %arg5[%dma_wait3A_626, %add3A_547, %dma_wait3A_627] : memref<4x4096x2304xf32, #tpu.memory_space<hbm>> -> memref<1x16x1024xf32, #tpu.memory_space<hbm>>
    %dma_wait3A_629 = tpu.memref_squeeze %dma_wait3A_628 : memref<1x16x1024xf32, #tpu.memory_space<hbm>> -> memref<16x1024xf32, #tpu.memory_space<hbm>>
    %dma_wait3A_630 = arith.constant 0 : i32
    %dma_wait3A_631 = tpu.memref_slice %arg5[%dma_wait3A_626, %add3A_547, %dma_wait3A_630] : memref<4x4096x2304xf32, #tpu.memory_space<hbm>> -> memref<1x16x1024xf32, #tpu.memory_space<hbm>>
    %dma_wait3A_632 = tpu.memref_squeeze %dma_wait3A_631 : memref<1x16x1024xf32, #tpu.memory_space<hbm>> -> memref<16x1024xf32, #tpu.memory_space<hbm>>
    tpu.wait_dma2 semaphore(%arg20 : memref<!tpu.dma_semaphore, #tpu.memory_space<semaphore_mem>>) src(%arg8 : memref<16x1024xf32, #tpu.memory_space<vmem>>) dst(%dma_wait3A_632 : memref<16x1024xf32, #tpu.memory_space<hbm>>)
    %add3A_633 = arith.constant 48 : i32
    %add3A_634 = arith.addi %mul3A_2, %add3A_633 : i32
    %dma_start3A_635 = arith.constant 0 : i32
    %dma_start3A_636 = arith.constant 0 : i32
    %dma_start3A_637 = tpu.memref_slice %arg2[%dma_start3A_635, %add3A_634, %dma_start3A_636] : memref<4x4096x1024xf32, #tpu.memory_space<hbm>> -> memref<1x16x1024xf32, #tpu.memory_space<hbm>>
    %dma_start3A_638 = tpu.memref_squeeze %dma_start3A_637 : memref<1x16x1024xf32, #tpu.memory_space<hbm>> -> memref<16x1024xf32, #tpu.memory_space<hbm>>
    %dma_start3A_639 = arith.constant 0 : i32
    %dma_start3A_640 = tpu.memref_slice %arg2[%dma_start3A_635, %add3A_634, %dma_start3A_639] : memref<4x4096x1024xf32, #tpu.memory_space<hbm>> -> memref<1x16x1024xf32, #tpu.memory_space<hbm>>
    %dma_start3A_641 = tpu.memref_squeeze %dma_start3A_640 : memref<1x16x1024xf32, #tpu.memory_space<hbm>> -> memref<16x1024xf32, #tpu.memory_space<hbm>>
    tpu.enqueue_dma source(%dma_start3A_641 : memref<16x1024xf32, #tpu.memory_space<hbm>>) target(%arg8 : memref<16x1024xf32, #tpu.memory_space<vmem>>) target_semaphore(%arg15 : memref<!tpu.dma_semaphore, #tpu.memory_space<semaphore_mem>>)
    %dma_wait3A_642 = arith.constant 1 : i32
    %dma_wait3A_643 = arith.constant 0 : i32
    %dma_wait3A_644 = tpu.memref_slice %arg2[%dma_wait3A_642, %add3A_438, %dma_wait3A_643] : memref<4x4096x1024xf32, #tpu.memory_space<hbm>> -> memref<1x16x1024xf32, #tpu.memory_space<hbm>>
    %dma_wait3A_645 = tpu.memref_squeeze %dma_wait3A_644 : memref<1x16x1024xf32, #tpu.memory_space<hbm>> -> memref<16x1024xf32, #tpu.memory_space<hbm>>
    %dma_wait3A_646 = arith.constant 0 : i32
    %dma_wait3A_647 = tpu.memref_slice %arg2[%dma_wait3A_642, %add3A_438, %dma_wait3A_646] : memref<4x4096x1024xf32, #tpu.memory_space<hbm>> -> memref<1x16x1024xf32, #tpu.memory_space<hbm>>
    %dma_wait3A_648 = tpu.memref_squeeze %dma_wait3A_647 : memref<1x16x1024xf32, #tpu.memory_space<hbm>> -> memref<16x1024xf32, #tpu.memory_space<hbm>>
    tpu.wait_dma2 semaphore(%arg17 : memref<!tpu.dma_semaphore, #tpu.memory_space<semaphore_mem>>) src(%dma_wait3A_648 : memref<16x1024xf32, #tpu.memory_space<hbm>>) dst(%arg10 : memref<16x1024xf32, #tpu.memory_space<vmem>>)
    %add3A_649 = arith.constant 32 : i32
    %add3A_650 = arith.addi %mul3A_2, %add3A_649 : i32
    %dma_start3A_651 = arith.constant 1 : i32
    %dma_start3A_652 = arith.constant 0 : i32
    %dma_start3A_653 = tpu.memref_slice %arg5[%dma_start3A_651, %add3A_650, %dma_start3A_652] : memref<4x4096x2304xf32, #tpu.memory_space<hbm>> -> memref<1x16x1024xf32, #tpu.memory_space<hbm>>
    %dma_start3A_654 = tpu.memref_squeeze %dma_start3A_653 : memref<1x16x1024xf32, #tpu.memory_space<hbm>> -> memref<16x1024xf32, #tpu.memory_space<hbm>>
    %dma_start3A_655 = arith.constant 0 : i32
    %dma_start3A_656 = tpu.memref_slice %arg5[%dma_start3A_651, %add3A_650, %dma_start3A_655] : memref<4x4096x2304xf32, #tpu.memory_space<hbm>> -> memref<1x16x1024xf32, #tpu.memory_space<hbm>>
    %dma_start3A_657 = tpu.memref_squeeze %dma_start3A_656 : memref<1x16x1024xf32, #tpu.memory_space<hbm>> -> memref<16x1024xf32, #tpu.memory_space<hbm>>
    tpu.enqueue_dma source(%arg10 : memref<16x1024xf32, #tpu.memory_space<vmem>>) target(%dma_start3A_657 : memref<16x1024xf32, #tpu.memory_space<hbm>>) target_semaphore(%arg22 : memref<!tpu.dma_semaphore, #tpu.memory_space<semaphore_mem>>)
    %dma_start3A_658 = arith.constant 0 : i32
    %dma_start3A_659 = arith.constant 1 : i32
    %dma_start3A_660 = arith.constant 1024 : i32
    %dma_start3A_661 = tpu.memref_slice %arg5[%dma_start3A_659, %add3A_650, %dma_start3A_660] : memref<4x4096x2304xf32, #tpu.memory_space<hbm>> -> memref<1x16x1024xf32, #tpu.memory_space<hbm>>
    %dma_start3A_662 = tpu.memref_squeeze %dma_start3A_661 : memref<1x16x1024xf32, #tpu.memory_space<hbm>> -> memref<16x1024xf32, #tpu.memory_space<hbm>>
    %dma_start3A_663 = arith.constant 0 : i32
    %dma_start3A_664 = arith.constant 0 : i32
    %dma_start3A_665 = tpu.memref_slice %arg11[%arg1, %dma_start3A_658, %dma_start3A_663, %dma_start3A_664] : memref<16x2x16x1024xf32, #tpu.memory_space<vmem_shared>> -> memref<1x1x16x1024xf32, #tpu.memory_space<vmem_shared>>
    %dma_start3A_666 = tpu.memref_squeeze %dma_start3A_665 : memref<1x1x16x1024xf32, #tpu.memory_space<vmem_shared>> -> memref<16x1024xf32, #tpu.memory_space<vmem_shared>>
    tpu.enqueue_dma source(%dma_start3A_666 : memref<16x1024xf32, #tpu.memory_space<vmem_shared>>) target(%dma_start3A_662 : memref<16x1024xf32, #tpu.memory_space<hbm>>) target_semaphore(%arg25 : memref<!tpu.dma_semaphore, #tpu.memory_space<semaphore_mem>>)
    %dma_start3A_667 = arith.constant 1 : i32
    %dma_start3A_668 = arith.constant 2048 : i32
    %dma_start3A_669 = tpu.memref_slice %arg5[%dma_start3A_667, %add3A_650, %dma_start3A_668] : memref<4x4096x2304xf32, #tpu.memory_space<hbm>> -> memref<1x16x256xf32, #tpu.memory_space<hbm>>
    %dma_start3A_670 = tpu.memref_squeeze %dma_start3A_669 : memref<1x16x256xf32, #tpu.memory_space<hbm>> -> memref<16x256xf32, #tpu.memory_space<hbm>>
    %dma_start3A_671 = arith.constant 2048 : i32
    %dma_start3A_672 = tpu.memref_slice %arg5[%dma_start3A_667, %add3A_650, %dma_start3A_671] : memref<4x4096x2304xf32, #tpu.memory_space<hbm>> -> memref<1x16x256xf32, #tpu.memory_space<hbm>>
    %dma_start3A_673 = tpu.memref_squeeze %dma_start3A_672 : memref<1x16x256xf32, #tpu.memory_space<hbm>> -> memref<16x256xf32, #tpu.memory_space<hbm>>
    tpu.enqueue_dma source(%arg12 : memref<16x256xf32, #tpu.memory_space<vmem>>) target(%dma_start3A_673 : memref<16x256xf32, #tpu.memory_space<hbm>>) target_semaphore(%arg27 : memref<!tpu.dma_semaphore, #tpu.memory_space<semaphore_mem>>)
    %dma_wait3A_674 = arith.constant 0 : i32
    %dma_wait3A_675 = arith.constant 0 : i32
    %dma_wait3A_676 = tpu.memref_slice %arg5[%dma_wait3A_674, %add3A_602, %dma_wait3A_675] : memref<4x4096x2304xf32, #tpu.memory_space<hbm>> -> memref<1x16x1024xf32, #tpu.memory_space<hbm>>
    %dma_wait3A_677 = tpu.memref_squeeze %dma_wait3A_676 : memref<1x16x1024xf32, #tpu.memory_space<hbm>> -> memref<16x1024xf32, #tpu.memory_space<hbm>>
    %dma_wait3A_678 = arith.constant 0 : i32
    %dma_wait3A_679 = tpu.memref_slice %arg5[%dma_wait3A_674, %add3A_602, %dma_wait3A_678] : memref<4x4096x2304xf32, #tpu.memory_space<hbm>> -> memref<1x16x1024xf32, #tpu.memory_space<hbm>>
    %dma_wait3A_680 = tpu.memref_squeeze %dma_wait3A_679 : memref<1x16x1024xf32, #tpu.memory_space<hbm>> -> memref<16x1024xf32, #tpu.memory_space<hbm>>
    tpu.wait_dma2 semaphore(%arg21 : memref<!tpu.dma_semaphore, #tpu.memory_space<semaphore_mem>>) src(%arg9 : memref<16x1024xf32, #tpu.memory_space<vmem>>) dst(%dma_wait3A_680 : memref<16x1024xf32, #tpu.memory_space<hbm>>)
    %add3A_681 = arith.constant 48 : i32
    %add3A_682 = arith.addi %mul3A_2, %add3A_681 : i32
    %dma_start3A_683 = arith.constant 1 : i32
    %dma_start3A_684 = arith.constant 0 : i32
    %dma_start3A_685 = tpu.memref_slice %arg2[%dma_start3A_683, %add3A_682, %dma_start3A_684] : memref<4x4096x1024xf32, #tpu.memory_space<hbm>> -> memref<1x16x1024xf32, #tpu.memory_space<hbm>>
    %dma_start3A_686 = tpu.memref_squeeze %dma_start3A_685 : memref<1x16x1024xf32, #tpu.memory_space<hbm>> -> memref<16x1024xf32, #tpu.memory_space<hbm>>
    %dma_start3A_687 = arith.constant 0 : i32
    %dma_start3A_688 = tpu.memref_slice %arg2[%dma_start3A_683, %add3A_682, %dma_start3A_687] : memref<4x4096x1024xf32, #tpu.memory_space<hbm>> -> memref<1x16x1024xf32, #tpu.memory_space<hbm>>
    %dma_start3A_689 = tpu.memref_squeeze %dma_start3A_688 : memref<1x16x1024xf32, #tpu.memory_space<hbm>> -> memref<16x1024xf32, #tpu.memory_space<hbm>>
    tpu.enqueue_dma source(%dma_start3A_689 : memref<16x1024xf32, #tpu.memory_space<hbm>>) target(%arg9 : memref<16x1024xf32, #tpu.memory_space<vmem>>) target_semaphore(%arg16 : memref<!tpu.dma_semaphore, #tpu.memory_space<semaphore_mem>>)
    %dma_wait3A_690 = arith.constant 1 : i32
    %dma_wait3A_691 = arith.constant 0 : i32
    %dma_wait3A_692 = arith.constant 1024 : i32
    %dma_wait3A_693 = tpu.memref_slice %arg5[%dma_wait3A_691, %add3A_358, %dma_wait3A_692] : memref<4x4096x2304xf32, #tpu.memory_space<hbm>> -> memref<1x16x1024xf32, #tpu.memory_space<hbm>>
    %dma_wait3A_694 = tpu.memref_squeeze %dma_wait3A_693 : memref<1x16x1024xf32, #tpu.memory_space<hbm>> -> memref<16x1024xf32, #tpu.memory_space<hbm>>
    %dma_wait3A_695 = arith.constant 0 : i32
    %dma_wait3A_696 = arith.constant 0 : i32
    %dma_wait3A_697 = tpu.memref_slice %arg11[%arg1, %dma_wait3A_690, %dma_wait3A_695, %dma_wait3A_696] : memref<16x2x16x1024xf32, #tpu.memory_space<vmem_shared>> -> memref<1x1x16x1024xf32, #tpu.memory_space<vmem_shared>>
    %dma_wait3A_698 = tpu.memref_squeeze %dma_wait3A_697 : memref<1x1x16x1024xf32, #tpu.memory_space<vmem_shared>> -> memref<16x1024xf32, #tpu.memory_space<vmem_shared>>
    tpu.wait_dma2 semaphore(%arg26 : memref<!tpu.dma_semaphore, #tpu.memory_space<semaphore_mem>>) src(%dma_wait3A_698 : memref<16x1024xf32, #tpu.memory_space<vmem_shared>>) dst(%dma_wait3A_694 : memref<16x1024xf32, #tpu.memory_space<hbm>>)
    %dma_wait3A_699 = arith.constant 1 : i32
    %dma_wait3A_700 = arith.constant 1 : i32
    %dma_wait3A_701 = arith.constant 1024 : i32
    %dma_wait3A_702 = tpu.memref_slice %arg5[%dma_wait3A_700, %add3A_406, %dma_wait3A_701] : memref<4x4096x2304xf32, #tpu.memory_space<hbm>> -> memref<1x16x1024xf32, #tpu.memory_space<hbm>>
    %dma_wait3A_703 = tpu.memref_squeeze %dma_wait3A_702 : memref<1x16x1024xf32, #tpu.memory_space<hbm>> -> memref<16x1024xf32, #tpu.memory_space<hbm>>
    %dma_wait3A_704 = arith.constant 0 : i32
    %dma_wait3A_705 = arith.constant 0 : i32
    %dma_wait3A_706 = tpu.memref_slice %arg11[%arg1, %dma_wait3A_699, %dma_wait3A_704, %dma_wait3A_705] : memref<16x2x16x1024xf32, #tpu.memory_space<vmem_shared>> -> memref<1x1x16x1024xf32, #tpu.memory_space<vmem_shared>>
    %dma_wait3A_707 = tpu.memref_squeeze %dma_wait3A_706 : memref<1x1x16x1024xf32, #tpu.memory_space<vmem_shared>> -> memref<16x1024xf32, #tpu.memory_space<vmem_shared>>
    tpu.wait_dma2 semaphore(%arg26 : memref<!tpu.dma_semaphore, #tpu.memory_space<semaphore_mem>>) src(%dma_wait3A_707 : memref<16x1024xf32, #tpu.memory_space<vmem_shared>>) dst(%dma_wait3A_703 : memref<16x1024xf32, #tpu.memory_space<hbm>>)
    %dma_wait3A_708 = arith.constant 1 : i32
    %dma_wait3A_709 = arith.constant 2 : i32
    %dma_wait3A_710 = arith.constant 1024 : i32
    %dma_wait3A_711 = tpu.memref_slice %arg5[%dma_wait3A_709, %add3A_499, %dma_wait3A_710] : memref<4x4096x2304xf32, #tpu.memory_space<hbm>> -> memref<1x16x1024xf32, #tpu.memory_space<hbm>>
    %dma_wait3A_712 = tpu.memref_squeeze %dma_wait3A_711 : memref<1x16x1024xf32, #tpu.memory_space<hbm>> -> memref<16x1024xf32, #tpu.memory_space<hbm>>
    %dma_wait3A_713 = arith.constant 0 : i32
    %dma_wait3A_714 = arith.constant 0 : i32
    %dma_wait3A_715 = tpu.memref_slice %arg11[%arg1, %dma_wait3A_708, %dma_wait3A_713, %dma_wait3A_714] : memref<16x2x16x1024xf32, #tpu.memory_space<vmem_shared>> -> memref<1x1x16x1024xf32, #tpu.memory_space<vmem_shared>>
    %dma_wait3A_716 = tpu.memref_squeeze %dma_wait3A_715 : memref<1x1x16x1024xf32, #tpu.memory_space<vmem_shared>> -> memref<16x1024xf32, #tpu.memory_space<vmem_shared>>
    tpu.wait_dma2 semaphore(%arg26 : memref<!tpu.dma_semaphore, #tpu.memory_space<semaphore_mem>>) src(%dma_wait3A_716 : memref<16x1024xf32, #tpu.memory_space<vmem_shared>>) dst(%dma_wait3A_712 : memref<16x1024xf32, #tpu.memory_space<hbm>>)
    %dma_wait3A_717 = arith.constant 1 : i32
    %dma_wait3A_718 = arith.constant 3 : i32
    %dma_wait3A_719 = arith.constant 1024 : i32
    %dma_wait3A_720 = tpu.memref_slice %arg5[%dma_wait3A_718, %add3A_547, %dma_wait3A_719] : memref<4x4096x2304xf32, #tpu.memory_space<hbm>> -> memref<1x16x1024xf32, #tpu.memory_space<hbm>>
    %dma_wait3A_721 = tpu.memref_squeeze %dma_wait3A_720 : memref<1x16x1024xf32, #tpu.memory_space<hbm>> -> memref<16x1024xf32, #tpu.memory_space<hbm>>
    %dma_wait3A_722 = arith.constant 0 : i32
    %dma_wait3A_723 = arith.constant 0 : i32
    %dma_wait3A_724 = tpu.memref_slice %arg11[%arg1, %dma_wait3A_717, %dma_wait3A_722, %dma_wait3A_723] : memref<16x2x16x1024xf32, #tpu.memory_space<vmem_shared>> -> memref<1x1x16x1024xf32, #tpu.memory_space<vmem_shared>>
    %dma_wait3A_725 = tpu.memref_squeeze %dma_wait3A_724 : memref<1x1x16x1024xf32, #tpu.memory_space<vmem_shared>> -> memref<16x1024xf32, #tpu.memory_space<vmem_shared>>
    tpu.wait_dma2 semaphore(%arg26 : memref<!tpu.dma_semaphore, #tpu.memory_space<semaphore_mem>>) src(%dma_wait3A_725 : memref<16x1024xf32, #tpu.memory_space<vmem_shared>>) dst(%dma_wait3A_721 : memref<16x1024xf32, #tpu.memory_space<hbm>>)
    %add3A_726 = arith.constant 48 : i32
    %add3A_727 = arith.addi %mul3A_2, %add3A_726 : i32
    %dma_start3A_728 = arith.constant 1 : i32
    %dma_start3A_729 = arith.constant 0 : i32
    %dma_start3A_730 = arith.constant 0 : i32
    %dma_start3A_731 = tpu.memref_slice %arg11[%arg1, %dma_start3A_728, %dma_start3A_729, %dma_start3A_730] : memref<16x2x16x1024xf32, #tpu.memory_space<vmem_shared>> -> memref<1x1x16x1024xf32, #tpu.memory_space<vmem_shared>>
    %dma_start3A_732 = tpu.memref_squeeze %dma_start3A_731 : memref<1x1x16x1024xf32, #tpu.memory_space<vmem_shared>> -> memref<16x1024xf32, #tpu.memory_space<vmem_shared>>
    %dma_start3A_733 = arith.constant 0 : i32
    %dma_start3A_734 = tpu.memref_slice %arg4[%add3A_727, %dma_start3A_733] : memref<4096x1024xf32, #tpu.memory_space<hbm>> -> memref<16x1024xf32, #tpu.memory_space<hbm>>
    tpu.enqueue_dma source(%dma_start3A_734 : memref<16x1024xf32, #tpu.memory_space<hbm>>) target(%dma_start3A_732 : memref<16x1024xf32, #tpu.memory_space<vmem_shared>>) target_semaphore(%arg24 : memref<!tpu.dma_semaphore, #tpu.memory_space<semaphore_mem>>)
    %dma_wait3A_735 = arith.constant 2 : i32
    %dma_wait3A_736 = arith.constant 0 : i32
    %dma_wait3A_737 = tpu.memref_slice %arg2[%dma_wait3A_735, %add3A_531, %dma_wait3A_736] : memref<4x4096x1024xf32, #tpu.memory_space<hbm>> -> memref<1x16x1024xf32, #tpu.memory_space<hbm>>
    %dma_wait3A_738 = tpu.memref_squeeze %dma_wait3A_737 : memref<1x16x1024xf32, #tpu.memory_space<hbm>> -> memref<16x1024xf32, #tpu.memory_space<hbm>>
    %dma_wait3A_739 = arith.constant 0 : i32
    %dma_wait3A_740 = tpu.memref_slice %arg2[%dma_wait3A_735, %add3A_531, %dma_wait3A_739] : memref<4x4096x1024xf32, #tpu.memory_space<hbm>> -> memref<1x16x1024xf32, #tpu.memory_space<hbm>>
    %dma_wait3A_741 = tpu.memref_squeeze %dma_wait3A_740 : memref<1x16x1024xf32, #tpu.memory_space<hbm>> -> memref<16x1024xf32, #tpu.memory_space<hbm>>
    tpu.wait_dma2 semaphore(%arg13 : memref<!tpu.dma_semaphore, #tpu.memory_space<semaphore_mem>>) src(%dma_wait3A_741 : memref<16x1024xf32, #tpu.memory_space<hbm>>) dst(%arg6 : memref<16x1024xf32, #tpu.memory_space<vmem>>)
    %add3A_742 = arith.constant 32 : i32
    %add3A_743 = arith.addi %mul3A_2, %add3A_742 : i32
    %dma_start3A_744 = arith.constant 2 : i32
    %dma_start3A_745 = arith.constant 0 : i32
    %dma_start3A_746 = tpu.memref_slice %arg5[%dma_start3A_744, %add3A_743, %dma_start3A_745] : memref<4x4096x2304xf32, #tpu.memory_space<hbm>> -> memref<1x16x1024xf32, #tpu.memory_space<hbm>>
    %dma_start3A_747 = tpu.memref_squeeze %dma_start3A_746 : memref<1x16x1024xf32, #tpu.memory_space<hbm>> -> memref<16x1024xf32, #tpu.memory_space<hbm>>
    %dma_start3A_748 = arith.constant 0 : i32
    %dma_start3A_749 = tpu.memref_slice %arg5[%dma_start3A_744, %add3A_743, %dma_start3A_748] : memref<4x4096x2304xf32, #tpu.memory_space<hbm>> -> memref<1x16x1024xf32, #tpu.memory_space<hbm>>
    %dma_start3A_750 = tpu.memref_squeeze %dma_start3A_749 : memref<1x16x1024xf32, #tpu.memory_space<hbm>> -> memref<16x1024xf32, #tpu.memory_space<hbm>>
    tpu.enqueue_dma source(%arg6 : memref<16x1024xf32, #tpu.memory_space<vmem>>) target(%dma_start3A_750 : memref<16x1024xf32, #tpu.memory_space<hbm>>) target_semaphore(%arg18 : memref<!tpu.dma_semaphore, #tpu.memory_space<semaphore_mem>>)
    %dma_start3A_751 = arith.constant 0 : i32
    %dma_start3A_752 = arith.constant 2 : i32
    %dma_start3A_753 = arith.constant 1024 : i32
    %dma_start3A_754 = tpu.memref_slice %arg5[%dma_start3A_752, %add3A_743, %dma_start3A_753] : memref<4x4096x2304xf32, #tpu.memory_space<hbm>> -> memref<1x16x1024xf32, #tpu.memory_space<hbm>>
    %dma_start3A_755 = tpu.memref_squeeze %dma_start3A_754 : memref<1x16x1024xf32, #tpu.memory_space<hbm>> -> memref<16x1024xf32, #tpu.memory_space<hbm>>
    %dma_start3A_756 = arith.constant 0 : i32
    %dma_start3A_757 = arith.constant 0 : i32
    %dma_start3A_758 = tpu.memref_slice %arg11[%arg1, %dma_start3A_751, %dma_start3A_756, %dma_start3A_757] : memref<16x2x16x1024xf32, #tpu.memory_space<vmem_shared>> -> memref<1x1x16x1024xf32, #tpu.memory_space<vmem_shared>>
    %dma_start3A_759 = tpu.memref_squeeze %dma_start3A_758 : memref<1x1x16x1024xf32, #tpu.memory_space<vmem_shared>> -> memref<16x1024xf32, #tpu.memory_space<vmem_shared>>
    tpu.enqueue_dma source(%dma_start3A_759 : memref<16x1024xf32, #tpu.memory_space<vmem_shared>>) target(%dma_start3A_755 : memref<16x1024xf32, #tpu.memory_space<hbm>>) target_semaphore(%arg25 : memref<!tpu.dma_semaphore, #tpu.memory_space<semaphore_mem>>)
    %dma_start3A_760 = arith.constant 2 : i32
    %dma_start3A_761 = arith.constant 2048 : i32
    %dma_start3A_762 = tpu.memref_slice %arg5[%dma_start3A_760, %add3A_743, %dma_start3A_761] : memref<4x4096x2304xf32, #tpu.memory_space<hbm>> -> memref<1x16x256xf32, #tpu.memory_space<hbm>>
    %dma_start3A_763 = tpu.memref_squeeze %dma_start3A_762 : memref<1x16x256xf32, #tpu.memory_space<hbm>> -> memref<16x256xf32, #tpu.memory_space<hbm>>
    %dma_start3A_764 = arith.constant 2048 : i32
    %dma_start3A_765 = tpu.memref_slice %arg5[%dma_start3A_760, %add3A_743, %dma_start3A_764] : memref<4x4096x2304xf32, #tpu.memory_space<hbm>> -> memref<1x16x256xf32, #tpu.memory_space<hbm>>
    %dma_start3A_766 = tpu.memref_squeeze %dma_start3A_765 : memref<1x16x256xf32, #tpu.memory_space<hbm>> -> memref<16x256xf32, #tpu.memory_space<hbm>>
    tpu.enqueue_dma source(%arg12 : memref<16x256xf32, #tpu.memory_space<vmem>>) target(%dma_start3A_766 : memref<16x256xf32, #tpu.memory_space<hbm>>) target_semaphore(%arg27 : memref<!tpu.dma_semaphore, #tpu.memory_space<semaphore_mem>>)
    %dma_wait3A_767 = arith.constant 1 : i32
    %dma_wait3A_768 = arith.constant 0 : i32
    %dma_wait3A_769 = tpu.memref_slice %arg5[%dma_wait3A_767, %add3A_650, %dma_wait3A_768] : memref<4x4096x2304xf32, #tpu.memory_space<hbm>> -> memref<1x16x1024xf32, #tpu.memory_space<hbm>>
    %dma_wait3A_770 = tpu.memref_squeeze %dma_wait3A_769 : memref<1x16x1024xf32, #tpu.memory_space<hbm>> -> memref<16x1024xf32, #tpu.memory_space<hbm>>
    %dma_wait3A_771 = arith.constant 0 : i32
    %dma_wait3A_772 = tpu.memref_slice %arg5[%dma_wait3A_767, %add3A_650, %dma_wait3A_771] : memref<4x4096x2304xf32, #tpu.memory_space<hbm>> -> memref<1x16x1024xf32, #tpu.memory_space<hbm>>
    %dma_wait3A_773 = tpu.memref_squeeze %dma_wait3A_772 : memref<1x16x1024xf32, #tpu.memory_space<hbm>> -> memref<16x1024xf32, #tpu.memory_space<hbm>>
    tpu.wait_dma2 semaphore(%arg22 : memref<!tpu.dma_semaphore, #tpu.memory_space<semaphore_mem>>) src(%arg10 : memref<16x1024xf32, #tpu.memory_space<vmem>>) dst(%dma_wait3A_773 : memref<16x1024xf32, #tpu.memory_space<hbm>>)
    %add3A_774 = arith.constant 48 : i32
    %add3A_775 = arith.addi %mul3A_2, %add3A_774 : i32
    %dma_start3A_776 = arith.constant 2 : i32
    %dma_start3A_777 = arith.constant 0 : i32
    %dma_start3A_778 = tpu.memref_slice %arg2[%dma_start3A_776, %add3A_775, %dma_start3A_777] : memref<4x4096x1024xf32, #tpu.memory_space<hbm>> -> memref<1x16x1024xf32, #tpu.memory_space<hbm>>
    %dma_start3A_779 = tpu.memref_squeeze %dma_start3A_778 : memref<1x16x1024xf32, #tpu.memory_space<hbm>> -> memref<16x1024xf32, #tpu.memory_space<hbm>>
    %dma_start3A_780 = arith.constant 0 : i32
    %dma_start3A_781 = tpu.memref_slice %arg2[%dma_start3A_776, %add3A_775, %dma_start3A_780] : memref<4x4096x1024xf32, #tpu.memory_space<hbm>> -> memref<1x16x1024xf32, #tpu.memory_space<hbm>>
    %dma_start3A_782 = tpu.memref_squeeze %dma_start3A_781 : memref<1x16x1024xf32, #tpu.memory_space<hbm>> -> memref<16x1024xf32, #tpu.memory_space<hbm>>
    tpu.enqueue_dma source(%dma_start3A_782 : memref<16x1024xf32, #tpu.memory_space<hbm>>) target(%arg10 : memref<16x1024xf32, #tpu.memory_space<vmem>>) target_semaphore(%arg17 : memref<!tpu.dma_semaphore, #tpu.memory_space<semaphore_mem>>)
    %dma_wait3A_783 = arith.constant 3 : i32
    %dma_wait3A_784 = arith.constant 0 : i32
    %dma_wait3A_785 = tpu.memref_slice %arg2[%dma_wait3A_783, %add3A_579, %dma_wait3A_784] : memref<4x4096x1024xf32, #tpu.memory_space<hbm>> -> memref<1x16x1024xf32, #tpu.memory_space<hbm>>
    %dma_wait3A_786 = tpu.memref_squeeze %dma_wait3A_785 : memref<1x16x1024xf32, #tpu.memory_space<hbm>> -> memref<16x1024xf32, #tpu.memory_space<hbm>>
    %dma_wait3A_787 = arith.constant 0 : i32
    %dma_wait3A_788 = tpu.memref_slice %arg2[%dma_wait3A_783, %add3A_579, %dma_wait3A_787] : memref<4x4096x1024xf32, #tpu.memory_space<hbm>> -> memref<1x16x1024xf32, #tpu.memory_space<hbm>>
    %dma_wait3A_789 = tpu.memref_squeeze %dma_wait3A_788 : memref<1x16x1024xf32, #tpu.memory_space<hbm>> -> memref<16x1024xf32, #tpu.memory_space<hbm>>
    tpu.wait_dma2 semaphore(%arg14 : memref<!tpu.dma_semaphore, #tpu.memory_space<semaphore_mem>>) src(%dma_wait3A_789 : memref<16x1024xf32, #tpu.memory_space<hbm>>) dst(%arg7 : memref<16x1024xf32, #tpu.memory_space<vmem>>)
    %add3A_790 = arith.constant 32 : i32
    %add3A_791 = arith.addi %mul3A_2, %add3A_790 : i32
    %dma_start3A_792 = arith.constant 3 : i32
    %dma_start3A_793 = arith.constant 0 : i32
    %dma_start3A_794 = tpu.memref_slice %arg5[%dma_start3A_792, %add3A_791, %dma_start3A_793] : memref<4x4096x2304xf32, #tpu.memory_space<hbm>> -> memref<1x16x1024xf32, #tpu.memory_space<hbm>>
    %dma_start3A_795 = tpu.memref_squeeze %dma_start3A_794 : memref<1x16x1024xf32, #tpu.memory_space<hbm>> -> memref<16x1024xf32, #tpu.memory_space<hbm>>
    %dma_start3A_796 = arith.constant 0 : i32
    %dma_start3A_797 = tpu.memref_slice %arg5[%dma_start3A_792, %add3A_791, %dma_start3A_796] : memref<4x4096x2304xf32, #tpu.memory_space<hbm>> -> memref<1x16x1024xf32, #tpu.memory_space<hbm>>
    %dma_start3A_798 = tpu.memref_squeeze %dma_start3A_797 : memref<1x16x1024xf32, #tpu.memory_space<hbm>> -> memref<16x1024xf32, #tpu.memory_space<hbm>>
    tpu.enqueue_dma source(%arg7 : memref<16x1024xf32, #tpu.memory_space<vmem>>) target(%dma_start3A_798 : memref<16x1024xf32, #tpu.memory_space<hbm>>) target_semaphore(%arg19 : memref<!tpu.dma_semaphore, #tpu.memory_space<semaphore_mem>>)
    %dma_start3A_799 = arith.constant 0 : i32
    %dma_start3A_800 = arith.constant 3 : i32
    %dma_start3A_801 = arith.constant 1024 : i32
    %dma_start3A_802 = tpu.memref_slice %arg5[%dma_start3A_800, %add3A_791, %dma_start3A_801] : memref<4x4096x2304xf32, #tpu.memory_space<hbm>> -> memref<1x16x1024xf32, #tpu.memory_space<hbm>>
    %dma_start3A_803 = tpu.memref_squeeze %dma_start3A_802 : memref<1x16x1024xf32, #tpu.memory_space<hbm>> -> memref<16x1024xf32, #tpu.memory_space<hbm>>
    %dma_start3A_804 = arith.constant 0 : i32
    %dma_start3A_805 = arith.constant 0 : i32
    %dma_start3A_806 = tpu.memref_slice %arg11[%arg1, %dma_start3A_799, %dma_start3A_804, %dma_start3A_805] : memref<16x2x16x1024xf32, #tpu.memory_space<vmem_shared>> -> memref<1x1x16x1024xf32, #tpu.memory_space<vmem_shared>>
    %dma_start3A_807 = tpu.memref_squeeze %dma_start3A_806 : memref<1x1x16x1024xf32, #tpu.memory_space<vmem_shared>> -> memref<16x1024xf32, #tpu.memory_space<vmem_shared>>
    tpu.enqueue_dma source(%dma_start3A_807 : memref<16x1024xf32, #tpu.memory_space<vmem_shared>>) target(%dma_start3A_803 : memref<16x1024xf32, #tpu.memory_space<hbm>>) target_semaphore(%arg25 : memref<!tpu.dma_semaphore, #tpu.memory_space<semaphore_mem>>)
    %dma_start3A_808 = arith.constant 3 : i32
    %dma_start3A_809 = arith.constant 2048 : i32
    %dma_start3A_810 = tpu.memref_slice %arg5[%dma_start3A_808, %add3A_791, %dma_start3A_809] : memref<4x4096x2304xf32, #tpu.memory_space<hbm>> -> memref<1x16x256xf32, #tpu.memory_space<hbm>>
    %dma_start3A_811 = tpu.memref_squeeze %dma_start3A_810 : memref<1x16x256xf32, #tpu.memory_space<hbm>> -> memref<16x256xf32, #tpu.memory_space<hbm>>
    %dma_start3A_812 = arith.constant 2048 : i32
    %dma_start3A_813 = tpu.memref_slice %arg5[%dma_start3A_808, %add3A_791, %dma_start3A_812] : memref<4x4096x2304xf32, #tpu.memory_space<hbm>> -> memref<1x16x256xf32, #tpu.memory_space<hbm>>
    %dma_start3A_814 = tpu.memref_squeeze %dma_start3A_813 : memref<1x16x256xf32, #tpu.memory_space<hbm>> -> memref<16x256xf32, #tpu.memory_space<hbm>>
    tpu.enqueue_dma source(%arg12 : memref<16x256xf32, #tpu.memory_space<vmem>>) target(%dma_start3A_814 : memref<16x256xf32, #tpu.memory_space<hbm>>) target_semaphore(%arg27 : memref<!tpu.dma_semaphore, #tpu.memory_space<semaphore_mem>>)
    %dma_wait3A_815 = arith.constant 2 : i32
    %dma_wait3A_816 = arith.constant 0 : i32
    %dma_wait3A_817 = tpu.memref_slice %arg5[%dma_wait3A_815, %add3A_743, %dma_wait3A_816] : memref<4x4096x2304xf32, #tpu.memory_space<hbm>> -> memref<1x16x1024xf32, #tpu.memory_space<hbm>>
    %dma_wait3A_818 = tpu.memref_squeeze %dma_wait3A_817 : memref<1x16x1024xf32, #tpu.memory_space<hbm>> -> memref<16x1024xf32, #tpu.memory_space<hbm>>
    %dma_wait3A_819 = arith.constant 0 : i32
    %dma_wait3A_820 = tpu.memref_slice %arg5[%dma_wait3A_815, %add3A_743, %dma_wait3A_819] : memref<4x4096x2304xf32, #tpu.memory_space<hbm>> -> memref<1x16x1024xf32, #tpu.memory_space<hbm>>
    %dma_wait3A_821 = tpu.memref_squeeze %dma_wait3A_820 : memref<1x16x1024xf32, #tpu.memory_space<hbm>> -> memref<16x1024xf32, #tpu.memory_space<hbm>>
    tpu.wait_dma2 semaphore(%arg18 : memref<!tpu.dma_semaphore, #tpu.memory_space<semaphore_mem>>) src(%arg6 : memref<16x1024xf32, #tpu.memory_space<vmem>>) dst(%dma_wait3A_821 : memref<16x1024xf32, #tpu.memory_space<hbm>>)
    %add3A_822 = arith.constant 48 : i32
    %add3A_823 = arith.addi %mul3A_2, %add3A_822 : i32
    %dma_start3A_824 = arith.constant 3 : i32
    %dma_start3A_825 = arith.constant 0 : i32
    %dma_start3A_826 = tpu.memref_slice %arg2[%dma_start3A_824, %add3A_823, %dma_start3A_825] : memref<4x4096x1024xf32, #tpu.memory_space<hbm>> -> memref<1x16x1024xf32, #tpu.memory_space<hbm>>
    %dma_start3A_827 = tpu.memref_squeeze %dma_start3A_826 : memref<1x16x1024xf32, #tpu.memory_space<hbm>> -> memref<16x1024xf32, #tpu.memory_space<hbm>>
    %dma_start3A_828 = arith.constant 0 : i32
    %dma_start3A_829 = tpu.memref_slice %arg2[%dma_start3A_824, %add3A_823, %dma_start3A_828] : memref<4x4096x1024xf32, #tpu.memory_space<hbm>> -> memref<1x16x1024xf32, #tpu.memory_space<hbm>>
    %dma_start3A_830 = tpu.memref_squeeze %dma_start3A_829 : memref<1x16x1024xf32, #tpu.memory_space<hbm>> -> memref<16x1024xf32, #tpu.memory_space<hbm>>
    tpu.enqueue_dma source(%dma_start3A_830 : memref<16x1024xf32, #tpu.memory_space<hbm>>) target(%arg6 : memref<16x1024xf32, #tpu.memory_space<vmem>>) target_semaphore(%arg13 : memref<!tpu.dma_semaphore, #tpu.memory_space<semaphore_mem>>)
    %dma_wait3A_831 = arith.constant 0 : i32
    %dma_wait3A_832 = arith.constant 0 : i32
    %dma_wait3A_833 = tpu.memref_slice %arg2[%dma_wait3A_831, %add3A_634, %dma_wait3A_832] : memref<4x4096x1024xf32, #tpu.memory_space<hbm>> -> memref<1x16x1024xf32, #tpu.memory_space<hbm>>
    %dma_wait3A_834 = tpu.memref_squeeze %dma_wait3A_833 : memref<1x16x1024xf32, #tpu.memory_space<hbm>> -> memref<16x1024xf32, #tpu.memory_space<hbm>>
    %dma_wait3A_835 = arith.constant 0 : i32
    %dma_wait3A_836 = tpu.memref_slice %arg2[%dma_wait3A_831, %add3A_634, %dma_wait3A_835] : memref<4x4096x1024xf32, #tpu.memory_space<hbm>> -> memref<1x16x1024xf32, #tpu.memory_space<hbm>>
    %dma_wait3A_837 = tpu.memref_squeeze %dma_wait3A_836 : memref<1x16x1024xf32, #tpu.memory_space<hbm>> -> memref<16x1024xf32, #tpu.memory_space<hbm>>
    tpu.wait_dma2 semaphore(%arg15 : memref<!tpu.dma_semaphore, #tpu.memory_space<semaphore_mem>>) src(%dma_wait3A_837 : memref<16x1024xf32, #tpu.memory_space<hbm>>) dst(%arg8 : memref<16x1024xf32, #tpu.memory_space<vmem>>)
    %dma_wait3A_838 = arith.constant 1 : i32
    %dma_wait3A_839 = arith.constant 0 : i32
    %dma_wait3A_840 = arith.constant 0 : i32
    %dma_wait3A_841 = tpu.memref_slice %arg11[%arg1, %dma_wait3A_838, %dma_wait3A_839, %dma_wait3A_840] : memref<16x2x16x1024xf32, #tpu.memory_space<vmem_shared>> -> memref<1x1x16x1024xf32, #tpu.memory_space<vmem_shared>>
    %dma_wait3A_842 = tpu.memref_squeeze %dma_wait3A_841 : memref<1x1x16x1024xf32, #tpu.memory_space<vmem_shared>> -> memref<16x1024xf32, #tpu.memory_space<vmem_shared>>
    %dma_wait3A_843 = arith.constant 0 : i32
    %dma_wait3A_844 = tpu.memref_slice %arg4[%add3A_727, %dma_wait3A_843] : memref<4096x1024xf32, #tpu.memory_space<hbm>> -> memref<16x1024xf32, #tpu.memory_space<hbm>>
    tpu.wait_dma2 semaphore(%arg24 : memref<!tpu.dma_semaphore, #tpu.memory_space<semaphore_mem>>) src(%dma_wait3A_844 : memref<16x1024xf32, #tpu.memory_space<hbm>>) dst(%dma_wait3A_842 : memref<16x1024xf32, #tpu.memory_space<vmem_shared>>)
    %add3A_845 = arith.constant 48 : i32
    %add3A_846 = arith.addi %mul3A_2, %add3A_845 : i32
    %dma_start3A_847 = arith.constant 0 : i32
    %dma_start3A_848 = arith.constant 0 : i32
    %dma_start3A_849 = tpu.memref_slice %arg5[%dma_start3A_847, %add3A_846, %dma_start3A_848] : memref<4x4096x2304xf32, #tpu.memory_space<hbm>> -> memref<1x16x1024xf32, #tpu.memory_space<hbm>>
    %dma_start3A_850 = tpu.memref_squeeze %dma_start3A_849 : memref<1x16x1024xf32, #tpu.memory_space<hbm>> -> memref<16x1024xf32, #tpu.memory_space<hbm>>
    %dma_start3A_851 = arith.constant 0 : i32
    %dma_start3A_852 = tpu.memref_slice %arg5[%dma_start3A_847, %add3A_846, %dma_start3A_851] : memref<4x4096x2304xf32, #tpu.memory_space<hbm>> -> memref<1x16x1024xf32, #tpu.memory_space<hbm>>
    %dma_start3A_853 = tpu.memref_squeeze %dma_start3A_852 : memref<1x16x1024xf32, #tpu.memory_space<hbm>> -> memref<16x1024xf32, #tpu.memory_space<hbm>>
    tpu.enqueue_dma source(%arg8 : memref<16x1024xf32, #tpu.memory_space<vmem>>) target(%dma_start3A_853 : memref<16x1024xf32, #tpu.memory_space<hbm>>) target_semaphore(%arg20 : memref<!tpu.dma_semaphore, #tpu.memory_space<semaphore_mem>>)
    %dma_start3A_854 = arith.constant 1 : i32
    %dma_start3A_855 = arith.constant 0 : i32
    %dma_start3A_856 = arith.constant 1024 : i32
    %dma_start3A_857 = tpu.memref_slice %arg5[%dma_start3A_855, %add3A_846, %dma_start3A_856] : memref<4x4096x2304xf32, #tpu.memory_space<hbm>> -> memref<1x16x1024xf32, #tpu.memory_space<hbm>>
    %dma_start3A_858 = tpu.memref_squeeze %dma_start3A_857 : memref<1x16x1024xf32, #tpu.memory_space<hbm>> -> memref<16x1024xf32, #tpu.memory_space<hbm>>
    %dma_start3A_859 = arith.constant 0 : i32
    %dma_start3A_860 = arith.constant 0 : i32
    %dma_start3A_861 = tpu.memref_slice %arg11[%arg1, %dma_start3A_854, %dma_start3A_859, %dma_start3A_860] : memref<16x2x16x1024xf32, #tpu.memory_space<vmem_shared>> -> memref<1x1x16x1024xf32, #tpu.memory_space<vmem_shared>>
    %dma_start3A_862 = tpu.memref_squeeze %dma_start3A_861 : memref<1x1x16x1024xf32, #tpu.memory_space<vmem_shared>> -> memref<16x1024xf32, #tpu.memory_space<vmem_shared>>
    tpu.enqueue_dma source(%dma_start3A_862 : memref<16x1024xf32, #tpu.memory_space<vmem_shared>>) target(%dma_start3A_858 : memref<16x1024xf32, #tpu.memory_space<hbm>>) target_semaphore(%arg26 : memref<!tpu.dma_semaphore, #tpu.memory_space<semaphore_mem>>)
    %dma_start3A_863 = arith.constant 0 : i32
    %dma_start3A_864 = arith.constant 2048 : i32
    %dma_start3A_865 = tpu.memref_slice %arg5[%dma_start3A_863, %add3A_846, %dma_start3A_864] : memref<4x4096x2304xf32, #tpu.memory_space<hbm>> -> memref<1x16x256xf32, #tpu.memory_space<hbm>>
    %dma_start3A_866 = tpu.memref_squeeze %dma_start3A_865 : memref<1x16x256xf32, #tpu.memory_space<hbm>> -> memref<16x256xf32, #tpu.memory_space<hbm>>
    %dma_start3A_867 = arith.constant 2048 : i32
    %dma_start3A_868 = tpu.memref_slice %arg5[%dma_start3A_863, %add3A_846, %dma_start3A_867] : memref<4x4096x2304xf32, #tpu.memory_space<hbm>> -> memref<1x16x256xf32, #tpu.memory_space<hbm>>
    %dma_start3A_869 = tpu.memref_squeeze %dma_start3A_868 : memref<1x16x256xf32, #tpu.memory_space<hbm>> -> memref<16x256xf32, #tpu.memory_space<hbm>>
    tpu.enqueue_dma source(%arg12 : memref<16x256xf32, #tpu.memory_space<vmem>>) target(%dma_start3A_869 : memref<16x256xf32, #tpu.memory_space<hbm>>) target_semaphore(%arg27 : memref<!tpu.dma_semaphore, #tpu.memory_space<semaphore_mem>>)
    %dma_wait3A_870 = arith.constant 3 : i32
    %dma_wait3A_871 = arith.constant 0 : i32
    %dma_wait3A_872 = tpu.memref_slice %arg5[%dma_wait3A_870, %add3A_791, %dma_wait3A_871] : memref<4x4096x2304xf32, #tpu.memory_space<hbm>> -> memref<1x16x1024xf32, #tpu.memory_space<hbm>>
    %dma_wait3A_873 = tpu.memref_squeeze %dma_wait3A_872 : memref<1x16x1024xf32, #tpu.memory_space<hbm>> -> memref<16x1024xf32, #tpu.memory_space<hbm>>
    %dma_wait3A_874 = arith.constant 0 : i32
    %dma_wait3A_875 = tpu.memref_slice %arg5[%dma_wait3A_870, %add3A_791, %dma_wait3A_874] : memref<4x4096x2304xf32, #tpu.memory_space<hbm>> -> memref<1x16x1024xf32, #tpu.memory_space<hbm>>
    %dma_wait3A_876 = tpu.memref_squeeze %dma_wait3A_875 : memref<1x16x1024xf32, #tpu.memory_space<hbm>> -> memref<16x1024xf32, #tpu.memory_space<hbm>>
    tpu.wait_dma2 semaphore(%arg19 : memref<!tpu.dma_semaphore, #tpu.memory_space<semaphore_mem>>) src(%arg7 : memref<16x1024xf32, #tpu.memory_space<vmem>>) dst(%dma_wait3A_876 : memref<16x1024xf32, #tpu.memory_space<hbm>>)
    %add3A_877 = arith.constant 64 : i32
    %add3A_878 = arith.addi %mul3A_2, %add3A_877 : i32
    %dma_start3A_879 = arith.constant 0 : i32
    %dma_start3A_880 = arith.constant 0 : i32
    %dma_start3A_881 = tpu.memref_slice %arg2[%dma_start3A_879, %add3A_878, %dma_start3A_880] : memref<4x4096x1024xf32, #tpu.memory_space<hbm>> -> memref<1x16x1024xf32, #tpu.memory_space<hbm>>
    %dma_start3A_882 = tpu.memref_squeeze %dma_start3A_881 : memref<1x16x1024xf32, #tpu.memory_space<hbm>> -> memref<16x1024xf32, #tpu.memory_space<hbm>>
    %dma_start3A_883 = arith.constant 0 : i32
    %dma_start3A_884 = tpu.memref_slice %arg2[%dma_start3A_879, %add3A_878, %dma_start3A_883] : memref<4x4096x1024xf32, #tpu.memory_space<hbm>> -> memref<1x16x1024xf32, #tpu.memory_space<hbm>>
    %dma_start3A_885 = tpu.memref_squeeze %dma_start3A_884 : memref<1x16x1024xf32, #tpu.memory_space<hbm>> -> memref<16x1024xf32, #tpu.memory_space<hbm>>
    tpu.enqueue_dma source(%dma_start3A_885 : memref<16x1024xf32, #tpu.memory_space<hbm>>) target(%arg7 : memref<16x1024xf32, #tpu.memory_space<vmem>>) target_semaphore(%arg14 : memref<!tpu.dma_semaphore, #tpu.memory_space<semaphore_mem>>)
    %dma_wait3A_886 = arith.constant 1 : i32
    %dma_wait3A_887 = arith.constant 0 : i32
    %dma_wait3A_888 = tpu.memref_slice %arg2[%dma_wait3A_886, %add3A_682, %dma_wait3A_887] : memref<4x4096x1024xf32, #tpu.memory_space<hbm>> -> memref<1x16x1024xf32, #tpu.memory_space<hbm>>
    %dma_wait3A_889 = tpu.memref_squeeze %dma_wait3A_888 : memref<1x16x1024xf32, #tpu.memory_space<hbm>> -> memref<16x1024xf32, #tpu.memory_space<hbm>>
    %dma_wait3A_890 = arith.constant 0 : i32
    %dma_wait3A_891 = tpu.memref_slice %arg2[%dma_wait3A_886, %add3A_682, %dma_wait3A_890] : memref<4x4096x1024xf32, #tpu.memory_space<hbm>> -> memref<1x16x1024xf32, #tpu.memory_space<hbm>>
    %dma_wait3A_892 = tpu.memref_squeeze %dma_wait3A_891 : memref<1x16x1024xf32, #tpu.memory_space<hbm>> -> memref<16x1024xf32, #tpu.memory_space<hbm>>
    tpu.wait_dma2 semaphore(%arg16 : memref<!tpu.dma_semaphore, #tpu.memory_space<semaphore_mem>>) src(%dma_wait3A_892 : memref<16x1024xf32, #tpu.memory_space<hbm>>) dst(%arg9 : memref<16x1024xf32, #tpu.memory_space<vmem>>)
    %add3A_893 = arith.constant 48 : i32
    %add3A_894 = arith.addi %mul3A_2, %add3A_893 : i32
    %dma_start3A_895 = arith.constant 1 : i32
    %dma_start3A_896 = arith.constant 0 : i32
    %dma_start3A_897 = tpu.memref_slice %arg5[%dma_start3A_895, %add3A_894, %dma_start3A_896] : memref<4x4096x2304xf32, #tpu.memory_space<hbm>> -> memref<1x16x1024xf32, #tpu.memory_space<hbm>>
    %dma_start3A_898 = tpu.memref_squeeze %dma_start3A_897 : memref<1x16x1024xf32, #tpu.memory_space<hbm>> -> memref<16x1024xf32, #tpu.memory_space<hbm>>
    %dma_start3A_899 = arith.constant 0 : i32
    %dma_start3A_900 = tpu.memref_slice %arg5[%dma_start3A_895, %add3A_894, %dma_start3A_899] : memref<4x4096x2304xf32, #tpu.memory_space<hbm>> -> memref<1x16x1024xf32, #tpu.memory_space<hbm>>
    %dma_start3A_901 = tpu.memref_squeeze %dma_start3A_900 : memref<1x16x1024xf32, #tpu.memory_space<hbm>> -> memref<16x1024xf32, #tpu.memory_space<hbm>>
    tpu.enqueue_dma source(%arg9 : memref<16x1024xf32, #tpu.memory_space<vmem>>) target(%dma_start3A_901 : memref<16x1024xf32, #tpu.memory_space<hbm>>) target_semaphore(%arg21 : memref<!tpu.dma_semaphore, #tpu.memory_space<semaphore_mem>>)
    %dma_start3A_902 = arith.constant 1 : i32
    %dma_start3A_903 = arith.constant 1 : i32
    %dma_start3A_904 = arith.constant 1024 : i32
    %dma_start3A_905 = tpu.memref_slice %arg5[%dma_start3A_903, %add3A_894, %dma_start3A_904] : memref<4x4096x2304xf32, #tpu.memory_space<hbm>> -> memref<1x16x1024xf32, #tpu.memory_space<hbm>>
    %dma_start3A_906 = tpu.memref_squeeze %dma_start3A_905 : memref<1x16x1024xf32, #tpu.memory_space<hbm>> -> memref<16x1024xf32, #tpu.memory_space<hbm>>
    %dma_start3A_907 = arith.constant 0 : i32
    %dma_start3A_908 = arith.constant 0 : i32
    %dma_start3A_909 = tpu.memref_slice %arg11[%arg1, %dma_start3A_902, %dma_start3A_907, %dma_start3A_908] : memref<16x2x16x1024xf32, #tpu.memory_space<vmem_shared>> -> memref<1x1x16x1024xf32, #tpu.memory_space<vmem_shared>>
    %dma_start3A_910 = tpu.memref_squeeze %dma_start3A_909 : memref<1x1x16x1024xf32, #tpu.memory_space<vmem_shared>> -> memref<16x1024xf32, #tpu.memory_space<vmem_shared>>
    tpu.enqueue_dma source(%dma_start3A_910 : memref<16x1024xf32, #tpu.memory_space<vmem_shared>>) target(%dma_start3A_906 : memref<16x1024xf32, #tpu.memory_space<hbm>>) target_semaphore(%arg26 : memref<!tpu.dma_semaphore, #tpu.memory_space<semaphore_mem>>)
    %dma_start3A_911 = arith.constant 1 : i32
    %dma_start3A_912 = arith.constant 2048 : i32
    %dma_start3A_913 = tpu.memref_slice %arg5[%dma_start3A_911, %add3A_894, %dma_start3A_912] : memref<4x4096x2304xf32, #tpu.memory_space<hbm>> -> memref<1x16x256xf32, #tpu.memory_space<hbm>>
    %dma_start3A_914 = tpu.memref_squeeze %dma_start3A_913 : memref<1x16x256xf32, #tpu.memory_space<hbm>> -> memref<16x256xf32, #tpu.memory_space<hbm>>
    %dma_start3A_915 = arith.constant 2048 : i32
    %dma_start3A_916 = tpu.memref_slice %arg5[%dma_start3A_911, %add3A_894, %dma_start3A_915] : memref<4x4096x2304xf32, #tpu.memory_space<hbm>> -> memref<1x16x256xf32, #tpu.memory_space<hbm>>
    %dma_start3A_917 = tpu.memref_squeeze %dma_start3A_916 : memref<1x16x256xf32, #tpu.memory_space<hbm>> -> memref<16x256xf32, #tpu.memory_space<hbm>>
    tpu.enqueue_dma source(%arg12 : memref<16x256xf32, #tpu.memory_space<vmem>>) target(%dma_start3A_917 : memref<16x256xf32, #tpu.memory_space<hbm>>) target_semaphore(%arg27 : memref<!tpu.dma_semaphore, #tpu.memory_space<semaphore_mem>>)
    %dma_wait3A_918 = arith.constant 0 : i32
    %dma_wait3A_919 = arith.constant 0 : i32
    %dma_wait3A_920 = tpu.memref_slice %arg5[%dma_wait3A_918, %add3A_846, %dma_wait3A_919] : memref<4x4096x2304xf32, #tpu.memory_space<hbm>> -> memref<1x16x1024xf32, #tpu.memory_space<hbm>>
    %dma_wait3A_921 = tpu.memref_squeeze %dma_wait3A_920 : memref<1x16x1024xf32, #tpu.memory_space<hbm>> -> memref<16x1024xf32, #tpu.memory_space<hbm>>
    %dma_wait3A_922 = arith.constant 0 : i32
    %dma_wait3A_923 = tpu.memref_slice %arg5[%dma_wait3A_918, %add3A_846, %dma_wait3A_922] : memref<4x4096x2304xf32, #tpu.memory_space<hbm>> -> memref<1x16x1024xf32, #tpu.memory_space<hbm>>
    %dma_wait3A_924 = tpu.memref_squeeze %dma_wait3A_923 : memref<1x16x1024xf32, #tpu.memory_space<hbm>> -> memref<16x1024xf32, #tpu.memory_space<hbm>>
    tpu.wait_dma2 semaphore(%arg20 : memref<!tpu.dma_semaphore, #tpu.memory_space<semaphore_mem>>) src(%arg8 : memref<16x1024xf32, #tpu.memory_space<vmem>>) dst(%dma_wait3A_924 : memref<16x1024xf32, #tpu.memory_space<hbm>>)
    %add3A_925 = arith.constant 64 : i32
    %add3A_926 = arith.addi %mul3A_2, %add3A_925 : i32
    %dma_start3A_927 = arith.constant 1 : i32
    %dma_start3A_928 = arith.constant 0 : i32
    %dma_start3A_929 = tpu.memref_slice %arg2[%dma_start3A_927, %add3A_926, %dma_start3A_928] : memref<4x4096x1024xf32, #tpu.memory_space<hbm>> -> memref<1x16x1024xf32, #tpu.memory_space<hbm>>
    %dma_start3A_930 = tpu.memref_squeeze %dma_start3A_929 : memref<1x16x1024xf32, #tpu.memory_space<hbm>> -> memref<16x1024xf32, #tpu.memory_space<hbm>>
    %dma_start3A_931 = arith.constant 0 : i32
    %dma_start3A_932 = tpu.memref_slice %arg2[%dma_start3A_927, %add3A_926, %dma_start3A_931] : memref<4x4096x1024xf32, #tpu.memory_space<hbm>> -> memref<1x16x1024xf32, #tpu.memory_space<hbm>>
    %dma_start3A_933 = tpu.memref_squeeze %dma_start3A_932 : memref<1x16x1024xf32, #tpu.memory_space<hbm>> -> memref<16x1024xf32, #tpu.memory_space<hbm>>
    tpu.enqueue_dma source(%dma_start3A_933 : memref<16x1024xf32, #tpu.memory_space<hbm>>) target(%arg8 : memref<16x1024xf32, #tpu.memory_space<vmem>>) target_semaphore(%arg15 : memref<!tpu.dma_semaphore, #tpu.memory_space<semaphore_mem>>)
    %dma_wait3A_934 = arith.constant 0 : i32
    %dma_wait3A_935 = arith.constant 0 : i32
    %dma_wait3A_936 = arith.constant 1024 : i32
    %dma_wait3A_937 = tpu.memref_slice %arg5[%dma_wait3A_935, %add3A_602, %dma_wait3A_936] : memref<4x4096x2304xf32, #tpu.memory_space<hbm>> -> memref<1x16x1024xf32, #tpu.memory_space<hbm>>
    %dma_wait3A_938 = tpu.memref_squeeze %dma_wait3A_937 : memref<1x16x1024xf32, #tpu.memory_space<hbm>> -> memref<16x1024xf32, #tpu.memory_space<hbm>>
    %dma_wait3A_939 = arith.constant 0 : i32
    %dma_wait3A_940 = arith.constant 0 : i32
    %dma_wait3A_941 = tpu.memref_slice %arg11[%arg1, %dma_wait3A_934, %dma_wait3A_939, %dma_wait3A_940] : memref<16x2x16x1024xf32, #tpu.memory_space<vmem_shared>> -> memref<1x1x16x1024xf32, #tpu.memory_space<vmem_shared>>
    %dma_wait3A_942 = tpu.memref_squeeze %dma_wait3A_941 : memref<1x1x16x1024xf32, #tpu.memory_space<vmem_shared>> -> memref<16x1024xf32, #tpu.memory_space<vmem_shared>>
    tpu.wait_dma2 semaphore(%arg25 : memref<!tpu.dma_semaphore, #tpu.memory_space<semaphore_mem>>) src(%dma_wait3A_942 : memref<16x1024xf32, #tpu.memory_space<vmem_shared>>) dst(%dma_wait3A_938 : memref<16x1024xf32, #tpu.memory_space<hbm>>)
    %dma_wait3A_943 = arith.constant 0 : i32
    %dma_wait3A_944 = arith.constant 1 : i32
    %dma_wait3A_945 = arith.constant 1024 : i32
    %dma_wait3A_946 = tpu.memref_slice %arg5[%dma_wait3A_944, %add3A_650, %dma_wait3A_945] : memref<4x4096x2304xf32, #tpu.memory_space<hbm>> -> memref<1x16x1024xf32, #tpu.memory_space<hbm>>
    %dma_wait3A_947 = tpu.memref_squeeze %dma_wait3A_946 : memref<1x16x1024xf32, #tpu.memory_space<hbm>> -> memref<16x1024xf32, #tpu.memory_space<hbm>>
    %dma_wait3A_948 = arith.constant 0 : i32
    %dma_wait3A_949 = arith.constant 0 : i32
    %dma_wait3A_950 = tpu.memref_slice %arg11[%arg1, %dma_wait3A_943, %dma_wait3A_948, %dma_wait3A_949] : memref<16x2x16x1024xf32, #tpu.memory_space<vmem_shared>> -> memref<1x1x16x1024xf32, #tpu.memory_space<vmem_shared>>
    %dma_wait3A_951 = tpu.memref_squeeze %dma_wait3A_950 : memref<1x1x16x1024xf32, #tpu.memory_space<vmem_shared>> -> memref<16x1024xf32, #tpu.memory_space<vmem_shared>>
    tpu.wait_dma2 semaphore(%arg25 : memref<!tpu.dma_semaphore, #tpu.memory_space<semaphore_mem>>) src(%dma_wait3A_951 : memref<16x1024xf32, #tpu.memory_space<vmem_shared>>) dst(%dma_wait3A_947 : memref<16x1024xf32, #tpu.memory_space<hbm>>)
    %dma_wait3A_952 = arith.constant 0 : i32
    %dma_wait3A_953 = arith.constant 2 : i32
    %dma_wait3A_954 = arith.constant 1024 : i32
    %dma_wait3A_955 = tpu.memref_slice %arg5[%dma_wait3A_953, %add3A_743, %dma_wait3A_954] : memref<4x4096x2304xf32, #tpu.memory_space<hbm>> -> memref<1x16x1024xf32, #tpu.memory_space<hbm>>
    %dma_wait3A_956 = tpu.memref_squeeze %dma_wait3A_955 : memref<1x16x1024xf32, #tpu.memory_space<hbm>> -> memref<16x1024xf32, #tpu.memory_space<hbm>>
    %dma_wait3A_957 = arith.constant 0 : i32
    %dma_wait3A_958 = arith.constant 0 : i32
    %dma_wait3A_959 = tpu.memref_slice %arg11[%arg1, %dma_wait3A_952, %dma_wait3A_957, %dma_wait3A_958] : memref<16x2x16x1024xf32, #tpu.memory_space<vmem_shared>> -> memref<1x1x16x1024xf32, #tpu.memory_space<vmem_shared>>
    %dma_wait3A_960 = tpu.memref_squeeze %dma_wait3A_959 : memref<1x1x16x1024xf32, #tpu.memory_space<vmem_shared>> -> memref<16x1024xf32, #tpu.memory_space<vmem_shared>>
    tpu.wait_dma2 semaphore(%arg25 : memref<!tpu.dma_semaphore, #tpu.memory_space<semaphore_mem>>) src(%dma_wait3A_960 : memref<16x1024xf32, #tpu.memory_space<vmem_shared>>) dst(%dma_wait3A_956 : memref<16x1024xf32, #tpu.memory_space<hbm>>)
    %dma_wait3A_961 = arith.constant 0 : i32
    %dma_wait3A_962 = arith.constant 3 : i32
    %dma_wait3A_963 = arith.constant 1024 : i32
    %dma_wait3A_964 = tpu.memref_slice %arg5[%dma_wait3A_962, %add3A_791, %dma_wait3A_963] : memref<4x4096x2304xf32, #tpu.memory_space<hbm>> -> memref<1x16x1024xf32, #tpu.memory_space<hbm>>
    %dma_wait3A_965 = tpu.memref_squeeze %dma_wait3A_964 : memref<1x16x1024xf32, #tpu.memory_space<hbm>> -> memref<16x1024xf32, #tpu.memory_space<hbm>>
    %dma_wait3A_966 = arith.constant 0 : i32
    %dma_wait3A_967 = arith.constant 0 : i32
    %dma_wait3A_968 = tpu.memref_slice %arg11[%arg1, %dma_wait3A_961, %dma_wait3A_966, %dma_wait3A_967] : memref<16x2x16x1024xf32, #tpu.memory_space<vmem_shared>> -> memref<1x1x16x1024xf32, #tpu.memory_space<vmem_shared>>
    %dma_wait3A_969 = tpu.memref_squeeze %dma_wait3A_968 : memref<1x1x16x1024xf32, #tpu.memory_space<vmem_shared>> -> memref<16x1024xf32, #tpu.memory_space<vmem_shared>>
    tpu.wait_dma2 semaphore(%arg25 : memref<!tpu.dma_semaphore, #tpu.memory_space<semaphore_mem>>) src(%dma_wait3A_969 : memref<16x1024xf32, #tpu.memory_space<vmem_shared>>) dst(%dma_wait3A_965 : memref<16x1024xf32, #tpu.memory_space<hbm>>)
    %add3A_970 = arith.constant 64 : i32
    %add3A_971 = arith.addi %mul3A_2, %add3A_970 : i32
    %dma_start3A_972 = arith.constant 0 : i32
    %dma_start3A_973 = arith.constant 0 : i32
    %dma_start3A_974 = arith.constant 0 : i32
    %dma_start3A_975 = tpu.memref_slice %arg11[%arg1, %dma_start3A_972, %dma_start3A_973, %dma_start3A_974] : memref<16x2x16x1024xf32, #tpu.memory_space<vmem_shared>> -> memref<1x1x16x1024xf32, #tpu.memory_space<vmem_shared>>
    %dma_start3A_976 = tpu.memref_squeeze %dma_start3A_975 : memref<1x1x16x1024xf32, #tpu.memory_space<vmem_shared>> -> memref<16x1024xf32, #tpu.memory_space<vmem_shared>>
    %dma_start3A_977 = arith.constant 0 : i32
    %dma_start3A_978 = tpu.memref_slice %arg4[%add3A_971, %dma_start3A_977] : memref<4096x1024xf32, #tpu.memory_space<hbm>> -> memref<16x1024xf32, #tpu.memory_space<hbm>>
    tpu.enqueue_dma source(%dma_start3A_978 : memref<16x1024xf32, #tpu.memory_space<hbm>>) target(%dma_start3A_976 : memref<16x1024xf32, #tpu.memory_space<vmem_shared>>) target_semaphore(%arg23 : memref<!tpu.dma_semaphore, #tpu.memory_space<semaphore_mem>>)
    %dma_wait3A_979 = arith.constant 2 : i32
    %dma_wait3A_980 = arith.constant 0 : i32
    %dma_wait3A_981 = tpu.memref_slice %arg2[%dma_wait3A_979, %add3A_775, %dma_wait3A_980] : memref<4x4096x1024xf32, #tpu.memory_space<hbm>> -> memref<1x16x1024xf32, #tpu.memory_space<hbm>>
    %dma_wait3A_982 = tpu.memref_squeeze %dma_wait3A_981 : memref<1x16x1024xf32, #tpu.memory_space<hbm>> -> memref<16x1024xf32, #tpu.memory_space<hbm>>
    %dma_wait3A_983 = arith.constant 0 : i32
    %dma_wait3A_984 = tpu.memref_slice %arg2[%dma_wait3A_979, %add3A_775, %dma_wait3A_983] : memref<4x4096x1024xf32, #tpu.memory_space<hbm>> -> memref<1x16x1024xf32, #tpu.memory_space<hbm>>
    %dma_wait3A_985 = tpu.memref_squeeze %dma_wait3A_984 : memref<1x16x1024xf32, #tpu.memory_space<hbm>> -> memref<16x1024xf32, #tpu.memory_space<hbm>>
    tpu.wait_dma2 semaphore(%arg17 : memref<!tpu.dma_semaphore, #tpu.memory_space<semaphore_mem>>) src(%dma_wait3A_985 : memref<16x1024xf32, #tpu.memory_space<hbm>>) dst(%arg10 : memref<16x1024xf32, #tpu.memory_space<vmem>>)
    %add3A_986 = arith.constant 48 : i32
    %add3A_987 = arith.addi %mul3A_2, %add3A_986 : i32
    %dma_start3A_988 = arith.constant 2 : i32
    %dma_start3A_989 = arith.constant 0 : i32
    %dma_start3A_990 = tpu.memref_slice %arg5[%dma_start3A_988, %add3A_987, %dma_start3A_989] : memref<4x4096x2304xf32, #tpu.memory_space<hbm>> -> memref<1x16x1024xf32, #tpu.memory_space<hbm>>
    %dma_start3A_991 = tpu.memref_squeeze %dma_start3A_990 : memref<1x16x1024xf32, #tpu.memory_space<hbm>> -> memref<16x1024xf32, #tpu.memory_space<hbm>>
    %dma_start3A_992 = arith.constant 0 : i32
    %dma_start3A_993 = tpu.memref_slice %arg5[%dma_start3A_988, %add3A_987, %dma_start3A_992] : memref<4x4096x2304xf32, #tpu.memory_space<hbm>> -> memref<1x16x1024xf32, #tpu.memory_space<hbm>>
    %dma_start3A_994 = tpu.memref_squeeze %dma_start3A_993 : memref<1x16x1024xf32, #tpu.memory_space<hbm>> -> memref<16x1024xf32, #tpu.memory_space<hbm>>
    tpu.enqueue_dma source(%arg10 : memref<16x1024xf32, #tpu.memory_space<vmem>>) target(%dma_start3A_994 : memref<16x1024xf32, #tpu.memory_space<hbm>>) target_semaphore(%arg22 : memref<!tpu.dma_semaphore, #tpu.memory_space<semaphore_mem>>)
    %dma_start3A_995 = arith.constant 1 : i32
    %dma_start3A_996 = arith.constant 2 : i32
    %dma_start3A_997 = arith.constant 1024 : i32
    %dma_start3A_998 = tpu.memref_slice %arg5[%dma_start3A_996, %add3A_987, %dma_start3A_997] : memref<4x4096x2304xf32, #tpu.memory_space<hbm>> -> memref<1x16x1024xf32, #tpu.memory_space<hbm>>
    %dma_start3A_999 = tpu.memref_squeeze %dma_start3A_998 : memref<1x16x1024xf32, #tpu.memory_space<hbm>> -> memref<16x1024xf32, #tpu.memory_space<hbm>>
    %dma_start3A_1000 = arith.constant 0 : i32
    %dma_start3A_1001 = arith.constant 0 : i32
    %dma_start3A_1002 = tpu.memref_slice %arg11[%arg1, %dma_start3A_995, %dma_start3A_1000, %dma_start3A_1001] : memref<16x2x16x1024xf32, #tpu.memory_space<vmem_shared>> -> memref<1x1x16x1024xf32, #tpu.memory_space<vmem_shared>>
    %dma_start3A_1003 = tpu.memref_squeeze %dma_start3A_1002 : memref<1x1x16x1024xf32, #tpu.memory_space<vmem_shared>> -> memref<16x1024xf32, #tpu.memory_space<vmem_shared>>
    tpu.enqueue_dma source(%dma_start3A_1003 : memref<16x1024xf32, #tpu.memory_space<vmem_shared>>) target(%dma_start3A_999 : memref<16x1024xf32, #tpu.memory_space<hbm>>) target_semaphore(%arg26 : memref<!tpu.dma_semaphore, #tpu.memory_space<semaphore_mem>>)
    %dma_start3A_1004 = arith.constant 2 : i32
    %dma_start3A_1005 = arith.constant 2048 : i32
    %dma_start3A_1006 = tpu.memref_slice %arg5[%dma_start3A_1004, %add3A_987, %dma_start3A_1005] : memref<4x4096x2304xf32, #tpu.memory_space<hbm>> -> memref<1x16x256xf32, #tpu.memory_space<hbm>>
    %dma_start3A_1007 = tpu.memref_squeeze %dma_start3A_1006 : memref<1x16x256xf32, #tpu.memory_space<hbm>> -> memref<16x256xf32, #tpu.memory_space<hbm>>
    %dma_start3A_1008 = arith.constant 2048 : i32
    %dma_start3A_1009 = tpu.memref_slice %arg5[%dma_start3A_1004, %add3A_987, %dma_start3A_1008] : memref<4x4096x2304xf32, #tpu.memory_space<hbm>> -> memref<1x16x256xf32, #tpu.memory_space<hbm>>
    %dma_start3A_1010 = tpu.memref_squeeze %dma_start3A_1009 : memref<1x16x256xf32, #tpu.memory_space<hbm>> -> memref<16x256xf32, #tpu.memory_space<hbm>>
    tpu.enqueue_dma source(%arg12 : memref<16x256xf32, #tpu.memory_space<vmem>>) target(%dma_start3A_1010 : memref<16x256xf32, #tpu.memory_space<hbm>>) target_semaphore(%arg27 : memref<!tpu.dma_semaphore, #tpu.memory_space<semaphore_mem>>)
    %dma_wait3A_1011 = arith.constant 1 : i32
    %dma_wait3A_1012 = arith.constant 0 : i32
    %dma_wait3A_1013 = tpu.memref_slice %arg5[%dma_wait3A_1011, %add3A_894, %dma_wait3A_1012] : memref<4x4096x2304xf32, #tpu.memory_space<hbm>> -> memref<1x16x1024xf32, #tpu.memory_space<hbm>>
    %dma_wait3A_1014 = tpu.memref_squeeze %dma_wait3A_1013 : memref<1x16x1024xf32, #tpu.memory_space<hbm>> -> memref<16x1024xf32, #tpu.memory_space<hbm>>
    %dma_wait3A_1015 = arith.constant 0 : i32
    %dma_wait3A_1016 = tpu.memref_slice %arg5[%dma_wait3A_1011, %add3A_894, %dma_wait3A_1015] : memref<4x4096x2304xf32, #tpu.memory_space<hbm>> -> memref<1x16x1024xf32, #tpu.memory_space<hbm>>
    %dma_wait3A_1017 = tpu.memref_squeeze %dma_wait3A_1016 : memref<1x16x1024xf32, #tpu.memory_space<hbm>> -> memref<16x1024xf32, #tpu.memory_space<hbm>>
    tpu.wait_dma2 semaphore(%arg21 : memref<!tpu.dma_semaphore, #tpu.memory_space<semaphore_mem>>) src(%arg9 : memref<16x1024xf32, #tpu.memory_space<vmem>>) dst(%dma_wait3A_1017 : memref<16x1024xf32, #tpu.memory_space<hbm>>)
    %add3A_1018 = arith.constant 64 : i32
    %add3A_1019 = arith.addi %mul3A_2, %add3A_1018 : i32
    %dma_start3A_1020 = arith.constant 2 : i32
    %dma_start3A_1021 = arith.constant 0 : i32
    %dma_start3A_1022 = tpu.memref_slice %arg2[%dma_start3A_1020, %add3A_1019, %dma_start3A_1021] : memref<4x4096x1024xf32, #tpu.memory_space<hbm>> -> memref<1x16x1024xf32, #tpu.memory_space<hbm>>
    %dma_start3A_1023 = tpu.memref_squeeze %dma_start3A_1022 : memref<1x16x1024xf32, #tpu.memory_space<hbm>> -> memref<16x1024xf32, #tpu.memory_space<hbm>>
    %dma_start3A_1024 = arith.constant 0 : i32
    %dma_start3A_1025 = tpu.memref_slice %arg2[%dma_start3A_1020, %add3A_1019, %dma_start3A_1024] : memref<4x4096x1024xf32, #tpu.memory_space<hbm>> -> memref<1x16x1024xf32, #tpu.memory_space<hbm>>
    %dma_start3A_1026 = tpu.memref_squeeze %dma_start3A_1025 : memref<1x16x1024xf32, #tpu.memory_space<hbm>> -> memref<16x1024xf32, #tpu.memory_space<hbm>>
    tpu.enqueue_dma source(%dma_start3A_1026 : memref<16x1024xf32, #tpu.memory_space<hbm>>) target(%arg9 : memref<16x1024xf32, #tpu.memory_space<vmem>>) target_semaphore(%arg16 : memref<!tpu.dma_semaphore, #tpu.memory_space<semaphore_mem>>)
    %dma_wait3A_1027 = arith.constant 3 : i32
    %dma_wait3A_1028 = arith.constant 0 : i32
    %dma_wait3A_1029 = tpu.memref_slice %arg2[%dma_wait3A_1027, %add3A_823, %dma_wait3A_1028] : memref<4x4096x1024xf32, #tpu.memory_space<hbm>> -> memref<1x16x1024xf32, #tpu.memory_space<hbm>>
    %dma_wait3A_1030 = tpu.memref_squeeze %dma_wait3A_1029 : memref<1x16x1024xf32, #tpu.memory_space<hbm>> -> memref<16x1024xf32, #tpu.memory_space<hbm>>
    %dma_wait3A_1031 = arith.constant 0 : i32
    %dma_wait3A_1032 = tpu.memref_slice %arg2[%dma_wait3A_1027, %add3A_823, %dma_wait3A_1031] : memref<4x4096x1024xf32, #tpu.memory_space<hbm>> -> memref<1x16x1024xf32, #tpu.memory_space<hbm>>
    %dma_wait3A_1033 = tpu.memref_squeeze %dma_wait3A_1032 : memref<1x16x1024xf32, #tpu.memory_space<hbm>> -> memref<16x1024xf32, #tpu.memory_space<hbm>>
    tpu.wait_dma2 semaphore(%arg13 : memref<!tpu.dma_semaphore, #tpu.memory_space<semaphore_mem>>) src(%dma_wait3A_1033 : memref<16x1024xf32, #tpu.memory_space<hbm>>) dst(%arg6 : memref<16x1024xf32, #tpu.memory_space<vmem>>)
    %add3A_1034 = arith.constant 48 : i32
    %add3A_1035 = arith.addi %mul3A_2, %add3A_1034 : i32
    %dma_start3A_1036 = arith.constant 3 : i32
    %dma_start3A_1037 = arith.constant 0 : i32
    %dma_start3A_1038 = tpu.memref_slice %arg5[%dma_start3A_1036, %add3A_1035, %dma_start3A_1037] : memref<4x4096x2304xf32, #tpu.memory_space<hbm>> -> memref<1x16x1024xf32, #tpu.memory_space<hbm>>
    %dma_start3A_1039 = tpu.memref_squeeze %dma_start3A_1038 : memref<1x16x1024xf32, #tpu.memory_space<hbm>> -> memref<16x1024xf32, #tpu.memory_space<hbm>>
    %dma_start3A_1040 = arith.constant 0 : i32
    %dma_start3A_1041 = tpu.memref_slice %arg5[%dma_start3A_1036, %add3A_1035, %dma_start3A_1040] : memref<4x4096x2304xf32, #tpu.memory_space<hbm>> -> memref<1x16x1024xf32, #tpu.memory_space<hbm>>
    %dma_start3A_1042 = tpu.memref_squeeze %dma_start3A_1041 : memref<1x16x1024xf32, #tpu.memory_space<hbm>> -> memref<16x1024xf32, #tpu.memory_space<hbm>>
    tpu.enqueue_dma source(%arg6 : memref<16x1024xf32, #tpu.memory_space<vmem>>) target(%dma_start3A_1042 : memref<16x1024xf32, #tpu.memory_space<hbm>>) target_semaphore(%arg18 : memref<!tpu.dma_semaphore, #tpu.memory_space<semaphore_mem>>)
    %dma_start3A_1043 = arith.constant 1 : i32
    %dma_start3A_1044 = arith.constant 3 : i32
    %dma_start3A_1045 = arith.constant 1024 : i32
    %dma_start3A_1046 = tpu.memref_slice %arg5[%dma_start3A_1044, %add3A_1035, %dma_start3A_1045] : memref<4x4096x2304xf32, #tpu.memory_space<hbm>> -> memref<1x16x1024xf32, #tpu.memory_space<hbm>>
    %dma_start3A_1047 = tpu.memref_squeeze %dma_start3A_1046 : memref<1x16x1024xf32, #tpu.memory_space<hbm>> -> memref<16x1024xf32, #tpu.memory_space<hbm>>
    %dma_start3A_1048 = arith.constant 0 : i32
    %dma_start3A_1049 = arith.constant 0 : i32
    %dma_start3A_1050 = tpu.memref_slice %arg11[%arg1, %dma_start3A_1043, %dma_start3A_1048, %dma_start3A_1049] : memref<16x2x16x1024xf32, #tpu.memory_space<vmem_shared>> -> memref<1x1x16x1024xf32, #tpu.memory_space<vmem_shared>>
    %dma_start3A_1051 = tpu.memref_squeeze %dma_start3A_1050 : memref<1x1x16x1024xf32, #tpu.memory_space<vmem_shared>> -> memref<16x1024xf32, #tpu.memory_space<vmem_shared>>
    tpu.enqueue_dma source(%dma_start3A_1051 : memref<16x1024xf32, #tpu.memory_space<vmem_shared>>) target(%dma_start3A_1047 : memref<16x1024xf32, #tpu.memory_space<hbm>>) target_semaphore(%arg26 : memref<!tpu.dma_semaphore, #tpu.memory_space<semaphore_mem>>)
    %dma_start3A_1052 = arith.constant 3 : i32
    %dma_start3A_1053 = arith.constant 2048 : i32
    %dma_start3A_1054 = tpu.memref_slice %arg5[%dma_start3A_1052, %add3A_1035, %dma_start3A_1053] : memref<4x4096x2304xf32, #tpu.memory_space<hbm>> -> memref<1x16x256xf32, #tpu.memory_space<hbm>>
    %dma_start3A_1055 = tpu.memref_squeeze %dma_start3A_1054 : memref<1x16x256xf32, #tpu.memory_space<hbm>> -> memref<16x256xf32, #tpu.memory_space<hbm>>
    %dma_start3A_1056 = arith.constant 2048 : i32
    %dma_start3A_1057 = tpu.memref_slice %arg5[%dma_start3A_1052, %add3A_1035, %dma_start3A_1056] : memref<4x4096x2304xf32, #tpu.memory_space<hbm>> -> memref<1x16x256xf32, #tpu.memory_space<hbm>>
    %dma_start3A_1058 = tpu.memref_squeeze %dma_start3A_1057 : memref<1x16x256xf32, #tpu.memory_space<hbm>> -> memref<16x256xf32, #tpu.memory_space<hbm>>
    tpu.enqueue_dma source(%arg12 : memref<16x256xf32, #tpu.memory_space<vmem>>) target(%dma_start3A_1058 : memref<16x256xf32, #tpu.memory_space<hbm>>) target_semaphore(%arg27 : memref<!tpu.dma_semaphore, #tpu.memory_space<semaphore_mem>>)
    %dma_wait3A_1059 = arith.constant 2 : i32
    %dma_wait3A_1060 = arith.constant 0 : i32
    %dma_wait3A_1061 = tpu.memref_slice %arg5[%dma_wait3A_1059, %add3A_987, %dma_wait3A_1060] : memref<4x4096x2304xf32, #tpu.memory_space<hbm>> -> memref<1x16x1024xf32, #tpu.memory_space<hbm>>
    %dma_wait3A_1062 = tpu.memref_squeeze %dma_wait3A_1061 : memref<1x16x1024xf32, #tpu.memory_space<hbm>> -> memref<16x1024xf32, #tpu.memory_space<hbm>>
    %dma_wait3A_1063 = arith.constant 0 : i32
    %dma_wait3A_1064 = tpu.memref_slice %arg5[%dma_wait3A_1059, %add3A_987, %dma_wait3A_1063] : memref<4x4096x2304xf32, #tpu.memory_space<hbm>> -> memref<1x16x1024xf32, #tpu.memory_space<hbm>>
    %dma_wait3A_1065 = tpu.memref_squeeze %dma_wait3A_1064 : memref<1x16x1024xf32, #tpu.memory_space<hbm>> -> memref<16x1024xf32, #tpu.memory_space<hbm>>
    tpu.wait_dma2 semaphore(%arg22 : memref<!tpu.dma_semaphore, #tpu.memory_space<semaphore_mem>>) src(%arg10 : memref<16x1024xf32, #tpu.memory_space<vmem>>) dst(%dma_wait3A_1065 : memref<16x1024xf32, #tpu.memory_space<hbm>>)
    %add3A_1066 = arith.constant 64 : i32
    %add3A_1067 = arith.addi %mul3A_2, %add3A_1066 : i32
    %dma_start3A_1068 = arith.constant 3 : i32
    %dma_start3A_1069 = arith.constant 0 : i32
    %dma_start3A_1070 = tpu.memref_slice %arg2[%dma_start3A_1068, %add3A_1067, %dma_start3A_1069] : memref<4x4096x1024xf32, #tpu.memory_space<hbm>> -> memref<1x16x1024xf32, #tpu.memory_space<hbm>>
    %dma_start3A_1071 = tpu.memref_squeeze %dma_start3A_1070 : memref<1x16x1024xf32, #tpu.memory_space<hbm>> -> memref<16x1024xf32, #tpu.memory_space<hbm>>
    %dma_start3A_1072 = arith.constant 0 : i32
    %dma_start3A_1073 = tpu.memref_slice %arg2[%dma_start3A_1068, %add3A_1067, %dma_start3A_1072] : memref<4x4096x1024xf32, #tpu.memory_space<hbm>> -> memref<1x16x1024xf32, #tpu.memory_space<hbm>>
    %dma_start3A_1074 = tpu.memref_squeeze %dma_start3A_1073 : memref<1x16x1024xf32, #tpu.memory_space<hbm>> -> memref<16x1024xf32, #tpu.memory_space<hbm>>
    tpu.enqueue_dma source(%dma_start3A_1074 : memref<16x1024xf32, #tpu.memory_space<hbm>>) target(%arg10 : memref<16x1024xf32, #tpu.memory_space<vmem>>) target_semaphore(%arg17 : memref<!tpu.dma_semaphore, #tpu.memory_space<semaphore_mem>>)
    %dma_wait3A_1075 = arith.constant 0 : i32
    %dma_wait3A_1076 = arith.constant 0 : i32
    %dma_wait3A_1077 = tpu.memref_slice %arg2[%dma_wait3A_1075, %add3A_878, %dma_wait3A_1076] : memref<4x4096x1024xf32, #tpu.memory_space<hbm>> -> memref<1x16x1024xf32, #tpu.memory_space<hbm>>
    %dma_wait3A_1078 = tpu.memref_squeeze %dma_wait3A_1077 : memref<1x16x1024xf32, #tpu.memory_space<hbm>> -> memref<16x1024xf32, #tpu.memory_space<hbm>>
    %dma_wait3A_1079 = arith.constant 0 : i32
    %dma_wait3A_1080 = tpu.memref_slice %arg2[%dma_wait3A_1075, %add3A_878, %dma_wait3A_1079] : memref<4x4096x1024xf32, #tpu.memory_space<hbm>> -> memref<1x16x1024xf32, #tpu.memory_space<hbm>>
    %dma_wait3A_1081 = tpu.memref_squeeze %dma_wait3A_1080 : memref<1x16x1024xf32, #tpu.memory_space<hbm>> -> memref<16x1024xf32, #tpu.memory_space<hbm>>
    tpu.wait_dma2 semaphore(%arg14 : memref<!tpu.dma_semaphore, #tpu.memory_space<semaphore_mem>>) src(%dma_wait3A_1081 : memref<16x1024xf32, #tpu.memory_space<hbm>>) dst(%arg7 : memref<16x1024xf32, #tpu.memory_space<vmem>>)
    %dma_wait3A_1082 = arith.constant 0 : i32
    %dma_wait3A_1083 = arith.constant 0 : i32
    %dma_wait3A_1084 = arith.constant 0 : i32
    %dma_wait3A_1085 = tpu.memref_slice %arg11[%arg1, %dma_wait3A_1082, %dma_wait3A_1083, %dma_wait3A_1084] : memref<16x2x16x1024xf32, #tpu.memory_space<vmem_shared>> -> memref<1x1x16x1024xf32, #tpu.memory_space<vmem_shared>>
    %dma_wait3A_1086 = tpu.memref_squeeze %dma_wait3A_1085 : memref<1x1x16x1024xf32, #tpu.memory_space<vmem_shared>> -> memref<16x1024xf32, #tpu.memory_space<vmem_shared>>
    %dma_wait3A_1087 = arith.constant 0 : i32
    %dma_wait3A_1088 = tpu.memref_slice %arg4[%add3A_971, %dma_wait3A_1087] : memref<4096x1024xf32, #tpu.memory_space<hbm>> -> memref<16x1024xf32, #tpu.memory_space<hbm>>
    tpu.wait_dma2 semaphore(%arg23 : memref<!tpu.dma_semaphore, #tpu.memory_space<semaphore_mem>>) src(%dma_wait3A_1088 : memref<16x1024xf32, #tpu.memory_space<hbm>>) dst(%dma_wait3A_1086 : memref<16x1024xf32, #tpu.memory_space<vmem_shared>>)
    %add3A_1089 = arith.constant 64 : i32
    %add3A_1090 = arith.addi %mul3A_2, %add3A_1089 : i32
    %dma_start3A_1091 = arith.constant 0 : i32
    %dma_start3A_1092 = arith.constant 0 : i32
    %dma_start3A_1093 = tpu.memref_slice %arg5[%dma_start3A_1091, %add3A_1090, %dma_start3A_1092] : memref<4x4096x2304xf32, #tpu.memory_space<hbm>> -> memref<1x16x1024xf32, #tpu.memory_space<hbm>>
    %dma_start3A_1094 = tpu.memref_squeeze %dma_start3A_1093 : memref<1x16x1024xf32, #tpu.memory_space<hbm>> -> memref<16x1024xf32, #tpu.memory_space<hbm>>
    %dma_start3A_1095 = arith.constant 0 : i32
    %dma_start3A_1096 = tpu.memref_slice %arg5[%dma_start3A_1091, %add3A_1090, %dma_start3A_1095] : memref<4x4096x2304xf32, #tpu.memory_space<hbm>> -> memref<1x16x1024xf32, #tpu.memory_space<hbm>>
    %dma_start3A_1097 = tpu.memref_squeeze %dma_start3A_1096 : memref<1x16x1024xf32, #tpu.memory_space<hbm>> -> memref<16x1024xf32, #tpu.memory_space<hbm>>
    tpu.enqueue_dma source(%arg7 : memref<16x1024xf32, #tpu.memory_space<vmem>>) target(%dma_start3A_1097 : memref<16x1024xf32, #tpu.memory_space<hbm>>) target_semaphore(%arg19 : memref<!tpu.dma_semaphore, #tpu.memory_space<semaphore_mem>>)
    %dma_start3A_1098 = arith.constant 0 : i32
    %dma_start3A_1099 = arith.constant 0 : i32
    %dma_start3A_1100 = arith.constant 1024 : i32
    %dma_start3A_1101 = tpu.memref_slice %arg5[%dma_start3A_1099, %add3A_1090, %dma_start3A_1100] : memref<4x4096x2304xf32, #tpu.memory_space<hbm>> -> memref<1x16x1024xf32, #tpu.memory_space<hbm>>
    %dma_start3A_1102 = tpu.memref_squeeze %dma_start3A_1101 : memref<1x16x1024xf32, #tpu.memory_space<hbm>> -> memref<16x1024xf32, #tpu.memory_space<hbm>>
    %dma_start3A_1103 = arith.constant 0 : i32
    %dma_start3A_1104 = arith.constant 0 : i32
    %dma_start3A_1105 = tpu.memref_slice %arg11[%arg1, %dma_start3A_1098, %dma_start3A_1103, %dma_start3A_1104] : memref<16x2x16x1024xf32, #tpu.memory_space<vmem_shared>> -> memref<1x1x16x1024xf32, #tpu.memory_space<vmem_shared>>
    %dma_start3A_1106 = tpu.memref_squeeze %dma_start3A_1105 : memref<1x1x16x1024xf32, #tpu.memory_space<vmem_shared>> -> memref<16x1024xf32, #tpu.memory_space<vmem_shared>>
    tpu.enqueue_dma source(%dma_start3A_1106 : memref<16x1024xf32, #tpu.memory_space<vmem_shared>>) target(%dma_start3A_1102 : memref<16x1024xf32, #tpu.memory_space<hbm>>) target_semaphore(%arg25 : memref<!tpu.dma_semaphore, #tpu.memory_space<semaphore_mem>>)
    %dma_start3A_1107 = arith.constant 0 : i32
    %dma_start3A_1108 = arith.constant 2048 : i32
    %dma_start3A_1109 = tpu.memref_slice %arg5[%dma_start3A_1107, %add3A_1090, %dma_start3A_1108] : memref<4x4096x2304xf32, #tpu.memory_space<hbm>> -> memref<1x16x256xf32, #tpu.memory_space<hbm>>
    %dma_start3A_1110 = tpu.memref_squeeze %dma_start3A_1109 : memref<1x16x256xf32, #tpu.memory_space<hbm>> -> memref<16x256xf32, #tpu.memory_space<hbm>>
    %dma_start3A_1111 = arith.constant 2048 : i32
    %dma_start3A_1112 = tpu.memref_slice %arg5[%dma_start3A_1107, %add3A_1090, %dma_start3A_1111] : memref<4x4096x2304xf32, #tpu.memory_space<hbm>> -> memref<1x16x256xf32, #tpu.memory_space<hbm>>
    %dma_start3A_1113 = tpu.memref_squeeze %dma_start3A_1112 : memref<1x16x256xf32, #tpu.memory_space<hbm>> -> memref<16x256xf32, #tpu.memory_space<hbm>>
    tpu.enqueue_dma source(%arg12 : memref<16x256xf32, #tpu.memory_space<vmem>>) target(%dma_start3A_1113 : memref<16x256xf32, #tpu.memory_space<hbm>>) target_semaphore(%arg27 : memref<!tpu.dma_semaphore, #tpu.memory_space<semaphore_mem>>)
    %dma_wait3A_1114 = arith.constant 3 : i32
    %dma_wait3A_1115 = arith.constant 0 : i32
    %dma_wait3A_1116 = tpu.memref_slice %arg5[%dma_wait3A_1114, %add3A_1035, %dma_wait3A_1115] : memref<4x4096x2304xf32, #tpu.memory_space<hbm>> -> memref<1x16x1024xf32, #tpu.memory_space<hbm>>
    %dma_wait3A_1117 = tpu.memref_squeeze %dma_wait3A_1116 : memref<1x16x1024xf32, #tpu.memory_space<hbm>> -> memref<16x1024xf32, #tpu.memory_space<hbm>>
    %dma_wait3A_1118 = arith.constant 0 : i32
    %dma_wait3A_1119 = tpu.memref_slice %arg5[%dma_wait3A_1114, %add3A_1035, %dma_wait3A_1118] : memref<4x4096x2304xf32, #tpu.memory_space<hbm>> -> memref<1x16x1024xf32, #tpu.memory_space<hbm>>
    %dma_wait3A_1120 = tpu.memref_squeeze %dma_wait3A_1119 : memref<1x16x1024xf32, #tpu.memory_space<hbm>> -> memref<16x1024xf32, #tpu.memory_space<hbm>>
    tpu.wait_dma2 semaphore(%arg18 : memref<!tpu.dma_semaphore, #tpu.memory_space<semaphore_mem>>) src(%arg6 : memref<16x1024xf32, #tpu.memory_space<vmem>>) dst(%dma_wait3A_1120 : memref<16x1024xf32, #tpu.memory_space<hbm>>)
    %add3A_1121 = arith.constant 80 : i32
    %add3A_1122 = arith.addi %mul3A_2, %add3A_1121 : i32
    %dma_start3A_1123 = arith.constant 0 : i32
    %dma_start3A_1124 = arith.constant 0 : i32
    %dma_start3A_1125 = tpu.memref_slice %arg2[%dma_start3A_1123, %add3A_1122, %dma_start3A_1124] : memref<4x4096x1024xf32, #tpu.memory_space<hbm>> -> memref<1x16x1024xf32, #tpu.memory_space<hbm>>
    %dma_start3A_1126 = tpu.memref_squeeze %dma_start3A_1125 : memref<1x16x1024xf32, #tpu.memory_space<hbm>> -> memref<16x1024xf32, #tpu.memory_space<hbm>>
    %dma_start3A_1127 = arith.constant 0 : i32
    %dma_start3A_1128 = tpu.memref_slice %arg2[%dma_start3A_1123, %add3A_1122, %dma_start3A_1127] : memref<4x4096x1024xf32, #tpu.memory_space<hbm>> -> memref<1x16x1024xf32, #tpu.memory_space<hbm>>
    %dma_start3A_1129 = tpu.memref_squeeze %dma_start3A_1128 : memref<1x16x1024xf32, #tpu.memory_space<hbm>> -> memref<16x1024xf32, #tpu.memory_space<hbm>>
    tpu.enqueue_dma source(%dma_start3A_1129 : memref<16x1024xf32, #tpu.memory_space<hbm>>) target(%arg6 : memref<16x1024xf32, #tpu.memory_space<vmem>>) target_semaphore(%arg13 : memref<!tpu.dma_semaphore, #tpu.memory_space<semaphore_mem>>)
    %dma_wait3A_1130 = arith.constant 1 : i32
    %dma_wait3A_1131 = arith.constant 0 : i32
    %dma_wait3A_1132 = tpu.memref_slice %arg2[%dma_wait3A_1130, %add3A_926, %dma_wait3A_1131] : memref<4x4096x1024xf32, #tpu.memory_space<hbm>> -> memref<1x16x1024xf32, #tpu.memory_space<hbm>>
    %dma_wait3A_1133 = tpu.memref_squeeze %dma_wait3A_1132 : memref<1x16x1024xf32, #tpu.memory_space<hbm>> -> memref<16x1024xf32, #tpu.memory_space<hbm>>
    %dma_wait3A_1134 = arith.constant 0 : i32
    %dma_wait3A_1135 = tpu.memref_slice %arg2[%dma_wait3A_1130, %add3A_926, %dma_wait3A_1134] : memref<4x4096x1024xf32, #tpu.memory_space<hbm>> -> memref<1x16x1024xf32, #tpu.memory_space<hbm>>
    %dma_wait3A_1136 = tpu.memref_squeeze %dma_wait3A_1135 : memref<1x16x1024xf32, #tpu.memory_space<hbm>> -> memref<16x1024xf32, #tpu.memory_space<hbm>>
    tpu.wait_dma2 semaphore(%arg15 : memref<!tpu.dma_semaphore, #tpu.memory_space<semaphore_mem>>) src(%dma_wait3A_1136 : memref<16x1024xf32, #tpu.memory_space<hbm>>) dst(%arg8 : memref<16x1024xf32, #tpu.memory_space<vmem>>)
    %add3A_1137 = arith.constant 64 : i32
    %add3A_1138 = arith.addi %mul3A_2, %add3A_1137 : i32
    %dma_start3A_1139 = arith.constant 1 : i32
    %dma_start3A_1140 = arith.constant 0 : i32
    %dma_start3A_1141 = tpu.memref_slice %arg5[%dma_start3A_1139, %add3A_1138, %dma_start3A_1140] : memref<4x4096x2304xf32, #tpu.memory_space<hbm>> -> memref<1x16x1024xf32, #tpu.memory_space<hbm>>
    %dma_start3A_1142 = tpu.memref_squeeze %dma_start3A_1141 : memref<1x16x1024xf32, #tpu.memory_space<hbm>> -> memref<16x1024xf32, #tpu.memory_space<hbm>>
    %dma_start3A_1143 = arith.constant 0 : i32
    %dma_start3A_1144 = tpu.memref_slice %arg5[%dma_start3A_1139, %add3A_1138, %dma_start3A_1143] : memref<4x4096x2304xf32, #tpu.memory_space<hbm>> -> memref<1x16x1024xf32, #tpu.memory_space<hbm>>
    %dma_start3A_1145 = tpu.memref_squeeze %dma_start3A_1144 : memref<1x16x1024xf32, #tpu.memory_space<hbm>> -> memref<16x1024xf32, #tpu.memory_space<hbm>>
    tpu.enqueue_dma source(%arg8 : memref<16x1024xf32, #tpu.memory_space<vmem>>) target(%dma_start3A_1145 : memref<16x1024xf32, #tpu.memory_space<hbm>>) target_semaphore(%arg20 : memref<!tpu.dma_semaphore, #tpu.memory_space<semaphore_mem>>)
    %dma_start3A_1146 = arith.constant 0 : i32
    %dma_start3A_1147 = arith.constant 1 : i32
    %dma_start3A_1148 = arith.constant 1024 : i32
    %dma_start3A_1149 = tpu.memref_slice %arg5[%dma_start3A_1147, %add3A_1138, %dma_start3A_1148] : memref<4x4096x2304xf32, #tpu.memory_space<hbm>> -> memref<1x16x1024xf32, #tpu.memory_space<hbm>>
    %dma_start3A_1150 = tpu.memref_squeeze %dma_start3A_1149 : memref<1x16x1024xf32, #tpu.memory_space<hbm>> -> memref<16x1024xf32, #tpu.memory_space<hbm>>
    %dma_start3A_1151 = arith.constant 0 : i32
    %dma_start3A_1152 = arith.constant 0 : i32
    %dma_start3A_1153 = tpu.memref_slice %arg11[%arg1, %dma_start3A_1146, %dma_start3A_1151, %dma_start3A_1152] : memref<16x2x16x1024xf32, #tpu.memory_space<vmem_shared>> -> memref<1x1x16x1024xf32, #tpu.memory_space<vmem_shared>>
    %dma_start3A_1154 = tpu.memref_squeeze %dma_start3A_1153 : memref<1x1x16x1024xf32, #tpu.memory_space<vmem_shared>> -> memref<16x1024xf32, #tpu.memory_space<vmem_shared>>
    tpu.enqueue_dma source(%dma_start3A_1154 : memref<16x1024xf32, #tpu.memory_space<vmem_shared>>) target(%dma_start3A_1150 : memref<16x1024xf32, #tpu.memory_space<hbm>>) target_semaphore(%arg25 : memref<!tpu.dma_semaphore, #tpu.memory_space<semaphore_mem>>)
    %dma_start3A_1155 = arith.constant 1 : i32
    %dma_start3A_1156 = arith.constant 2048 : i32
    %dma_start3A_1157 = tpu.memref_slice %arg5[%dma_start3A_1155, %add3A_1138, %dma_start3A_1156] : memref<4x4096x2304xf32, #tpu.memory_space<hbm>> -> memref<1x16x256xf32, #tpu.memory_space<hbm>>
    %dma_start3A_1158 = tpu.memref_squeeze %dma_start3A_1157 : memref<1x16x256xf32, #tpu.memory_space<hbm>> -> memref<16x256xf32, #tpu.memory_space<hbm>>
    %dma_start3A_1159 = arith.constant 2048 : i32
    %dma_start3A_1160 = tpu.memref_slice %arg5[%dma_start3A_1155, %add3A_1138, %dma_start3A_1159] : memref<4x4096x2304xf32, #tpu.memory_space<hbm>> -> memref<1x16x256xf32, #tpu.memory_space<hbm>>
    %dma_start3A_1161 = tpu.memref_squeeze %dma_start3A_1160 : memref<1x16x256xf32, #tpu.memory_space<hbm>> -> memref<16x256xf32, #tpu.memory_space<hbm>>
    tpu.enqueue_dma source(%arg12 : memref<16x256xf32, #tpu.memory_space<vmem>>) target(%dma_start3A_1161 : memref<16x256xf32, #tpu.memory_space<hbm>>) target_semaphore(%arg27 : memref<!tpu.dma_semaphore, #tpu.memory_space<semaphore_mem>>)
    %dma_wait3A_1162 = arith.constant 0 : i32
    %dma_wait3A_1163 = arith.constant 0 : i32
    %dma_wait3A_1164 = tpu.memref_slice %arg5[%dma_wait3A_1162, %add3A_1090, %dma_wait3A_1163] : memref<4x4096x2304xf32, #tpu.memory_space<hbm>> -> memref<1x16x1024xf32, #tpu.memory_space<hbm>>
    %dma_wait3A_1165 = tpu.memref_squeeze %dma_wait3A_1164 : memref<1x16x1024xf32, #tpu.memory_space<hbm>> -> memref<16x1024xf32, #tpu.memory_space<hbm>>
    %dma_wait3A_1166 = arith.constant 0 : i32
    %dma_wait3A_1167 = tpu.memref_slice %arg5[%dma_wait3A_1162, %add3A_1090, %dma_wait3A_1166] : memref<4x4096x2304xf32, #tpu.memory_space<hbm>> -> memref<1x16x1024xf32, #tpu.memory_space<hbm>>
    %dma_wait3A_1168 = tpu.memref_squeeze %dma_wait3A_1167 : memref<1x16x1024xf32, #tpu.memory_space<hbm>> -> memref<16x1024xf32, #tpu.memory_space<hbm>>
    tpu.wait_dma2 semaphore(%arg19 : memref<!tpu.dma_semaphore, #tpu.memory_space<semaphore_mem>>) src(%arg7 : memref<16x1024xf32, #tpu.memory_space<vmem>>) dst(%dma_wait3A_1168 : memref<16x1024xf32, #tpu.memory_space<hbm>>)
    %add3A_1169 = arith.constant 80 : i32
    %add3A_1170 = arith.addi %mul3A_2, %add3A_1169 : i32
    %dma_start3A_1171 = arith.constant 1 : i32
    %dma_start3A_1172 = arith.constant 0 : i32
    %dma_start3A_1173 = tpu.memref_slice %arg2[%dma_start3A_1171, %add3A_1170, %dma_start3A_1172] : memref<4x4096x1024xf32, #tpu.memory_space<hbm>> -> memref<1x16x1024xf32, #tpu.memory_space<hbm>>
    %dma_start3A_1174 = tpu.memref_squeeze %dma_start3A_1173 : memref<1x16x1024xf32, #tpu.memory_space<hbm>> -> memref<16x1024xf32, #tpu.memory_space<hbm>>
    %dma_start3A_1175 = arith.constant 0 : i32
    %dma_start3A_1176 = tpu.memref_slice %arg2[%dma_start3A_1171, %add3A_1170, %dma_start3A_1175] : memref<4x4096x1024xf32, #tpu.memory_space<hbm>> -> memref<1x16x1024xf32, #tpu.memory_space<hbm>>
    %dma_start3A_1177 = tpu.memref_squeeze %dma_start3A_1176 : memref<1x16x1024xf32, #tpu.memory_space<hbm>> -> memref<16x1024xf32, #tpu.memory_space<hbm>>
    tpu.enqueue_dma source(%dma_start3A_1177 : memref<16x1024xf32, #tpu.memory_space<hbm>>) target(%arg7 : memref<16x1024xf32, #tpu.memory_space<vmem>>) target_semaphore(%arg14 : memref<!tpu.dma_semaphore, #tpu.memory_space<semaphore_mem>>)
    %dma_wait3A_1178 = arith.constant 1 : i32
    %dma_wait3A_1179 = arith.constant 0 : i32
    %dma_wait3A_1180 = arith.constant 1024 : i32
    %dma_wait3A_1181 = tpu.memref_slice %arg5[%dma_wait3A_1179, %add3A_846, %dma_wait3A_1180] : memref<4x4096x2304xf32, #tpu.memory_space<hbm>> -> memref<1x16x1024xf32, #tpu.memory_space<hbm>>
    %dma_wait3A_1182 = tpu.memref_squeeze %dma_wait3A_1181 : memref<1x16x1024xf32, #tpu.memory_space<hbm>> -> memref<16x1024xf32, #tpu.memory_space<hbm>>
    %dma_wait3A_1183 = arith.constant 0 : i32
    %dma_wait3A_1184 = arith.constant 0 : i32
    %dma_wait3A_1185 = tpu.memref_slice %arg11[%arg1, %dma_wait3A_1178, %dma_wait3A_1183, %dma_wait3A_1184] : memref<16x2x16x1024xf32, #tpu.memory_space<vmem_shared>> -> memref<1x1x16x1024xf32, #tpu.memory_space<vmem_shared>>
    %dma_wait3A_1186 = tpu.memref_squeeze %dma_wait3A_1185 : memref<1x1x16x1024xf32, #tpu.memory_space<vmem_shared>> -> memref<16x1024xf32, #tpu.memory_space<vmem_shared>>
    tpu.wait_dma2 semaphore(%arg26 : memref<!tpu.dma_semaphore, #tpu.memory_space<semaphore_mem>>) src(%dma_wait3A_1186 : memref<16x1024xf32, #tpu.memory_space<vmem_shared>>) dst(%dma_wait3A_1182 : memref<16x1024xf32, #tpu.memory_space<hbm>>)
    %dma_wait3A_1187 = arith.constant 1 : i32
    %dma_wait3A_1188 = arith.constant 1 : i32
    %dma_wait3A_1189 = arith.constant 1024 : i32
    %dma_wait3A_1190 = tpu.memref_slice %arg5[%dma_wait3A_1188, %add3A_894, %dma_wait3A_1189] : memref<4x4096x2304xf32, #tpu.memory_space<hbm>> -> memref<1x16x1024xf32, #tpu.memory_space<hbm>>
    %dma_wait3A_1191 = tpu.memref_squeeze %dma_wait3A_1190 : memref<1x16x1024xf32, #tpu.memory_space<hbm>> -> memref<16x1024xf32, #tpu.memory_space<hbm>>
    %dma_wait3A_1192 = arith.constant 0 : i32
    %dma_wait3A_1193 = arith.constant 0 : i32
    %dma_wait3A_1194 = tpu.memref_slice %arg11[%arg1, %dma_wait3A_1187, %dma_wait3A_1192, %dma_wait3A_1193] : memref<16x2x16x1024xf32, #tpu.memory_space<vmem_shared>> -> memref<1x1x16x1024xf32, #tpu.memory_space<vmem_shared>>
    %dma_wait3A_1195 = tpu.memref_squeeze %dma_wait3A_1194 : memref<1x1x16x1024xf32, #tpu.memory_space<vmem_shared>> -> memref<16x1024xf32, #tpu.memory_space<vmem_shared>>
    tpu.wait_dma2 semaphore(%arg26 : memref<!tpu.dma_semaphore, #tpu.memory_space<semaphore_mem>>) src(%dma_wait3A_1195 : memref<16x1024xf32, #tpu.memory_space<vmem_shared>>) dst(%dma_wait3A_1191 : memref<16x1024xf32, #tpu.memory_space<hbm>>)
    %dma_wait3A_1196 = arith.constant 1 : i32
    %dma_wait3A_1197 = arith.constant 2 : i32
    %dma_wait3A_1198 = arith.constant 1024 : i32
    %dma_wait3A_1199 = tpu.memref_slice %arg5[%dma_wait3A_1197, %add3A_987, %dma_wait3A_1198] : memref<4x4096x2304xf32, #tpu.memory_space<hbm>> -> memref<1x16x1024xf32, #tpu.memory_space<hbm>>
    %dma_wait3A_1200 = tpu.memref_squeeze %dma_wait3A_1199 : memref<1x16x1024xf32, #tpu.memory_space<hbm>> -> memref<16x1024xf32, #tpu.memory_space<hbm>>
    %dma_wait3A_1201 = arith.constant 0 : i32
    %dma_wait3A_1202 = arith.constant 0 : i32
    %dma_wait3A_1203 = tpu.memref_slice %arg11[%arg1, %dma_wait3A_1196, %dma_wait3A_1201, %dma_wait3A_1202] : memref<16x2x16x1024xf32, #tpu.memory_space<vmem_shared>> -> memref<1x1x16x1024xf32, #tpu.memory_space<vmem_shared>>
    %dma_wait3A_1204 = tpu.memref_squeeze %dma_wait3A_1203 : memref<1x1x16x1024xf32, #tpu.memory_space<vmem_shared>> -> memref<16x1024xf32, #tpu.memory_space<vmem_shared>>
    tpu.wait_dma2 semaphore(%arg26 : memref<!tpu.dma_semaphore, #tpu.memory_space<semaphore_mem>>) src(%dma_wait3A_1204 : memref<16x1024xf32, #tpu.memory_space<vmem_shared>>) dst(%dma_wait3A_1200 : memref<16x1024xf32, #tpu.memory_space<hbm>>)
    %dma_wait3A_1205 = arith.constant 1 : i32
    %dma_wait3A_1206 = arith.constant 3 : i32
    %dma_wait3A_1207 = arith.constant 1024 : i32
    %dma_wait3A_1208 = tpu.memref_slice %arg5[%dma_wait3A_1206, %add3A_1035, %dma_wait3A_1207] : memref<4x4096x2304xf32, #tpu.memory_space<hbm>> -> memref<1x16x1024xf32, #tpu.memory_space<hbm>>
    %dma_wait3A_1209 = tpu.memref_squeeze %dma_wait3A_1208 : memref<1x16x1024xf32, #tpu.memory_space<hbm>> -> memref<16x1024xf32, #tpu.memory_space<hbm>>
    %dma_wait3A_1210 = arith.constant 0 : i32
    %dma_wait3A_1211 = arith.constant 0 : i32
    %dma_wait3A_1212 = tpu.memref_slice %arg11[%arg1, %dma_wait3A_1205, %dma_wait3A_1210, %dma_wait3A_1211] : memref<16x2x16x1024xf32, #tpu.memory_space<vmem_shared>> -> memref<1x1x16x1024xf32, #tpu.memory_space<vmem_shared>>
    %dma_wait3A_1213 = tpu.memref_squeeze %dma_wait3A_1212 : memref<1x1x16x1024xf32, #tpu.memory_space<vmem_shared>> -> memref<16x1024xf32, #tpu.memory_space<vmem_shared>>
    tpu.wait_dma2 semaphore(%arg26 : memref<!tpu.dma_semaphore, #tpu.memory_space<semaphore_mem>>) src(%dma_wait3A_1213 : memref<16x1024xf32, #tpu.memory_space<vmem_shared>>) dst(%dma_wait3A_1209 : memref<16x1024xf32, #tpu.memory_space<hbm>>)
    %add3A_1214 = arith.constant 80 : i32
    %add3A_1215 = arith.addi %mul3A_2, %add3A_1214 : i32
    %dma_start3A_1216 = arith.constant 1 : i32
    %dma_start3A_1217 = arith.constant 0 : i32
    %dma_start3A_1218 = arith.constant 0 : i32
    %dma_start3A_1219 = tpu.memref_slice %arg11[%arg1, %dma_start3A_1216, %dma_start3A_1217, %dma_start3A_1218] : memref<16x2x16x1024xf32, #tpu.memory_space<vmem_shared>> -> memref<1x1x16x1024xf32, #tpu.memory_space<vmem_shared>>
    %dma_start3A_1220 = tpu.memref_squeeze %dma_start3A_1219 : memref<1x1x16x1024xf32, #tpu.memory_space<vmem_shared>> -> memref<16x1024xf32, #tpu.memory_space<vmem_shared>>
    %dma_start3A_1221 = arith.constant 0 : i32
    %dma_start3A_1222 = tpu.memref_slice %arg4[%add3A_1215, %dma_start3A_1221] : memref<4096x1024xf32, #tpu.memory_space<hbm>> -> memref<16x1024xf32, #tpu.memory_space<hbm>>
    tpu.enqueue_dma source(%dma_start3A_1222 : memref<16x1024xf32, #tpu.memory_space<hbm>>) target(%dma_start3A_1220 : memref<16x1024xf32, #tpu.memory_space<vmem_shared>>) target_semaphore(%arg24 : memref<!tpu.dma_semaphore, #tpu.memory_space<semaphore_mem>>)
    %dma_wait3A_1223 = arith.constant 2 : i32
    %dma_wait3A_1224 = arith.constant 0 : i32
    %dma_wait3A_1225 = tpu.memref_slice %arg2[%dma_wait3A_1223, %add3A_1019, %dma_wait3A_1224] : memref<4x4096x1024xf32, #tpu.memory_space<hbm>> -> memref<1x16x1024xf32, #tpu.memory_space<hbm>>
    %dma_wait3A_1226 = tpu.memref_squeeze %dma_wait3A_1225 : memref<1x16x1024xf32, #tpu.memory_space<hbm>> -> memref<16x1024xf32, #tpu.memory_space<hbm>>
    %dma_wait3A_1227 = arith.constant 0 : i32
    %dma_wait3A_1228 = tpu.memref_slice %arg2[%dma_wait3A_1223, %add3A_1019, %dma_wait3A_1227] : memref<4x4096x1024xf32, #tpu.memory_space<hbm>> -> memref<1x16x1024xf32, #tpu.memory_space<hbm>>
    %dma_wait3A_1229 = tpu.memref_squeeze %dma_wait3A_1228 : memref<1x16x1024xf32, #tpu.memory_space<hbm>> -> memref<16x1024xf32, #tpu.memory_space<hbm>>
    tpu.wait_dma2 semaphore(%arg16 : memref<!tpu.dma_semaphore, #tpu.memory_space<semaphore_mem>>) src(%dma_wait3A_1229 : memref<16x1024xf32, #tpu.memory_space<hbm>>) dst(%arg9 : memref<16x1024xf32, #tpu.memory_space<vmem>>)
    %add3A_1230 = arith.constant 64 : i32
    %add3A_1231 = arith.addi %mul3A_2, %add3A_1230 : i32
    %dma_start3A_1232 = arith.constant 2 : i32
    %dma_start3A_1233 = arith.constant 0 : i32
    %dma_start3A_1234 = tpu.memref_slice %arg5[%dma_start3A_1232, %add3A_1231, %dma_start3A_1233] : memref<4x4096x2304xf32, #tpu.memory_space<hbm>> -> memref<1x16x1024xf32, #tpu.memory_space<hbm>>
    %dma_start3A_1235 = tpu.memref_squeeze %dma_start3A_1234 : memref<1x16x1024xf32, #tpu.memory_space<hbm>> -> memref<16x1024xf32, #tpu.memory_space<hbm>>
    %dma_start3A_1236 = arith.constant 0 : i32
    %dma_start3A_1237 = tpu.memref_slice %arg5[%dma_start3A_1232, %add3A_1231, %dma_start3A_1236] : memref<4x4096x2304xf32, #tpu.memory_space<hbm>> -> memref<1x16x1024xf32, #tpu.memory_space<hbm>>
    %dma_start3A_1238 = tpu.memref_squeeze %dma_start3A_1237 : memref<1x16x1024xf32, #tpu.memory_space<hbm>> -> memref<16x1024xf32, #tpu.memory_space<hbm>>
    tpu.enqueue_dma source(%arg9 : memref<16x1024xf32, #tpu.memory_space<vmem>>) target(%dma_start3A_1238 : memref<16x1024xf32, #tpu.memory_space<hbm>>) target_semaphore(%arg21 : memref<!tpu.dma_semaphore, #tpu.memory_space<semaphore_mem>>)
    %dma_start3A_1239 = arith.constant 0 : i32
    %dma_start3A_1240 = arith.constant 2 : i32
    %dma_start3A_1241 = arith.constant 1024 : i32
    %dma_start3A_1242 = tpu.memref_slice %arg5[%dma_start3A_1240, %add3A_1231, %dma_start3A_1241] : memref<4x4096x2304xf32, #tpu.memory_space<hbm>> -> memref<1x16x1024xf32, #tpu.memory_space<hbm>>
    %dma_start3A_1243 = tpu.memref_squeeze %dma_start3A_1242 : memref<1x16x1024xf32, #tpu.memory_space<hbm>> -> memref<16x1024xf32, #tpu.memory_space<hbm>>
    %dma_start3A_1244 = arith.constant 0 : i32
    %dma_start3A_1245 = arith.constant 0 : i32
    %dma_start3A_1246 = tpu.memref_slice %arg11[%arg1, %dma_start3A_1239, %dma_start3A_1244, %dma_start3A_1245] : memref<16x2x16x1024xf32, #tpu.memory_space<vmem_shared>> -> memref<1x1x16x1024xf32, #tpu.memory_space<vmem_shared>>
    %dma_start3A_1247 = tpu.memref_squeeze %dma_start3A_1246 : memref<1x1x16x1024xf32, #tpu.memory_space<vmem_shared>> -> memref<16x1024xf32, #tpu.memory_space<vmem_shared>>
    tpu.enqueue_dma source(%dma_start3A_1247 : memref<16x1024xf32, #tpu.memory_space<vmem_shared>>) target(%dma_start3A_1243 : memref<16x1024xf32, #tpu.memory_space<hbm>>) target_semaphore(%arg25 : memref<!tpu.dma_semaphore, #tpu.memory_space<semaphore_mem>>)
    %dma_start3A_1248 = arith.constant 2 : i32
    %dma_start3A_1249 = arith.constant 2048 : i32
    %dma_start3A_1250 = tpu.memref_slice %arg5[%dma_start3A_1248, %add3A_1231, %dma_start3A_1249] : memref<4x4096x2304xf32, #tpu.memory_space<hbm>> -> memref<1x16x256xf32, #tpu.memory_space<hbm>>
    %dma_start3A_1251 = tpu.memref_squeeze %dma_start3A_1250 : memref<1x16x256xf32, #tpu.memory_space<hbm>> -> memref<16x256xf32, #tpu.memory_space<hbm>>
    %dma_start3A_1252 = arith.constant 2048 : i32
    %dma_start3A_1253 = tpu.memref_slice %arg5[%dma_start3A_1248, %add3A_1231, %dma_start3A_1252] : memref<4x4096x2304xf32, #tpu.memory_space<hbm>> -> memref<1x16x256xf32, #tpu.memory_space<hbm>>
    %dma_start3A_1254 = tpu.memref_squeeze %dma_start3A_1253 : memref<1x16x256xf32, #tpu.memory_space<hbm>> -> memref<16x256xf32, #tpu.memory_space<hbm>>
    tpu.enqueue_dma source(%arg12 : memref<16x256xf32, #tpu.memory_space<vmem>>) target(%dma_start3A_1254 : memref<16x256xf32, #tpu.memory_space<hbm>>) target_semaphore(%arg27 : memref<!tpu.dma_semaphore, #tpu.memory_space<semaphore_mem>>)
    %dma_wait3A_1255 = arith.constant 1 : i32
    %dma_wait3A_1256 = arith.constant 0 : i32
    %dma_wait3A_1257 = tpu.memref_slice %arg5[%dma_wait3A_1255, %add3A_1138, %dma_wait3A_1256] : memref<4x4096x2304xf32, #tpu.memory_space<hbm>> -> memref<1x16x1024xf32, #tpu.memory_space<hbm>>
    %dma_wait3A_1258 = tpu.memref_squeeze %dma_wait3A_1257 : memref<1x16x1024xf32, #tpu.memory_space<hbm>> -> memref<16x1024xf32, #tpu.memory_space<hbm>>
    %dma_wait3A_1259 = arith.constant 0 : i32
    %dma_wait3A_1260 = tpu.memref_slice %arg5[%dma_wait3A_1255, %add3A_1138, %dma_wait3A_1259] : memref<4x4096x2304xf32, #tpu.memory_space<hbm>> -> memref<1x16x1024xf32, #tpu.memory_space<hbm>>
    %dma_wait3A_1261 = tpu.memref_squeeze %dma_wait3A_1260 : memref<1x16x1024xf32, #tpu.memory_space<hbm>> -> memref<16x1024xf32, #tpu.memory_space<hbm>>
    tpu.wait_dma2 semaphore(%arg20 : memref<!tpu.dma_semaphore, #tpu.memory_space<semaphore_mem>>) src(%arg8 : memref<16x1024xf32, #tpu.memory_space<vmem>>) dst(%dma_wait3A_1261 : memref<16x1024xf32, #tpu.memory_space<hbm>>)
    %add3A_1262 = arith.constant 80 : i32
    %add3A_1263 = arith.addi %mul3A_2, %add3A_1262 : i32
    %dma_start3A_1264 = arith.constant 2 : i32
    %dma_start3A_1265 = arith.constant 0 : i32
    %dma_start3A_1266 = tpu.memref_slice %arg2[%dma_start3A_1264, %add3A_1263, %dma_start3A_1265] : memref<4x4096x1024xf32, #tpu.memory_space<hbm>> -> memref<1x16x1024xf32, #tpu.memory_space<hbm>>
    %dma_start3A_1267 = tpu.memref_squeeze %dma_start3A_1266 : memref<1x16x1024xf32, #tpu.memory_space<hbm>> -> memref<16x1024xf32, #tpu.memory_space<hbm>>
    %dma_start3A_1268 = arith.constant 0 : i32
    %dma_start3A_1269 = tpu.memref_slice %arg2[%dma_start3A_1264, %add3A_1263, %dma_start3A_1268] : memref<4x4096x1024xf32, #tpu.memory_space<hbm>> -> memref<1x16x1024xf32, #tpu.memory_space<hbm>>
    %dma_start3A_1270 = tpu.memref_squeeze %dma_start3A_1269 : memref<1x16x1024xf32, #tpu.memory_space<hbm>> -> memref<16x1024xf32, #tpu.memory_space<hbm>>
    tpu.enqueue_dma source(%dma_start3A_1270 : memref<16x1024xf32, #tpu.memory_space<hbm>>) target(%arg8 : memref<16x1024xf32, #tpu.memory_space<vmem>>) target_semaphore(%arg15 : memref<!tpu.dma_semaphore, #tpu.memory_space<semaphore_mem>>)
    %dma_wait3A_1271 = arith.constant 3 : i32
    %dma_wait3A_1272 = arith.constant 0 : i32
    %dma_wait3A_1273 = tpu.memref_slice %arg2[%dma_wait3A_1271, %add3A_1067, %dma_wait3A_1272] : memref<4x4096x1024xf32, #tpu.memory_space<hbm>> -> memref<1x16x1024xf32, #tpu.memory_space<hbm>>
    %dma_wait3A_1274 = tpu.memref_squeeze %dma_wait3A_1273 : memref<1x16x1024xf32, #tpu.memory_space<hbm>> -> memref<16x1024xf32, #tpu.memory_space<hbm>>
    %dma_wait3A_1275 = arith.constant 0 : i32
    %dma_wait3A_1276 = tpu.memref_slice %arg2[%dma_wait3A_1271, %add3A_1067, %dma_wait3A_1275] : memref<4x4096x1024xf32, #tpu.memory_space<hbm>> -> memref<1x16x1024xf32, #tpu.memory_space<hbm>>
    %dma_wait3A_1277 = tpu.memref_squeeze %dma_wait3A_1276 : memref<1x16x1024xf32, #tpu.memory_space<hbm>> -> memref<16x1024xf32, #tpu.memory_space<hbm>>
    tpu.wait_dma2 semaphore(%arg17 : memref<!tpu.dma_semaphore, #tpu.memory_space<semaphore_mem>>) src(%dma_wait3A_1277 : memref<16x1024xf32, #tpu.memory_space<hbm>>) dst(%arg10 : memref<16x1024xf32, #tpu.memory_space<vmem>>)
    %add3A_1278 = arith.constant 64 : i32
    %add3A_1279 = arith.addi %mul3A_2, %add3A_1278 : i32
    %dma_start3A_1280 = arith.constant 3 : i32
    %dma_start3A_1281 = arith.constant 0 : i32
    %dma_start3A_1282 = tpu.memref_slice %arg5[%dma_start3A_1280, %add3A_1279, %dma_start3A_1281] : memref<4x4096x2304xf32, #tpu.memory_space<hbm>> -> memref<1x16x1024xf32, #tpu.memory_space<hbm>>
    %dma_start3A_1283 = tpu.memref_squeeze %dma_start3A_1282 : memref<1x16x1024xf32, #tpu.memory_space<hbm>> -> memref<16x1024xf32, #tpu.memory_space<hbm>>
    %dma_start3A_1284 = arith.constant 0 : i32
    %dma_start3A_1285 = tpu.memref_slice %arg5[%dma_start3A_1280, %add3A_1279, %dma_start3A_1284] : memref<4x4096x2304xf32, #tpu.memory_space<hbm>> -> memref<1x16x1024xf32, #tpu.memory_space<hbm>>
    %dma_start3A_1286 = tpu.memref_squeeze %dma_start3A_1285 : memref<1x16x1024xf32, #tpu.memory_space<hbm>> -> memref<16x1024xf32, #tpu.memory_space<hbm>>
    tpu.enqueue_dma source(%arg10 : memref<16x1024xf32, #tpu.memory_space<vmem>>) target(%dma_start3A_1286 : memref<16x1024xf32, #tpu.memory_space<hbm>>) target_semaphore(%arg22 : memref<!tpu.dma_semaphore, #tpu.memory_space<semaphore_mem>>)
    %dma_start3A_1287 = arith.constant 0 : i32
    %dma_start3A_1288 = arith.constant 3 : i32
    %dma_start3A_1289 = arith.constant 1024 : i32
    %dma_start3A_1290 = tpu.memref_slice %arg5[%dma_start3A_1288, %add3A_1279, %dma_start3A_1289] : memref<4x4096x2304xf32, #tpu.memory_space<hbm>> -> memref<1x16x1024xf32, #tpu.memory_space<hbm>>
    %dma_start3A_1291 = tpu.memref_squeeze %dma_start3A_1290 : memref<1x16x1024xf32, #tpu.memory_space<hbm>> -> memref<16x1024xf32, #tpu.memory_space<hbm>>
    %dma_start3A_1292 = arith.constant 0 : i32
    %dma_start3A_1293 = arith.constant 0 : i32
    %dma_start3A_1294 = tpu.memref_slice %arg11[%arg1, %dma_start3A_1287, %dma_start3A_1292, %dma_start3A_1293] : memref<16x2x16x1024xf32, #tpu.memory_space<vmem_shared>> -> memref<1x1x16x1024xf32, #tpu.memory_space<vmem_shared>>
    %dma_start3A_1295 = tpu.memref_squeeze %dma_start3A_1294 : memref<1x1x16x1024xf32, #tpu.memory_space<vmem_shared>> -> memref<16x1024xf32, #tpu.memory_space<vmem_shared>>
    tpu.enqueue_dma source(%dma_start3A_1295 : memref<16x1024xf32, #tpu.memory_space<vmem_shared>>) target(%dma_start3A_1291 : memref<16x1024xf32, #tpu.memory_space<hbm>>) target_semaphore(%arg25 : memref<!tpu.dma_semaphore, #tpu.memory_space<semaphore_mem>>)
    %dma_start3A_1296 = arith.constant 3 : i32
    %dma_start3A_1297 = arith.constant 2048 : i32
    %dma_start3A_1298 = tpu.memref_slice %arg5[%dma_start3A_1296, %add3A_1279, %dma_start3A_1297] : memref<4x4096x2304xf32, #tpu.memory_space<hbm>> -> memref<1x16x256xf32, #tpu.memory_space<hbm>>
    %dma_start3A_1299 = tpu.memref_squeeze %dma_start3A_1298 : memref<1x16x256xf32, #tpu.memory_space<hbm>> -> memref<16x256xf32, #tpu.memory_space<hbm>>
    %dma_start3A_1300 = arith.constant 2048 : i32
    %dma_start3A_1301 = tpu.memref_slice %arg5[%dma_start3A_1296, %add3A_1279, %dma_start3A_1300] : memref<4x4096x2304xf32, #tpu.memory_space<hbm>> -> memref<1x16x256xf32, #tpu.memory_space<hbm>>
    %dma_start3A_1302 = tpu.memref_squeeze %dma_start3A_1301 : memref<1x16x256xf32, #tpu.memory_space<hbm>> -> memref<16x256xf32, #tpu.memory_space<hbm>>
    tpu.enqueue_dma source(%arg12 : memref<16x256xf32, #tpu.memory_space<vmem>>) target(%dma_start3A_1302 : memref<16x256xf32, #tpu.memory_space<hbm>>) target_semaphore(%arg27 : memref<!tpu.dma_semaphore, #tpu.memory_space<semaphore_mem>>)
    %dma_wait3A_1303 = arith.constant 2 : i32
    %dma_wait3A_1304 = arith.constant 0 : i32
    %dma_wait3A_1305 = tpu.memref_slice %arg5[%dma_wait3A_1303, %add3A_1231, %dma_wait3A_1304] : memref<4x4096x2304xf32, #tpu.memory_space<hbm>> -> memref<1x16x1024xf32, #tpu.memory_space<hbm>>
    %dma_wait3A_1306 = tpu.memref_squeeze %dma_wait3A_1305 : memref<1x16x1024xf32, #tpu.memory_space<hbm>> -> memref<16x1024xf32, #tpu.memory_space<hbm>>
    %dma_wait3A_1307 = arith.constant 0 : i32
    %dma_wait3A_1308 = tpu.memref_slice %arg5[%dma_wait3A_1303, %add3A_1231, %dma_wait3A_1307] : memref<4x4096x2304xf32, #tpu.memory_space<hbm>> -> memref<1x16x1024xf32, #tpu.memory_space<hbm>>
    %dma_wait3A_1309 = tpu.memref_squeeze %dma_wait3A_1308 : memref<1x16x1024xf32, #tpu.memory_space<hbm>> -> memref<16x1024xf32, #tpu.memory_space<hbm>>
    tpu.wait_dma2 semaphore(%arg21 : memref<!tpu.dma_semaphore, #tpu.memory_space<semaphore_mem>>) src(%arg9 : memref<16x1024xf32, #tpu.memory_space<vmem>>) dst(%dma_wait3A_1309 : memref<16x1024xf32, #tpu.memory_space<hbm>>)
    %add3A_1310 = arith.constant 80 : i32
    %add3A_1311 = arith.addi %mul3A_2, %add3A_1310 : i32
    %dma_start3A_1312 = arith.constant 3 : i32
    %dma_start3A_1313 = arith.constant 0 : i32
    %dma_start3A_1314 = tpu.memref_slice %arg2[%dma_start3A_1312, %add3A_1311, %dma_start3A_1313] : memref<4x4096x1024xf32, #tpu.memory_space<hbm>> -> memref<1x16x1024xf32, #tpu.memory_space<hbm>>
    %dma_start3A_1315 = tpu.memref_squeeze %dma_start3A_1314 : memref<1x16x1024xf32, #tpu.memory_space<hbm>> -> memref<16x1024xf32, #tpu.memory_space<hbm>>
    %dma_start3A_1316 = arith.constant 0 : i32
    %dma_start3A_1317 = tpu.memref_slice %arg2[%dma_start3A_1312, %add3A_1311, %dma_start3A_1316] : memref<4x4096x1024xf32, #tpu.memory_space<hbm>> -> memref<1x16x1024xf32, #tpu.memory_space<hbm>>
    %dma_start3A_1318 = tpu.memref_squeeze %dma_start3A_1317 : memref<1x16x1024xf32, #tpu.memory_space<hbm>> -> memref<16x1024xf32, #tpu.memory_space<hbm>>
    tpu.enqueue_dma source(%dma_start3A_1318 : memref<16x1024xf32, #tpu.memory_space<hbm>>) target(%arg9 : memref<16x1024xf32, #tpu.memory_space<vmem>>) target_semaphore(%arg16 : memref<!tpu.dma_semaphore, #tpu.memory_space<semaphore_mem>>)
    %dma_wait3A_1319 = arith.constant 0 : i32
    %dma_wait3A_1320 = arith.constant 0 : i32
    %dma_wait3A_1321 = tpu.memref_slice %arg2[%dma_wait3A_1319, %add3A_1122, %dma_wait3A_1320] : memref<4x4096x1024xf32, #tpu.memory_space<hbm>> -> memref<1x16x1024xf32, #tpu.memory_space<hbm>>
    %dma_wait3A_1322 = tpu.memref_squeeze %dma_wait3A_1321 : memref<1x16x1024xf32, #tpu.memory_space<hbm>> -> memref<16x1024xf32, #tpu.memory_space<hbm>>
    %dma_wait3A_1323 = arith.constant 0 : i32
    %dma_wait3A_1324 = tpu.memref_slice %arg2[%dma_wait3A_1319, %add3A_1122, %dma_wait3A_1323] : memref<4x4096x1024xf32, #tpu.memory_space<hbm>> -> memref<1x16x1024xf32, #tpu.memory_space<hbm>>
    %dma_wait3A_1325 = tpu.memref_squeeze %dma_wait3A_1324 : memref<1x16x1024xf32, #tpu.memory_space<hbm>> -> memref<16x1024xf32, #tpu.memory_space<hbm>>
    tpu.wait_dma2 semaphore(%arg13 : memref<!tpu.dma_semaphore, #tpu.memory_space<semaphore_mem>>) src(%dma_wait3A_1325 : memref<16x1024xf32, #tpu.memory_space<hbm>>) dst(%arg6 : memref<16x1024xf32, #tpu.memory_space<vmem>>)
    %dma_wait3A_1326 = arith.constant 1 : i32
    %dma_wait3A_1327 = arith.constant 0 : i32
    %dma_wait3A_1328 = arith.constant 0 : i32
    %dma_wait3A_1329 = tpu.memref_slice %arg11[%arg1, %dma_wait3A_1326, %dma_wait3A_1327, %dma_wait3A_1328] : memref<16x2x16x1024xf32, #tpu.memory_space<vmem_shared>> -> memref<1x1x16x1024xf32, #tpu.memory_space<vmem_shared>>
    %dma_wait3A_1330 = tpu.memref_squeeze %dma_wait3A_1329 : memref<1x1x16x1024xf32, #tpu.memory_space<vmem_shared>> -> memref<16x1024xf32, #tpu.memory_space<vmem_shared>>
    %dma_wait3A_1331 = arith.constant 0 : i32
    %dma_wait3A_1332 = tpu.memref_slice %arg4[%add3A_1215, %dma_wait3A_1331] : memref<4096x1024xf32, #tpu.memory_space<hbm>> -> memref<16x1024xf32, #tpu.memory_space<hbm>>
    tpu.wait_dma2 semaphore(%arg24 : memref<!tpu.dma_semaphore, #tpu.memory_space<semaphore_mem>>) src(%dma_wait3A_1332 : memref<16x1024xf32, #tpu.memory_space<hbm>>) dst(%dma_wait3A_1330 : memref<16x1024xf32, #tpu.memory_space<vmem_shared>>)
    %add3A_1333 = arith.constant 80 : i32
    %add3A_1334 = arith.addi %mul3A_2, %add3A_1333 : i32
    %dma_start3A_1335 = arith.constant 0 : i32
    %dma_start3A_1336 = arith.constant 0 : i32
    %dma_start3A_1337 = tpu.memref_slice %arg5[%dma_start3A_1335, %add3A_1334, %dma_start3A_1336] : memref<4x4096x2304xf32, #tpu.memory_space<hbm>> -> memref<1x16x1024xf32, #tpu.memory_space<hbm>>
    %dma_start3A_1338 = tpu.memref_squeeze %dma_start3A_1337 : memref<1x16x1024xf32, #tpu.memory_space<hbm>> -> memref<16x1024xf32, #tpu.memory_space<hbm>>
    %dma_start3A_1339 = arith.constant 0 : i32
    %dma_start3A_1340 = tpu.memref_slice %arg5[%dma_start3A_1335, %add3A_1334, %dma_start3A_1339] : memref<4x4096x2304xf32, #tpu.memory_space<hbm>> -> memref<1x16x1024xf32, #tpu.memory_space<hbm>>
    %dma_start3A_1341 = tpu.memref_squeeze %dma_start3A_1340 : memref<1x16x1024xf32, #tpu.memory_space<hbm>> -> memref<16x1024xf32, #tpu.memory_space<hbm>>
    tpu.enqueue_dma source(%arg6 : memref<16x1024xf32, #tpu.memory_space<vmem>>) target(%dma_start3A_1341 : memref<16x1024xf32, #tpu.memory_space<hbm>>) target_semaphore(%arg18 : memref<!tpu.dma_semaphore, #tpu.memory_space<semaphore_mem>>)
    %dma_start3A_1342 = arith.constant 1 : i32
    %dma_start3A_1343 = arith.constant 0 : i32
    %dma_start3A_1344 = arith.constant 1024 : i32
    %dma_start3A_1345 = tpu.memref_slice %arg5[%dma_start3A_1343, %add3A_1334, %dma_start3A_1344] : memref<4x4096x2304xf32, #tpu.memory_space<hbm>> -> memref<1x16x1024xf32, #tpu.memory_space<hbm>>
    %dma_start3A_1346 = tpu.memref_squeeze %dma_start3A_1345 : memref<1x16x1024xf32, #tpu.memory_space<hbm>> -> memref<16x1024xf32, #tpu.memory_space<hbm>>
    %dma_start3A_1347 = arith.constant 0 : i32
    %dma_start3A_1348 = arith.constant 0 : i32
    %dma_start3A_1349 = tpu.memref_slice %arg11[%arg1, %dma_start3A_1342, %dma_start3A_1347, %dma_start3A_1348] : memref<16x2x16x1024xf32, #tpu.memory_space<vmem_shared>> -> memref<1x1x16x1024xf32, #tpu.memory_space<vmem_shared>>
    %dma_start3A_1350 = tpu.memref_squeeze %dma_start3A_1349 : memref<1x1x16x1024xf32, #tpu.memory_space<vmem_shared>> -> memref<16x1024xf32, #tpu.memory_space<vmem_shared>>
    tpu.enqueue_dma source(%dma_start3A_1350 : memref<16x1024xf32, #tpu.memory_space<vmem_shared>>) target(%dma_start3A_1346 : memref<16x1024xf32, #tpu.memory_space<hbm>>) target_semaphore(%arg26 : memref<!tpu.dma_semaphore, #tpu.memory_space<semaphore_mem>>)
    %dma_start3A_1351 = arith.constant 0 : i32
    %dma_start3A_1352 = arith.constant 2048 : i32
    %dma_start3A_1353 = tpu.memref_slice %arg5[%dma_start3A_1351, %add3A_1334, %dma_start3A_1352] : memref<4x4096x2304xf32, #tpu.memory_space<hbm>> -> memref<1x16x256xf32, #tpu.memory_space<hbm>>
    %dma_start3A_1354 = tpu.memref_squeeze %dma_start3A_1353 : memref<1x16x256xf32, #tpu.memory_space<hbm>> -> memref<16x256xf32, #tpu.memory_space<hbm>>
    %dma_start3A_1355 = arith.constant 2048 : i32
    %dma_start3A_1356 = tpu.memref_slice %arg5[%dma_start3A_1351, %add3A_1334, %dma_start3A_1355] : memref<4x4096x2304xf32, #tpu.memory_space<hbm>> -> memref<1x16x256xf32, #tpu.memory_space<hbm>>
    %dma_start3A_1357 = tpu.memref_squeeze %dma_start3A_1356 : memref<1x16x256xf32, #tpu.memory_space<hbm>> -> memref<16x256xf32, #tpu.memory_space<hbm>>
    tpu.enqueue_dma source(%arg12 : memref<16x256xf32, #tpu.memory_space<vmem>>) target(%dma_start3A_1357 : memref<16x256xf32, #tpu.memory_space<hbm>>) target_semaphore(%arg27 : memref<!tpu.dma_semaphore, #tpu.memory_space<semaphore_mem>>)
    %dma_wait3A_1358 = arith.constant 3 : i32
    %dma_wait3A_1359 = arith.constant 0 : i32
    %dma_wait3A_1360 = tpu.memref_slice %arg5[%dma_wait3A_1358, %add3A_1279, %dma_wait3A_1359] : memref<4x4096x2304xf32, #tpu.memory_space<hbm>> -> memref<1x16x1024xf32, #tpu.memory_space<hbm>>
    %dma_wait3A_1361 = tpu.memref_squeeze %dma_wait3A_1360 : memref<1x16x1024xf32, #tpu.memory_space<hbm>> -> memref<16x1024xf32, #tpu.memory_space<hbm>>
    %dma_wait3A_1362 = arith.constant 0 : i32
    %dma_wait3A_1363 = tpu.memref_slice %arg5[%dma_wait3A_1358, %add3A_1279, %dma_wait3A_1362] : memref<4x4096x2304xf32, #tpu.memory_space<hbm>> -> memref<1x16x1024xf32, #tpu.memory_space<hbm>>
    %dma_wait3A_1364 = tpu.memref_squeeze %dma_wait3A_1363 : memref<1x16x1024xf32, #tpu.memory_space<hbm>> -> memref<16x1024xf32, #tpu.memory_space<hbm>>
    tpu.wait_dma2 semaphore(%arg22 : memref<!tpu.dma_semaphore, #tpu.memory_space<semaphore_mem>>) src(%arg10 : memref<16x1024xf32, #tpu.memory_space<vmem>>) dst(%dma_wait3A_1364 : memref<16x1024xf32, #tpu.memory_space<hbm>>)
    %add3A_1365 = arith.constant 96 : i32
    %add3A_1366 = arith.addi %mul3A_2, %add3A_1365 : i32
    %dma_start3A_1367 = arith.constant 0 : i32
    %dma_start3A_1368 = arith.constant 0 : i32
    %dma_start3A_1369 = tpu.memref_slice %arg2[%dma_start3A_1367, %add3A_1366, %dma_start3A_1368] : memref<4x4096x1024xf32, #tpu.memory_space<hbm>> -> memref<1x16x1024xf32, #tpu.memory_space<hbm>>
    %dma_start3A_1370 = tpu.memref_squeeze %dma_start3A_1369 : memref<1x16x1024xf32, #tpu.memory_space<hbm>> -> memref<16x1024xf32, #tpu.memory_space<hbm>>
    %dma_start3A_1371 = arith.constant 0 : i32
    %dma_start3A_1372 = tpu.memref_slice %arg2[%dma_start3A_1367, %add3A_1366, %dma_start3A_1371] : memref<4x4096x1024xf32, #tpu.memory_space<hbm>> -> memref<1x16x1024xf32, #tpu.memory_space<hbm>>
    %dma_start3A_1373 = tpu.memref_squeeze %dma_start3A_1372 : memref<1x16x1024xf32, #tpu.memory_space<hbm>> -> memref<16x1024xf32, #tpu.memory_space<hbm>>
    tpu.enqueue_dma source(%dma_start3A_1373 : memref<16x1024xf32, #tpu.memory_space<hbm>>) target(%arg10 : memref<16x1024xf32, #tpu.memory_space<vmem>>) target_semaphore(%arg17 : memref<!tpu.dma_semaphore, #tpu.memory_space<semaphore_mem>>)
    %dma_wait3A_1374 = arith.constant 1 : i32
    %dma_wait3A_1375 = arith.constant 0 : i32
    %dma_wait3A_1376 = tpu.memref_slice %arg2[%dma_wait3A_1374, %add3A_1170, %dma_wait3A_1375] : memref<4x4096x1024xf32, #tpu.memory_space<hbm>> -> memref<1x16x1024xf32, #tpu.memory_space<hbm>>
    %dma_wait3A_1377 = tpu.memref_squeeze %dma_wait3A_1376 : memref<1x16x1024xf32, #tpu.memory_space<hbm>> -> memref<16x1024xf32, #tpu.memory_space<hbm>>
    %dma_wait3A_1378 = arith.constant 0 : i32
    %dma_wait3A_1379 = tpu.memref_slice %arg2[%dma_wait3A_1374, %add3A_1170, %dma_wait3A_1378] : memref<4x4096x1024xf32, #tpu.memory_space<hbm>> -> memref<1x16x1024xf32, #tpu.memory_space<hbm>>
    %dma_wait3A_1380 = tpu.memref_squeeze %dma_wait3A_1379 : memref<1x16x1024xf32, #tpu.memory_space<hbm>> -> memref<16x1024xf32, #tpu.memory_space<hbm>>
    tpu.wait_dma2 semaphore(%arg14 : memref<!tpu.dma_semaphore, #tpu.memory_space<semaphore_mem>>) src(%dma_wait3A_1380 : memref<16x1024xf32, #tpu.memory_space<hbm>>) dst(%arg7 : memref<16x1024xf32, #tpu.memory_space<vmem>>)
    %add3A_1381 = arith.constant 80 : i32
    %add3A_1382 = arith.addi %mul3A_2, %add3A_1381 : i32
    %dma_start3A_1383 = arith.constant 1 : i32
    %dma_start3A_1384 = arith.constant 0 : i32
    %dma_start3A_1385 = tpu.memref_slice %arg5[%dma_start3A_1383, %add3A_1382, %dma_start3A_1384] : memref<4x4096x2304xf32, #tpu.memory_space<hbm>> -> memref<1x16x1024xf32, #tpu.memory_space<hbm>>
    %dma_start3A_1386 = tpu.memref_squeeze %dma_start3A_1385 : memref<1x16x1024xf32, #tpu.memory_space<hbm>> -> memref<16x1024xf32, #tpu.memory_space<hbm>>
    %dma_start3A_1387 = arith.constant 0 : i32
    %dma_start3A_1388 = tpu.memref_slice %arg5[%dma_start3A_1383, %add3A_1382, %dma_start3A_1387] : memref<4x4096x2304xf32, #tpu.memory_space<hbm>> -> memref<1x16x1024xf32, #tpu.memory_space<hbm>>
    %dma_start3A_1389 = tpu.memref_squeeze %dma_start3A_1388 : memref<1x16x1024xf32, #tpu.memory_space<hbm>> -> memref<16x1024xf32, #tpu.memory_space<hbm>>
    tpu.enqueue_dma source(%arg7 : memref<16x1024xf32, #tpu.memory_space<vmem>>) target(%dma_start3A_1389 : memref<16x1024xf32, #tpu.memory_space<hbm>>) target_semaphore(%arg19 : memref<!tpu.dma_semaphore, #tpu.memory_space<semaphore_mem>>)
    %dma_start3A_1390 = arith.constant 1 : i32
    %dma_start3A_1391 = arith.constant 1 : i32
    %dma_start3A_1392 = arith.constant 1024 : i32
    %dma_start3A_1393 = tpu.memref_slice %arg5[%dma_start3A_1391, %add3A_1382, %dma_start3A_1392] : memref<4x4096x2304xf32, #tpu.memory_space<hbm>> -> memref<1x16x1024xf32, #tpu.memory_space<hbm>>
    %dma_start3A_1394 = tpu.memref_squeeze %dma_start3A_1393 : memref<1x16x1024xf32, #tpu.memory_space<hbm>> -> memref<16x1024xf32, #tpu.memory_space<hbm>>
    %dma_start3A_1395 = arith.constant 0 : i32
    %dma_start3A_1396 = arith.constant 0 : i32
    %dma_start3A_1397 = tpu.memref_slice %arg11[%arg1, %dma_start3A_1390, %dma_start3A_1395, %dma_start3A_1396] : memref<16x2x16x1024xf32, #tpu.memory_space<vmem_shared>> -> memref<1x1x16x1024xf32, #tpu.memory_space<vmem_shared>>
    %dma_start3A_1398 = tpu.memref_squeeze %dma_start3A_1397 : memref<1x1x16x1024xf32, #tpu.memory_space<vmem_shared>> -> memref<16x1024xf32, #tpu.memory_space<vmem_shared>>
    tpu.enqueue_dma source(%dma_start3A_1398 : memref<16x1024xf32, #tpu.memory_space<vmem_shared>>) target(%dma_start3A_1394 : memref<16x1024xf32, #tpu.memory_space<hbm>>) target_semaphore(%arg26 : memref<!tpu.dma_semaphore, #tpu.memory_space<semaphore_mem>>)
    %dma_start3A_1399 = arith.constant 1 : i32
    %dma_start3A_1400 = arith.constant 2048 : i32
    %dma_start3A_1401 = tpu.memref_slice %arg5[%dma_start3A_1399, %add3A_1382, %dma_start3A_1400] : memref<4x4096x2304xf32, #tpu.memory_space<hbm>> -> memref<1x16x256xf32, #tpu.memory_space<hbm>>
    %dma_start3A_1402 = tpu.memref_squeeze %dma_start3A_1401 : memref<1x16x256xf32, #tpu.memory_space<hbm>> -> memref<16x256xf32, #tpu.memory_space<hbm>>
    %dma_start3A_1403 = arith.constant 2048 : i32
    %dma_start3A_1404 = tpu.memref_slice %arg5[%dma_start3A_1399, %add3A_1382, %dma_start3A_1403] : memref<4x4096x2304xf32, #tpu.memory_space<hbm>> -> memref<1x16x256xf32, #tpu.memory_space<hbm>>
    %dma_start3A_1405 = tpu.memref_squeeze %dma_start3A_1404 : memref<1x16x256xf32, #tpu.memory_space<hbm>> -> memref<16x256xf32, #tpu.memory_space<hbm>>
    tpu.enqueue_dma source(%arg12 : memref<16x256xf32, #tpu.memory_space<vmem>>) target(%dma_start3A_1405 : memref<16x256xf32, #tpu.memory_space<hbm>>) target_semaphore(%arg27 : memref<!tpu.dma_semaphore, #tpu.memory_space<semaphore_mem>>)
    %dma_wait3A_1406 = arith.constant 0 : i32
    %dma_wait3A_1407 = arith.constant 0 : i32
    %dma_wait3A_1408 = tpu.memref_slice %arg5[%dma_wait3A_1406, %add3A_1334, %dma_wait3A_1407] : memref<4x4096x2304xf32, #tpu.memory_space<hbm>> -> memref<1x16x1024xf32, #tpu.memory_space<hbm>>
    %dma_wait3A_1409 = tpu.memref_squeeze %dma_wait3A_1408 : memref<1x16x1024xf32, #tpu.memory_space<hbm>> -> memref<16x1024xf32, #tpu.memory_space<hbm>>
    %dma_wait3A_1410 = arith.constant 0 : i32
    %dma_wait3A_1411 = tpu.memref_slice %arg5[%dma_wait3A_1406, %add3A_1334, %dma_wait3A_1410] : memref<4x4096x2304xf32, #tpu.memory_space<hbm>> -> memref<1x16x1024xf32, #tpu.memory_space<hbm>>
    %dma_wait3A_1412 = tpu.memref_squeeze %dma_wait3A_1411 : memref<1x16x1024xf32, #tpu.memory_space<hbm>> -> memref<16x1024xf32, #tpu.memory_space<hbm>>
    tpu.wait_dma2 semaphore(%arg18 : memref<!tpu.dma_semaphore, #tpu.memory_space<semaphore_mem>>) src(%arg6 : memref<16x1024xf32, #tpu.memory_space<vmem>>) dst(%dma_wait3A_1412 : memref<16x1024xf32, #tpu.memory_space<hbm>>)
    %add3A_1413 = arith.constant 96 : i32
    %add3A_1414 = arith.addi %mul3A_2, %add3A_1413 : i32
    %dma_start3A_1415 = arith.constant 1 : i32
    %dma_start3A_1416 = arith.constant 0 : i32
    %dma_start3A_1417 = tpu.memref_slice %arg2[%dma_start3A_1415, %add3A_1414, %dma_start3A_1416] : memref<4x4096x1024xf32, #tpu.memory_space<hbm>> -> memref<1x16x1024xf32, #tpu.memory_space<hbm>>
    %dma_start3A_1418 = tpu.memref_squeeze %dma_start3A_1417 : memref<1x16x1024xf32, #tpu.memory_space<hbm>> -> memref<16x1024xf32, #tpu.memory_space<hbm>>
    %dma_start3A_1419 = arith.constant 0 : i32
    %dma_start3A_1420 = tpu.memref_slice %arg2[%dma_start3A_1415, %add3A_1414, %dma_start3A_1419] : memref<4x4096x1024xf32, #tpu.memory_space<hbm>> -> memref<1x16x1024xf32, #tpu.memory_space<hbm>>
    %dma_start3A_1421 = tpu.memref_squeeze %dma_start3A_1420 : memref<1x16x1024xf32, #tpu.memory_space<hbm>> -> memref<16x1024xf32, #tpu.memory_space<hbm>>
    tpu.enqueue_dma source(%dma_start3A_1421 : memref<16x1024xf32, #tpu.memory_space<hbm>>) target(%arg6 : memref<16x1024xf32, #tpu.memory_space<vmem>>) target_semaphore(%arg13 : memref<!tpu.dma_semaphore, #tpu.memory_space<semaphore_mem>>)
    %dma_wait3A_1422 = arith.constant 0 : i32
    %dma_wait3A_1423 = arith.constant 0 : i32
    %dma_wait3A_1424 = arith.constant 1024 : i32
    %dma_wait3A_1425 = tpu.memref_slice %arg5[%dma_wait3A_1423, %add3A_1090, %dma_wait3A_1424] : memref<4x4096x2304xf32, #tpu.memory_space<hbm>> -> memref<1x16x1024xf32, #tpu.memory_space<hbm>>
    %dma_wait3A_1426 = tpu.memref_squeeze %dma_wait3A_1425 : memref<1x16x1024xf32, #tpu.memory_space<hbm>> -> memref<16x1024xf32, #tpu.memory_space<hbm>>
    %dma_wait3A_1427 = arith.constant 0 : i32
    %dma_wait3A_1428 = arith.constant 0 : i32
    %dma_wait3A_1429 = tpu.memref_slice %arg11[%arg1, %dma_wait3A_1422, %dma_wait3A_1427, %dma_wait3A_1428] : memref<16x2x16x1024xf32, #tpu.memory_space<vmem_shared>> -> memref<1x1x16x1024xf32, #tpu.memory_space<vmem_shared>>
    %dma_wait3A_1430 = tpu.memref_squeeze %dma_wait3A_1429 : memref<1x1x16x1024xf32, #tpu.memory_space<vmem_shared>> -> memref<16x1024xf32, #tpu.memory_space<vmem_shared>>
    tpu.wait_dma2 semaphore(%arg25 : memref<!tpu.dma_semaphore, #tpu.memory_space<semaphore_mem>>) src(%dma_wait3A_1430 : memref<16x1024xf32, #tpu.memory_space<vmem_shared>>) dst(%dma_wait3A_1426 : memref<16x1024xf32, #tpu.memory_space<hbm>>)
    %dma_wait3A_1431 = arith.constant 0 : i32
    %dma_wait3A_1432 = arith.constant 1 : i32
    %dma_wait3A_1433 = arith.constant 1024 : i32
    %dma_wait3A_1434 = tpu.memref_slice %arg5[%dma_wait3A_1432, %add3A_1138, %dma_wait3A_1433] : memref<4x4096x2304xf32, #tpu.memory_space<hbm>> -> memref<1x16x1024xf32, #tpu.memory_space<hbm>>
    %dma_wait3A_1435 = tpu.memref_squeeze %dma_wait3A_1434 : memref<1x16x1024xf32, #tpu.memory_space<hbm>> -> memref<16x1024xf32, #tpu.memory_space<hbm>>
    %dma_wait3A_1436 = arith.constant 0 : i32
    %dma_wait3A_1437 = arith.constant 0 : i32
    %dma_wait3A_1438 = tpu.memref_slice %arg11[%arg1, %dma_wait3A_1431, %dma_wait3A_1436, %dma_wait3A_1437] : memref<16x2x16x1024xf32, #tpu.memory_space<vmem_shared>> -> memref<1x1x16x1024xf32, #tpu.memory_space<vmem_shared>>
    %dma_wait3A_1439 = tpu.memref_squeeze %dma_wait3A_1438 : memref<1x1x16x1024xf32, #tpu.memory_space<vmem_shared>> -> memref<16x1024xf32, #tpu.memory_space<vmem_shared>>
    tpu.wait_dma2 semaphore(%arg25 : memref<!tpu.dma_semaphore, #tpu.memory_space<semaphore_mem>>) src(%dma_wait3A_1439 : memref<16x1024xf32, #tpu.memory_space<vmem_shared>>) dst(%dma_wait3A_1435 : memref<16x1024xf32, #tpu.memory_space<hbm>>)
    %dma_wait3A_1440 = arith.constant 0 : i32
    %dma_wait3A_1441 = arith.constant 2 : i32
    %dma_wait3A_1442 = arith.constant 1024 : i32
    %dma_wait3A_1443 = tpu.memref_slice %arg5[%dma_wait3A_1441, %add3A_1231, %dma_wait3A_1442] : memref<4x4096x2304xf32, #tpu.memory_space<hbm>> -> memref<1x16x1024xf32, #tpu.memory_space<hbm>>
    %dma_wait3A_1444 = tpu.memref_squeeze %dma_wait3A_1443 : memref<1x16x1024xf32, #tpu.memory_space<hbm>> -> memref<16x1024xf32, #tpu.memory_space<hbm>>
    %dma_wait3A_1445 = arith.constant 0 : i32
    %dma_wait3A_1446 = arith.constant 0 : i32
    %dma_wait3A_1447 = tpu.memref_slice %arg11[%arg1, %dma_wait3A_1440, %dma_wait3A_1445, %dma_wait3A_1446] : memref<16x2x16x1024xf32, #tpu.memory_space<vmem_shared>> -> memref<1x1x16x1024xf32, #tpu.memory_space<vmem_shared>>
    %dma_wait3A_1448 = tpu.memref_squeeze %dma_wait3A_1447 : memref<1x1x16x1024xf32, #tpu.memory_space<vmem_shared>> -> memref<16x1024xf32, #tpu.memory_space<vmem_shared>>
    tpu.wait_dma2 semaphore(%arg25 : memref<!tpu.dma_semaphore, #tpu.memory_space<semaphore_mem>>) src(%dma_wait3A_1448 : memref<16x1024xf32, #tpu.memory_space<vmem_shared>>) dst(%dma_wait3A_1444 : memref<16x1024xf32, #tpu.memory_space<hbm>>)
    %dma_wait3A_1449 = arith.constant 0 : i32
    %dma_wait3A_1450 = arith.constant 3 : i32
    %dma_wait3A_1451 = arith.constant 1024 : i32
    %dma_wait3A_1452 = tpu.memref_slice %arg5[%dma_wait3A_1450, %add3A_1279, %dma_wait3A_1451] : memref<4x4096x2304xf32, #tpu.memory_space<hbm>> -> memref<1x16x1024xf32, #tpu.memory_space<hbm>>
    %dma_wait3A_1453 = tpu.memref_squeeze %dma_wait3A_1452 : memref<1x16x1024xf32, #tpu.memory_space<hbm>> -> memref<16x1024xf32, #tpu.memory_space<hbm>>
    %dma_wait3A_1454 = arith.constant 0 : i32
    %dma_wait3A_1455 = arith.constant 0 : i32
    %dma_wait3A_1456 = tpu.memref_slice %arg11[%arg1, %dma_wait3A_1449, %dma_wait3A_1454, %dma_wait3A_1455] : memref<16x2x16x1024xf32, #tpu.memory_space<vmem_shared>> -> memref<1x1x16x1024xf32, #tpu.memory_space<vmem_shared>>
    %dma_wait3A_1457 = tpu.memref_squeeze %dma_wait3A_1456 : memref<1x1x16x1024xf32, #tpu.memory_space<vmem_shared>> -> memref<16x1024xf32, #tpu.memory_space<vmem_shared>>
    tpu.wait_dma2 semaphore(%arg25 : memref<!tpu.dma_semaphore, #tpu.memory_space<semaphore_mem>>) src(%dma_wait3A_1457 : memref<16x1024xf32, #tpu.memory_space<vmem_shared>>) dst(%dma_wait3A_1453 : memref<16x1024xf32, #tpu.memory_space<hbm>>)
    %add3A_1458 = arith.constant 96 : i32
    %add3A_1459 = arith.addi %mul3A_2, %add3A_1458 : i32
    %dma_start3A_1460 = arith.constant 0 : i32
    %dma_start3A_1461 = arith.constant 0 : i32
    %dma_start3A_1462 = arith.constant 0 : i32
    %dma_start3A_1463 = tpu.memref_slice %arg11[%arg1, %dma_start3A_1460, %dma_start3A_1461, %dma_start3A_1462] : memref<16x2x16x1024xf32, #tpu.memory_space<vmem_shared>> -> memref<1x1x16x1024xf32, #tpu.memory_space<vmem_shared>>
    %dma_start3A_1464 = tpu.memref_squeeze %dma_start3A_1463 : memref<1x1x16x1024xf32, #tpu.memory_space<vmem_shared>> -> memref<16x1024xf32, #tpu.memory_space<vmem_shared>>
    %dma_start3A_1465 = arith.constant 0 : i32
    %dma_start3A_1466 = tpu.memref_slice %arg4[%add3A_1459, %dma_start3A_1465] : memref<4096x1024xf32, #tpu.memory_space<hbm>> -> memref<16x1024xf32, #tpu.memory_space<hbm>>
    tpu.enqueue_dma source(%dma_start3A_1466 : memref<16x1024xf32, #tpu.memory_space<hbm>>) target(%dma_start3A_1464 : memref<16x1024xf32, #tpu.memory_space<vmem_shared>>) target_semaphore(%arg23 : memref<!tpu.dma_semaphore, #tpu.memory_space<semaphore_mem>>)
    %dma_wait3A_1467 = arith.constant 2 : i32
    %dma_wait3A_1468 = arith.constant 0 : i32
    %dma_wait3A_1469 = tpu.memref_slice %arg2[%dma_wait3A_1467, %add3A_1263, %dma_wait3A_1468] : memref<4x4096x1024xf32, #tpu.memory_space<hbm>> -> memref<1x16x1024xf32, #tpu.memory_space<hbm>>
    %dma_wait3A_1470 = tpu.memref_squeeze %dma_wait3A_1469 : memref<1x16x1024xf32, #tpu.memory_space<hbm>> -> memref<16x1024xf32, #tpu.memory_space<hbm>>
    %dma_wait3A_1471 = arith.constant 0 : i32
    %dma_wait3A_1472 = tpu.memref_slice %arg2[%dma_wait3A_1467, %add3A_1263, %dma_wait3A_1471] : memref<4x4096x1024xf32, #tpu.memory_space<hbm>> -> memref<1x16x1024xf32, #tpu.memory_space<hbm>>
    %dma_wait3A_1473 = tpu.memref_squeeze %dma_wait3A_1472 : memref<1x16x1024xf32, #tpu.memory_space<hbm>> -> memref<16x1024xf32, #tpu.memory_space<hbm>>
    tpu.wait_dma2 semaphore(%arg15 : memref<!tpu.dma_semaphore, #tpu.memory_space<semaphore_mem>>) src(%dma_wait3A_1473 : memref<16x1024xf32, #tpu.memory_space<hbm>>) dst(%arg8 : memref<16x1024xf32, #tpu.memory_space<vmem>>)
    %add3A_1474 = arith.constant 80 : i32
    %add3A_1475 = arith.addi %mul3A_2, %add3A_1474 : i32
    %dma_start3A_1476 = arith.constant 2 : i32
    %dma_start3A_1477 = arith.constant 0 : i32
    %dma_start3A_1478 = tpu.memref_slice %arg5[%dma_start3A_1476, %add3A_1475, %dma_start3A_1477] : memref<4x4096x2304xf32, #tpu.memory_space<hbm>> -> memref<1x16x1024xf32, #tpu.memory_space<hbm>>
    %dma_start3A_1479 = tpu.memref_squeeze %dma_start3A_1478 : memref<1x16x1024xf32, #tpu.memory_space<hbm>> -> memref<16x1024xf32, #tpu.memory_space<hbm>>
    %dma_start3A_1480 = arith.constant 0 : i32
    %dma_start3A_1481 = tpu.memref_slice %arg5[%dma_start3A_1476, %add3A_1475, %dma_start3A_1480] : memref<4x4096x2304xf32, #tpu.memory_space<hbm>> -> memref<1x16x1024xf32, #tpu.memory_space<hbm>>
    %dma_start3A_1482 = tpu.memref_squeeze %dma_start3A_1481 : memref<1x16x1024xf32, #tpu.memory_space<hbm>> -> memref<16x1024xf32, #tpu.memory_space<hbm>>
    tpu.enqueue_dma source(%arg8 : memref<16x1024xf32, #tpu.memory_space<vmem>>) target(%dma_start3A_1482 : memref<16x1024xf32, #tpu.memory_space<hbm>>) target_semaphore(%arg20 : memref<!tpu.dma_semaphore, #tpu.memory_space<semaphore_mem>>)
    %dma_start3A_1483 = arith.constant 1 : i32
    %dma_start3A_1484 = arith.constant 2 : i32
    %dma_start3A_1485 = arith.constant 1024 : i32
    %dma_start3A_1486 = tpu.memref_slice %arg5[%dma_start3A_1484, %add3A_1475, %dma_start3A_1485] : memref<4x4096x2304xf32, #tpu.memory_space<hbm>> -> memref<1x16x1024xf32, #tpu.memory_space<hbm>>
    %dma_start3A_1487 = tpu.memref_squeeze %dma_start3A_1486 : memref<1x16x1024xf32, #tpu.memory_space<hbm>> -> memref<16x1024xf32, #tpu.memory_space<hbm>>
    %dma_start3A_1488 = arith.constant 0 : i32
    %dma_start3A_1489 = arith.constant 0 : i32
    %dma_start3A_1490 = tpu.memref_slice %arg11[%arg1, %dma_start3A_1483, %dma_start3A_1488, %dma_start3A_1489] : memref<16x2x16x1024xf32, #tpu.memory_space<vmem_shared>> -> memref<1x1x16x1024xf32, #tpu.memory_space<vmem_shared>>
    %dma_start3A_1491 = tpu.memref_squeeze %dma_start3A_1490 : memref<1x1x16x1024xf32, #tpu.memory_space<vmem_shared>> -> memref<16x1024xf32, #tpu.memory_space<vmem_shared>>
    tpu.enqueue_dma source(%dma_start3A_1491 : memref<16x1024xf32, #tpu.memory_space<vmem_shared>>) target(%dma_start3A_1487 : memref<16x1024xf32, #tpu.memory_space<hbm>>) target_semaphore(%arg26 : memref<!tpu.dma_semaphore, #tpu.memory_space<semaphore_mem>>)
    %dma_start3A_1492 = arith.constant 2 : i32
    %dma_start3A_1493 = arith.constant 2048 : i32
    %dma_start3A_1494 = tpu.memref_slice %arg5[%dma_start3A_1492, %add3A_1475, %dma_start3A_1493] : memref<4x4096x2304xf32, #tpu.memory_space<hbm>> -> memref<1x16x256xf32, #tpu.memory_space<hbm>>
    %dma_start3A_1495 = tpu.memref_squeeze %dma_start3A_1494 : memref<1x16x256xf32, #tpu.memory_space<hbm>> -> memref<16x256xf32, #tpu.memory_space<hbm>>
    %dma_start3A_1496 = arith.constant 2048 : i32
    %dma_start3A_1497 = tpu.memref_slice %arg5[%dma_start3A_1492, %add3A_1475, %dma_start3A_1496] : memref<4x4096x2304xf32, #tpu.memory_space<hbm>> -> memref<1x16x256xf32, #tpu.memory_space<hbm>>
    %dma_start3A_1498 = tpu.memref_squeeze %dma_start3A_1497 : memref<1x16x256xf32, #tpu.memory_space<hbm>> -> memref<16x256xf32, #tpu.memory_space<hbm>>
    tpu.enqueue_dma source(%arg12 : memref<16x256xf32, #tpu.memory_space<vmem>>) target(%dma_start3A_1498 : memref<16x256xf32, #tpu.memory_space<hbm>>) target_semaphore(%arg27 : memref<!tpu.dma_semaphore, #tpu.memory_space<semaphore_mem>>)
    %dma_wait3A_1499 = arith.constant 1 : i32
    %dma_wait3A_1500 = arith.constant 0 : i32
    %dma_wait3A_1501 = tpu.memref_slice %arg5[%dma_wait3A_1499, %add3A_1382, %dma_wait3A_1500] : memref<4x4096x2304xf32, #tpu.memory_space<hbm>> -> memref<1x16x1024xf32, #tpu.memory_space<hbm>>
    %dma_wait3A_1502 = tpu.memref_squeeze %dma_wait3A_1501 : memref<1x16x1024xf32, #tpu.memory_space<hbm>> -> memref<16x1024xf32, #tpu.memory_space<hbm>>
    %dma_wait3A_1503 = arith.constant 0 : i32
    %dma_wait3A_1504 = tpu.memref_slice %arg5[%dma_wait3A_1499, %add3A_1382, %dma_wait3A_1503] : memref<4x4096x2304xf32, #tpu.memory_space<hbm>> -> memref<1x16x1024xf32, #tpu.memory_space<hbm>>
    %dma_wait3A_1505 = tpu.memref_squeeze %dma_wait3A_1504 : memref<1x16x1024xf32, #tpu.memory_space<hbm>> -> memref<16x1024xf32, #tpu.memory_space<hbm>>
    tpu.wait_dma2 semaphore(%arg19 : memref<!tpu.dma_semaphore, #tpu.memory_space<semaphore_mem>>) src(%arg7 : memref<16x1024xf32, #tpu.memory_space<vmem>>) dst(%dma_wait3A_1505 : memref<16x1024xf32, #tpu.memory_space<hbm>>)
    %add3A_1506 = arith.constant 96 : i32
    %add3A_1507 = arith.addi %mul3A_2, %add3A_1506 : i32
    %dma_start3A_1508 = arith.constant 2 : i32
    %dma_start3A_1509 = arith.constant 0 : i32
    %dma_start3A_1510 = tpu.memref_slice %arg2[%dma_start3A_1508, %add3A_1507, %dma_start3A_1509] : memref<4x4096x1024xf32, #tpu.memory_space<hbm>> -> memref<1x16x1024xf32, #tpu.memory_space<hbm>>
    %dma_start3A_1511 = tpu.memref_squeeze %dma_start3A_1510 : memref<1x16x1024xf32, #tpu.memory_space<hbm>> -> memref<16x1024xf32, #tpu.memory_space<hbm>>
    %dma_start3A_1512 = arith.constant 0 : i32
    %dma_start3A_1513 = tpu.memref_slice %arg2[%dma_start3A_1508, %add3A_1507, %dma_start3A_1512] : memref<4x4096x1024xf32, #tpu.memory_space<hbm>> -> memref<1x16x1024xf32, #tpu.memory_space<hbm>>
    %dma_start3A_1514 = tpu.memref_squeeze %dma_start3A_1513 : memref<1x16x1024xf32, #tpu.memory_space<hbm>> -> memref<16x1024xf32, #tpu.memory_space<hbm>>
    tpu.enqueue_dma source(%dma_start3A_1514 : memref<16x1024xf32, #tpu.memory_space<hbm>>) target(%arg7 : memref<16x1024xf32, #tpu.memory_space<vmem>>) target_semaphore(%arg14 : memref<!tpu.dma_semaphore, #tpu.memory_space<semaphore_mem>>)
    %dma_wait3A_1515 = arith.constant 3 : i32
    %dma_wait3A_1516 = arith.constant 0 : i32
    %dma_wait3A_1517 = tpu.memref_slice %arg2[%dma_wait3A_1515, %add3A_1311, %dma_wait3A_1516] : memref<4x4096x1024xf32, #tpu.memory_space<hbm>> -> memref<1x16x1024xf32, #tpu.memory_space<hbm>>
    %dma_wait3A_1518 = tpu.memref_squeeze %dma_wait3A_1517 : memref<1x16x1024xf32, #tpu.memory_space<hbm>> -> memref<16x1024xf32, #tpu.memory_space<hbm>>
    %dma_wait3A_1519 = arith.constant 0 : i32
    %dma_wait3A_1520 = tpu.memref_slice %arg2[%dma_wait3A_1515, %add3A_1311, %dma_wait3A_1519] : memref<4x4096x1024xf32, #tpu.memory_space<hbm>> -> memref<1x16x1024xf32, #tpu.memory_space<hbm>>
    %dma_wait3A_1521 = tpu.memref_squeeze %dma_wait3A_1520 : memref<1x16x1024xf32, #tpu.memory_space<hbm>> -> memref<16x1024xf32, #tpu.memory_space<hbm>>
    tpu.wait_dma2 semaphore(%arg16 : memref<!tpu.dma_semaphore, #tpu.memory_space<semaphore_mem>>) src(%dma_wait3A_1521 : memref<16x1024xf32, #tpu.memory_space<hbm>>) dst(%arg9 : memref<16x1024xf32, #tpu.memory_space<vmem>>)
    %add3A_1522 = arith.constant 80 : i32
    %add3A_1523 = arith.addi %mul3A_2, %add3A_1522 : i32
    %dma_start3A_1524 = arith.constant 3 : i32
    %dma_start3A_1525 = arith.constant 0 : i32
    %dma_start3A_1526 = tpu.memref_slice %arg5[%dma_start3A_1524, %add3A_1523, %dma_start3A_1525] : memref<4x4096x2304xf32, #tpu.memory_space<hbm>> -> memref<1x16x1024xf32, #tpu.memory_space<hbm>>
    %dma_start3A_1527 = tpu.memref_squeeze %dma_start3A_1526 : memref<1x16x1024xf32, #tpu.memory_space<hbm>> -> memref<16x1024xf32, #tpu.memory_space<hbm>>
    %dma_start3A_1528 = arith.constant 0 : i32
    %dma_start3A_1529 = tpu.memref_slice %arg5[%dma_start3A_1524, %add3A_1523, %dma_start3A_1528] : memref<4x4096x2304xf32, #tpu.memory_space<hbm>> -> memref<1x16x1024xf32, #tpu.memory_space<hbm>>
    %dma_start3A_1530 = tpu.memref_squeeze %dma_start3A_1529 : memref<1x16x1024xf32, #tpu.memory_space<hbm>> -> memref<16x1024xf32, #tpu.memory_space<hbm>>
    tpu.enqueue_dma source(%arg9 : memref<16x1024xf32, #tpu.memory_space<vmem>>) target(%dma_start3A_1530 : memref<16x1024xf32, #tpu.memory_space<hbm>>) target_semaphore(%arg21 : memref<!tpu.dma_semaphore, #tpu.memory_space<semaphore_mem>>)
    %dma_start3A_1531 = arith.constant 1 : i32
    %dma_start3A_1532 = arith.constant 3 : i32
    %dma_start3A_1533 = arith.constant 1024 : i32
    %dma_start3A_1534 = tpu.memref_slice %arg5[%dma_start3A_1532, %add3A_1523, %dma_start3A_1533] : memref<4x4096x2304xf32, #tpu.memory_space<hbm>> -> memref<1x16x1024xf32, #tpu.memory_space<hbm>>
    %dma_start3A_1535 = tpu.memref_squeeze %dma_start3A_1534 : memref<1x16x1024xf32, #tpu.memory_space<hbm>> -> memref<16x1024xf32, #tpu.memory_space<hbm>>
    %dma_start3A_1536 = arith.constant 0 : i32
    %dma_start3A_1537 = arith.constant 0 : i32
    %dma_start3A_1538 = tpu.memref_slice %arg11[%arg1, %dma_start3A_1531, %dma_start3A_1536, %dma_start3A_1537] : memref<16x2x16x1024xf32, #tpu.memory_space<vmem_shared>> -> memref<1x1x16x1024xf32, #tpu.memory_space<vmem_shared>>
    %dma_start3A_1539 = tpu.memref_squeeze %dma_start3A_1538 : memref<1x1x16x1024xf32, #tpu.memory_space<vmem_shared>> -> memref<16x1024xf32, #tpu.memory_space<vmem_shared>>
    tpu.enqueue_dma source(%dma_start3A_1539 : memref<16x1024xf32, #tpu.memory_space<vmem_shared>>) target(%dma_start3A_1535 : memref<16x1024xf32, #tpu.memory_space<hbm>>) target_semaphore(%arg26 : memref<!tpu.dma_semaphore, #tpu.memory_space<semaphore_mem>>)
    %dma_start3A_1540 = arith.constant 3 : i32
    %dma_start3A_1541 = arith.constant 2048 : i32
    %dma_start3A_1542 = tpu.memref_slice %arg5[%dma_start3A_1540, %add3A_1523, %dma_start3A_1541] : memref<4x4096x2304xf32, #tpu.memory_space<hbm>> -> memref<1x16x256xf32, #tpu.memory_space<hbm>>
    %dma_start3A_1543 = tpu.memref_squeeze %dma_start3A_1542 : memref<1x16x256xf32, #tpu.memory_space<hbm>> -> memref<16x256xf32, #tpu.memory_space<hbm>>
    %dma_start3A_1544 = arith.constant 2048 : i32
    %dma_start3A_1545 = tpu.memref_slice %arg5[%dma_start3A_1540, %add3A_1523, %dma_start3A_1544] : memref<4x4096x2304xf32, #tpu.memory_space<hbm>> -> memref<1x16x256xf32, #tpu.memory_space<hbm>>
    %dma_start3A_1546 = tpu.memref_squeeze %dma_start3A_1545 : memref<1x16x256xf32, #tpu.memory_space<hbm>> -> memref<16x256xf32, #tpu.memory_space<hbm>>
    tpu.enqueue_dma source(%arg12 : memref<16x256xf32, #tpu.memory_space<vmem>>) target(%dma_start3A_1546 : memref<16x256xf32, #tpu.memory_space<hbm>>) target_semaphore(%arg27 : memref<!tpu.dma_semaphore, #tpu.memory_space<semaphore_mem>>)
    %dma_wait3A_1547 = arith.constant 2 : i32
    %dma_wait3A_1548 = arith.constant 0 : i32
    %dma_wait3A_1549 = tpu.memref_slice %arg5[%dma_wait3A_1547, %add3A_1475, %dma_wait3A_1548] : memref<4x4096x2304xf32, #tpu.memory_space<hbm>> -> memref<1x16x1024xf32, #tpu.memory_space<hbm>>
    %dma_wait3A_1550 = tpu.memref_squeeze %dma_wait3A_1549 : memref<1x16x1024xf32, #tpu.memory_space<hbm>> -> memref<16x1024xf32, #tpu.memory_space<hbm>>
    %dma_wait3A_1551 = arith.constant 0 : i32
    %dma_wait3A_1552 = tpu.memref_slice %arg5[%dma_wait3A_1547, %add3A_1475, %dma_wait3A_1551] : memref<4x4096x2304xf32, #tpu.memory_space<hbm>> -> memref<1x16x1024xf32, #tpu.memory_space<hbm>>
    %dma_wait3A_1553 = tpu.memref_squeeze %dma_wait3A_1552 : memref<1x16x1024xf32, #tpu.memory_space<hbm>> -> memref<16x1024xf32, #tpu.memory_space<hbm>>
    tpu.wait_dma2 semaphore(%arg20 : memref<!tpu.dma_semaphore, #tpu.memory_space<semaphore_mem>>) src(%arg8 : memref<16x1024xf32, #tpu.memory_space<vmem>>) dst(%dma_wait3A_1553 : memref<16x1024xf32, #tpu.memory_space<hbm>>)
    %add3A_1554 = arith.constant 96 : i32
    %add3A_1555 = arith.addi %mul3A_2, %add3A_1554 : i32
    %dma_start3A_1556 = arith.constant 3 : i32
    %dma_start3A_1557 = arith.constant 0 : i32
    %dma_start3A_1558 = tpu.memref_slice %arg2[%dma_start3A_1556, %add3A_1555, %dma_start3A_1557] : memref<4x4096x1024xf32, #tpu.memory_space<hbm>> -> memref<1x16x1024xf32, #tpu.memory_space<hbm>>
    %dma_start3A_1559 = tpu.memref_squeeze %dma_start3A_1558 : memref<1x16x1024xf32, #tpu.memory_space<hbm>> -> memref<16x1024xf32, #tpu.memory_space<hbm>>
    %dma_start3A_1560 = arith.constant 0 : i32
    %dma_start3A_1561 = tpu.memref_slice %arg2[%dma_start3A_1556, %add3A_1555, %dma_start3A_1560] : memref<4x4096x1024xf32, #tpu.memory_space<hbm>> -> memref<1x16x1024xf32, #tpu.memory_space<hbm>>
    %dma_start3A_1562 = tpu.memref_squeeze %dma_start3A_1561 : memref<1x16x1024xf32, #tpu.memory_space<hbm>> -> memref<16x1024xf32, #tpu.memory_space<hbm>>
    tpu.enqueue_dma source(%dma_start3A_1562 : memref<16x1024xf32, #tpu.memory_space<hbm>>) target(%arg8 : memref<16x1024xf32, #tpu.memory_space<vmem>>) target_semaphore(%arg15 : memref<!tpu.dma_semaphore, #tpu.memory_space<semaphore_mem>>)
    %dma_wait3A_1563 = arith.constant 0 : i32
    %dma_wait3A_1564 = arith.constant 0 : i32
    %dma_wait3A_1565 = tpu.memref_slice %arg2[%dma_wait3A_1563, %add3A_1366, %dma_wait3A_1564] : memref<4x4096x1024xf32, #tpu.memory_space<hbm>> -> memref<1x16x1024xf32, #tpu.memory_space<hbm>>
    %dma_wait3A_1566 = tpu.memref_squeeze %dma_wait3A_1565 : memref<1x16x1024xf32, #tpu.memory_space<hbm>> -> memref<16x1024xf32, #tpu.memory_space<hbm>>
    %dma_wait3A_1567 = arith.constant 0 : i32
    %dma_wait3A_1568 = tpu.memref_slice %arg2[%dma_wait3A_1563, %add3A_1366, %dma_wait3A_1567] : memref<4x4096x1024xf32, #tpu.memory_space<hbm>> -> memref<1x16x1024xf32, #tpu.memory_space<hbm>>
    %dma_wait3A_1569 = tpu.memref_squeeze %dma_wait3A_1568 : memref<1x16x1024xf32, #tpu.memory_space<hbm>> -> memref<16x1024xf32, #tpu.memory_space<hbm>>
    tpu.wait_dma2 semaphore(%arg17 : memref<!tpu.dma_semaphore, #tpu.memory_space<semaphore_mem>>) src(%dma_wait3A_1569 : memref<16x1024xf32, #tpu.memory_space<hbm>>) dst(%arg10 : memref<16x1024xf32, #tpu.memory_space<vmem>>)
    %dma_wait3A_1570 = arith.constant 0 : i32
    %dma_wait3A_1571 = arith.constant 0 : i32
    %dma_wait3A_1572 = arith.constant 0 : i32
    %dma_wait3A_1573 = tpu.memref_slice %arg11[%arg1, %dma_wait3A_1570, %dma_wait3A_1571, %dma_wait3A_1572] : memref<16x2x16x1024xf32, #tpu.memory_space<vmem_shared>> -> memref<1x1x16x1024xf32, #tpu.memory_space<vmem_shared>>
    %dma_wait3A_1574 = tpu.memref_squeeze %dma_wait3A_1573 : memref<1x1x16x1024xf32, #tpu.memory_space<vmem_shared>> -> memref<16x1024xf32, #tpu.memory_space<vmem_shared>>
    %dma_wait3A_1575 = arith.constant 0 : i32
    %dma_wait3A_1576 = tpu.memref_slice %arg4[%add3A_1459, %dma_wait3A_1575] : memref<4096x1024xf32, #tpu.memory_space<hbm>> -> memref<16x1024xf32, #tpu.memory_space<hbm>>
    tpu.wait_dma2 semaphore(%arg23 : memref<!tpu.dma_semaphore, #tpu.memory_space<semaphore_mem>>) src(%dma_wait3A_1576 : memref<16x1024xf32, #tpu.memory_space<hbm>>) dst(%dma_wait3A_1574 : memref<16x1024xf32, #tpu.memory_space<vmem_shared>>)
    %add3A_1577 = arith.constant 96 : i32
    %add3A_1578 = arith.addi %mul3A_2, %add3A_1577 : i32
    %dma_start3A_1579 = arith.constant 0 : i32
    %dma_start3A_1580 = arith.constant 0 : i32
    %dma_start3A_1581 = tpu.memref_slice %arg5[%dma_start3A_1579, %add3A_1578, %dma_start3A_1580] : memref<4x4096x2304xf32, #tpu.memory_space<hbm>> -> memref<1x16x1024xf32, #tpu.memory_space<hbm>>
    %dma_start3A_1582 = tpu.memref_squeeze %dma_start3A_1581 : memref<1x16x1024xf32, #tpu.memory_space<hbm>> -> memref<16x1024xf32, #tpu.memory_space<hbm>>
    %dma_start3A_1583 = arith.constant 0 : i32
    %dma_start3A_1584 = tpu.memref_slice %arg5[%dma_start3A_1579, %add3A_1578, %dma_start3A_1583] : memref<4x4096x2304xf32, #tpu.memory_space<hbm>> -> memref<1x16x1024xf32, #tpu.memory_space<hbm>>
    %dma_start3A_1585 = tpu.memref_squeeze %dma_start3A_1584 : memref<1x16x1024xf32, #tpu.memory_space<hbm>> -> memref<16x1024xf32, #tpu.memory_space<hbm>>
    tpu.enqueue_dma source(%arg10 : memref<16x1024xf32, #tpu.memory_space<vmem>>) target(%dma_start3A_1585 : memref<16x1024xf32, #tpu.memory_space<hbm>>) target_semaphore(%arg22 : memref<!tpu.dma_semaphore, #tpu.memory_space<semaphore_mem>>)
    %dma_start3A_1586 = arith.constant 0 : i32
    %dma_start3A_1587 = arith.constant 0 : i32
    %dma_start3A_1588 = arith.constant 1024 : i32
    %dma_start3A_1589 = tpu.memref_slice %arg5[%dma_start3A_1587, %add3A_1578, %dma_start3A_1588] : memref<4x4096x2304xf32, #tpu.memory_space<hbm>> -> memref<1x16x1024xf32, #tpu.memory_space<hbm>>
    %dma_start3A_1590 = tpu.memref_squeeze %dma_start3A_1589 : memref<1x16x1024xf32, #tpu.memory_space<hbm>> -> memref<16x1024xf32, #tpu.memory_space<hbm>>
    %dma_start3A_1591 = arith.constant 0 : i32
    %dma_start3A_1592 = arith.constant 0 : i32
    %dma_start3A_1593 = tpu.memref_slice %arg11[%arg1, %dma_start3A_1586, %dma_start3A_1591, %dma_start3A_1592] : memref<16x2x16x1024xf32, #tpu.memory_space<vmem_shared>> -> memref<1x1x16x1024xf32, #tpu.memory_space<vmem_shared>>
    %dma_start3A_1594 = tpu.memref_squeeze %dma_start3A_1593 : memref<1x1x16x1024xf32, #tpu.memory_space<vmem_shared>> -> memref<16x1024xf32, #tpu.memory_space<vmem_shared>>
    tpu.enqueue_dma source(%dma_start3A_1594 : memref<16x1024xf32, #tpu.memory_space<vmem_shared>>) target(%dma_start3A_1590 : memref<16x1024xf32, #tpu.memory_space<hbm>>) target_semaphore(%arg25 : memref<!tpu.dma_semaphore, #tpu.memory_space<semaphore_mem>>)
    %dma_start3A_1595 = arith.constant 0 : i32
    %dma_start3A_1596 = arith.constant 2048 : i32
    %dma_start3A_1597 = tpu.memref_slice %arg5[%dma_start3A_1595, %add3A_1578, %dma_start3A_1596] : memref<4x4096x2304xf32, #tpu.memory_space<hbm>> -> memref<1x16x256xf32, #tpu.memory_space<hbm>>
    %dma_start3A_1598 = tpu.memref_squeeze %dma_start3A_1597 : memref<1x16x256xf32, #tpu.memory_space<hbm>> -> memref<16x256xf32, #tpu.memory_space<hbm>>
    %dma_start3A_1599 = arith.constant 2048 : i32
    %dma_start3A_1600 = tpu.memref_slice %arg5[%dma_start3A_1595, %add3A_1578, %dma_start3A_1599] : memref<4x4096x2304xf32, #tpu.memory_space<hbm>> -> memref<1x16x256xf32, #tpu.memory_space<hbm>>
    %dma_start3A_1601 = tpu.memref_squeeze %dma_start3A_1600 : memref<1x16x256xf32, #tpu.memory_space<hbm>> -> memref<16x256xf32, #tpu.memory_space<hbm>>
    tpu.enqueue_dma source(%arg12 : memref<16x256xf32, #tpu.memory_space<vmem>>) target(%dma_start3A_1601 : memref<16x256xf32, #tpu.memory_space<hbm>>) target_semaphore(%arg27 : memref<!tpu.dma_semaphore, #tpu.memory_space<semaphore_mem>>)
    %dma_wait3A_1602 = arith.constant 3 : i32
    %dma_wait3A_1603 = arith.constant 0 : i32
    %dma_wait3A_1604 = tpu.memref_slice %arg5[%dma_wait3A_1602, %add3A_1523, %dma_wait3A_1603] : memref<4x4096x2304xf32, #tpu.memory_space<hbm>> -> memref<1x16x1024xf32, #tpu.memory_space<hbm>>
    %dma_wait3A_1605 = tpu.memref_squeeze %dma_wait3A_1604 : memref<1x16x1024xf32, #tpu.memory_space<hbm>> -> memref<16x1024xf32, #tpu.memory_space<hbm>>
    %dma_wait3A_1606 = arith.constant 0 : i32
    %dma_wait3A_1607 = tpu.memref_slice %arg5[%dma_wait3A_1602, %add3A_1523, %dma_wait3A_1606] : memref<4x4096x2304xf32, #tpu.memory_space<hbm>> -> memref<1x16x1024xf32, #tpu.memory_space<hbm>>
    %dma_wait3A_1608 = tpu.memref_squeeze %dma_wait3A_1607 : memref<1x16x1024xf32, #tpu.memory_space<hbm>> -> memref<16x1024xf32, #tpu.memory_space<hbm>>
    tpu.wait_dma2 semaphore(%arg21 : memref<!tpu.dma_semaphore, #tpu.memory_space<semaphore_mem>>) src(%arg9 : memref<16x1024xf32, #tpu.memory_space<vmem>>) dst(%dma_wait3A_1608 : memref<16x1024xf32, #tpu.memory_space<hbm>>)
    %add3A_1609 = arith.constant 112 : i32
    %add3A_1610 = arith.addi %mul3A_2, %add3A_1609 : i32
    %dma_start3A_1611 = arith.constant 0 : i32
    %dma_start3A_1612 = arith.constant 0 : i32
    %dma_start3A_1613 = tpu.memref_slice %arg2[%dma_start3A_1611, %add3A_1610, %dma_start3A_1612] : memref<4x4096x1024xf32, #tpu.memory_space<hbm>> -> memref<1x16x1024xf32, #tpu.memory_space<hbm>>
    %dma_start3A_1614 = tpu.memref_squeeze %dma_start3A_1613 : memref<1x16x1024xf32, #tpu.memory_space<hbm>> -> memref<16x1024xf32, #tpu.memory_space<hbm>>
    %dma_start3A_1615 = arith.constant 0 : i32
    %dma_start3A_1616 = tpu.memref_slice %arg2[%dma_start3A_1611, %add3A_1610, %dma_start3A_1615] : memref<4x4096x1024xf32, #tpu.memory_space<hbm>> -> memref<1x16x1024xf32, #tpu.memory_space<hbm>>
    %dma_start3A_1617 = tpu.memref_squeeze %dma_start3A_1616 : memref<1x16x1024xf32, #tpu.memory_space<hbm>> -> memref<16x1024xf32, #tpu.memory_space<hbm>>
    tpu.enqueue_dma source(%dma_start3A_1617 : memref<16x1024xf32, #tpu.memory_space<hbm>>) target(%arg9 : memref<16x1024xf32, #tpu.memory_space<vmem>>) target_semaphore(%arg16 : memref<!tpu.dma_semaphore, #tpu.memory_space<semaphore_mem>>)
    %dma_wait3A_1618 = arith.constant 1 : i32
    %dma_wait3A_1619 = arith.constant 0 : i32
    %dma_wait3A_1620 = tpu.memref_slice %arg2[%dma_wait3A_1618, %add3A_1414, %dma_wait3A_1619] : memref<4x4096x1024xf32, #tpu.memory_space<hbm>> -> memref<1x16x1024xf32, #tpu.memory_space<hbm>>
    %dma_wait3A_1621 = tpu.memref_squeeze %dma_wait3A_1620 : memref<1x16x1024xf32, #tpu.memory_space<hbm>> -> memref<16x1024xf32, #tpu.memory_space<hbm>>
    %dma_wait3A_1622 = arith.constant 0 : i32
    %dma_wait3A_1623 = tpu.memref_slice %arg2[%dma_wait3A_1618, %add3A_1414, %dma_wait3A_1622] : memref<4x4096x1024xf32, #tpu.memory_space<hbm>> -> memref<1x16x1024xf32, #tpu.memory_space<hbm>>
    %dma_wait3A_1624 = tpu.memref_squeeze %dma_wait3A_1623 : memref<1x16x1024xf32, #tpu.memory_space<hbm>> -> memref<16x1024xf32, #tpu.memory_space<hbm>>
    tpu.wait_dma2 semaphore(%arg13 : memref<!tpu.dma_semaphore, #tpu.memory_space<semaphore_mem>>) src(%dma_wait3A_1624 : memref<16x1024xf32, #tpu.memory_space<hbm>>) dst(%arg6 : memref<16x1024xf32, #tpu.memory_space<vmem>>)
    %add3A_1625 = arith.constant 96 : i32
    %add3A_1626 = arith.addi %mul3A_2, %add3A_1625 : i32
    %dma_start3A_1627 = arith.constant 1 : i32
    %dma_start3A_1628 = arith.constant 0 : i32
    %dma_start3A_1629 = tpu.memref_slice %arg5[%dma_start3A_1627, %add3A_1626, %dma_start3A_1628] : memref<4x4096x2304xf32, #tpu.memory_space<hbm>> -> memref<1x16x1024xf32, #tpu.memory_space<hbm>>
    %dma_start3A_1630 = tpu.memref_squeeze %dma_start3A_1629 : memref<1x16x1024xf32, #tpu.memory_space<hbm>> -> memref<16x1024xf32, #tpu.memory_space<hbm>>
    %dma_start3A_1631 = arith.constant 0 : i32
    %dma_start3A_1632 = tpu.memref_slice %arg5[%dma_start3A_1627, %add3A_1626, %dma_start3A_1631] : memref<4x4096x2304xf32, #tpu.memory_space<hbm>> -> memref<1x16x1024xf32, #tpu.memory_space<hbm>>
    %dma_start3A_1633 = tpu.memref_squeeze %dma_start3A_1632 : memref<1x16x1024xf32, #tpu.memory_space<hbm>> -> memref<16x1024xf32, #tpu.memory_space<hbm>>
    tpu.enqueue_dma source(%arg6 : memref<16x1024xf32, #tpu.memory_space<vmem>>) target(%dma_start3A_1633 : memref<16x1024xf32, #tpu.memory_space<hbm>>) target_semaphore(%arg18 : memref<!tpu.dma_semaphore, #tpu.memory_space<semaphore_mem>>)
    %dma_start3A_1634 = arith.constant 0 : i32
    %dma_start3A_1635 = arith.constant 1 : i32
    %dma_start3A_1636 = arith.constant 1024 : i32
    %dma_start3A_1637 = tpu.memref_slice %arg5[%dma_start3A_1635, %add3A_1626, %dma_start3A_1636] : memref<4x4096x2304xf32, #tpu.memory_space<hbm>> -> memref<1x16x1024xf32, #tpu.memory_space<hbm>>
    %dma_start3A_1638 = tpu.memref_squeeze %dma_start3A_1637 : memref<1x16x1024xf32, #tpu.memory_space<hbm>> -> memref<16x1024xf32, #tpu.memory_space<hbm>>
    %dma_start3A_1639 = arith.constant 0 : i32
    %dma_start3A_1640 = arith.constant 0 : i32
    %dma_start3A_1641 = tpu.memref_slice %arg11[%arg1, %dma_start3A_1634, %dma_start3A_1639, %dma_start3A_1640] : memref<16x2x16x1024xf32, #tpu.memory_space<vmem_shared>> -> memref<1x1x16x1024xf32, #tpu.memory_space<vmem_shared>>
    %dma_start3A_1642 = tpu.memref_squeeze %dma_start3A_1641 : memref<1x1x16x1024xf32, #tpu.memory_space<vmem_shared>> -> memref<16x1024xf32, #tpu.memory_space<vmem_shared>>
    tpu.enqueue_dma source(%dma_start3A_1642 : memref<16x1024xf32, #tpu.memory_space<vmem_shared>>) target(%dma_start3A_1638 : memref<16x1024xf32, #tpu.memory_space<hbm>>) target_semaphore(%arg25 : memref<!tpu.dma_semaphore, #tpu.memory_space<semaphore_mem>>)
    %dma_start3A_1643 = arith.constant 1 : i32
    %dma_start3A_1644 = arith.constant 2048 : i32
    %dma_start3A_1645 = tpu.memref_slice %arg5[%dma_start3A_1643, %add3A_1626, %dma_start3A_1644] : memref<4x4096x2304xf32, #tpu.memory_space<hbm>> -> memref<1x16x256xf32, #tpu.memory_space<hbm>>
    %dma_start3A_1646 = tpu.memref_squeeze %dma_start3A_1645 : memref<1x16x256xf32, #tpu.memory_space<hbm>> -> memref<16x256xf32, #tpu.memory_space<hbm>>
    %dma_start3A_1647 = arith.constant 2048 : i32
    %dma_start3A_1648 = tpu.memref_slice %arg5[%dma_start3A_1643, %add3A_1626, %dma_start3A_1647] : memref<4x4096x2304xf32, #tpu.memory_space<hbm>> -> memref<1x16x256xf32, #tpu.memory_space<hbm>>
    %dma_start3A_1649 = tpu.memref_squeeze %dma_start3A_1648 : memref<1x16x256xf32, #tpu.memory_space<hbm>> -> memref<16x256xf32, #tpu.memory_space<hbm>>
    tpu.enqueue_dma source(%arg12 : memref<16x256xf32, #tpu.memory_space<vmem>>) target(%dma_start3A_1649 : memref<16x256xf32, #tpu.memory_space<hbm>>) target_semaphore(%arg27 : memref<!tpu.dma_semaphore, #tpu.memory_space<semaphore_mem>>)
    %dma_wait3A_1650 = arith.constant 0 : i32
    %dma_wait3A_1651 = arith.constant 0 : i32
    %dma_wait3A_1652 = tpu.memref_slice %arg5[%dma_wait3A_1650, %add3A_1578, %dma_wait3A_1651] : memref<4x4096x2304xf32, #tpu.memory_space<hbm>> -> memref<1x16x1024xf32, #tpu.memory_space<hbm>>
    %dma_wait3A_1653 = tpu.memref_squeeze %dma_wait3A_1652 : memref<1x16x1024xf32, #tpu.memory_space<hbm>> -> memref<16x1024xf32, #tpu.memory_space<hbm>>
    %dma_wait3A_1654 = arith.constant 0 : i32
    %dma_wait3A_1655 = tpu.memref_slice %arg5[%dma_wait3A_1650, %add3A_1578, %dma_wait3A_1654] : memref<4x4096x2304xf32, #tpu.memory_space<hbm>> -> memref<1x16x1024xf32, #tpu.memory_space<hbm>>
    %dma_wait3A_1656 = tpu.memref_squeeze %dma_wait3A_1655 : memref<1x16x1024xf32, #tpu.memory_space<hbm>> -> memref<16x1024xf32, #tpu.memory_space<hbm>>
    tpu.wait_dma2 semaphore(%arg22 : memref<!tpu.dma_semaphore, #tpu.memory_space<semaphore_mem>>) src(%arg10 : memref<16x1024xf32, #tpu.memory_space<vmem>>) dst(%dma_wait3A_1656 : memref<16x1024xf32, #tpu.memory_space<hbm>>)
    %add3A_1657 = arith.constant 112 : i32
    %add3A_1658 = arith.addi %mul3A_2, %add3A_1657 : i32
    %dma_start3A_1659 = arith.constant 1 : i32
    %dma_start3A_1660 = arith.constant 0 : i32
    %dma_start3A_1661 = tpu.memref_slice %arg2[%dma_start3A_1659, %add3A_1658, %dma_start3A_1660] : memref<4x4096x1024xf32, #tpu.memory_space<hbm>> -> memref<1x16x1024xf32, #tpu.memory_space<hbm>>
    %dma_start3A_1662 = tpu.memref_squeeze %dma_start3A_1661 : memref<1x16x1024xf32, #tpu.memory_space<hbm>> -> memref<16x1024xf32, #tpu.memory_space<hbm>>
    %dma_start3A_1663 = arith.constant 0 : i32
    %dma_start3A_1664 = tpu.memref_slice %arg2[%dma_start3A_1659, %add3A_1658, %dma_start3A_1663] : memref<4x4096x1024xf32, #tpu.memory_space<hbm>> -> memref<1x16x1024xf32, #tpu.memory_space<hbm>>
    %dma_start3A_1665 = tpu.memref_squeeze %dma_start3A_1664 : memref<1x16x1024xf32, #tpu.memory_space<hbm>> -> memref<16x1024xf32, #tpu.memory_space<hbm>>
    tpu.enqueue_dma source(%dma_start3A_1665 : memref<16x1024xf32, #tpu.memory_space<hbm>>) target(%arg10 : memref<16x1024xf32, #tpu.memory_space<vmem>>) target_semaphore(%arg17 : memref<!tpu.dma_semaphore, #tpu.memory_space<semaphore_mem>>)
    %dma_wait3A_1666 = arith.constant 1 : i32
    %dma_wait3A_1667 = arith.constant 0 : i32
    %dma_wait3A_1668 = arith.constant 1024 : i32
    %dma_wait3A_1669 = tpu.memref_slice %arg5[%dma_wait3A_1667, %add3A_1334, %dma_wait3A_1668] : memref<4x4096x2304xf32, #tpu.memory_space<hbm>> -> memref<1x16x1024xf32, #tpu.memory_space<hbm>>
    %dma_wait3A_1670 = tpu.memref_squeeze %dma_wait3A_1669 : memref<1x16x1024xf32, #tpu.memory_space<hbm>> -> memref<16x1024xf32, #tpu.memory_space<hbm>>
    %dma_wait3A_1671 = arith.constant 0 : i32
    %dma_wait3A_1672 = arith.constant 0 : i32
    %dma_wait3A_1673 = tpu.memref_slice %arg11[%arg1, %dma_wait3A_1666, %dma_wait3A_1671, %dma_wait3A_1672] : memref<16x2x16x1024xf32, #tpu.memory_space<vmem_shared>> -> memref<1x1x16x1024xf32, #tpu.memory_space<vmem_shared>>
    %dma_wait3A_1674 = tpu.memref_squeeze %dma_wait3A_1673 : memref<1x1x16x1024xf32, #tpu.memory_space<vmem_shared>> -> memref<16x1024xf32, #tpu.memory_space<vmem_shared>>
    tpu.wait_dma2 semaphore(%arg26 : memref<!tpu.dma_semaphore, #tpu.memory_space<semaphore_mem>>) src(%dma_wait3A_1674 : memref<16x1024xf32, #tpu.memory_space<vmem_shared>>) dst(%dma_wait3A_1670 : memref<16x1024xf32, #tpu.memory_space<hbm>>)
    %dma_wait3A_1675 = arith.constant 1 : i32
    %dma_wait3A_1676 = arith.constant 1 : i32
    %dma_wait3A_1677 = arith.constant 1024 : i32
    %dma_wait3A_1678 = tpu.memref_slice %arg5[%dma_wait3A_1676, %add3A_1382, %dma_wait3A_1677] : memref<4x4096x2304xf32, #tpu.memory_space<hbm>> -> memref<1x16x1024xf32, #tpu.memory_space<hbm>>
    %dma_wait3A_1679 = tpu.memref_squeeze %dma_wait3A_1678 : memref<1x16x1024xf32, #tpu.memory_space<hbm>> -> memref<16x1024xf32, #tpu.memory_space<hbm>>
    %dma_wait3A_1680 = arith.constant 0 : i32
    %dma_wait3A_1681 = arith.constant 0 : i32
    %dma_wait3A_1682 = tpu.memref_slice %arg11[%arg1, %dma_wait3A_1675, %dma_wait3A_1680, %dma_wait3A_1681] : memref<16x2x16x1024xf32, #tpu.memory_space<vmem_shared>> -> memref<1x1x16x1024xf32, #tpu.memory_space<vmem_shared>>
    %dma_wait3A_1683 = tpu.memref_squeeze %dma_wait3A_1682 : memref<1x1x16x1024xf32, #tpu.memory_space<vmem_shared>> -> memref<16x1024xf32, #tpu.memory_space<vmem_shared>>
    tpu.wait_dma2 semaphore(%arg26 : memref<!tpu.dma_semaphore, #tpu.memory_space<semaphore_mem>>) src(%dma_wait3A_1683 : memref<16x1024xf32, #tpu.memory_space<vmem_shared>>) dst(%dma_wait3A_1679 : memref<16x1024xf32, #tpu.memory_space<hbm>>)
    %dma_wait3A_1684 = arith.constant 1 : i32
    %dma_wait3A_1685 = arith.constant 2 : i32
    %dma_wait3A_1686 = arith.constant 1024 : i32
    %dma_wait3A_1687 = tpu.memref_slice %arg5[%dma_wait3A_1685, %add3A_1475, %dma_wait3A_1686] : memref<4x4096x2304xf32, #tpu.memory_space<hbm>> -> memref<1x16x1024xf32, #tpu.memory_space<hbm>>
    %dma_wait3A_1688 = tpu.memref_squeeze %dma_wait3A_1687 : memref<1x16x1024xf32, #tpu.memory_space<hbm>> -> memref<16x1024xf32, #tpu.memory_space<hbm>>
    %dma_wait3A_1689 = arith.constant 0 : i32
    %dma_wait3A_1690 = arith.constant 0 : i32
    %dma_wait3A_1691 = tpu.memref_slice %arg11[%arg1, %dma_wait3A_1684, %dma_wait3A_1689, %dma_wait3A_1690] : memref<16x2x16x1024xf32, #tpu.memory_space<vmem_shared>> -> memref<1x1x16x1024xf32, #tpu.memory_space<vmem_shared>>
    %dma_wait3A_1692 = tpu.memref_squeeze %dma_wait3A_1691 : memref<1x1x16x1024xf32, #tpu.memory_space<vmem_shared>> -> memref<16x1024xf32, #tpu.memory_space<vmem_shared>>
    tpu.wait_dma2 semaphore(%arg26 : memref<!tpu.dma_semaphore, #tpu.memory_space<semaphore_mem>>) src(%dma_wait3A_1692 : memref<16x1024xf32, #tpu.memory_space<vmem_shared>>) dst(%dma_wait3A_1688 : memref<16x1024xf32, #tpu.memory_space<hbm>>)
    %dma_wait3A_1693 = arith.constant 1 : i32
    %dma_wait3A_1694 = arith.constant 3 : i32
    %dma_wait3A_1695 = arith.constant 1024 : i32
    %dma_wait3A_1696 = tpu.memref_slice %arg5[%dma_wait3A_1694, %add3A_1523, %dma_wait3A_1695] : memref<4x4096x2304xf32, #tpu.memory_space<hbm>> -> memref<1x16x1024xf32, #tpu.memory_space<hbm>>
    %dma_wait3A_1697 = tpu.memref_squeeze %dma_wait3A_1696 : memref<1x16x1024xf32, #tpu.memory_space<hbm>> -> memref<16x1024xf32, #tpu.memory_space<hbm>>
    %dma_wait3A_1698 = arith.constant 0 : i32
    %dma_wait3A_1699 = arith.constant 0 : i32
    %dma_wait3A_1700 = tpu.memref_slice %arg11[%arg1, %dma_wait3A_1693, %dma_wait3A_1698, %dma_wait3A_1699] : memref<16x2x16x1024xf32, #tpu.memory_space<vmem_shared>> -> memref<1x1x16x1024xf32, #tpu.memory_space<vmem_shared>>
    %dma_wait3A_1701 = tpu.memref_squeeze %dma_wait3A_1700 : memref<1x1x16x1024xf32, #tpu.memory_space<vmem_shared>> -> memref<16x1024xf32, #tpu.memory_space<vmem_shared>>
    tpu.wait_dma2 semaphore(%arg26 : memref<!tpu.dma_semaphore, #tpu.memory_space<semaphore_mem>>) src(%dma_wait3A_1701 : memref<16x1024xf32, #tpu.memory_space<vmem_shared>>) dst(%dma_wait3A_1697 : memref<16x1024xf32, #tpu.memory_space<hbm>>)
    %add3A_1702 = arith.constant 112 : i32
    %add3A_1703 = arith.addi %mul3A_2, %add3A_1702 : i32
    %dma_start3A_1704 = arith.constant 1 : i32
    %dma_start3A_1705 = arith.constant 0 : i32
    %dma_start3A_1706 = arith.constant 0 : i32
    %dma_start3A_1707 = tpu.memref_slice %arg11[%arg1, %dma_start3A_1704, %dma_start3A_1705, %dma_start3A_1706] : memref<16x2x16x1024xf32, #tpu.memory_space<vmem_shared>> -> memref<1x1x16x1024xf32, #tpu.memory_space<vmem_shared>>
    %dma_start3A_1708 = tpu.memref_squeeze %dma_start3A_1707 : memref<1x1x16x1024xf32, #tpu.memory_space<vmem_shared>> -> memref<16x1024xf32, #tpu.memory_space<vmem_shared>>
    %dma_start3A_1709 = arith.constant 0 : i32
    %dma_start3A_1710 = tpu.memref_slice %arg4[%add3A_1703, %dma_start3A_1709] : memref<4096x1024xf32, #tpu.memory_space<hbm>> -> memref<16x1024xf32, #tpu.memory_space<hbm>>
    tpu.enqueue_dma source(%dma_start3A_1710 : memref<16x1024xf32, #tpu.memory_space<hbm>>) target(%dma_start3A_1708 : memref<16x1024xf32, #tpu.memory_space<vmem_shared>>) target_semaphore(%arg24 : memref<!tpu.dma_semaphore, #tpu.memory_space<semaphore_mem>>)
    %dma_wait3A_1711 = arith.constant 2 : i32
    %dma_wait3A_1712 = arith.constant 0 : i32
    %dma_wait3A_1713 = tpu.memref_slice %arg2[%dma_wait3A_1711, %add3A_1507, %dma_wait3A_1712] : memref<4x4096x1024xf32, #tpu.memory_space<hbm>> -> memref<1x16x1024xf32, #tpu.memory_space<hbm>>
    %dma_wait3A_1714 = tpu.memref_squeeze %dma_wait3A_1713 : memref<1x16x1024xf32, #tpu.memory_space<hbm>> -> memref<16x1024xf32, #tpu.memory_space<hbm>>
    %dma_wait3A_1715 = arith.constant 0 : i32
    %dma_wait3A_1716 = tpu.memref_slice %arg2[%dma_wait3A_1711, %add3A_1507, %dma_wait3A_1715] : memref<4x4096x1024xf32, #tpu.memory_space<hbm>> -> memref<1x16x1024xf32, #tpu.memory_space<hbm>>
    %dma_wait3A_1717 = tpu.memref_squeeze %dma_wait3A_1716 : memref<1x16x1024xf32, #tpu.memory_space<hbm>> -> memref<16x1024xf32, #tpu.memory_space<hbm>>
    tpu.wait_dma2 semaphore(%arg14 : memref<!tpu.dma_semaphore, #tpu.memory_space<semaphore_mem>>) src(%dma_wait3A_1717 : memref<16x1024xf32, #tpu.memory_space<hbm>>) dst(%arg7 : memref<16x1024xf32, #tpu.memory_space<vmem>>)
    %add3A_1718 = arith.constant 96 : i32
    %add3A_1719 = arith.addi %mul3A_2, %add3A_1718 : i32
    %dma_start3A_1720 = arith.constant 2 : i32
    %dma_start3A_1721 = arith.constant 0 : i32
    %dma_start3A_1722 = tpu.memref_slice %arg5[%dma_start3A_1720, %add3A_1719, %dma_start3A_1721] : memref<4x4096x2304xf32, #tpu.memory_space<hbm>> -> memref<1x16x1024xf32, #tpu.memory_space<hbm>>
    %dma_start3A_1723 = tpu.memref_squeeze %dma_start3A_1722 : memref<1x16x1024xf32, #tpu.memory_space<hbm>> -> memref<16x1024xf32, #tpu.memory_space<hbm>>
    %dma_start3A_1724 = arith.constant 0 : i32
    %dma_start3A_1725 = tpu.memref_slice %arg5[%dma_start3A_1720, %add3A_1719, %dma_start3A_1724] : memref<4x4096x2304xf32, #tpu.memory_space<hbm>> -> memref<1x16x1024xf32, #tpu.memory_space<hbm>>
    %dma_start3A_1726 = tpu.memref_squeeze %dma_start3A_1725 : memref<1x16x1024xf32, #tpu.memory_space<hbm>> -> memref<16x1024xf32, #tpu.memory_space<hbm>>
    tpu.enqueue_dma source(%arg7 : memref<16x1024xf32, #tpu.memory_space<vmem>>) target(%dma_start3A_1726 : memref<16x1024xf32, #tpu.memory_space<hbm>>) target_semaphore(%arg19 : memref<!tpu.dma_semaphore, #tpu.memory_space<semaphore_mem>>)
    %dma_start3A_1727 = arith.constant 0 : i32
    %dma_start3A_1728 = arith.constant 2 : i32
    %dma_start3A_1729 = arith.constant 1024 : i32
    %dma_start3A_1730 = tpu.memref_slice %arg5[%dma_start3A_1728, %add3A_1719, %dma_start3A_1729] : memref<4x4096x2304xf32, #tpu.memory_space<hbm>> -> memref<1x16x1024xf32, #tpu.memory_space<hbm>>
    %dma_start3A_1731 = tpu.memref_squeeze %dma_start3A_1730 : memref<1x16x1024xf32, #tpu.memory_space<hbm>> -> memref<16x1024xf32, #tpu.memory_space<hbm>>
    %dma_start3A_1732 = arith.constant 0 : i32
    %dma_start3A_1733 = arith.constant 0 : i32
    %dma_start3A_1734 = tpu.memref_slice %arg11[%arg1, %dma_start3A_1727, %dma_start3A_1732, %dma_start3A_1733] : memref<16x2x16x1024xf32, #tpu.memory_space<vmem_shared>> -> memref<1x1x16x1024xf32, #tpu.memory_space<vmem_shared>>
    %dma_start3A_1735 = tpu.memref_squeeze %dma_start3A_1734 : memref<1x1x16x1024xf32, #tpu.memory_space<vmem_shared>> -> memref<16x1024xf32, #tpu.memory_space<vmem_shared>>
    tpu.enqueue_dma source(%dma_start3A_1735 : memref<16x1024xf32, #tpu.memory_space<vmem_shared>>) target(%dma_start3A_1731 : memref<16x1024xf32, #tpu.memory_space<hbm>>) target_semaphore(%arg25 : memref<!tpu.dma_semaphore, #tpu.memory_space<semaphore_mem>>)
    %dma_start3A_1736 = arith.constant 2 : i32
    %dma_start3A_1737 = arith.constant 2048 : i32
    %dma_start3A_1738 = tpu.memref_slice %arg5[%dma_start3A_1736, %add3A_1719, %dma_start3A_1737] : memref<4x4096x2304xf32, #tpu.memory_space<hbm>> -> memref<1x16x256xf32, #tpu.memory_space<hbm>>
    %dma_start3A_1739 = tpu.memref_squeeze %dma_start3A_1738 : memref<1x16x256xf32, #tpu.memory_space<hbm>> -> memref<16x256xf32, #tpu.memory_space<hbm>>
    %dma_start3A_1740 = arith.constant 2048 : i32
    %dma_start3A_1741 = tpu.memref_slice %arg5[%dma_start3A_1736, %add3A_1719, %dma_start3A_1740] : memref<4x4096x2304xf32, #tpu.memory_space<hbm>> -> memref<1x16x256xf32, #tpu.memory_space<hbm>>
    %dma_start3A_1742 = tpu.memref_squeeze %dma_start3A_1741 : memref<1x16x256xf32, #tpu.memory_space<hbm>> -> memref<16x256xf32, #tpu.memory_space<hbm>>
    tpu.enqueue_dma source(%arg12 : memref<16x256xf32, #tpu.memory_space<vmem>>) target(%dma_start3A_1742 : memref<16x256xf32, #tpu.memory_space<hbm>>) target_semaphore(%arg27 : memref<!tpu.dma_semaphore, #tpu.memory_space<semaphore_mem>>)
    %dma_wait3A_1743 = arith.constant 1 : i32
    %dma_wait3A_1744 = arith.constant 0 : i32
    %dma_wait3A_1745 = tpu.memref_slice %arg5[%dma_wait3A_1743, %add3A_1626, %dma_wait3A_1744] : memref<4x4096x2304xf32, #tpu.memory_space<hbm>> -> memref<1x16x1024xf32, #tpu.memory_space<hbm>>
    %dma_wait3A_1746 = tpu.memref_squeeze %dma_wait3A_1745 : memref<1x16x1024xf32, #tpu.memory_space<hbm>> -> memref<16x1024xf32, #tpu.memory_space<hbm>>
    %dma_wait3A_1747 = arith.constant 0 : i32
    %dma_wait3A_1748 = tpu.memref_slice %arg5[%dma_wait3A_1743, %add3A_1626, %dma_wait3A_1747] : memref<4x4096x2304xf32, #tpu.memory_space<hbm>> -> memref<1x16x1024xf32, #tpu.memory_space<hbm>>
    %dma_wait3A_1749 = tpu.memref_squeeze %dma_wait3A_1748 : memref<1x16x1024xf32, #tpu.memory_space<hbm>> -> memref<16x1024xf32, #tpu.memory_space<hbm>>
    tpu.wait_dma2 semaphore(%arg18 : memref<!tpu.dma_semaphore, #tpu.memory_space<semaphore_mem>>) src(%arg6 : memref<16x1024xf32, #tpu.memory_space<vmem>>) dst(%dma_wait3A_1749 : memref<16x1024xf32, #tpu.memory_space<hbm>>)
    %add3A_1750 = arith.constant 112 : i32
    %add3A_1751 = arith.addi %mul3A_2, %add3A_1750 : i32
    %dma_start3A_1752 = arith.constant 2 : i32
    %dma_start3A_1753 = arith.constant 0 : i32
    %dma_start3A_1754 = tpu.memref_slice %arg2[%dma_start3A_1752, %add3A_1751, %dma_start3A_1753] : memref<4x4096x1024xf32, #tpu.memory_space<hbm>> -> memref<1x16x1024xf32, #tpu.memory_space<hbm>>
    %dma_start3A_1755 = tpu.memref_squeeze %dma_start3A_1754 : memref<1x16x1024xf32, #tpu.memory_space<hbm>> -> memref<16x1024xf32, #tpu.memory_space<hbm>>
    %dma_start3A_1756 = arith.constant 0 : i32
    %dma_start3A_1757 = tpu.memref_slice %arg2[%dma_start3A_1752, %add3A_1751, %dma_start3A_1756] : memref<4x4096x1024xf32, #tpu.memory_space<hbm>> -> memref<1x16x1024xf32, #tpu.memory_space<hbm>>
    %dma_start3A_1758 = tpu.memref_squeeze %dma_start3A_1757 : memref<1x16x1024xf32, #tpu.memory_space<hbm>> -> memref<16x1024xf32, #tpu.memory_space<hbm>>
    tpu.enqueue_dma source(%dma_start3A_1758 : memref<16x1024xf32, #tpu.memory_space<hbm>>) target(%arg6 : memref<16x1024xf32, #tpu.memory_space<vmem>>) target_semaphore(%arg13 : memref<!tpu.dma_semaphore, #tpu.memory_space<semaphore_mem>>)
    %dma_wait3A_1759 = arith.constant 3 : i32
    %dma_wait3A_1760 = arith.constant 0 : i32
    %dma_wait3A_1761 = tpu.memref_slice %arg2[%dma_wait3A_1759, %add3A_1555, %dma_wait3A_1760] : memref<4x4096x1024xf32, #tpu.memory_space<hbm>> -> memref<1x16x1024xf32, #tpu.memory_space<hbm>>
    %dma_wait3A_1762 = tpu.memref_squeeze %dma_wait3A_1761 : memref<1x16x1024xf32, #tpu.memory_space<hbm>> -> memref<16x1024xf32, #tpu.memory_space<hbm>>
    %dma_wait3A_1763 = arith.constant 0 : i32
    %dma_wait3A_1764 = tpu.memref_slice %arg2[%dma_wait3A_1759, %add3A_1555, %dma_wait3A_1763] : memref<4x4096x1024xf32, #tpu.memory_space<hbm>> -> memref<1x16x1024xf32, #tpu.memory_space<hbm>>
    %dma_wait3A_1765 = tpu.memref_squeeze %dma_wait3A_1764 : memref<1x16x1024xf32, #tpu.memory_space<hbm>> -> memref<16x1024xf32, #tpu.memory_space<hbm>>
    tpu.wait_dma2 semaphore(%arg15 : memref<!tpu.dma_semaphore, #tpu.memory_space<semaphore_mem>>) src(%dma_wait3A_1765 : memref<16x1024xf32, #tpu.memory_space<hbm>>) dst(%arg8 : memref<16x1024xf32, #tpu.memory_space<vmem>>)
    %add3A_1766 = arith.constant 96 : i32
    %add3A_1767 = arith.addi %mul3A_2, %add3A_1766 : i32
    %dma_start3A_1768 = arith.constant 3 : i32
    %dma_start3A_1769 = arith.constant 0 : i32
    %dma_start3A_1770 = tpu.memref_slice %arg5[%dma_start3A_1768, %add3A_1767, %dma_start3A_1769] : memref<4x4096x2304xf32, #tpu.memory_space<hbm>> -> memref<1x16x1024xf32, #tpu.memory_space<hbm>>
    %dma_start3A_1771 = tpu.memref_squeeze %dma_start3A_1770 : memref<1x16x1024xf32, #tpu.memory_space<hbm>> -> memref<16x1024xf32, #tpu.memory_space<hbm>>
    %dma_start3A_1772 = arith.constant 0 : i32
    %dma_start3A_1773 = tpu.memref_slice %arg5[%dma_start3A_1768, %add3A_1767, %dma_start3A_1772] : memref<4x4096x2304xf32, #tpu.memory_space<hbm>> -> memref<1x16x1024xf32, #tpu.memory_space<hbm>>
    %dma_start3A_1774 = tpu.memref_squeeze %dma_start3A_1773 : memref<1x16x1024xf32, #tpu.memory_space<hbm>> -> memref<16x1024xf32, #tpu.memory_space<hbm>>
    tpu.enqueue_dma source(%arg8 : memref<16x1024xf32, #tpu.memory_space<vmem>>) target(%dma_start3A_1774 : memref<16x1024xf32, #tpu.memory_space<hbm>>) target_semaphore(%arg20 : memref<!tpu.dma_semaphore, #tpu.memory_space<semaphore_mem>>)
    %dma_start3A_1775 = arith.constant 0 : i32
    %dma_start3A_1776 = arith.constant 3 : i32
    %dma_start3A_1777 = arith.constant 1024 : i32
    %dma_start3A_1778 = tpu.memref_slice %arg5[%dma_start3A_1776, %add3A_1767, %dma_start3A_1777] : memref<4x4096x2304xf32, #tpu.memory_space<hbm>> -> memref<1x16x1024xf32, #tpu.memory_space<hbm>>
    %dma_start3A_1779 = tpu.memref_squeeze %dma_start3A_1778 : memref<1x16x1024xf32, #tpu.memory_space<hbm>> -> memref<16x1024xf32, #tpu.memory_space<hbm>>
    %dma_start3A_1780 = arith.constant 0 : i32
    %dma_start3A_1781 = arith.constant 0 : i32
    %dma_start3A_1782 = tpu.memref_slice %arg11[%arg1, %dma_start3A_1775, %dma_start3A_1780, %dma_start3A_1781] : memref<16x2x16x1024xf32, #tpu.memory_space<vmem_shared>> -> memref<1x1x16x1024xf32, #tpu.memory_space<vmem_shared>>
    %dma_start3A_1783 = tpu.memref_squeeze %dma_start3A_1782 : memref<1x1x16x1024xf32, #tpu.memory_space<vmem_shared>> -> memref<16x1024xf32, #tpu.memory_space<vmem_shared>>
    tpu.enqueue_dma source(%dma_start3A_1783 : memref<16x1024xf32, #tpu.memory_space<vmem_shared>>) target(%dma_start3A_1779 : memref<16x1024xf32, #tpu.memory_space<hbm>>) target_semaphore(%arg25 : memref<!tpu.dma_semaphore, #tpu.memory_space<semaphore_mem>>)
    %dma_start3A_1784 = arith.constant 3 : i32
    %dma_start3A_1785 = arith.constant 2048 : i32
    %dma_start3A_1786 = tpu.memref_slice %arg5[%dma_start3A_1784, %add3A_1767, %dma_start3A_1785] : memref<4x4096x2304xf32, #tpu.memory_space<hbm>> -> memref<1x16x256xf32, #tpu.memory_space<hbm>>
    %dma_start3A_1787 = tpu.memref_squeeze %dma_start3A_1786 : memref<1x16x256xf32, #tpu.memory_space<hbm>> -> memref<16x256xf32, #tpu.memory_space<hbm>>
    %dma_start3A_1788 = arith.constant 2048 : i32
    %dma_start3A_1789 = tpu.memref_slice %arg5[%dma_start3A_1784, %add3A_1767, %dma_start3A_1788] : memref<4x4096x2304xf32, #tpu.memory_space<hbm>> -> memref<1x16x256xf32, #tpu.memory_space<hbm>>
    %dma_start3A_1790 = tpu.memref_squeeze %dma_start3A_1789 : memref<1x16x256xf32, #tpu.memory_space<hbm>> -> memref<16x256xf32, #tpu.memory_space<hbm>>
    tpu.enqueue_dma source(%arg12 : memref<16x256xf32, #tpu.memory_space<vmem>>) target(%dma_start3A_1790 : memref<16x256xf32, #tpu.memory_space<hbm>>) target_semaphore(%arg27 : memref<!tpu.dma_semaphore, #tpu.memory_space<semaphore_mem>>)
    %dma_wait3A_1791 = arith.constant 2 : i32
    %dma_wait3A_1792 = arith.constant 0 : i32
    %dma_wait3A_1793 = tpu.memref_slice %arg5[%dma_wait3A_1791, %add3A_1719, %dma_wait3A_1792] : memref<4x4096x2304xf32, #tpu.memory_space<hbm>> -> memref<1x16x1024xf32, #tpu.memory_space<hbm>>
    %dma_wait3A_1794 = tpu.memref_squeeze %dma_wait3A_1793 : memref<1x16x1024xf32, #tpu.memory_space<hbm>> -> memref<16x1024xf32, #tpu.memory_space<hbm>>
    %dma_wait3A_1795 = arith.constant 0 : i32
    %dma_wait3A_1796 = tpu.memref_slice %arg5[%dma_wait3A_1791, %add3A_1719, %dma_wait3A_1795] : memref<4x4096x2304xf32, #tpu.memory_space<hbm>> -> memref<1x16x1024xf32, #tpu.memory_space<hbm>>
    %dma_wait3A_1797 = tpu.memref_squeeze %dma_wait3A_1796 : memref<1x16x1024xf32, #tpu.memory_space<hbm>> -> memref<16x1024xf32, #tpu.memory_space<hbm>>
    tpu.wait_dma2 semaphore(%arg19 : memref<!tpu.dma_semaphore, #tpu.memory_space<semaphore_mem>>) src(%arg7 : memref<16x1024xf32, #tpu.memory_space<vmem>>) dst(%dma_wait3A_1797 : memref<16x1024xf32, #tpu.memory_space<hbm>>)
    %add3A_1798 = arith.constant 112 : i32
    %add3A_1799 = arith.addi %mul3A_2, %add3A_1798 : i32
    %dma_start3A_1800 = arith.constant 3 : i32
    %dma_start3A_1801 = arith.constant 0 : i32
    %dma_start3A_1802 = tpu.memref_slice %arg2[%dma_start3A_1800, %add3A_1799, %dma_start3A_1801] : memref<4x4096x1024xf32, #tpu.memory_space<hbm>> -> memref<1x16x1024xf32, #tpu.memory_space<hbm>>
    %dma_start3A_1803 = tpu.memref_squeeze %dma_start3A_1802 : memref<1x16x1024xf32, #tpu.memory_space<hbm>> -> memref<16x1024xf32, #tpu.memory_space<hbm>>
    %dma_start3A_1804 = arith.constant 0 : i32
    %dma_start3A_1805 = tpu.memref_slice %arg2[%dma_start3A_1800, %add3A_1799, %dma_start3A_1804] : memref<4x4096x1024xf32, #tpu.memory_space<hbm>> -> memref<1x16x1024xf32, #tpu.memory_space<hbm>>
    %dma_start3A_1806 = tpu.memref_squeeze %dma_start3A_1805 : memref<1x16x1024xf32, #tpu.memory_space<hbm>> -> memref<16x1024xf32, #tpu.memory_space<hbm>>
    tpu.enqueue_dma source(%dma_start3A_1806 : memref<16x1024xf32, #tpu.memory_space<hbm>>) target(%arg7 : memref<16x1024xf32, #tpu.memory_space<vmem>>) target_semaphore(%arg14 : memref<!tpu.dma_semaphore, #tpu.memory_space<semaphore_mem>>)
    %dma_wait3A_1807 = arith.constant 0 : i32
    %dma_wait3A_1808 = arith.constant 0 : i32
    %dma_wait3A_1809 = tpu.memref_slice %arg2[%dma_wait3A_1807, %add3A_1610, %dma_wait3A_1808] : memref<4x4096x1024xf32, #tpu.memory_space<hbm>> -> memref<1x16x1024xf32, #tpu.memory_space<hbm>>
    %dma_wait3A_1810 = tpu.memref_squeeze %dma_wait3A_1809 : memref<1x16x1024xf32, #tpu.memory_space<hbm>> -> memref<16x1024xf32, #tpu.memory_space<hbm>>
    %dma_wait3A_1811 = arith.constant 0 : i32
    %dma_wait3A_1812 = tpu.memref_slice %arg2[%dma_wait3A_1807, %add3A_1610, %dma_wait3A_1811] : memref<4x4096x1024xf32, #tpu.memory_space<hbm>> -> memref<1x16x1024xf32, #tpu.memory_space<hbm>>
    %dma_wait3A_1813 = tpu.memref_squeeze %dma_wait3A_1812 : memref<1x16x1024xf32, #tpu.memory_space<hbm>> -> memref<16x1024xf32, #tpu.memory_space<hbm>>
    tpu.wait_dma2 semaphore(%arg16 : memref<!tpu.dma_semaphore, #tpu.memory_space<semaphore_mem>>) src(%dma_wait3A_1813 : memref<16x1024xf32, #tpu.memory_space<hbm>>) dst(%arg9 : memref<16x1024xf32, #tpu.memory_space<vmem>>)
    %dma_wait3A_1814 = arith.constant 1 : i32
    %dma_wait3A_1815 = arith.constant 0 : i32
    %dma_wait3A_1816 = arith.constant 0 : i32
    %dma_wait3A_1817 = tpu.memref_slice %arg11[%arg1, %dma_wait3A_1814, %dma_wait3A_1815, %dma_wait3A_1816] : memref<16x2x16x1024xf32, #tpu.memory_space<vmem_shared>> -> memref<1x1x16x1024xf32, #tpu.memory_space<vmem_shared>>
    %dma_wait3A_1818 = tpu.memref_squeeze %dma_wait3A_1817 : memref<1x1x16x1024xf32, #tpu.memory_space<vmem_shared>> -> memref<16x1024xf32, #tpu.memory_space<vmem_shared>>
    %dma_wait3A_1819 = arith.constant 0 : i32
    %dma_wait3A_1820 = tpu.memref_slice %arg4[%add3A_1703, %dma_wait3A_1819] : memref<4096x1024xf32, #tpu.memory_space<hbm>> -> memref<16x1024xf32, #tpu.memory_space<hbm>>
    tpu.wait_dma2 semaphore(%arg24 : memref<!tpu.dma_semaphore, #tpu.memory_space<semaphore_mem>>) src(%dma_wait3A_1820 : memref<16x1024xf32, #tpu.memory_space<hbm>>) dst(%dma_wait3A_1818 : memref<16x1024xf32, #tpu.memory_space<vmem_shared>>)
    %add3A_1821 = arith.constant 112 : i32
    %add3A_1822 = arith.addi %mul3A_2, %add3A_1821 : i32
    %dma_start3A_1823 = arith.constant 0 : i32
    %dma_start3A_1824 = arith.constant 0 : i32
    %dma_start3A_1825 = tpu.memref_slice %arg5[%dma_start3A_1823, %add3A_1822, %dma_start3A_1824] : memref<4x4096x2304xf32, #tpu.memory_space<hbm>> -> memref<1x16x1024xf32, #tpu.memory_space<hbm>>
    %dma_start3A_1826 = tpu.memref_squeeze %dma_start3A_1825 : memref<1x16x1024xf32, #tpu.memory_space<hbm>> -> memref<16x1024xf32, #tpu.memory_space<hbm>>
    %dma_start3A_1827 = arith.constant 0 : i32
    %dma_start3A_1828 = tpu.memref_slice %arg5[%dma_start3A_1823, %add3A_1822, %dma_start3A_1827] : memref<4x4096x2304xf32, #tpu.memory_space<hbm>> -> memref<1x16x1024xf32, #tpu.memory_space<hbm>>
    %dma_start3A_1829 = tpu.memref_squeeze %dma_start3A_1828 : memref<1x16x1024xf32, #tpu.memory_space<hbm>> -> memref<16x1024xf32, #tpu.memory_space<hbm>>
    tpu.enqueue_dma source(%arg9 : memref<16x1024xf32, #tpu.memory_space<vmem>>) target(%dma_start3A_1829 : memref<16x1024xf32, #tpu.memory_space<hbm>>) target_semaphore(%arg21 : memref<!tpu.dma_semaphore, #tpu.memory_space<semaphore_mem>>)
    %dma_start3A_1830 = arith.constant 1 : i32
    %dma_start3A_1831 = arith.constant 0 : i32
    %dma_start3A_1832 = arith.constant 1024 : i32
    %dma_start3A_1833 = tpu.memref_slice %arg5[%dma_start3A_1831, %add3A_1822, %dma_start3A_1832] : memref<4x4096x2304xf32, #tpu.memory_space<hbm>> -> memref<1x16x1024xf32, #tpu.memory_space<hbm>>
    %dma_start3A_1834 = tpu.memref_squeeze %dma_start3A_1833 : memref<1x16x1024xf32, #tpu.memory_space<hbm>> -> memref<16x1024xf32, #tpu.memory_space<hbm>>
    %dma_start3A_1835 = arith.constant 0 : i32
    %dma_start3A_1836 = arith.constant 0 : i32
    %dma_start3A_1837 = tpu.memref_slice %arg11[%arg1, %dma_start3A_1830, %dma_start3A_1835, %dma_start3A_1836] : memref<16x2x16x1024xf32, #tpu.memory_space<vmem_shared>> -> memref<1x1x16x1024xf32, #tpu.memory_space<vmem_shared>>
    %dma_start3A_1838 = tpu.memref_squeeze %dma_start3A_1837 : memref<1x1x16x1024xf32, #tpu.memory_space<vmem_shared>> -> memref<16x1024xf32, #tpu.memory_space<vmem_shared>>
    tpu.enqueue_dma source(%dma_start3A_1838 : memref<16x1024xf32, #tpu.memory_space<vmem_shared>>) target(%dma_start3A_1834 : memref<16x1024xf32, #tpu.memory_space<hbm>>) target_semaphore(%arg26 : memref<!tpu.dma_semaphore, #tpu.memory_space<semaphore_mem>>)
    %dma_start3A_1839 = arith.constant 0 : i32
    %dma_start3A_1840 = arith.constant 2048 : i32
    %dma_start3A_1841 = tpu.memref_slice %arg5[%dma_start3A_1839, %add3A_1822, %dma_start3A_1840] : memref<4x4096x2304xf32, #tpu.memory_space<hbm>> -> memref<1x16x256xf32, #tpu.memory_space<hbm>>
    %dma_start3A_1842 = tpu.memref_squeeze %dma_start3A_1841 : memref<1x16x256xf32, #tpu.memory_space<hbm>> -> memref<16x256xf32, #tpu.memory_space<hbm>>
    %dma_start3A_1843 = arith.constant 2048 : i32
    %dma_start3A_1844 = tpu.memref_slice %arg5[%dma_start3A_1839, %add3A_1822, %dma_start3A_1843] : memref<4x4096x2304xf32, #tpu.memory_space<hbm>> -> memref<1x16x256xf32, #tpu.memory_space<hbm>>
    %dma_start3A_1845 = tpu.memref_squeeze %dma_start3A_1844 : memref<1x16x256xf32, #tpu.memory_space<hbm>> -> memref<16x256xf32, #tpu.memory_space<hbm>>
    tpu.enqueue_dma source(%arg12 : memref<16x256xf32, #tpu.memory_space<vmem>>) target(%dma_start3A_1845 : memref<16x256xf32, #tpu.memory_space<hbm>>) target_semaphore(%arg27 : memref<!tpu.dma_semaphore, #tpu.memory_space<semaphore_mem>>)
    %dma_wait3A_1846 = arith.constant 1 : i32
    %dma_wait3A_1847 = arith.constant 0 : i32
    %dma_wait3A_1848 = tpu.memref_slice %arg2[%dma_wait3A_1846, %add3A_1658, %dma_wait3A_1847] : memref<4x4096x1024xf32, #tpu.memory_space<hbm>> -> memref<1x16x1024xf32, #tpu.memory_space<hbm>>
    %dma_wait3A_1849 = tpu.memref_squeeze %dma_wait3A_1848 : memref<1x16x1024xf32, #tpu.memory_space<hbm>> -> memref<16x1024xf32, #tpu.memory_space<hbm>>
    %dma_wait3A_1850 = arith.constant 0 : i32
    %dma_wait3A_1851 = tpu.memref_slice %arg2[%dma_wait3A_1846, %add3A_1658, %dma_wait3A_1850] : memref<4x4096x1024xf32, #tpu.memory_space<hbm>> -> memref<1x16x1024xf32, #tpu.memory_space<hbm>>
    %dma_wait3A_1852 = tpu.memref_squeeze %dma_wait3A_1851 : memref<1x16x1024xf32, #tpu.memory_space<hbm>> -> memref<16x1024xf32, #tpu.memory_space<hbm>>
    tpu.wait_dma2 semaphore(%arg17 : memref<!tpu.dma_semaphore, #tpu.memory_space<semaphore_mem>>) src(%dma_wait3A_1852 : memref<16x1024xf32, #tpu.memory_space<hbm>>) dst(%arg10 : memref<16x1024xf32, #tpu.memory_space<vmem>>)
    %add3A_1853 = arith.constant 112 : i32
    %add3A_1854 = arith.addi %mul3A_2, %add3A_1853 : i32
    %dma_start3A_1855 = arith.constant 1 : i32
    %dma_start3A_1856 = arith.constant 0 : i32
    %dma_start3A_1857 = tpu.memref_slice %arg5[%dma_start3A_1855, %add3A_1854, %dma_start3A_1856] : memref<4x4096x2304xf32, #tpu.memory_space<hbm>> -> memref<1x16x1024xf32, #tpu.memory_space<hbm>>
    %dma_start3A_1858 = tpu.memref_squeeze %dma_start3A_1857 : memref<1x16x1024xf32, #tpu.memory_space<hbm>> -> memref<16x1024xf32, #tpu.memory_space<hbm>>
    %dma_start3A_1859 = arith.constant 0 : i32
    %dma_start3A_1860 = tpu.memref_slice %arg5[%dma_start3A_1855, %add3A_1854, %dma_start3A_1859] : memref<4x4096x2304xf32, #tpu.memory_space<hbm>> -> memref<1x16x1024xf32, #tpu.memory_space<hbm>>
    %dma_start3A_1861 = tpu.memref_squeeze %dma_start3A_1860 : memref<1x16x1024xf32, #tpu.memory_space<hbm>> -> memref<16x1024xf32, #tpu.memory_space<hbm>>
    tpu.enqueue_dma source(%arg10 : memref<16x1024xf32, #tpu.memory_space<vmem>>) target(%dma_start3A_1861 : memref<16x1024xf32, #tpu.memory_space<hbm>>) target_semaphore(%arg22 : memref<!tpu.dma_semaphore, #tpu.memory_space<semaphore_mem>>)
    %dma_start3A_1862 = arith.constant 1 : i32
    %dma_start3A_1863 = arith.constant 1 : i32
    %dma_start3A_1864 = arith.constant 1024 : i32
    %dma_start3A_1865 = tpu.memref_slice %arg5[%dma_start3A_1863, %add3A_1854, %dma_start3A_1864] : memref<4x4096x2304xf32, #tpu.memory_space<hbm>> -> memref<1x16x1024xf32, #tpu.memory_space<hbm>>
    %dma_start3A_1866 = tpu.memref_squeeze %dma_start3A_1865 : memref<1x16x1024xf32, #tpu.memory_space<hbm>> -> memref<16x1024xf32, #tpu.memory_space<hbm>>
    %dma_start3A_1867 = arith.constant 0 : i32
    %dma_start3A_1868 = arith.constant 0 : i32
    %dma_start3A_1869 = tpu.memref_slice %arg11[%arg1, %dma_start3A_1862, %dma_start3A_1867, %dma_start3A_1868] : memref<16x2x16x1024xf32, #tpu.memory_space<vmem_shared>> -> memref<1x1x16x1024xf32, #tpu.memory_space<vmem_shared>>
    %dma_start3A_1870 = tpu.memref_squeeze %dma_start3A_1869 : memref<1x1x16x1024xf32, #tpu.memory_space<vmem_shared>> -> memref<16x1024xf32, #tpu.memory_space<vmem_shared>>
    tpu.enqueue_dma source(%dma_start3A_1870 : memref<16x1024xf32, #tpu.memory_space<vmem_shared>>) target(%dma_start3A_1866 : memref<16x1024xf32, #tpu.memory_space<hbm>>) target_semaphore(%arg26 : memref<!tpu.dma_semaphore, #tpu.memory_space<semaphore_mem>>)
    %dma_start3A_1871 = arith.constant 1 : i32
    %dma_start3A_1872 = arith.constant 2048 : i32
    %dma_start3A_1873 = tpu.memref_slice %arg5[%dma_start3A_1871, %add3A_1854, %dma_start3A_1872] : memref<4x4096x2304xf32, #tpu.memory_space<hbm>> -> memref<1x16x256xf32, #tpu.memory_space<hbm>>
    %dma_start3A_1874 = tpu.memref_squeeze %dma_start3A_1873 : memref<1x16x256xf32, #tpu.memory_space<hbm>> -> memref<16x256xf32, #tpu.memory_space<hbm>>
    %dma_start3A_1875 = arith.constant 2048 : i32
    %dma_start3A_1876 = tpu.memref_slice %arg5[%dma_start3A_1871, %add3A_1854, %dma_start3A_1875] : memref<4x4096x2304xf32, #tpu.memory_space<hbm>> -> memref<1x16x256xf32, #tpu.memory_space<hbm>>
    %dma_start3A_1877 = tpu.memref_squeeze %dma_start3A_1876 : memref<1x16x256xf32, #tpu.memory_space<hbm>> -> memref<16x256xf32, #tpu.memory_space<hbm>>
    tpu.enqueue_dma source(%arg12 : memref<16x256xf32, #tpu.memory_space<vmem>>) target(%dma_start3A_1877 : memref<16x256xf32, #tpu.memory_space<hbm>>) target_semaphore(%arg27 : memref<!tpu.dma_semaphore, #tpu.memory_space<semaphore_mem>>)
    %dma_wait3A_1878 = arith.constant 2 : i32
    %dma_wait3A_1879 = arith.constant 0 : i32
    %dma_wait3A_1880 = tpu.memref_slice %arg2[%dma_wait3A_1878, %add3A_1751, %dma_wait3A_1879] : memref<4x4096x1024xf32, #tpu.memory_space<hbm>> -> memref<1x16x1024xf32, #tpu.memory_space<hbm>>
    %dma_wait3A_1881 = tpu.memref_squeeze %dma_wait3A_1880 : memref<1x16x1024xf32, #tpu.memory_space<hbm>> -> memref<16x1024xf32, #tpu.memory_space<hbm>>
    %dma_wait3A_1882 = arith.constant 0 : i32
    %dma_wait3A_1883 = tpu.memref_slice %arg2[%dma_wait3A_1878, %add3A_1751, %dma_wait3A_1882] : memref<4x4096x1024xf32, #tpu.memory_space<hbm>> -> memref<1x16x1024xf32, #tpu.memory_space<hbm>>
    %dma_wait3A_1884 = tpu.memref_squeeze %dma_wait3A_1883 : memref<1x16x1024xf32, #tpu.memory_space<hbm>> -> memref<16x1024xf32, #tpu.memory_space<hbm>>
    tpu.wait_dma2 semaphore(%arg13 : memref<!tpu.dma_semaphore, #tpu.memory_space<semaphore_mem>>) src(%dma_wait3A_1884 : memref<16x1024xf32, #tpu.memory_space<hbm>>) dst(%arg6 : memref<16x1024xf32, #tpu.memory_space<vmem>>)
    %add3A_1885 = arith.constant 112 : i32
    %add3A_1886 = arith.addi %mul3A_2, %add3A_1885 : i32
    %dma_start3A_1887 = arith.constant 2 : i32
    %dma_start3A_1888 = arith.constant 0 : i32
    %dma_start3A_1889 = tpu.memref_slice %arg5[%dma_start3A_1887, %add3A_1886, %dma_start3A_1888] : memref<4x4096x2304xf32, #tpu.memory_space<hbm>> -> memref<1x16x1024xf32, #tpu.memory_space<hbm>>
    %dma_start3A_1890 = tpu.memref_squeeze %dma_start3A_1889 : memref<1x16x1024xf32, #tpu.memory_space<hbm>> -> memref<16x1024xf32, #tpu.memory_space<hbm>>
    %dma_start3A_1891 = arith.constant 0 : i32
    %dma_start3A_1892 = tpu.memref_slice %arg5[%dma_start3A_1887, %add3A_1886, %dma_start3A_1891] : memref<4x4096x2304xf32, #tpu.memory_space<hbm>> -> memref<1x16x1024xf32, #tpu.memory_space<hbm>>
    %dma_start3A_1893 = tpu.memref_squeeze %dma_start3A_1892 : memref<1x16x1024xf32, #tpu.memory_space<hbm>> -> memref<16x1024xf32, #tpu.memory_space<hbm>>
    tpu.enqueue_dma source(%arg6 : memref<16x1024xf32, #tpu.memory_space<vmem>>) target(%dma_start3A_1893 : memref<16x1024xf32, #tpu.memory_space<hbm>>) target_semaphore(%arg18 : memref<!tpu.dma_semaphore, #tpu.memory_space<semaphore_mem>>)
    %dma_start3A_1894 = arith.constant 1 : i32
    %dma_start3A_1895 = arith.constant 2 : i32
    %dma_start3A_1896 = arith.constant 1024 : i32
    %dma_start3A_1897 = tpu.memref_slice %arg5[%dma_start3A_1895, %add3A_1886, %dma_start3A_1896] : memref<4x4096x2304xf32, #tpu.memory_space<hbm>> -> memref<1x16x1024xf32, #tpu.memory_space<hbm>>
    %dma_start3A_1898 = tpu.memref_squeeze %dma_start3A_1897 : memref<1x16x1024xf32, #tpu.memory_space<hbm>> -> memref<16x1024xf32, #tpu.memory_space<hbm>>
    %dma_start3A_1899 = arith.constant 0 : i32
    %dma_start3A_1900 = arith.constant 0 : i32
    %dma_start3A_1901 = tpu.memref_slice %arg11[%arg1, %dma_start3A_1894, %dma_start3A_1899, %dma_start3A_1900] : memref<16x2x16x1024xf32, #tpu.memory_space<vmem_shared>> -> memref<1x1x16x1024xf32, #tpu.memory_space<vmem_shared>>
    %dma_start3A_1902 = tpu.memref_squeeze %dma_start3A_1901 : memref<1x1x16x1024xf32, #tpu.memory_space<vmem_shared>> -> memref<16x1024xf32, #tpu.memory_space<vmem_shared>>
    tpu.enqueue_dma source(%dma_start3A_1902 : memref<16x1024xf32, #tpu.memory_space<vmem_shared>>) target(%dma_start3A_1898 : memref<16x1024xf32, #tpu.memory_space<hbm>>) target_semaphore(%arg26 : memref<!tpu.dma_semaphore, #tpu.memory_space<semaphore_mem>>)
    %dma_start3A_1903 = arith.constant 2 : i32
    %dma_start3A_1904 = arith.constant 2048 : i32
    %dma_start3A_1905 = tpu.memref_slice %arg5[%dma_start3A_1903, %add3A_1886, %dma_start3A_1904] : memref<4x4096x2304xf32, #tpu.memory_space<hbm>> -> memref<1x16x256xf32, #tpu.memory_space<hbm>>
    %dma_start3A_1906 = tpu.memref_squeeze %dma_start3A_1905 : memref<1x16x256xf32, #tpu.memory_space<hbm>> -> memref<16x256xf32, #tpu.memory_space<hbm>>
    %dma_start3A_1907 = arith.constant 2048 : i32
    %dma_start3A_1908 = tpu.memref_slice %arg5[%dma_start3A_1903, %add3A_1886, %dma_start3A_1907] : memref<4x4096x2304xf32, #tpu.memory_space<hbm>> -> memref<1x16x256xf32, #tpu.memory_space<hbm>>
    %dma_start3A_1909 = tpu.memref_squeeze %dma_start3A_1908 : memref<1x16x256xf32, #tpu.memory_space<hbm>> -> memref<16x256xf32, #tpu.memory_space<hbm>>
    tpu.enqueue_dma source(%arg12 : memref<16x256xf32, #tpu.memory_space<vmem>>) target(%dma_start3A_1909 : memref<16x256xf32, #tpu.memory_space<hbm>>) target_semaphore(%arg27 : memref<!tpu.dma_semaphore, #tpu.memory_space<semaphore_mem>>)
    %dma_wait3A_1910 = arith.constant 3 : i32
    %dma_wait3A_1911 = arith.constant 0 : i32
    %dma_wait3A_1912 = tpu.memref_slice %arg2[%dma_wait3A_1910, %add3A_1799, %dma_wait3A_1911] : memref<4x4096x1024xf32, #tpu.memory_space<hbm>> -> memref<1x16x1024xf32, #tpu.memory_space<hbm>>
    %dma_wait3A_1913 = tpu.memref_squeeze %dma_wait3A_1912 : memref<1x16x1024xf32, #tpu.memory_space<hbm>> -> memref<16x1024xf32, #tpu.memory_space<hbm>>
    %dma_wait3A_1914 = arith.constant 0 : i32
    %dma_wait3A_1915 = tpu.memref_slice %arg2[%dma_wait3A_1910, %add3A_1799, %dma_wait3A_1914] : memref<4x4096x1024xf32, #tpu.memory_space<hbm>> -> memref<1x16x1024xf32, #tpu.memory_space<hbm>>
    %dma_wait3A_1916 = tpu.memref_squeeze %dma_wait3A_1915 : memref<1x16x1024xf32, #tpu.memory_space<hbm>> -> memref<16x1024xf32, #tpu.memory_space<hbm>>
    tpu.wait_dma2 semaphore(%arg14 : memref<!tpu.dma_semaphore, #tpu.memory_space<semaphore_mem>>) src(%dma_wait3A_1916 : memref<16x1024xf32, #tpu.memory_space<hbm>>) dst(%arg7 : memref<16x1024xf32, #tpu.memory_space<vmem>>)
    %add3A_1917 = arith.constant 112 : i32
    %add3A_1918 = arith.addi %mul3A_2, %add3A_1917 : i32
    %dma_start3A_1919 = arith.constant 3 : i32
    %dma_start3A_1920 = arith.constant 0 : i32
    %dma_start3A_1921 = tpu.memref_slice %arg5[%dma_start3A_1919, %add3A_1918, %dma_start3A_1920] : memref<4x4096x2304xf32, #tpu.memory_space<hbm>> -> memref<1x16x1024xf32, #tpu.memory_space<hbm>>
    %dma_start3A_1922 = tpu.memref_squeeze %dma_start3A_1921 : memref<1x16x1024xf32, #tpu.memory_space<hbm>> -> memref<16x1024xf32, #tpu.memory_space<hbm>>
    %dma_start3A_1923 = arith.constant 0 : i32
    %dma_start3A_1924 = tpu.memref_slice %arg5[%dma_start3A_1919, %add3A_1918, %dma_start3A_1923] : memref<4x4096x2304xf32, #tpu.memory_space<hbm>> -> memref<1x16x1024xf32, #tpu.memory_space<hbm>>
    %dma_start3A_1925 = tpu.memref_squeeze %dma_start3A_1924 : memref<1x16x1024xf32, #tpu.memory_space<hbm>> -> memref<16x1024xf32, #tpu.memory_space<hbm>>
    tpu.enqueue_dma source(%arg7 : memref<16x1024xf32, #tpu.memory_space<vmem>>) target(%dma_start3A_1925 : memref<16x1024xf32, #tpu.memory_space<hbm>>) target_semaphore(%arg19 : memref<!tpu.dma_semaphore, #tpu.memory_space<semaphore_mem>>)
    %dma_start3A_1926 = arith.constant 1 : i32
    %dma_start3A_1927 = arith.constant 3 : i32
    %dma_start3A_1928 = arith.constant 1024 : i32
    %dma_start3A_1929 = tpu.memref_slice %arg5[%dma_start3A_1927, %add3A_1918, %dma_start3A_1928] : memref<4x4096x2304xf32, #tpu.memory_space<hbm>> -> memref<1x16x1024xf32, #tpu.memory_space<hbm>>
    %dma_start3A_1930 = tpu.memref_squeeze %dma_start3A_1929 : memref<1x16x1024xf32, #tpu.memory_space<hbm>> -> memref<16x1024xf32, #tpu.memory_space<hbm>>
    %dma_start3A_1931 = arith.constant 0 : i32
    %dma_start3A_1932 = arith.constant 0 : i32
    %dma_start3A_1933 = tpu.memref_slice %arg11[%arg1, %dma_start3A_1926, %dma_start3A_1931, %dma_start3A_1932] : memref<16x2x16x1024xf32, #tpu.memory_space<vmem_shared>> -> memref<1x1x16x1024xf32, #tpu.memory_space<vmem_shared>>
    %dma_start3A_1934 = tpu.memref_squeeze %dma_start3A_1933 : memref<1x1x16x1024xf32, #tpu.memory_space<vmem_shared>> -> memref<16x1024xf32, #tpu.memory_space<vmem_shared>>
    tpu.enqueue_dma source(%dma_start3A_1934 : memref<16x1024xf32, #tpu.memory_space<vmem_shared>>) target(%dma_start3A_1930 : memref<16x1024xf32, #tpu.memory_space<hbm>>) target_semaphore(%arg26 : memref<!tpu.dma_semaphore, #tpu.memory_space<semaphore_mem>>)
    %dma_start3A_1935 = arith.constant 3 : i32
    %dma_start3A_1936 = arith.constant 2048 : i32
    %dma_start3A_1937 = tpu.memref_slice %arg5[%dma_start3A_1935, %add3A_1918, %dma_start3A_1936] : memref<4x4096x2304xf32, #tpu.memory_space<hbm>> -> memref<1x16x256xf32, #tpu.memory_space<hbm>>
    %dma_start3A_1938 = tpu.memref_squeeze %dma_start3A_1937 : memref<1x16x256xf32, #tpu.memory_space<hbm>> -> memref<16x256xf32, #tpu.memory_space<hbm>>
    %dma_start3A_1939 = arith.constant 2048 : i32
    %dma_start3A_1940 = tpu.memref_slice %arg5[%dma_start3A_1935, %add3A_1918, %dma_start3A_1939] : memref<4x4096x2304xf32, #tpu.memory_space<hbm>> -> memref<1x16x256xf32, #tpu.memory_space<hbm>>
    %dma_start3A_1941 = tpu.memref_squeeze %dma_start3A_1940 : memref<1x16x256xf32, #tpu.memory_space<hbm>> -> memref<16x256xf32, #tpu.memory_space<hbm>>
    tpu.enqueue_dma source(%arg12 : memref<16x256xf32, #tpu.memory_space<vmem>>) target(%dma_start3A_1941 : memref<16x256xf32, #tpu.memory_space<hbm>>) target_semaphore(%arg27 : memref<!tpu.dma_semaphore, #tpu.memory_space<semaphore_mem>>)
    %dma_wait3A_1942 = arith.constant 3 : i32
    %dma_wait3A_1943 = arith.constant 0 : i32
    %dma_wait3A_1944 = tpu.memref_slice %arg5[%dma_wait3A_1942, %add3A_1767, %dma_wait3A_1943] : memref<4x4096x2304xf32, #tpu.memory_space<hbm>> -> memref<1x16x1024xf32, #tpu.memory_space<hbm>>
    %dma_wait3A_1945 = tpu.memref_squeeze %dma_wait3A_1944 : memref<1x16x1024xf32, #tpu.memory_space<hbm>> -> memref<16x1024xf32, #tpu.memory_space<hbm>>
    %dma_wait3A_1946 = arith.constant 0 : i32
    %dma_wait3A_1947 = tpu.memref_slice %arg5[%dma_wait3A_1942, %add3A_1767, %dma_wait3A_1946] : memref<4x4096x2304xf32, #tpu.memory_space<hbm>> -> memref<1x16x1024xf32, #tpu.memory_space<hbm>>
    %dma_wait3A_1948 = tpu.memref_squeeze %dma_wait3A_1947 : memref<1x16x1024xf32, #tpu.memory_space<hbm>> -> memref<16x1024xf32, #tpu.memory_space<hbm>>
    tpu.wait_dma2 semaphore(%arg20 : memref<!tpu.dma_semaphore, #tpu.memory_space<semaphore_mem>>) src(%arg8 : memref<16x1024xf32, #tpu.memory_space<vmem>>) dst(%dma_wait3A_1948 : memref<16x1024xf32, #tpu.memory_space<hbm>>)
    %dma_wait3A_1949 = arith.constant 0 : i32
    %dma_wait3A_1950 = arith.constant 0 : i32
    %dma_wait3A_1951 = tpu.memref_slice %arg5[%dma_wait3A_1949, %add3A_1822, %dma_wait3A_1950] : memref<4x4096x2304xf32, #tpu.memory_space<hbm>> -> memref<1x16x1024xf32, #tpu.memory_space<hbm>>
    %dma_wait3A_1952 = tpu.memref_squeeze %dma_wait3A_1951 : memref<1x16x1024xf32, #tpu.memory_space<hbm>> -> memref<16x1024xf32, #tpu.memory_space<hbm>>
    %dma_wait3A_1953 = arith.constant 0 : i32
    %dma_wait3A_1954 = tpu.memref_slice %arg5[%dma_wait3A_1949, %add3A_1822, %dma_wait3A_1953] : memref<4x4096x2304xf32, #tpu.memory_space<hbm>> -> memref<1x16x1024xf32, #tpu.memory_space<hbm>>
    %dma_wait3A_1955 = tpu.memref_squeeze %dma_wait3A_1954 : memref<1x16x1024xf32, #tpu.memory_space<hbm>> -> memref<16x1024xf32, #tpu.memory_space<hbm>>
    tpu.wait_dma2 semaphore(%arg21 : memref<!tpu.dma_semaphore, #tpu.memory_space<semaphore_mem>>) src(%arg9 : memref<16x1024xf32, #tpu.memory_space<vmem>>) dst(%dma_wait3A_1955 : memref<16x1024xf32, #tpu.memory_space<hbm>>)
    %dma_wait3A_1956 = arith.constant 1 : i32
    %dma_wait3A_1957 = arith.constant 0 : i32
    %dma_wait3A_1958 = tpu.memref_slice %arg5[%dma_wait3A_1956, %add3A_1854, %dma_wait3A_1957] : memref<4x4096x2304xf32, #tpu.memory_space<hbm>> -> memref<1x16x1024xf32, #tpu.memory_space<hbm>>
    %dma_wait3A_1959 = tpu.memref_squeeze %dma_wait3A_1958 : memref<1x16x1024xf32, #tpu.memory_space<hbm>> -> memref<16x1024xf32, #tpu.memory_space<hbm>>
    %dma_wait3A_1960 = arith.constant 0 : i32
    %dma_wait3A_1961 = tpu.memref_slice %arg5[%dma_wait3A_1956, %add3A_1854, %dma_wait3A_1960] : memref<4x4096x2304xf32, #tpu.memory_space<hbm>> -> memref<1x16x1024xf32, #tpu.memory_space<hbm>>
    %dma_wait3A_1962 = tpu.memref_squeeze %dma_wait3A_1961 : memref<1x16x1024xf32, #tpu.memory_space<hbm>> -> memref<16x1024xf32, #tpu.memory_space<hbm>>
    tpu.wait_dma2 semaphore(%arg22 : memref<!tpu.dma_semaphore, #tpu.memory_space<semaphore_mem>>) src(%arg10 : memref<16x1024xf32, #tpu.memory_space<vmem>>) dst(%dma_wait3A_1962 : memref<16x1024xf32, #tpu.memory_space<hbm>>)
    %dma_wait3A_1963 = arith.constant 2 : i32
    %dma_wait3A_1964 = arith.constant 0 : i32
    %dma_wait3A_1965 = tpu.memref_slice %arg5[%dma_wait3A_1963, %add3A_1886, %dma_wait3A_1964] : memref<4x4096x2304xf32, #tpu.memory_space<hbm>> -> memref<1x16x1024xf32, #tpu.memory_space<hbm>>
    %dma_wait3A_1966 = tpu.memref_squeeze %dma_wait3A_1965 : memref<1x16x1024xf32, #tpu.memory_space<hbm>> -> memref<16x1024xf32, #tpu.memory_space<hbm>>
    %dma_wait3A_1967 = arith.constant 0 : i32
    %dma_wait3A_1968 = tpu.memref_slice %arg5[%dma_wait3A_1963, %add3A_1886, %dma_wait3A_1967] : memref<4x4096x2304xf32, #tpu.memory_space<hbm>> -> memref<1x16x1024xf32, #tpu.memory_space<hbm>>
    %dma_wait3A_1969 = tpu.memref_squeeze %dma_wait3A_1968 : memref<1x16x1024xf32, #tpu.memory_space<hbm>> -> memref<16x1024xf32, #tpu.memory_space<hbm>>
    tpu.wait_dma2 semaphore(%arg18 : memref<!tpu.dma_semaphore, #tpu.memory_space<semaphore_mem>>) src(%arg6 : memref<16x1024xf32, #tpu.memory_space<vmem>>) dst(%dma_wait3A_1969 : memref<16x1024xf32, #tpu.memory_space<hbm>>)
    %dma_wait3A_1970 = arith.constant 3 : i32
    %dma_wait3A_1971 = arith.constant 0 : i32
    %dma_wait3A_1972 = tpu.memref_slice %arg5[%dma_wait3A_1970, %add3A_1918, %dma_wait3A_1971] : memref<4x4096x2304xf32, #tpu.memory_space<hbm>> -> memref<1x16x1024xf32, #tpu.memory_space<hbm>>
    %dma_wait3A_1973 = tpu.memref_squeeze %dma_wait3A_1972 : memref<1x16x1024xf32, #tpu.memory_space<hbm>> -> memref<16x1024xf32, #tpu.memory_space<hbm>>
    %dma_wait3A_1974 = arith.constant 0 : i32
    %dma_wait3A_1975 = tpu.memref_slice %arg5[%dma_wait3A_1970, %add3A_1918, %dma_wait3A_1974] : memref<4x4096x2304xf32, #tpu.memory_space<hbm>> -> memref<1x16x1024xf32, #tpu.memory_space<hbm>>
    %dma_wait3A_1976 = tpu.memref_squeeze %dma_wait3A_1975 : memref<1x16x1024xf32, #tpu.memory_space<hbm>> -> memref<16x1024xf32, #tpu.memory_space<hbm>>
    tpu.wait_dma2 semaphore(%arg19 : memref<!tpu.dma_semaphore, #tpu.memory_space<semaphore_mem>>) src(%arg7 : memref<16x1024xf32, #tpu.memory_space<vmem>>) dst(%dma_wait3A_1976 : memref<16x1024xf32, #tpu.memory_space<hbm>>)
    %dma_wait3A_1977 = arith.constant 0 : i32
    %dma_wait3A_1978 = arith.constant 0 : i32
    %dma_wait3A_1979 = arith.constant 1024 : i32
    %dma_wait3A_1980 = tpu.memref_slice %arg5[%dma_wait3A_1978, %add3A_1578, %dma_wait3A_1979] : memref<4x4096x2304xf32, #tpu.memory_space<hbm>> -> memref<1x16x1024xf32, #tpu.memory_space<hbm>>
    %dma_wait3A_1981 = tpu.memref_squeeze %dma_wait3A_1980 : memref<1x16x1024xf32, #tpu.memory_space<hbm>> -> memref<16x1024xf32, #tpu.memory_space<hbm>>
    %dma_wait3A_1982 = arith.constant 0 : i32
    %dma_wait3A_1983 = arith.constant 0 : i32
    %dma_wait3A_1984 = tpu.memref_slice %arg11[%arg1, %dma_wait3A_1977, %dma_wait3A_1982, %dma_wait3A_1983] : memref<16x2x16x1024xf32, #tpu.memory_space<vmem_shared>> -> memref<1x1x16x1024xf32, #tpu.memory_space<vmem_shared>>
    %dma_wait3A_1985 = tpu.memref_squeeze %dma_wait3A_1984 : memref<1x1x16x1024xf32, #tpu.memory_space<vmem_shared>> -> memref<16x1024xf32, #tpu.memory_space<vmem_shared>>
    tpu.wait_dma2 semaphore(%arg25 : memref<!tpu.dma_semaphore, #tpu.memory_space<semaphore_mem>>) src(%dma_wait3A_1985 : memref<16x1024xf32, #tpu.memory_space<vmem_shared>>) dst(%dma_wait3A_1981 : memref<16x1024xf32, #tpu.memory_space<hbm>>)
    %dma_wait3A_1986 = arith.constant 0 : i32
    %dma_wait3A_1987 = arith.constant 1 : i32
    %dma_wait3A_1988 = arith.constant 1024 : i32
    %dma_wait3A_1989 = tpu.memref_slice %arg5[%dma_wait3A_1987, %add3A_1626, %dma_wait3A_1988] : memref<4x4096x2304xf32, #tpu.memory_space<hbm>> -> memref<1x16x1024xf32, #tpu.memory_space<hbm>>
    %dma_wait3A_1990 = tpu.memref_squeeze %dma_wait3A_1989 : memref<1x16x1024xf32, #tpu.memory_space<hbm>> -> memref<16x1024xf32, #tpu.memory_space<hbm>>
    %dma_wait3A_1991 = arith.constant 0 : i32
    %dma_wait3A_1992 = arith.constant 0 : i32
    %dma_wait3A_1993 = tpu.memref_slice %arg11[%arg1, %dma_wait3A_1986, %dma_wait3A_1991, %dma_wait3A_1992] : memref<16x2x16x1024xf32, #tpu.memory_space<vmem_shared>> -> memref<1x1x16x1024xf32, #tpu.memory_space<vmem_shared>>
    %dma_wait3A_1994 = tpu.memref_squeeze %dma_wait3A_1993 : memref<1x1x16x1024xf32, #tpu.memory_space<vmem_shared>> -> memref<16x1024xf32, #tpu.memory_space<vmem_shared>>
    tpu.wait_dma2 semaphore(%arg25 : memref<!tpu.dma_semaphore, #tpu.memory_space<semaphore_mem>>) src(%dma_wait3A_1994 : memref<16x1024xf32, #tpu.memory_space<vmem_shared>>) dst(%dma_wait3A_1990 : memref<16x1024xf32, #tpu.memory_space<hbm>>)
    %dma_wait3A_1995 = arith.constant 0 : i32
    %dma_wait3A_1996 = arith.constant 2 : i32
    %dma_wait3A_1997 = arith.constant 1024 : i32
    %dma_wait3A_1998 = tpu.memref_slice %arg5[%dma_wait3A_1996, %add3A_1719, %dma_wait3A_1997] : memref<4x4096x2304xf32, #tpu.memory_space<hbm>> -> memref<1x16x1024xf32, #tpu.memory_space<hbm>>
    %dma_wait3A_1999 = tpu.memref_squeeze %dma_wait3A_1998 : memref<1x16x1024xf32, #tpu.memory_space<hbm>> -> memref<16x1024xf32, #tpu.memory_space<hbm>>
    %dma_wait3A_2000 = arith.constant 0 : i32
    %dma_wait3A_2001 = arith.constant 0 : i32
    %dma_wait3A_2002 = tpu.memref_slice %arg11[%arg1, %dma_wait3A_1995, %dma_wait3A_2000, %dma_wait3A_2001] : memref<16x2x16x1024xf32, #tpu.memory_space<vmem_shared>> -> memref<1x1x16x1024xf32, #tpu.memory_space<vmem_shared>>
    %dma_wait3A_2003 = tpu.memref_squeeze %dma_wait3A_2002 : memref<1x1x16x1024xf32, #tpu.memory_space<vmem_shared>> -> memref<16x1024xf32, #tpu.memory_space<vmem_shared>>
    tpu.wait_dma2 semaphore(%arg25 : memref<!tpu.dma_semaphore, #tpu.memory_space<semaphore_mem>>) src(%dma_wait3A_2003 : memref<16x1024xf32, #tpu.memory_space<vmem_shared>>) dst(%dma_wait3A_1999 : memref<16x1024xf32, #tpu.memory_space<hbm>>)
    %dma_wait3A_2004 = arith.constant 0 : i32
    %dma_wait3A_2005 = arith.constant 3 : i32
    %dma_wait3A_2006 = arith.constant 1024 : i32
    %dma_wait3A_2007 = tpu.memref_slice %arg5[%dma_wait3A_2005, %add3A_1767, %dma_wait3A_2006] : memref<4x4096x2304xf32, #tpu.memory_space<hbm>> -> memref<1x16x1024xf32, #tpu.memory_space<hbm>>
    %dma_wait3A_2008 = tpu.memref_squeeze %dma_wait3A_2007 : memref<1x16x1024xf32, #tpu.memory_space<hbm>> -> memref<16x1024xf32, #tpu.memory_space<hbm>>
    %dma_wait3A_2009 = arith.constant 0 : i32
    %dma_wait3A_2010 = arith.constant 0 : i32
    %dma_wait3A_2011 = tpu.memref_slice %arg11[%arg1, %dma_wait3A_2004, %dma_wait3A_2009, %dma_wait3A_2010] : memref<16x2x16x1024xf32, #tpu.memory_space<vmem_shared>> -> memref<1x1x16x1024xf32, #tpu.memory_space<vmem_shared>>
    %dma_wait3A_2012 = tpu.memref_squeeze %dma_wait3A_2011 : memref<1x1x16x1024xf32, #tpu.memory_space<vmem_shared>> -> memref<16x1024xf32, #tpu.memory_space<vmem_shared>>
    tpu.wait_dma2 semaphore(%arg25 : memref<!tpu.dma_semaphore, #tpu.memory_space<semaphore_mem>>) src(%dma_wait3A_2012 : memref<16x1024xf32, #tpu.memory_space<vmem_shared>>) dst(%dma_wait3A_2008 : memref<16x1024xf32, #tpu.memory_space<hbm>>)
    %dma_wait3A_2013 = arith.constant 1 : i32
    %dma_wait3A_2014 = arith.constant 0 : i32
    %dma_wait3A_2015 = arith.constant 1024 : i32
    %dma_wait3A_2016 = tpu.memref_slice %arg5[%dma_wait3A_2014, %add3A_1822, %dma_wait3A_2015] : memref<4x4096x2304xf32, #tpu.memory_space<hbm>> -> memref<1x16x1024xf32, #tpu.memory_space<hbm>>
    %dma_wait3A_2017 = tpu.memref_squeeze %dma_wait3A_2016 : memref<1x16x1024xf32, #tpu.memory_space<hbm>> -> memref<16x1024xf32, #tpu.memory_space<hbm>>
    %dma_wait3A_2018 = arith.constant 0 : i32
    %dma_wait3A_2019 = arith.constant 0 : i32
    %dma_wait3A_2020 = tpu.memref_slice %arg11[%arg1, %dma_wait3A_2013, %dma_wait3A_2018, %dma_wait3A_2019] : memref<16x2x16x1024xf32, #tpu.memory_space<vmem_shared>> -> memref<1x1x16x1024xf32, #tpu.memory_space<vmem_shared>>
    %dma_wait3A_2021 = tpu.memref_squeeze %dma_wait3A_2020 : memref<1x1x16x1024xf32, #tpu.memory_space<vmem_shared>> -> memref<16x1024xf32, #tpu.memory_space<vmem_shared>>
    tpu.wait_dma2 semaphore(%arg26 : memref<!tpu.dma_semaphore, #tpu.memory_space<semaphore_mem>>) src(%dma_wait3A_2021 : memref<16x1024xf32, #tpu.memory_space<vmem_shared>>) dst(%dma_wait3A_2017 : memref<16x1024xf32, #tpu.memory_space<hbm>>)
    %dma_wait3A_2022 = arith.constant 1 : i32
    %dma_wait3A_2023 = arith.constant 1 : i32
    %dma_wait3A_2024 = arith.constant 1024 : i32
    %dma_wait3A_2025 = tpu.memref_slice %arg5[%dma_wait3A_2023, %add3A_1854, %dma_wait3A_2024] : memref<4x4096x2304xf32, #tpu.memory_space<hbm>> -> memref<1x16x1024xf32, #tpu.memory_space<hbm>>
    %dma_wait3A_2026 = tpu.memref_squeeze %dma_wait3A_2025 : memref<1x16x1024xf32, #tpu.memory_space<hbm>> -> memref<16x1024xf32, #tpu.memory_space<hbm>>
    %dma_wait3A_2027 = arith.constant 0 : i32
    %dma_wait3A_2028 = arith.constant 0 : i32
    %dma_wait3A_2029 = tpu.memref_slice %arg11[%arg1, %dma_wait3A_2022, %dma_wait3A_2027, %dma_wait3A_2028] : memref<16x2x16x1024xf32, #tpu.memory_space<vmem_shared>> -> memref<1x1x16x1024xf32, #tpu.memory_space<vmem_shared>>
    %dma_wait3A_2030 = tpu.memref_squeeze %dma_wait3A_2029 : memref<1x1x16x1024xf32, #tpu.memory_space<vmem_shared>> -> memref<16x1024xf32, #tpu.memory_space<vmem_shared>>
    tpu.wait_dma2 semaphore(%arg26 : memref<!tpu.dma_semaphore, #tpu.memory_space<semaphore_mem>>) src(%dma_wait3A_2030 : memref<16x1024xf32, #tpu.memory_space<vmem_shared>>) dst(%dma_wait3A_2026 : memref<16x1024xf32, #tpu.memory_space<hbm>>)
    %dma_wait3A_2031 = arith.constant 1 : i32
    %dma_wait3A_2032 = arith.constant 2 : i32
    %dma_wait3A_2033 = arith.constant 1024 : i32
    %dma_wait3A_2034 = tpu.memref_slice %arg5[%dma_wait3A_2032, %add3A_1886, %dma_wait3A_2033] : memref<4x4096x2304xf32, #tpu.memory_space<hbm>> -> memref<1x16x1024xf32, #tpu.memory_space<hbm>>
    %dma_wait3A_2035 = tpu.memref_squeeze %dma_wait3A_2034 : memref<1x16x1024xf32, #tpu.memory_space<hbm>> -> memref<16x1024xf32, #tpu.memory_space<hbm>>
    %dma_wait3A_2036 = arith.constant 0 : i32
    %dma_wait3A_2037 = arith.constant 0 : i32
    %dma_wait3A_2038 = tpu.memref_slice %arg11[%arg1, %dma_wait3A_2031, %dma_wait3A_2036, %dma_wait3A_2037] : memref<16x2x16x1024xf32, #tpu.memory_space<vmem_shared>> -> memref<1x1x16x1024xf32, #tpu.memory_space<vmem_shared>>
    %dma_wait3A_2039 = tpu.memref_squeeze %dma_wait3A_2038 : memref<1x1x16x1024xf32, #tpu.memory_space<vmem_shared>> -> memref<16x1024xf32, #tpu.memory_space<vmem_shared>>
    tpu.wait_dma2 semaphore(%arg26 : memref<!tpu.dma_semaphore, #tpu.memory_space<semaphore_mem>>) src(%dma_wait3A_2039 : memref<16x1024xf32, #tpu.memory_space<vmem_shared>>) dst(%dma_wait3A_2035 : memref<16x1024xf32, #tpu.memory_space<hbm>>)
    %dma_wait3A_2040 = arith.constant 1 : i32
    %dma_wait3A_2041 = arith.constant 3 : i32
    %dma_wait3A_2042 = arith.constant 1024 : i32
    %dma_wait3A_2043 = tpu.memref_slice %arg5[%dma_wait3A_2041, %add3A_1918, %dma_wait3A_2042] : memref<4x4096x2304xf32, #tpu.memory_space<hbm>> -> memref<1x16x1024xf32, #tpu.memory_space<hbm>>
    %dma_wait3A_2044 = tpu.memref_squeeze %dma_wait3A_2043 : memref<1x16x1024xf32, #tpu.memory_space<hbm>> -> memref<16x1024xf32, #tpu.memory_space<hbm>>
    %dma_wait3A_2045 = arith.constant 0 : i32
    %dma_wait3A_2046 = arith.constant 0 : i32
    %dma_wait3A_2047 = tpu.memref_slice %arg11[%arg1, %dma_wait3A_2040, %dma_wait3A_2045, %dma_wait3A_2046] : memref<16x2x16x1024xf32, #tpu.memory_space<vmem_shared>> -> memref<1x1x16x1024xf32, #tpu.memory_space<vmem_shared>>
    %dma_wait3A_2048 = tpu.memref_squeeze %dma_wait3A_2047 : memref<1x1x16x1024xf32, #tpu.memory_space<vmem_shared>> -> memref<16x1024xf32, #tpu.memory_space<vmem_shared>>
    tpu.wait_dma2 semaphore(%arg26 : memref<!tpu.dma_semaphore, #tpu.memory_space<semaphore_mem>>) src(%dma_wait3A_2048 : memref<16x1024xf32, #tpu.memory_space<vmem_shared>>) dst(%dma_wait3A_2044 : memref<16x1024xf32, #tpu.memory_space<hbm>>)
    %dma_wait3A_2049 = arith.constant 0 : i32
    %dma_wait3A_2050 = arith.constant 2048 : i32
    %dma_wait3A_2051 = tpu.memref_slice %arg5[%dma_wait3A_2049, %add3A_166, %dma_wait3A_2050] : memref<4x4096x2304xf32, #tpu.memory_space<hbm>> -> memref<1x16x256xf32, #tpu.memory_space<hbm>>
    %dma_wait3A_2052 = tpu.memref_squeeze %dma_wait3A_2051 : memref<1x16x256xf32, #tpu.memory_space<hbm>> -> memref<16x256xf32, #tpu.memory_space<hbm>>
    %dma_wait3A_2053 = arith.constant 2048 : i32
    %dma_wait3A_2054 = tpu.memref_slice %arg5[%dma_wait3A_2049, %add3A_166, %dma_wait3A_2053] : memref<4x4096x2304xf32, #tpu.memory_space<hbm>> -> memref<1x16x256xf32, #tpu.memory_space<hbm>>
    %dma_wait3A_2055 = tpu.memref_squeeze %dma_wait3A_2054 : memref<1x16x256xf32, #tpu.memory_space<hbm>> -> memref<16x256xf32, #tpu.memory_space<hbm>>
    tpu.wait_dma2 semaphore(%arg27 : memref<!tpu.dma_semaphore, #tpu.memory_space<semaphore_mem>>) src(%arg12 : memref<16x256xf32, #tpu.memory_space<vmem>>) dst(%dma_wait3A_2055 : memref<16x256xf32, #tpu.memory_space<hbm>>)
    %dma_wait3A_2056 = arith.constant 1 : i32
    %dma_wait3A_2057 = arith.constant 2048 : i32
    %dma_wait3A_2058 = tpu.memref_slice %arg5[%dma_wait3A_2056, %add3A_207, %dma_wait3A_2057] : memref<4x4096x2304xf32, #tpu.memory_space<hbm>> -> memref<1x16x256xf32, #tpu.memory_space<hbm>>
    %dma_wait3A_2059 = tpu.memref_squeeze %dma_wait3A_2058 : memref<1x16x256xf32, #tpu.memory_space<hbm>> -> memref<16x256xf32, #tpu.memory_space<hbm>>
    %dma_wait3A_2060 = arith.constant 2048 : i32
    %dma_wait3A_2061 = tpu.memref_slice %arg5[%dma_wait3A_2056, %add3A_207, %dma_wait3A_2060] : memref<4x4096x2304xf32, #tpu.memory_space<hbm>> -> memref<1x16x256xf32, #tpu.memory_space<hbm>>
    %dma_wait3A_2062 = tpu.memref_squeeze %dma_wait3A_2061 : memref<1x16x256xf32, #tpu.memory_space<hbm>> -> memref<16x256xf32, #tpu.memory_space<hbm>>
    tpu.wait_dma2 semaphore(%arg27 : memref<!tpu.dma_semaphore, #tpu.memory_space<semaphore_mem>>) src(%arg12 : memref<16x256xf32, #tpu.memory_space<vmem>>) dst(%dma_wait3A_2062 : memref<16x256xf32, #tpu.memory_space<hbm>>)
    %dma_wait3A_2063 = arith.constant 2 : i32
    %dma_wait3A_2064 = arith.constant 2048 : i32
    %dma_wait3A_2065 = tpu.memref_slice %arg5[%dma_wait3A_2063, %add3A_255, %dma_wait3A_2064] : memref<4x4096x2304xf32, #tpu.memory_space<hbm>> -> memref<1x16x256xf32, #tpu.memory_space<hbm>>
    %dma_wait3A_2066 = tpu.memref_squeeze %dma_wait3A_2065 : memref<1x16x256xf32, #tpu.memory_space<hbm>> -> memref<16x256xf32, #tpu.memory_space<hbm>>
    %dma_wait3A_2067 = arith.constant 2048 : i32
    %dma_wait3A_2068 = tpu.memref_slice %arg5[%dma_wait3A_2063, %add3A_255, %dma_wait3A_2067] : memref<4x4096x2304xf32, #tpu.memory_space<hbm>> -> memref<1x16x256xf32, #tpu.memory_space<hbm>>
    %dma_wait3A_2069 = tpu.memref_squeeze %dma_wait3A_2068 : memref<1x16x256xf32, #tpu.memory_space<hbm>> -> memref<16x256xf32, #tpu.memory_space<hbm>>
    tpu.wait_dma2 semaphore(%arg27 : memref<!tpu.dma_semaphore, #tpu.memory_space<semaphore_mem>>) src(%arg12 : memref<16x256xf32, #tpu.memory_space<vmem>>) dst(%dma_wait3A_2069 : memref<16x256xf32, #tpu.memory_space<hbm>>)
    %dma_wait3A_2070 = arith.constant 3 : i32
    %dma_wait3A_2071 = arith.constant 2048 : i32
    %dma_wait3A_2072 = tpu.memref_slice %arg5[%dma_wait3A_2070, %add3A_303, %dma_wait3A_2071] : memref<4x4096x2304xf32, #tpu.memory_space<hbm>> -> memref<1x16x256xf32, #tpu.memory_space<hbm>>
    %dma_wait3A_2073 = tpu.memref_squeeze %dma_wait3A_2072 : memref<1x16x256xf32, #tpu.memory_space<hbm>> -> memref<16x256xf32, #tpu.memory_space<hbm>>
    %dma_wait3A_2074 = arith.constant 2048 : i32
    %dma_wait3A_2075 = tpu.memref_slice %arg5[%dma_wait3A_2070, %add3A_303, %dma_wait3A_2074] : memref<4x4096x2304xf32, #tpu.memory_space<hbm>> -> memref<1x16x256xf32, #tpu.memory_space<hbm>>
    %dma_wait3A_2076 = tpu.memref_squeeze %dma_wait3A_2075 : memref<1x16x256xf32, #tpu.memory_space<hbm>> -> memref<16x256xf32, #tpu.memory_space<hbm>>
    tpu.wait_dma2 semaphore(%arg27 : memref<!tpu.dma_semaphore, #tpu.memory_space<semaphore_mem>>) src(%arg12 : memref<16x256xf32, #tpu.memory_space<vmem>>) dst(%dma_wait3A_2076 : memref<16x256xf32, #tpu.memory_space<hbm>>)
    %dma_wait3A_2077 = arith.constant 0 : i32
    %dma_wait3A_2078 = arith.constant 2048 : i32
    %dma_wait3A_2079 = tpu.memref_slice %arg5[%dma_wait3A_2077, %add3A_358, %dma_wait3A_2078] : memref<4x4096x2304xf32, #tpu.memory_space<hbm>> -> memref<1x16x256xf32, #tpu.memory_space<hbm>>
    %dma_wait3A_2080 = tpu.memref_squeeze %dma_wait3A_2079 : memref<1x16x256xf32, #tpu.memory_space<hbm>> -> memref<16x256xf32, #tpu.memory_space<hbm>>
    %dma_wait3A_2081 = arith.constant 2048 : i32
    %dma_wait3A_2082 = tpu.memref_slice %arg5[%dma_wait3A_2077, %add3A_358, %dma_wait3A_2081] : memref<4x4096x2304xf32, #tpu.memory_space<hbm>> -> memref<1x16x256xf32, #tpu.memory_space<hbm>>
    %dma_wait3A_2083 = tpu.memref_squeeze %dma_wait3A_2082 : memref<1x16x256xf32, #tpu.memory_space<hbm>> -> memref<16x256xf32, #tpu.memory_space<hbm>>
    tpu.wait_dma2 semaphore(%arg27 : memref<!tpu.dma_semaphore, #tpu.memory_space<semaphore_mem>>) src(%arg12 : memref<16x256xf32, #tpu.memory_space<vmem>>) dst(%dma_wait3A_2083 : memref<16x256xf32, #tpu.memory_space<hbm>>)
    %dma_wait3A_2084 = arith.constant 1 : i32
    %dma_wait3A_2085 = arith.constant 2048 : i32
    %dma_wait3A_2086 = tpu.memref_slice %arg5[%dma_wait3A_2084, %add3A_406, %dma_wait3A_2085] : memref<4x4096x2304xf32, #tpu.memory_space<hbm>> -> memref<1x16x256xf32, #tpu.memory_space<hbm>>
    %dma_wait3A_2087 = tpu.memref_squeeze %dma_wait3A_2086 : memref<1x16x256xf32, #tpu.memory_space<hbm>> -> memref<16x256xf32, #tpu.memory_space<hbm>>
    %dma_wait3A_2088 = arith.constant 2048 : i32
    %dma_wait3A_2089 = tpu.memref_slice %arg5[%dma_wait3A_2084, %add3A_406, %dma_wait3A_2088] : memref<4x4096x2304xf32, #tpu.memory_space<hbm>> -> memref<1x16x256xf32, #tpu.memory_space<hbm>>
    %dma_wait3A_2090 = tpu.memref_squeeze %dma_wait3A_2089 : memref<1x16x256xf32, #tpu.memory_space<hbm>> -> memref<16x256xf32, #tpu.memory_space<hbm>>
    tpu.wait_dma2 semaphore(%arg27 : memref<!tpu.dma_semaphore, #tpu.memory_space<semaphore_mem>>) src(%arg12 : memref<16x256xf32, #tpu.memory_space<vmem>>) dst(%dma_wait3A_2090 : memref<16x256xf32, #tpu.memory_space<hbm>>)
    %dma_wait3A_2091 = arith.constant 2 : i32
    %dma_wait3A_2092 = arith.constant 2048 : i32
    %dma_wait3A_2093 = tpu.memref_slice %arg5[%dma_wait3A_2091, %add3A_499, %dma_wait3A_2092] : memref<4x4096x2304xf32, #tpu.memory_space<hbm>> -> memref<1x16x256xf32, #tpu.memory_space<hbm>>
    %dma_wait3A_2094 = tpu.memref_squeeze %dma_wait3A_2093 : memref<1x16x256xf32, #tpu.memory_space<hbm>> -> memref<16x256xf32, #tpu.memory_space<hbm>>
    %dma_wait3A_2095 = arith.constant 2048 : i32
    %dma_wait3A_2096 = tpu.memref_slice %arg5[%dma_wait3A_2091, %add3A_499, %dma_wait3A_2095] : memref<4x4096x2304xf32, #tpu.memory_space<hbm>> -> memref<1x16x256xf32, #tpu.memory_space<hbm>>
    %dma_wait3A_2097 = tpu.memref_squeeze %dma_wait3A_2096 : memref<1x16x256xf32, #tpu.memory_space<hbm>> -> memref<16x256xf32, #tpu.memory_space<hbm>>
    tpu.wait_dma2 semaphore(%arg27 : memref<!tpu.dma_semaphore, #tpu.memory_space<semaphore_mem>>) src(%arg12 : memref<16x256xf32, #tpu.memory_space<vmem>>) dst(%dma_wait3A_2097 : memref<16x256xf32, #tpu.memory_space<hbm>>)
    %dma_wait3A_2098 = arith.constant 3 : i32
    %dma_wait3A_2099 = arith.constant 2048 : i32
    %dma_wait3A_2100 = tpu.memref_slice %arg5[%dma_wait3A_2098, %add3A_547, %dma_wait3A_2099] : memref<4x4096x2304xf32, #tpu.memory_space<hbm>> -> memref<1x16x256xf32, #tpu.memory_space<hbm>>
    %dma_wait3A_2101 = tpu.memref_squeeze %dma_wait3A_2100 : memref<1x16x256xf32, #tpu.memory_space<hbm>> -> memref<16x256xf32, #tpu.memory_space<hbm>>
    %dma_wait3A_2102 = arith.constant 2048 : i32
    %dma_wait3A_2103 = tpu.memref_slice %arg5[%dma_wait3A_2098, %add3A_547, %dma_wait3A_2102] : memref<4x4096x2304xf32, #tpu.memory_space<hbm>> -> memref<1x16x256xf32, #tpu.memory_space<hbm>>
    %dma_wait3A_2104 = tpu.memref_squeeze %dma_wait3A_2103 : memref<1x16x256xf32, #tpu.memory_space<hbm>> -> memref<16x256xf32, #tpu.memory_space<hbm>>
    tpu.wait_dma2 semaphore(%arg27 : memref<!tpu.dma_semaphore, #tpu.memory_space<semaphore_mem>>) src(%arg12 : memref<16x256xf32, #tpu.memory_space<vmem>>) dst(%dma_wait3A_2104 : memref<16x256xf32, #tpu.memory_space<hbm>>)
    %dma_wait3A_2105 = arith.constant 0 : i32
    %dma_wait3A_2106 = arith.constant 2048 : i32
    %dma_wait3A_2107 = tpu.memref_slice %arg5[%dma_wait3A_2105, %add3A_602, %dma_wait3A_2106] : memref<4x4096x2304xf32, #tpu.memory_space<hbm>> -> memref<1x16x256xf32, #tpu.memory_space<hbm>>
    %dma_wait3A_2108 = tpu.memref_squeeze %dma_wait3A_2107 : memref<1x16x256xf32, #tpu.memory_space<hbm>> -> memref<16x256xf32, #tpu.memory_space<hbm>>
    %dma_wait3A_2109 = arith.constant 2048 : i32
    %dma_wait3A_2110 = tpu.memref_slice %arg5[%dma_wait3A_2105, %add3A_602, %dma_wait3A_2109] : memref<4x4096x2304xf32, #tpu.memory_space<hbm>> -> memref<1x16x256xf32, #tpu.memory_space<hbm>>
    %dma_wait3A_2111 = tpu.memref_squeeze %dma_wait3A_2110 : memref<1x16x256xf32, #tpu.memory_space<hbm>> -> memref<16x256xf32, #tpu.memory_space<hbm>>
    tpu.wait_dma2 semaphore(%arg27 : memref<!tpu.dma_semaphore, #tpu.memory_space<semaphore_mem>>) src(%arg12 : memref<16x256xf32, #tpu.memory_space<vmem>>) dst(%dma_wait3A_2111 : memref<16x256xf32, #tpu.memory_space<hbm>>)
    %dma_wait3A_2112 = arith.constant 1 : i32
    %dma_wait3A_2113 = arith.constant 2048 : i32
    %dma_wait3A_2114 = tpu.memref_slice %arg5[%dma_wait3A_2112, %add3A_650, %dma_wait3A_2113] : memref<4x4096x2304xf32, #tpu.memory_space<hbm>> -> memref<1x16x256xf32, #tpu.memory_space<hbm>>
    %dma_wait3A_2115 = tpu.memref_squeeze %dma_wait3A_2114 : memref<1x16x256xf32, #tpu.memory_space<hbm>> -> memref<16x256xf32, #tpu.memory_space<hbm>>
    %dma_wait3A_2116 = arith.constant 2048 : i32
    %dma_wait3A_2117 = tpu.memref_slice %arg5[%dma_wait3A_2112, %add3A_650, %dma_wait3A_2116] : memref<4x4096x2304xf32, #tpu.memory_space<hbm>> -> memref<1x16x256xf32, #tpu.memory_space<hbm>>
    %dma_wait3A_2118 = tpu.memref_squeeze %dma_wait3A_2117 : memref<1x16x256xf32, #tpu.memory_space<hbm>> -> memref<16x256xf32, #tpu.memory_space<hbm>>
    tpu.wait_dma2 semaphore(%arg27 : memref<!tpu.dma_semaphore, #tpu.memory_space<semaphore_mem>>) src(%arg12 : memref<16x256xf32, #tpu.memory_space<vmem>>) dst(%dma_wait3A_2118 : memref<16x256xf32, #tpu.memory_space<hbm>>)
    %dma_wait3A_2119 = arith.constant 2 : i32
    %dma_wait3A_2120 = arith.constant 2048 : i32
    %dma_wait3A_2121 = tpu.memref_slice %arg5[%dma_wait3A_2119, %add3A_743, %dma_wait3A_2120] : memref<4x4096x2304xf32, #tpu.memory_space<hbm>> -> memref<1x16x256xf32, #tpu.memory_space<hbm>>
    %dma_wait3A_2122 = tpu.memref_squeeze %dma_wait3A_2121 : memref<1x16x256xf32, #tpu.memory_space<hbm>> -> memref<16x256xf32, #tpu.memory_space<hbm>>
    %dma_wait3A_2123 = arith.constant 2048 : i32
    %dma_wait3A_2124 = tpu.memref_slice %arg5[%dma_wait3A_2119, %add3A_743, %dma_wait3A_2123] : memref<4x4096x2304xf32, #tpu.memory_space<hbm>> -> memref<1x16x256xf32, #tpu.memory_space<hbm>>
    %dma_wait3A_2125 = tpu.memref_squeeze %dma_wait3A_2124 : memref<1x16x256xf32, #tpu.memory_space<hbm>> -> memref<16x256xf32, #tpu.memory_space<hbm>>
    tpu.wait_dma2 semaphore(%arg27 : memref<!tpu.dma_semaphore, #tpu.memory_space<semaphore_mem>>) src(%arg12 : memref<16x256xf32, #tpu.memory_space<vmem>>) dst(%dma_wait3A_2125 : memref<16x256xf32, #tpu.memory_space<hbm>>)
    %dma_wait3A_2126 = arith.constant 3 : i32
    %dma_wait3A_2127 = arith.constant 2048 : i32
    %dma_wait3A_2128 = tpu.memref_slice %arg5[%dma_wait3A_2126, %add3A_791, %dma_wait3A_2127] : memref<4x4096x2304xf32, #tpu.memory_space<hbm>> -> memref<1x16x256xf32, #tpu.memory_space<hbm>>
    %dma_wait3A_2129 = tpu.memref_squeeze %dma_wait3A_2128 : memref<1x16x256xf32, #tpu.memory_space<hbm>> -> memref<16x256xf32, #tpu.memory_space<hbm>>
    %dma_wait3A_2130 = arith.constant 2048 : i32
    %dma_wait3A_2131 = tpu.memref_slice %arg5[%dma_wait3A_2126, %add3A_791, %dma_wait3A_2130] : memref<4x4096x2304xf32, #tpu.memory_space<hbm>> -> memref<1x16x256xf32, #tpu.memory_space<hbm>>
    %dma_wait3A_2132 = tpu.memref_squeeze %dma_wait3A_2131 : memref<1x16x256xf32, #tpu.memory_space<hbm>> -> memref<16x256xf32, #tpu.memory_space<hbm>>
    tpu.wait_dma2 semaphore(%arg27 : memref<!tpu.dma_semaphore, #tpu.memory_space<semaphore_mem>>) src(%arg12 : memref<16x256xf32, #tpu.memory_space<vmem>>) dst(%dma_wait3A_2132 : memref<16x256xf32, #tpu.memory_space<hbm>>)
    %dma_wait3A_2133 = arith.constant 0 : i32
    %dma_wait3A_2134 = arith.constant 2048 : i32
    %dma_wait3A_2135 = tpu.memref_slice %arg5[%dma_wait3A_2133, %add3A_846, %dma_wait3A_2134] : memref<4x4096x2304xf32, #tpu.memory_space<hbm>> -> memref<1x16x256xf32, #tpu.memory_space<hbm>>
    %dma_wait3A_2136 = tpu.memref_squeeze %dma_wait3A_2135 : memref<1x16x256xf32, #tpu.memory_space<hbm>> -> memref<16x256xf32, #tpu.memory_space<hbm>>
    %dma_wait3A_2137 = arith.constant 2048 : i32
    %dma_wait3A_2138 = tpu.memref_slice %arg5[%dma_wait3A_2133, %add3A_846, %dma_wait3A_2137] : memref<4x4096x2304xf32, #tpu.memory_space<hbm>> -> memref<1x16x256xf32, #tpu.memory_space<hbm>>
    %dma_wait3A_2139 = tpu.memref_squeeze %dma_wait3A_2138 : memref<1x16x256xf32, #tpu.memory_space<hbm>> -> memref<16x256xf32, #tpu.memory_space<hbm>>
    tpu.wait_dma2 semaphore(%arg27 : memref<!tpu.dma_semaphore, #tpu.memory_space<semaphore_mem>>) src(%arg12 : memref<16x256xf32, #tpu.memory_space<vmem>>) dst(%dma_wait3A_2139 : memref<16x256xf32, #tpu.memory_space<hbm>>)
    %dma_wait3A_2140 = arith.constant 1 : i32
    %dma_wait3A_2141 = arith.constant 2048 : i32
    %dma_wait3A_2142 = tpu.memref_slice %arg5[%dma_wait3A_2140, %add3A_894, %dma_wait3A_2141] : memref<4x4096x2304xf32, #tpu.memory_space<hbm>> -> memref<1x16x256xf32, #tpu.memory_space<hbm>>
    %dma_wait3A_2143 = tpu.memref_squeeze %dma_wait3A_2142 : memref<1x16x256xf32, #tpu.memory_space<hbm>> -> memref<16x256xf32, #tpu.memory_space<hbm>>
    %dma_wait3A_2144 = arith.constant 2048 : i32
    %dma_wait3A_2145 = tpu.memref_slice %arg5[%dma_wait3A_2140, %add3A_894, %dma_wait3A_2144] : memref<4x4096x2304xf32, #tpu.memory_space<hbm>> -> memref<1x16x256xf32, #tpu.memory_space<hbm>>
    %dma_wait3A_2146 = tpu.memref_squeeze %dma_wait3A_2145 : memref<1x16x256xf32, #tpu.memory_space<hbm>> -> memref<16x256xf32, #tpu.memory_space<hbm>>
    tpu.wait_dma2 semaphore(%arg27 : memref<!tpu.dma_semaphore, #tpu.memory_space<semaphore_mem>>) src(%arg12 : memref<16x256xf32, #tpu.memory_space<vmem>>) dst(%dma_wait3A_2146 : memref<16x256xf32, #tpu.memory_space<hbm>>)
    %dma_wait3A_2147 = arith.constant 2 : i32
    %dma_wait3A_2148 = arith.constant 2048 : i32
    %dma_wait3A_2149 = tpu.memref_slice %arg5[%dma_wait3A_2147, %add3A_987, %dma_wait3A_2148] : memref<4x4096x2304xf32, #tpu.memory_space<hbm>> -> memref<1x16x256xf32, #tpu.memory_space<hbm>>
    %dma_wait3A_2150 = tpu.memref_squeeze %dma_wait3A_2149 : memref<1x16x256xf32, #tpu.memory_space<hbm>> -> memref<16x256xf32, #tpu.memory_space<hbm>>
    %dma_wait3A_2151 = arith.constant 2048 : i32
    %dma_wait3A_2152 = tpu.memref_slice %arg5[%dma_wait3A_2147, %add3A_987, %dma_wait3A_2151] : memref<4x4096x2304xf32, #tpu.memory_space<hbm>> -> memref<1x16x256xf32, #tpu.memory_space<hbm>>
    %dma_wait3A_2153 = tpu.memref_squeeze %dma_wait3A_2152 : memref<1x16x256xf32, #tpu.memory_space<hbm>> -> memref<16x256xf32, #tpu.memory_space<hbm>>
    tpu.wait_dma2 semaphore(%arg27 : memref<!tpu.dma_semaphore, #tpu.memory_space<semaphore_mem>>) src(%arg12 : memref<16x256xf32, #tpu.memory_space<vmem>>) dst(%dma_wait3A_2153 : memref<16x256xf32, #tpu.memory_space<hbm>>)
    %dma_wait3A_2154 = arith.constant 3 : i32
    %dma_wait3A_2155 = arith.constant 2048 : i32
    %dma_wait3A_2156 = tpu.memref_slice %arg5[%dma_wait3A_2154, %add3A_1035, %dma_wait3A_2155] : memref<4x4096x2304xf32, #tpu.memory_space<hbm>> -> memref<1x16x256xf32, #tpu.memory_space<hbm>>
    %dma_wait3A_2157 = tpu.memref_squeeze %dma_wait3A_2156 : memref<1x16x256xf32, #tpu.memory_space<hbm>> -> memref<16x256xf32, #tpu.memory_space<hbm>>
    %dma_wait3A_2158 = arith.constant 2048 : i32
    %dma_wait3A_2159 = tpu.memref_slice %arg5[%dma_wait3A_2154, %add3A_1035, %dma_wait3A_2158] : memref<4x4096x2304xf32, #tpu.memory_space<hbm>> -> memref<1x16x256xf32, #tpu.memory_space<hbm>>
    %dma_wait3A_2160 = tpu.memref_squeeze %dma_wait3A_2159 : memref<1x16x256xf32, #tpu.memory_space<hbm>> -> memref<16x256xf32, #tpu.memory_space<hbm>>
    tpu.wait_dma2 semaphore(%arg27 : memref<!tpu.dma_semaphore, #tpu.memory_space<semaphore_mem>>) src(%arg12 : memref<16x256xf32, #tpu.memory_space<vmem>>) dst(%dma_wait3A_2160 : memref<16x256xf32, #tpu.memory_space<hbm>>)
    %dma_wait3A_2161 = arith.constant 0 : i32
    %dma_wait3A_2162 = arith.constant 2048 : i32
    %dma_wait3A_2163 = tpu.memref_slice %arg5[%dma_wait3A_2161, %add3A_1090, %dma_wait3A_2162] : memref<4x4096x2304xf32, #tpu.memory_space<hbm>> -> memref<1x16x256xf32, #tpu.memory_space<hbm>>
    %dma_wait3A_2164 = tpu.memref_squeeze %dma_wait3A_2163 : memref<1x16x256xf32, #tpu.memory_space<hbm>> -> memref<16x256xf32, #tpu.memory_space<hbm>>
    %dma_wait3A_2165 = arith.constant 2048 : i32
    %dma_wait3A_2166 = tpu.memref_slice %arg5[%dma_wait3A_2161, %add3A_1090, %dma_wait3A_2165] : memref<4x4096x2304xf32, #tpu.memory_space<hbm>> -> memref<1x16x256xf32, #tpu.memory_space<hbm>>
    %dma_wait3A_2167 = tpu.memref_squeeze %dma_wait3A_2166 : memref<1x16x256xf32, #tpu.memory_space<hbm>> -> memref<16x256xf32, #tpu.memory_space<hbm>>
    tpu.wait_dma2 semaphore(%arg27 : memref<!tpu.dma_semaphore, #tpu.memory_space<semaphore_mem>>) src(%arg12 : memref<16x256xf32, #tpu.memory_space<vmem>>) dst(%dma_wait3A_2167 : memref<16x256xf32, #tpu.memory_space<hbm>>)
    %dma_wait3A_2168 = arith.constant 1 : i32
    %dma_wait3A_2169 = arith.constant 2048 : i32
    %dma_wait3A_2170 = tpu.memref_slice %arg5[%dma_wait3A_2168, %add3A_1138, %dma_wait3A_2169] : memref<4x4096x2304xf32, #tpu.memory_space<hbm>> -> memref<1x16x256xf32, #tpu.memory_space<hbm>>
    %dma_wait3A_2171 = tpu.memref_squeeze %dma_wait3A_2170 : memref<1x16x256xf32, #tpu.memory_space<hbm>> -> memref<16x256xf32, #tpu.memory_space<hbm>>
    %dma_wait3A_2172 = arith.constant 2048 : i32
    %dma_wait3A_2173 = tpu.memref_slice %arg5[%dma_wait3A_2168, %add3A_1138, %dma_wait3A_2172] : memref<4x4096x2304xf32, #tpu.memory_space<hbm>> -> memref<1x16x256xf32, #tpu.memory_space<hbm>>
    %dma_wait3A_2174 = tpu.memref_squeeze %dma_wait3A_2173 : memref<1x16x256xf32, #tpu.memory_space<hbm>> -> memref<16x256xf32, #tpu.memory_space<hbm>>
    tpu.wait_dma2 semaphore(%arg27 : memref<!tpu.dma_semaphore, #tpu.memory_space<semaphore_mem>>) src(%arg12 : memref<16x256xf32, #tpu.memory_space<vmem>>) dst(%dma_wait3A_2174 : memref<16x256xf32, #tpu.memory_space<hbm>>)
    %dma_wait3A_2175 = arith.constant 2 : i32
    %dma_wait3A_2176 = arith.constant 2048 : i32
    %dma_wait3A_2177 = tpu.memref_slice %arg5[%dma_wait3A_2175, %add3A_1231, %dma_wait3A_2176] : memref<4x4096x2304xf32, #tpu.memory_space<hbm>> -> memref<1x16x256xf32, #tpu.memory_space<hbm>>
    %dma_wait3A_2178 = tpu.memref_squeeze %dma_wait3A_2177 : memref<1x16x256xf32, #tpu.memory_space<hbm>> -> memref<16x256xf32, #tpu.memory_space<hbm>>
    %dma_wait3A_2179 = arith.constant 2048 : i32
    %dma_wait3A_2180 = tpu.memref_slice %arg5[%dma_wait3A_2175, %add3A_1231, %dma_wait3A_2179] : memref<4x4096x2304xf32, #tpu.memory_space<hbm>> -> memref<1x16x256xf32, #tpu.memory_space<hbm>>
    %dma_wait3A_2181 = tpu.memref_squeeze %dma_wait3A_2180 : memref<1x16x256xf32, #tpu.memory_space<hbm>> -> memref<16x256xf32, #tpu.memory_space<hbm>>
    tpu.wait_dma2 semaphore(%arg27 : memref<!tpu.dma_semaphore, #tpu.memory_space<semaphore_mem>>) src(%arg12 : memref<16x256xf32, #tpu.memory_space<vmem>>) dst(%dma_wait3A_2181 : memref<16x256xf32, #tpu.memory_space<hbm>>)
    %dma_wait3A_2182 = arith.constant 3 : i32
    %dma_wait3A_2183 = arith.constant 2048 : i32
    %dma_wait3A_2184 = tpu.memref_slice %arg5[%dma_wait3A_2182, %add3A_1279, %dma_wait3A_2183] : memref<4x4096x2304xf32, #tpu.memory_space<hbm>> -> memref<1x16x256xf32, #tpu.memory_space<hbm>>
    %dma_wait3A_2185 = tpu.memref_squeeze %dma_wait3A_2184 : memref<1x16x256xf32, #tpu.memory_space<hbm>> -> memref<16x256xf32, #tpu.memory_space<hbm>>
    %dma_wait3A_2186 = arith.constant 2048 : i32
    %dma_wait3A_2187 = tpu.memref_slice %arg5[%dma_wait3A_2182, %add3A_1279, %dma_wait3A_2186] : memref<4x4096x2304xf32, #tpu.memory_space<hbm>> -> memref<1x16x256xf32, #tpu.memory_space<hbm>>
    %dma_wait3A_2188 = tpu.memref_squeeze %dma_wait3A_2187 : memref<1x16x256xf32, #tpu.memory_space<hbm>> -> memref<16x256xf32, #tpu.memory_space<hbm>>
    tpu.wait_dma2 semaphore(%arg27 : memref<!tpu.dma_semaphore, #tpu.memory_space<semaphore_mem>>) src(%arg12 : memref<16x256xf32, #tpu.memory_space<vmem>>) dst(%dma_wait3A_2188 : memref<16x256xf32, #tpu.memory_space<hbm>>)
    %dma_wait3A_2189 = arith.constant 0 : i32
    %dma_wait3A_2190 = arith.constant 2048 : i32
    %dma_wait3A_2191 = tpu.memref_slice %arg5[%dma_wait3A_2189, %add3A_1334, %dma_wait3A_2190] : memref<4x4096x2304xf32, #tpu.memory_space<hbm>> -> memref<1x16x256xf32, #tpu.memory_space<hbm>>
    %dma_wait3A_2192 = tpu.memref_squeeze %dma_wait3A_2191 : memref<1x16x256xf32, #tpu.memory_space<hbm>> -> memref<16x256xf32, #tpu.memory_space<hbm>>
    %dma_wait3A_2193 = arith.constant 2048 : i32
    %dma_wait3A_2194 = tpu.memref_slice %arg5[%dma_wait3A_2189, %add3A_1334, %dma_wait3A_2193] : memref<4x4096x2304xf32, #tpu.memory_space<hbm>> -> memref<1x16x256xf32, #tpu.memory_space<hbm>>
    %dma_wait3A_2195 = tpu.memref_squeeze %dma_wait3A_2194 : memref<1x16x256xf32, #tpu.memory_space<hbm>> -> memref<16x256xf32, #tpu.memory_space<hbm>>
    tpu.wait_dma2 semaphore(%arg27 : memref<!tpu.dma_semaphore, #tpu.memory_space<semaphore_mem>>) src(%arg12 : memref<16x256xf32, #tpu.memory_space<vmem>>) dst(%dma_wait3A_2195 : memref<16x256xf32, #tpu.memory_space<hbm>>)
    %dma_wait3A_2196 = arith.constant 1 : i32
    %dma_wait3A_2197 = arith.constant 2048 : i32
    %dma_wait3A_2198 = tpu.memref_slice %arg5[%dma_wait3A_2196, %add3A_1382, %dma_wait3A_2197] : memref<4x4096x2304xf32, #tpu.memory_space<hbm>> -> memref<1x16x256xf32, #tpu.memory_space<hbm>>
    %dma_wait3A_2199 = tpu.memref_squeeze %dma_wait3A_2198 : memref<1x16x256xf32, #tpu.memory_space<hbm>> -> memref<16x256xf32, #tpu.memory_space<hbm>>
    %dma_wait3A_2200 = arith.constant 2048 : i32
    %dma_wait3A_2201 = tpu.memref_slice %arg5[%dma_wait3A_2196, %add3A_1382, %dma_wait3A_2200] : memref<4x4096x2304xf32, #tpu.memory_space<hbm>> -> memref<1x16x256xf32, #tpu.memory_space<hbm>>
    %dma_wait3A_2202 = tpu.memref_squeeze %dma_wait3A_2201 : memref<1x16x256xf32, #tpu.memory_space<hbm>> -> memref<16x256xf32, #tpu.memory_space<hbm>>
    tpu.wait_dma2 semaphore(%arg27 : memref<!tpu.dma_semaphore, #tpu.memory_space<semaphore_mem>>) src(%arg12 : memref<16x256xf32, #tpu.memory_space<vmem>>) dst(%dma_wait3A_2202 : memref<16x256xf32, #tpu.memory_space<hbm>>)
    %dma_wait3A_2203 = arith.constant 2 : i32
    %dma_wait3A_2204 = arith.constant 2048 : i32
    %dma_wait3A_2205 = tpu.memref_slice %arg5[%dma_wait3A_2203, %add3A_1475, %dma_wait3A_2204] : memref<4x4096x2304xf32, #tpu.memory_space<hbm>> -> memref<1x16x256xf32, #tpu.memory_space<hbm>>
    %dma_wait3A_2206 = tpu.memref_squeeze %dma_wait3A_2205 : memref<1x16x256xf32, #tpu.memory_space<hbm>> -> memref<16x256xf32, #tpu.memory_space<hbm>>
    %dma_wait3A_2207 = arith.constant 2048 : i32
    %dma_wait3A_2208 = tpu.memref_slice %arg5[%dma_wait3A_2203, %add3A_1475, %dma_wait3A_2207] : memref<4x4096x2304xf32, #tpu.memory_space<hbm>> -> memref<1x16x256xf32, #tpu.memory_space<hbm>>
    %dma_wait3A_2209 = tpu.memref_squeeze %dma_wait3A_2208 : memref<1x16x256xf32, #tpu.memory_space<hbm>> -> memref<16x256xf32, #tpu.memory_space<hbm>>
    tpu.wait_dma2 semaphore(%arg27 : memref<!tpu.dma_semaphore, #tpu.memory_space<semaphore_mem>>) src(%arg12 : memref<16x256xf32, #tpu.memory_space<vmem>>) dst(%dma_wait3A_2209 : memref<16x256xf32, #tpu.memory_space<hbm>>)
    %dma_wait3A_2210 = arith.constant 3 : i32
    %dma_wait3A_2211 = arith.constant 2048 : i32
    %dma_wait3A_2212 = tpu.memref_slice %arg5[%dma_wait3A_2210, %add3A_1523, %dma_wait3A_2211] : memref<4x4096x2304xf32, #tpu.memory_space<hbm>> -> memref<1x16x256xf32, #tpu.memory_space<hbm>>
    %dma_wait3A_2213 = tpu.memref_squeeze %dma_wait3A_2212 : memref<1x16x256xf32, #tpu.memory_space<hbm>> -> memref<16x256xf32, #tpu.memory_space<hbm>>
    %dma_wait3A_2214 = arith.constant 2048 : i32
    %dma_wait3A_2215 = tpu.memref_slice %arg5[%dma_wait3A_2210, %add3A_1523, %dma_wait3A_2214] : memref<4x4096x2304xf32, #tpu.memory_space<hbm>> -> memref<1x16x256xf32, #tpu.memory_space<hbm>>
    %dma_wait3A_2216 = tpu.memref_squeeze %dma_wait3A_2215 : memref<1x16x256xf32, #tpu.memory_space<hbm>> -> memref<16x256xf32, #tpu.memory_space<hbm>>
    tpu.wait_dma2 semaphore(%arg27 : memref<!tpu.dma_semaphore, #tpu.memory_space<semaphore_mem>>) src(%arg12 : memref<16x256xf32, #tpu.memory_space<vmem>>) dst(%dma_wait3A_2216 : memref<16x256xf32, #tpu.memory_space<hbm>>)
    %dma_wait3A_2217 = arith.constant 0 : i32
    %dma_wait3A_2218 = arith.constant 2048 : i32
    %dma_wait3A_2219 = tpu.memref_slice %arg5[%dma_wait3A_2217, %add3A_1578, %dma_wait3A_2218] : memref<4x4096x2304xf32, #tpu.memory_space<hbm>> -> memref<1x16x256xf32, #tpu.memory_space<hbm>>
    %dma_wait3A_2220 = tpu.memref_squeeze %dma_wait3A_2219 : memref<1x16x256xf32, #tpu.memory_space<hbm>> -> memref<16x256xf32, #tpu.memory_space<hbm>>
    %dma_wait3A_2221 = arith.constant 2048 : i32
    %dma_wait3A_2222 = tpu.memref_slice %arg5[%dma_wait3A_2217, %add3A_1578, %dma_wait3A_2221] : memref<4x4096x2304xf32, #tpu.memory_space<hbm>> -> memref<1x16x256xf32, #tpu.memory_space<hbm>>
    %dma_wait3A_2223 = tpu.memref_squeeze %dma_wait3A_2222 : memref<1x16x256xf32, #tpu.memory_space<hbm>> -> memref<16x256xf32, #tpu.memory_space<hbm>>
    tpu.wait_dma2 semaphore(%arg27 : memref<!tpu.dma_semaphore, #tpu.memory_space<semaphore_mem>>) src(%arg12 : memref<16x256xf32, #tpu.memory_space<vmem>>) dst(%dma_wait3A_2223 : memref<16x256xf32, #tpu.memory_space<hbm>>)
    %dma_wait3A_2224 = arith.constant 1 : i32
    %dma_wait3A_2225 = arith.constant 2048 : i32
    %dma_wait3A_2226 = tpu.memref_slice %arg5[%dma_wait3A_2224, %add3A_1626, %dma_wait3A_2225] : memref<4x4096x2304xf32, #tpu.memory_space<hbm>> -> memref<1x16x256xf32, #tpu.memory_space<hbm>>
    %dma_wait3A_2227 = tpu.memref_squeeze %dma_wait3A_2226 : memref<1x16x256xf32, #tpu.memory_space<hbm>> -> memref<16x256xf32, #tpu.memory_space<hbm>>
    %dma_wait3A_2228 = arith.constant 2048 : i32
    %dma_wait3A_2229 = tpu.memref_slice %arg5[%dma_wait3A_2224, %add3A_1626, %dma_wait3A_2228] : memref<4x4096x2304xf32, #tpu.memory_space<hbm>> -> memref<1x16x256xf32, #tpu.memory_space<hbm>>
    %dma_wait3A_2230 = tpu.memref_squeeze %dma_wait3A_2229 : memref<1x16x256xf32, #tpu.memory_space<hbm>> -> memref<16x256xf32, #tpu.memory_space<hbm>>
    tpu.wait_dma2 semaphore(%arg27 : memref<!tpu.dma_semaphore, #tpu.memory_space<semaphore_mem>>) src(%arg12 : memref<16x256xf32, #tpu.memory_space<vmem>>) dst(%dma_wait3A_2230 : memref<16x256xf32, #tpu.memory_space<hbm>>)
    %dma_wait3A_2231 = arith.constant 2 : i32
    %dma_wait3A_2232 = arith.constant 2048 : i32
    %dma_wait3A_2233 = tpu.memref_slice %arg5[%dma_wait3A_2231, %add3A_1719, %dma_wait3A_2232] : memref<4x4096x2304xf32, #tpu.memory_space<hbm>> -> memref<1x16x256xf32, #tpu.memory_space<hbm>>
    %dma_wait3A_2234 = tpu.memref_squeeze %dma_wait3A_2233 : memref<1x16x256xf32, #tpu.memory_space<hbm>> -> memref<16x256xf32, #tpu.memory_space<hbm>>
    %dma_wait3A_2235 = arith.constant 2048 : i32
    %dma_wait3A_2236 = tpu.memref_slice %arg5[%dma_wait3A_2231, %add3A_1719, %dma_wait3A_2235] : memref<4x4096x2304xf32, #tpu.memory_space<hbm>> -> memref<1x16x256xf32, #tpu.memory_space<hbm>>
    %dma_wait3A_2237 = tpu.memref_squeeze %dma_wait3A_2236 : memref<1x16x256xf32, #tpu.memory_space<hbm>> -> memref<16x256xf32, #tpu.memory_space<hbm>>
    tpu.wait_dma2 semaphore(%arg27 : memref<!tpu.dma_semaphore, #tpu.memory_space<semaphore_mem>>) src(%arg12 : memref<16x256xf32, #tpu.memory_space<vmem>>) dst(%dma_wait3A_2237 : memref<16x256xf32, #tpu.memory_space<hbm>>)
    %dma_wait3A_2238 = arith.constant 3 : i32
    %dma_wait3A_2239 = arith.constant 2048 : i32
    %dma_wait3A_2240 = tpu.memref_slice %arg5[%dma_wait3A_2238, %add3A_1767, %dma_wait3A_2239] : memref<4x4096x2304xf32, #tpu.memory_space<hbm>> -> memref<1x16x256xf32, #tpu.memory_space<hbm>>
    %dma_wait3A_2241 = tpu.memref_squeeze %dma_wait3A_2240 : memref<1x16x256xf32, #tpu.memory_space<hbm>> -> memref<16x256xf32, #tpu.memory_space<hbm>>
    %dma_wait3A_2242 = arith.constant 2048 : i32
    %dma_wait3A_2243 = tpu.memref_slice %arg5[%dma_wait3A_2238, %add3A_1767, %dma_wait3A_2242] : memref<4x4096x2304xf32, #tpu.memory_space<hbm>> -> memref<1x16x256xf32, #tpu.memory_space<hbm>>
    %dma_wait3A_2244 = tpu.memref_squeeze %dma_wait3A_2243 : memref<1x16x256xf32, #tpu.memory_space<hbm>> -> memref<16x256xf32, #tpu.memory_space<hbm>>
    tpu.wait_dma2 semaphore(%arg27 : memref<!tpu.dma_semaphore, #tpu.memory_space<semaphore_mem>>) src(%arg12 : memref<16x256xf32, #tpu.memory_space<vmem>>) dst(%dma_wait3A_2244 : memref<16x256xf32, #tpu.memory_space<hbm>>)
    %dma_wait3A_2245 = arith.constant 0 : i32
    %dma_wait3A_2246 = arith.constant 2048 : i32
    %dma_wait3A_2247 = tpu.memref_slice %arg5[%dma_wait3A_2245, %add3A_1822, %dma_wait3A_2246] : memref<4x4096x2304xf32, #tpu.memory_space<hbm>> -> memref<1x16x256xf32, #tpu.memory_space<hbm>>
    %dma_wait3A_2248 = tpu.memref_squeeze %dma_wait3A_2247 : memref<1x16x256xf32, #tpu.memory_space<hbm>> -> memref<16x256xf32, #tpu.memory_space<hbm>>
    %dma_wait3A_2249 = arith.constant 2048 : i32
    %dma_wait3A_2250 = tpu.memref_slice %arg5[%dma_wait3A_2245, %add3A_1822, %dma_wait3A_2249] : memref<4x4096x2304xf32, #tpu.memory_space<hbm>> -> memref<1x16x256xf32, #tpu.memory_space<hbm>>
    %dma_wait3A_2251 = tpu.memref_squeeze %dma_wait3A_2250 : memref<1x16x256xf32, #tpu.memory_space<hbm>> -> memref<16x256xf32, #tpu.memory_space<hbm>>
    tpu.wait_dma2 semaphore(%arg27 : memref<!tpu.dma_semaphore, #tpu.memory_space<semaphore_mem>>) src(%arg12 : memref<16x256xf32, #tpu.memory_space<vmem>>) dst(%dma_wait3A_2251 : memref<16x256xf32, #tpu.memory_space<hbm>>)
    %dma_wait3A_2252 = arith.constant 1 : i32
    %dma_wait3A_2253 = arith.constant 2048 : i32
    %dma_wait3A_2254 = tpu.memref_slice %arg5[%dma_wait3A_2252, %add3A_1854, %dma_wait3A_2253] : memref<4x4096x2304xf32, #tpu.memory_space<hbm>> -> memref<1x16x256xf32, #tpu.memory_space<hbm>>
    %dma_wait3A_2255 = tpu.memref_squeeze %dma_wait3A_2254 : memref<1x16x256xf32, #tpu.memory_space<hbm>> -> memref<16x256xf32, #tpu.memory_space<hbm>>
    %dma_wait3A_2256 = arith.constant 2048 : i32
    %dma_wait3A_2257 = tpu.memref_slice %arg5[%dma_wait3A_2252, %add3A_1854, %dma_wait3A_2256] : memref<4x4096x2304xf32, #tpu.memory_space<hbm>> -> memref<1x16x256xf32, #tpu.memory_space<hbm>>
    %dma_wait3A_2258 = tpu.memref_squeeze %dma_wait3A_2257 : memref<1x16x256xf32, #tpu.memory_space<hbm>> -> memref<16x256xf32, #tpu.memory_space<hbm>>
    tpu.wait_dma2 semaphore(%arg27 : memref<!tpu.dma_semaphore, #tpu.memory_space<semaphore_mem>>) src(%arg12 : memref<16x256xf32, #tpu.memory_space<vmem>>) dst(%dma_wait3A_2258 : memref<16x256xf32, #tpu.memory_space<hbm>>)
    %dma_wait3A_2259 = arith.constant 2 : i32
    %dma_wait3A_2260 = arith.constant 2048 : i32
    %dma_wait3A_2261 = tpu.memref_slice %arg5[%dma_wait3A_2259, %add3A_1886, %dma_wait3A_2260] : memref<4x4096x2304xf32, #tpu.memory_space<hbm>> -> memref<1x16x256xf32, #tpu.memory_space<hbm>>
    %dma_wait3A_2262 = tpu.memref_squeeze %dma_wait3A_2261 : memref<1x16x256xf32, #tpu.memory_space<hbm>> -> memref<16x256xf32, #tpu.memory_space<hbm>>
    %dma_wait3A_2263 = arith.constant 2048 : i32
    %dma_wait3A_2264 = tpu.memref_slice %arg5[%dma_wait3A_2259, %add3A_1886, %dma_wait3A_2263] : memref<4x4096x2304xf32, #tpu.memory_space<hbm>> -> memref<1x16x256xf32, #tpu.memory_space<hbm>>
    %dma_wait3A_2265 = tpu.memref_squeeze %dma_wait3A_2264 : memref<1x16x256xf32, #tpu.memory_space<hbm>> -> memref<16x256xf32, #tpu.memory_space<hbm>>
    tpu.wait_dma2 semaphore(%arg27 : memref<!tpu.dma_semaphore, #tpu.memory_space<semaphore_mem>>) src(%arg12 : memref<16x256xf32, #tpu.memory_space<vmem>>) dst(%dma_wait3A_2265 : memref<16x256xf32, #tpu.memory_space<hbm>>)
    %dma_wait3A_2266 = arith.constant 3 : i32
    %dma_wait3A_2267 = arith.constant 2048 : i32
    %dma_wait3A_2268 = tpu.memref_slice %arg5[%dma_wait3A_2266, %add3A_1918, %dma_wait3A_2267] : memref<4x4096x2304xf32, #tpu.memory_space<hbm>> -> memref<1x16x256xf32, #tpu.memory_space<hbm>>
    %dma_wait3A_2269 = tpu.memref_squeeze %dma_wait3A_2268 : memref<1x16x256xf32, #tpu.memory_space<hbm>> -> memref<16x256xf32, #tpu.memory_space<hbm>>
    %dma_wait3A_2270 = arith.constant 2048 : i32
    %dma_wait3A_2271 = tpu.memref_slice %arg5[%dma_wait3A_2266, %add3A_1918, %dma_wait3A_2270] : memref<4x4096x2304xf32, #tpu.memory_space<hbm>> -> memref<1x16x256xf32, #tpu.memory_space<hbm>>
    %dma_wait3A_2272 = tpu.memref_squeeze %dma_wait3A_2271 : memref<1x16x256xf32, #tpu.memory_space<hbm>> -> memref<16x256xf32, #tpu.memory_space<hbm>>
    tpu.wait_dma2 semaphore(%arg27 : memref<!tpu.dma_semaphore, #tpu.memory_space<semaphore_mem>>) src(%arg12 : memref<16x256xf32, #tpu.memory_space<vmem>>) dst(%dma_wait3A_2272 : memref<16x256xf32, #tpu.memory_space<hbm>>)
    return
  }
}

</mosaic_0001>

<sc_bundles>
// kernel: kernel.3.cloned.1.call-start
scs
__scs_entry_jumppad:
0x0: {  	(pc) =	sbr.rel $0x88, $3  }
0x1: {  	(tag) =	ssettag $0x0;
	lr =	simm.s32 $0x1  }
0x2: {  	[smem:$0x3F9F] =	sst lr;
	_ =	strace $0xD0000000  }
0x3: {  	_ = 	snop  }
0x4: {  	_ = 	snop  }
0x5: {  	_ = 	snop  }
0x6: {  	_ = 	snop  }
0x7: {  	_ = 	snop  }
__scs_overlays_trampoline_lowered:
0x8: {  	[smem:$0x3FAE] =	sst s0  }
0x9: {  	[smem:$0x3FAF] =	sst s1  }
0xa: {  	[smem:$0x3FB0] =	sst s2  }
0xb: {  	[smem:$0x3FB1] =	sst s3  }
0xc: {  	[smem:$0x3FB2] =	sst s4  }
0xd: {  	[smem:$0x3FB3] =	sst s5  }
0xe: {  	[smem:$0x3FB4] =	sst s6  }
0xf: {  	[smem:$0x3FB5] =	sst s7  }
0x10: {  	[smem:$0x3FB6] =	sst s8  }
0x11: {  	[smem:$0x3FB7] =	sst s9;
	s0 =	simm.s32 @!p0 $0x0  }
0x12: {  	s1 =	sld [smem:$0x3F9D];
	s0 =	simm.s32 @p0 $0x1  }
0x13: {  	[smem:$0x3FB8] =	sst s0;
	s0 =	simm.s32 @!p1 $0x0  }
0x14: {  	s2 =	sld [smem:$0x3F9C];
	s0 =	simm.s32 @p1 $0x1  }
0x15: {  	[smem:$0x3FB9] =	sst s0;
	s0 =	simm.s32 @!p2 $0x0  }
0x16: {  	s3 =	sld [smem:$0x3FDB];
	s0 =	simm.s32 @p2 $0x1  }
0x17: {  	s4 =	simm.s32 $0x1BF5;
	[smem:$0x3FBB] =	sst s0  }
0x18: {  	s0 =	sld [smem:$0x3F9E];
	_ =	swait.ge [sflag:s4], $0x0  }
0x19: {  	s7 =	sld [smem:$0x3F9F]  }
0x1a: {  	s8 =	sadd.s32 $0xFFFFE003, lr  }
0x1b: {  	s9 =	sadd.s32 $0xFFFFFEF7, lr;
	s5 =	simm.s32 $0xFFFFFFFF;
	p2 =	slt.u32 s8, $0xFFFFF086  }
0x1c: {  	p1 =	slt.u32 s9, $0xF7A;
	s5 =	simm.s32 @!p2 $0x0  }
0x1d: {  	s5 =	simm.s32 @p1 $0x1;
	p0 =	seq.s32 s7, s2  }
0x1e: {  	s7 =	smul.u32 @!p0 $0xF7A, s2;
	p2 =	seq.s32 @!p0 s5, $0x0  }
0x1f: {  	s9 =	smul.u32 $0xF7A, s1;
	s8 =	simm.s32 @!p0 $0x1BF5;
	p2 =	por !p2, p0  }
0x20: {  	[sflag:s8] =	ssyncset.s32 @!p0 $0xFFFFF086;
	s6 =	sadd.s32 @!p0 s3, s7;
	s7 =	simm.s32 @!p0 $0x108  }
0x21: {  	s3 =	sadd.s32 s3, s9;
	s6 =	sadd.s32 @!p0 $0x88, s6;
	s7 =	simm.s32 @p2 $0x1082  }
0x22: {  	[simem:s7], [sflag:s8] =	dma.local @!p0 [hbm:s6], $0xF7A  }
0x23: {  	s9 =	sor.u32 $0xD0000000, s2;
	s6 =	simm.s32 $0x108;
	_ =	swait.ge @!p0 [sflag:s8], $0x0  }
0x24: {  	s3 =	sadd.s32 $0x88, s3;
	s6 =	simm.s32 @!p1 $0x1082;
	[sflag:s4] =	ssyncset.s32 $0xFFFFF086  }
0x25: {  	[simem:s6], [sflag:s4] =	dma.local [hbm:s3], $0xF7A  }
0x26: {  	[smem:$0x3F9F] =	sst s1;
	(tag) =	ssettag s2;
	_ =	strace s9  }
0x27: {  	s1 =	sld [smem:$0x3FAF]  }
0x28: {  	s2 =	sld [smem:$0x3FB0]  }
0x29: {  	s4 =	sld [smem:$0x3FB2]  }
0x2a: {  	p0 =	seq.s32 s5, $0x0;
	s5 =	sld [smem:$0x3FB3]  }
0x2b: {  	s6 =	sld [smem:$0x3FB4]  }
0x2c: {  	s7 =	sld [smem:$0x3FB5]  }
0x2d: {  	s3 =	simm.s32 $0x108;
	s8 =	sld [smem:$0x3FB6]  }
0x2e: {  	s3 =	simm.s32 @!p0 $0x1082;
	s9 =	sld [smem:$0x3FB7]  }
0x2f: {  	lr =	sadd.s32 s0, s3;
	s0 =	sld [smem:$0x3FAE]  }
0x30: {  	s3 =	sld [smem:$0x3FB1]  }
0x31: {  	[smem:$0x3FBA] =	sst s10  }
0x32: {  	s10 =	sld [smem:$0x3FB8];
	_ =	sdelay $0x3  }
0x33: {  	p0 =	seq.s32 s10, $0x1;
	s10 =	sld [smem:$0x3FBA];
	_ =	sdelay $0x3  }
0x34: {  	[smem:$0x3FBA] =	sst s10  }
0x35: {  	s10 =	sld [smem:$0x3FB9];
	_ =	sdelay $0x3  }
0x36: {  	p1 =	seq.s32 s10, $0x1;
	s10 =	sld [smem:$0x3FBA];
	_ =	sdelay $0x3  }
0x37: {  	[smem:$0x3FBA] =	sst s10  }
0x38: {  	s10 =	sld [smem:$0x3FBB]  }
0x39: {  	_ = 	snop;
	(pc) =	sbr.ind lr, $3  }
0x3a: {  	_ = 	snop  }
0x3b: {  	_ = 	snop  }
0x3c: {  	p2 =	seq.s32 s10, $0x1;
	s10 =	sld [smem:$0x3FBA]  }
0x3d: {  	_ =	shalt  }
0x3e: {  	_ =	shalt  }
0x3f: {  	_ =	shalt  }
0x40: {  	_ =	shalt  }
0x41: {  	_ =	shalt  }
0x42: {  	_ =	shalt  }
0x43: {  	_ =	shalt  }
0x44: {  	_ =	shalt  }
0x45: {  	_ =	shalt  }
0x46: {  	_ =	shalt  }
0x47: {  	_ =	shalt  }
0x48: {  	_ =	shalt  }
0x49: {  	_ =	shalt  }
0x4a: {  	_ =	shalt  }
0x4b: {  	_ =	shalt  }
0x4c: {  	_ =	shalt  }
0x4d: {  	_ =	shalt  }
0x4e: {  	_ =	shalt  }
0x4f: {  	_ =	shalt  }
0x50: {  	_ =	shalt  }
0x51: {  	_ =	shalt  }
0x52: {  	_ =	shalt  }
0x53: {  	_ =	shalt  }
0x54: {  	_ =	shalt  }
0x55: {  	_ =	shalt  }
0x56: {  	_ =	shalt  }
0x57: {  	_ =	shalt  }
0x58: {  	_ =	shalt  }
0x59: {  	_ =	shalt  }
0x5a: {  	_ =	shalt  }
0x5b: {  	_ =	shalt  }
0x5c: {  	_ =	shalt  }
0x5d: {  	_ =	shalt  }
0x5e: {  	_ =	shalt  }
0x5f: {  	_ =	shalt  }
0x60: {  	_ =	shalt  }
0x61: {  	_ =	shalt  }
0x62: {  	_ =	shalt  }
0x63: {  	_ =	shalt  }
0x64: {  	_ =	shalt  }
0x65: {  	_ =	shalt  }
0x66: {  	_ =	shalt  }
0x67: {  	_ =	shalt  }
0x68: {  	_ =	shalt  }
0x69: {  	_ =	shalt  }
0x6a: {  	_ =	shalt  }
0x6b: {  	_ =	shalt  }
0x6c: {  	_ =	shalt  }
0x6d: {  	_ =	shalt  }
0x6e: {  	_ =	shalt  }
0x6f: {  	_ =	shalt  }
0x70: {  	_ =	shalt  }
0x71: {  	_ =	shalt  }
0x72: {  	_ =	shalt  }
0x73: {  	_ =	shalt  }
0x74: {  	_ =	shalt  }
0x75: {  	_ =	shalt  }
0x76: {  	_ =	shalt  }
0x77: {  	_ =	shalt  }
0x78: {  	_ =	shalt  }
0x79: {  	_ =	shalt  }
0x7a: {  	_ =	shalt  }
0x7b: {  	_ =	shalt  }
0x7c: {  	_ =	shalt  }
0x7d: {  	_ =	shalt  }
0x7e: {  	_ =	shalt  }
0x7f: {  	_ =	shalt  }
0x80: {  	_ =	shalt  }
0x81: {  	_ =	shalt  }
0x82: {  	_ =	shalt  }
0x83: {  	_ =	shalt  }
0x84: {  	_ =	shalt  }
0x85: {  	_ =	shalt  }
0x86: {  	_ =	shalt  }
0x87: {  	_ =	shalt  }
.Lfunc_end0:
.L_simem_size_0:
called_computation_lowered:
.L_overlay_start_0:
0x88: {  	s2 =	sld [smem:$0x3FD9]  }
0x89: {  	s3 =	sld [smem:$0x3FFE];
	_ =	sdelay $0x1  }
0x8a: {  	s1 =	srdreg.scid  }
0x8b: {  	s0 =	sand.u32 $0x1, s1  }
0x8c: {  	s17 =	sshll.u32 s0, $0xA;
	s2 =	sadd.s32 s3, s2  }
0x8d: {  	s2 =	sadd.s32 s2, s17  }
0x8e: {  	[smem:$0x3FC6] =	sst s2  }
0x8f: {  	_ = 	snop  }
0x90: {  	s2 =	sld [smem:$0x3FC9]  }
0x91: {  	s18 =	sld [smem:$0x3FC8]  }
0x92: {  	s4 =	sld [smem:$0x3FD0];
	(tm) =	ssettm $0x1  }
0x93: {  	s5 =	sld [smem:$0x3FFB];
	_ =	sdelay $0x3  }
0x94: {  	_ =	strace s5  }
0x95: {  	s5 =	sld [smem:$0x3FFC];
	_ =	sdelay $0x3  }
0x96: {  	_ =	strace s5  }
0x97: {  	s5 =	sld [smem:$0x3FFD];
	_ =	sdelay $0x3  }
0x98: {  	_ =	strace s5  }
0x99: {  	_ =	strace $0x8FFFFFFF  }
0x9a: {  	s19 =	sld [smem:$0x3FDB];
	_ =	sdelay $0x1  }
0x9b: {  	s6 =	simm.s32 $_scs_section_size  }
0x9c: {  	s7 =	simm.s32 $_size__tile_overlayer_lowered;
	s8 =	simm.s32 $_tile_overlayer_lowered  }
0x9d: {  	s22 =	simm.s32 $0x1BFF;
	s21 =	sshll.u32 s8, $0x1;
	s5 =	sadd.s32 s6, s19  }
0x9e: {  	s9 =	simm.s32 $0x0;
	s20 =	sshll.u32 s7, $0x1;
	s7 =	sadd.s32 s21, s5  }
0x9f: {  	[timem:s9], [sflag:s22] =	dma.local [hbm:s7], s20  }
0xa0: {  	_ =	swait.ge [sflag:s22], s20  }
0xa1: {  	s6 =	ssub.s32 $0x0, s20;
	[sflag:s22] =	ssyncset.done $0x0  }
0xa2: {  	[sflag:s22] =	ssyncadd.s32 s6;
	_ =	sdelay $0x1  }
0xa3: {  	s23 =	simm.s32 $0x1B8B  }
0xa4: {  	_ =	swait.ge [sflag:s23], $0x1  }
0xa5: {  	[sflag:s23] =	ssyncset.done $0x0  }
0xa6: {  	s25 =	simm.s32 $0x1B8E;
	s24 =	sld [smem:$0x3FFE];
	[sflag:s23] =	ssyncadd.s32 $0xFFFFFFFF  }
0xa7: {  	s26 =	simm.s32 $execute0_lowered;
	[smem:$0x3FD2] =	sst s25  }
0xa8: {  	s7 =	sshll.u32 s26, $0x1;
	_ =	strace $0x80000046;
	[dreg:$0x1] =	wrdreg $0xFFFFFFFF  }
0xa9: {  	s28 =	simm.s32 $_size_execute0_lowered;
	s5 =	sadd.s32 s5, s7;
	[dreg:$0x0] =	wrdreg $0x0  }
0xaa: {  	s7 =	sshll.u32 s28, $0x1;
	[dreg:$0x2] =	wrdreg s5  }
0xab: {  	[dreg:$0x3] =	wrdreg s7  }
0xac: {  	[dreg:$0x4] =	wrdreg $0xC0  }
0xad: {  	_ =	task [dreg:s9], $0x5FFFF  }
0xae: {  	[dreg:$0x1] =	wrdreg $0xFFFFFFFF  }
0xaf: {  	[dreg:$0x0] =	wrdreg $0x60  }
0xb0: {  	[dreg:$0x2] =	wrdreg s2  }
0xb1: {  	[dreg:$0x3] =	wrdreg s18  }
0xb2: {  	[dreg:$0x4] =	wrdreg s24  }
0xb3: {  	[dreg:$0x5] =	wrdreg s4  }
0xb4: {  	[dreg:$0x6] =	wrdreg $0x140000  }
0xb5: {  	[dreg:$0x7] =	wrdreg $0x9  }
0xb6: {  	_ =	task.clear_ibuf [dreg:s9], $0x8FFFF;
	_ =	strace $0x90000046  }
0xb7: {  	s29 =	simm.s32 $0x9;
	_ =	strace $0x80000048  }
0xb8: {  	_ =	swait.ge [sflag:s29], $0x1  }
0xb9: {  	[sflag:s29] =	ssyncadd.s32 $0xFFFFFFFF  }
0xba: {  	_ =	strace $0x90000048  }
0xbb: {  	_ =	sfence  }
0xbc: {  	s30 =	sld [smem:$0x0];
	_ =	sdelay $0x2  }
0xbd: {  	s31 =	sshll.u32 s1, $0xD;
	s1 =	sshrl.u32 s1, $0x2  }
0xbe: {  	s3 =	sand.u32 $0x4000, s31;
	s1 =	sadd.s32 s1, s30  }
0xbf: {  	s0 =	sor.u32 s3, s0;
	s1 =	sshll.u32 s1, $0x11  }
0xc0: {  	s0 =	sor.u32 s1, s0  }
0xc1: {  	s0 =	sadd.s32 $0x8F2B, s0  }
0xc2: {  	[sflag:s0] =	ssyncadd.remote.s32 $0x1  }
0xc3: {  	_ =	sfence.sel $0xFFFF  }
0xc4: {  	[dreg:$0x0] =	wrdreg $0xFFFFFFFF;
	(pc) =	sbr.abs _section_cstart, $3  }
0xc5: {  	[dreg:$0x1] =	wrdreg $0xFFFFFFFF  }
0xc6: {  	_ =	task.clear_ibuf [dreg:s9], $0x2FFFF;
	_ =	strace $0x9FFFFFFF  }
0xc7: {  	(tm) =	ssettm $0x7FFFFFFF  }
tec
execute0_lowered:
.L_overlay_start_1:
0x0: {  	(tag) =	ssettag $0x1  }
0x1: {  	s5 =	rddreg [dreg:$0x0]  }
0x2: {  	s17 =	rddreg [dreg:$0x1]  }
0x3: {  	s8 =	rddreg [dreg:$0x2]  }
0x4: {  	s0 =	srdreg.scid;
	s2 =	rddreg [dreg:$0x3]  }
0x5: {  	s16 =	stileid.u32;
	s3 =	simm.s32 $0x0;
	s1 =	sand.u32 $0x1, s0  }
0x6: {  	s0 =	rddreg [dreg:$0x4];
	s4 =	sshll.u32 s16, $0x8;
	s6 =	sshll.u32 s1, $0x7  }
0x7: {  	[smem:$0x7FF] =	sst s3;
	s9 =	sor.u32 s6, s4  }
0x8: {  	s7 =	sadd.s32 $0x80000, s5;
	s8 =	sadd.s32 $0x400, s8;
	s10 =	sshll.u32 s9, $0x7  }
0x9: {  	_ =	strace $0x80000047;
	s6 =	sadd.s32 $0x100000, s5;
	s14 =	sadd.s32 s5, s10  }
0xa: {  	s4 =	sadd.s32 $0x180000, s5;
	s15 =	sadd.s32 s10, s7;
	[dreg:$0x6] =	wrdreg s14  }
0xb: {  	s9 =	sshrl.u32 s9, $0x3;
	s11 =	sadd.s32 s10, s6;
	[dreg:$0x7] =	wrdreg s15  }
0xc: {  	s18 =	sadd.s32 s10, s4;
	s12 =	sor.u32 $0x2, s9;
	[dreg:$0x8] =	wrdreg s11  }
0xd: {  	s10 =	sadd.s32 s8, s10;
	[dreg:$0x9] =	wrdreg s18;
	s13 =	sshll.u32 s12, $0xA  }
0xe: {  	s19 =	smul.u32 $0x4800, s9;
	[dreg:$0xa] =	wrdreg s10;
	s14 =	sadd.s32 s8, s13  }
0xf: {  	s10 =	sadd.s32 $0x400, s2;
	s22 =	sadd.s32 s5, s13;
	[dreg:$0xb] =	wrdreg s14  }
0x10: {  	s15 =	sshrl.u32 s19, $0x3;
	s26 =	sadd.s32 s13, s7;
	[dreg:$0xe] =	wrdreg s22  }
0x11: {  	s11 =	sadd.s32 $0x800, s2;
	s20 =	sadd.s32 s15, s10;
	[dreg:$0x12] =	wrdreg s26  }
0x12: {  	s21 =	sadd.s32 s15, s11;
	[dreg:$0xc] =	wrdreg s20  }
0x13: {  	s15 =	sadd.s32 s2, s15;
	[dreg:$0xd] =	wrdreg s21  }
0x14: {  	s23 =	sadd.s32 $0x120000, s15;
	[smem:$0x77F] =	sst s15  }
0x15: {  	s24 =	sadd.s32 $0x120400, s15;
	[dreg:$0xf] =	wrdreg s23  }
0x16: {  	s25 =	sadd.s32 $0x120800, s15;
	[dreg:$0x10] =	wrdreg s24  }
0x17: {  	s30 =	sadd.s32 $0x240000, s15;
	[dreg:$0x11] =	wrdreg s25  }
0x18: {  	s18 =	sadd.s32 $0x240400, s15;
	[dreg:$0x13] =	wrdreg s30  }
0x19: {  	s19 =	sadd.s32 $0x240800, s15;
	[dreg:$0x14] =	wrdreg s18  }
0x1a: {  	s20 =	sadd.s32 s13, s6;
	[dreg:$0x15] =	wrdreg s19  }
0x1b: {  	s21 =	sadd.s32 $0x360000, s15;
	[dreg:$0x16] =	wrdreg s20  }
0x1c: {  	s12 =	smul.u32 $0x4800, s12;
	s22 =	sadd.s32 $0x360400, s15;
	[dreg:$0x17] =	wrdreg s21  }
0x1d: {  	s13 =	sadd.s32 s13, s4;
	[dreg:$0x18] =	wrdreg s22  }
0x1e: {  	s12 =	sshrl.u32 s12, $0x3;
	s23 =	sadd.s32 $0x360800, s15;
	[dreg:$0x1a] =	wrdreg s13  }
0x1f: {  	s24 =	sadd.s32 s12, s10;
	[dreg:$0x19] =	wrdreg s23  }
0x20: {  	s14 =	sor.u32 $0x4, s9;
	s25 =	sadd.s32 s12, s11;
	[dreg:$0x1b] =	wrdreg s24  }
0x21: {  	s15 =	sshll.u32 s14, $0xA;
	s18 =	sadd.s32 s2, s12;
	[dreg:$0x1c] =	wrdreg s25  }
0x22: {  	s26 =	sadd.s32 s5, s15;
	[smem:$0x789] =	sst s18  }
0x23: {  	s30 =	sadd.s32 $0x120000, s18;
	[dreg:$0x1d] =	wrdreg s26  }
0x24: {  	s13 =	sadd.s32 $0x120400, s18;
	[dreg:$0x1e] =	wrdreg s30  }
0x25: {  	s19 =	sadd.s32 $0x120800, s18;
	[dreg:$0x1f] =	wrdreg s13  }
0x26: {  	s20 =	sadd.s32 s15, s7;
	[smem:$0x780] =	sst s19  }
0x27: {  	s21 =	sadd.s32 s8, s15;
	[smem:$0x781] =	sst s20  }
0x28: {  	s22 =	sadd.s32 $0x240000, s18;
	[smem:$0x782] =	sst s21  }
0x29: {  	s23 =	sadd.s32 $0x240400, s18;
	[smem:$0x783] =	sst s22  }
0x2a: {  	s24 =	sadd.s32 $0x240800, s18;
	[smem:$0x784] =	sst s23  }
0x2b: {  	s25 =	sadd.s32 s15, s6;
	[smem:$0x785] =	sst s24  }
0x2c: {  	[smem:$0x786] =	sst s25;
	s26 =	sadd.s32 $0x360000, s18  }
0x2d: {  	s30 =	smul.u32 $0x4800, s14;
	s14 =	sadd.s32 $0x360400, s18;
	[smem:$0x787] =	sst s26  }
0x2e: {  	s19 =	sadd.s32 $0x360800, s18;
	[smem:$0x788] =	sst s14  }
0x2f: {  	s20 =	sadd.s32 s15, s4;
	[smem:$0x78A] =	sst s19;
	s13 =	sshrl.u32 s30, $0x3  }
0x30: {  	[smem:$0x78B] =	sst s20;
	s22 =	sadd.s32 s13, s11  }
0x31: {  	s14 =	sor.u32 $0x6, s9;
	s15 =	sadd.s32 s2, s13;
	[smem:$0x78D] =	sst s22  }
0x32: {  	s13 =	sshll.u32 s14, $0xA;
	s21 =	sadd.s32 $0x400, s15;
	[smem:$0x79A] =	sst s15  }
0x33: {  	s23 =	sadd.s32 s5, s13;
	[smem:$0x78C] =	sst s21  }
0x34: {  	s24 =	sadd.s32 $0x120000, s15;
	[smem:$0x78E] =	sst s23  }
0x35: {  	s25 =	sadd.s32 $0x120400, s15;
	[smem:$0x78F] =	sst s24  }
0x36: {  	s26 =	sadd.s32 $0x120800, s15;
	[smem:$0x790] =	sst s25  }
0x37: {  	s30 =	sadd.s32 s13, s7;
	[smem:$0x791] =	sst s26  }
0x38: {  	s18 =	sadd.s32 s8, s13;
	[smem:$0x792] =	sst s30  }
0x39: {  	s19 =	sadd.s32 $0x240000, s15;
	[smem:$0x793] =	sst s18  }
0x3a: {  	s20 =	sadd.s32 $0x240400, s15;
	[smem:$0x794] =	sst s19  }
0x3b: {  	s22 =	sadd.s32 s13, s6;
	[smem:$0x795] =	sst s20  }
0x3c: {  	s21 =	sadd.s32 $0x240800, s15;
	[smem:$0x797] =	sst s22  }
0x3d: {  	s23 =	sadd.s32 $0x360000, s15;
	[smem:$0x796] =	sst s21  }
0x3e: {  	s14 =	smul.u32 $0x4800, s14;
	s24 =	sadd.s32 $0x360400, s15;
	[smem:$0x798] =	sst s23  }
0x3f: {  	s25 =	sadd.s32 $0x360800, s15;
	[smem:$0x799] =	sst s24  }
0x40: {  	s14 =	sshrl.u32 s14, $0x3;
	s26 =	sadd.s32 s13, s4;
	[smem:$0x79B] =	sst s25  }
0x41: {  	[smem:$0x79C] =	sst s26;
	s11 =	sadd.s32 s14, s11  }
0x42: {  	s13 =	sor.u32 $0x8, s9;
	s15 =	sadd.s32 s2, s14;
	[smem:$0x79E] =	sst s11  }
0x43: {  	s12 =	sshll.u32 s13, $0xA;
	s30 =	sadd.s32 $0x400, s15;
	[smem:$0x7AB] =	sst s15  }
0x44: {  	s18 =	sadd.s32 s5, s12;
	[smem:$0x79D] =	sst s30  }
0x45: {  	s19 =	sadd.s32 $0x120000, s15;
	[smem:$0x79F] =	sst s18  }
0x46: {  	s20 =	sadd.s32 $0x120400, s15;
	[smem:$0x7A0] =	sst s19  }
0x47: {  	s21 =	sadd.s32 $0x120800, s15;
	[smem:$0x7A1] =	sst s20  }
0x48: {  	s22 =	sadd.s32 s12, s7;
	[smem:$0x7A2] =	sst s21  }
0x49: {  	s23 =	sadd.s32 s8, s12;
	[smem:$0x7A3] =	sst s22  }
0x4a: {  	s24 =	sadd.s32 $0x240000, s15;
	[smem:$0x7A4] =	sst s23  }
0x4b: {  	s25 =	sadd.s32 $0x240400, s15;
	[smem:$0x7A5] =	sst s24  }
0x4c: {  	s26 =	sadd.s32 $0x240800, s15;
	[smem:$0x7A6] =	sst s25  }
0x4d: {  	s14 =	sadd.s32 $0x360000, s15;
	[smem:$0x7A7] =	sst s26  }
0x4e: {  	s30 =	sadd.s32 s12, s6;
	[smem:$0x7A9] =	sst s14  }
0x4f: {  	s13 =	smul.u32 $0x4800, s13;
	s18 =	sadd.s32 $0x360400, s15;
	[smem:$0x7A8] =	sst s30  }
0x50: {  	s19 =	sadd.s32 $0x360800, s15;
	[smem:$0x7AA] =	sst s18  }
0x51: {  	s20 =	sadd.s32 s12, s4;
	s21 =	sshrl.u32 s13, $0x3;
	[smem:$0x7AC] =	sst s19  }
0x52: {  	[smem:$0x7AD] =	sst s20;
	s11 =	sadd.s32 s21, s10  }
0x53: {  	s12 =	sor.u32 $0xA, s9;
	s14 =	sadd.s32 s2, s21;
	[smem:$0x7AE] =	sst s11  }
0x54: {  	s13 =	sshll.u32 s12, $0xA;
	s22 =	sadd.s32 $0x800, s14;
	[smem:$0x7BC] =	sst s14  }
0x55: {  	s23 =	sadd.s32 s5, s13;
	[smem:$0x7AF] =	sst s22  }
0x56: {  	s24 =	sadd.s32 $0x120000, s14;
	[smem:$0x7B0] =	sst s23  }
0x57: {  	s25 =	sadd.s32 $0x120400, s14;
	[smem:$0x7B1] =	sst s24  }
0x58: {  	s26 =	sadd.s32 $0x120800, s14;
	[smem:$0x7B2] =	sst s25  }
0x59: {  	s30 =	sadd.s32 s13, s7;
	[smem:$0x7B3] =	sst s26  }
0x5a: {  	s15 =	sadd.s32 s8, s13;
	[smem:$0x7B4] =	sst s30  }
0x5b: {  	s18 =	sadd.s32 $0x240000, s14;
	[smem:$0x7B5] =	sst s15  }
0x5c: {  	s19 =	sadd.s32 $0x240400, s14;
	[smem:$0x7B6] =	sst s18  }
0x5d: {  	s20 =	sadd.s32 $0x240800, s14;
	[smem:$0x7B7] =	sst s19  }
0x5e: {  	s21 =	sadd.s32 s13, s6;
	[smem:$0x7B8] =	sst s20  }
0x5f: {  	[smem:$0x7B9] =	sst s21;
	s22 =	sadd.s32 $0x360000, s14  }
0x60: {  	s12 =	smul.u32 $0x4800, s12;
	s23 =	sadd.s32 $0x360400, s14;
	[smem:$0x7BA] =	sst s22  }
0x61: {  	s11 =	sor.u32 $0xC, s9;
	s24 =	sadd.s32 $0x360800, s14;
	[smem:$0x7BB] =	sst s23  }
0x62: {  	s25 =	sadd.s32 s13, s4;
	s26 =	sshrl.u32 s12, $0x3;
	[smem:$0x7BD] =	sst s24  }
0x63: {  	s12 =	sshll.u32 s11, $0xA;
	[smem:$0x7BE] =	sst s25;
	s10 =	sadd.s32 s26, s10  }
0x64: {  	s14 =	sadd.s32 s5, s12;
	[smem:$0x7BF] =	sst s10  }
0x65: {  	s20 =	sadd.s32 s12, s7;
	[smem:$0x7C1] =	sst s14  }
0x66: {  	s21 =	sadd.s32 s8, s12;
	[smem:$0x7C5] =	sst s20  }
0x67: {  	s25 =	sadd.s32 s12, s6;
	[smem:$0x7C6] =	sst s21  }
0x68: {  	s13 =	sadd.s32 s2, s26;
	[smem:$0x7CA] =	sst s25  }
0x69: {  	s30 =	sadd.s32 $0x800, s13;
	[smem:$0x7CD] =	sst s13  }
0x6a: {  	s15 =	sadd.s32 $0x120000, s13;
	[smem:$0x7C0] =	sst s30  }
0x6b: {  	s18 =	sadd.s32 $0x120400, s13;
	[smem:$0x7C2] =	sst s15  }
0x6c: {  	s19 =	sadd.s32 $0x120800, s13;
	[smem:$0x7C3] =	sst s18  }
0x6d: {  	s22 =	sadd.s32 $0x240000, s13;
	[smem:$0x7C4] =	sst s19  }
0x6e: {  	s23 =	sadd.s32 $0x240400, s13;
	[smem:$0x7C7] =	sst s22  }
0x6f: {  	s24 =	sadd.s32 $0x240800, s13;
	[smem:$0x7C8] =	sst s23  }
0x70: {  	s26 =	sadd.s32 $0x360000, s13;
	[smem:$0x7C9] =	sst s24  }
0x71: {  	s14 =	sadd.s32 $0x360800, s13;
	[smem:$0x7CB] =	sst s26  }
0x72: {  	s9 =	sor.u32 $0xE, s9;
	s30 =	sadd.s32 $0x360400, s13;
	[smem:$0x7CE] =	sst s14  }
0x73: {  	s21 =	sshll.u32 s9, $0xA;
	s15 =	sadd.s32 s12, s4;
	[smem:$0x7CC] =	sst s30  }
0x74: {  	s5 =	sadd.s32 s5, s21;
	[smem:$0x7CF] =	sst s15  }
0x75: {  	s11 =	smul.u32 $0x4800, s11;
	s25 =	sadd.s32 s21, s7;
	[smem:$0x7D2] =	sst s5  }
0x76: {  	s26 =	sadd.s32 s8, s21;
	[smem:$0x7D6] =	sst s25  }
0x77: {  	s11 =	sshrl.u32 s11, $0x3;
	s10 =	sadd.s32 s21, s6;
	[smem:$0x7D7] =	sst s26  }
0x78: {  	s18 =	sadd.s32 s2, s11;
	[smem:$0x7DB] =	sst s10  }
0x79: {  	s4 =	sadd.s32 s21, s4;
	[smem:$0x7DE] =	sst s18  }
0x7a: {  	s14 =	smul.u32 $0x4800, s9;
	s9 =	simm.s32 $0x1C500;
	[smem:$0x7E0] =	sst s4  }
0x7b: {  	s11 =	simm.s32 $0x1C600;
	[smem:$0x7EF] =	sst s9  }
0x7c: {  	s12 =	simm.s32 $0x1C300;
	[smem:$0x7F1] =	sst s11  }
0x7d: {  	s19 =	sadd.s32 $0x400, s18;
	[smem:$0x7F2] =	sst s12  }
0x7e: {  	s20 =	sadd.s32 $0x800, s18;
	[smem:$0x7D0] =	sst s19  }
0x7f: {  	s22 =	sadd.s32 $0x120000, s18;
	[smem:$0x7D1] =	sst s20  }
0x80: {  	s23 =	sadd.s32 $0x120400, s18;
	[smem:$0x7D3] =	sst s22  }
0x81: {  	s24 =	sadd.s32 $0x120800, s18;
	[smem:$0x7D4] =	sst s23  }
0x82: {  	s30 =	sadd.s32 $0x240000, s18;
	[smem:$0x7D5] =	sst s24  }
0x83: {  	s7 =	sadd.s32 $0x240400, s18;
	[smem:$0x7D8] =	sst s30  }
0x84: {  	s8 =	sadd.s32 $0x240800, s18;
	[smem:$0x7D9] =	sst s7  }
0x85: {  	s13 =	sadd.s32 $0x360000, s18;
	[smem:$0x7DA] =	sst s8  }
0x86: {  	s15 =	sadd.s32 $0x360400, s18;
	[smem:$0x7DC] =	sst s13  }
0x87: {  	s18 =	sadd.s32 $0x360800, s18;
	[smem:$0x7DD] =	sst s15  }
0x88: {  	s10 =	simm.s32 $0x1C200;
	[smem:$0x7DF] =	sst s18  }
0x89: {  	s7 =	simm.s32 $0x1C400;
	[smem:$0x7F0] =	sst s10  }
0x8a: {  	s8 =	simm.s32 $0x1C100;
	[smem:$0x7ED] =	sst s7  }
0x8b: {  	s13 =	simm.s32 $0x1C700;
	[smem:$0x7EE] =	sst s8  }
0x8c: {  	s15 =	simm.s32 $0x1C800;
	[smem:$0x7F3] =	sst s13  }
0x8d: {  	s6 =	sshrl.u32 s14, $0x3;
	s18 =	simm.s32 $0x1CC00;
	[smem:$0x7F4] =	sst s15  }
0x8e: {  	s19 =	sadd.s32 s2, s6;
	[smem:$0x7F5] =	sst s18  }
0x8f: {  	s2 =	sadd.s32 $0x400, s19;
	[smem:$0x7EB] =	sst s19  }
0x90: {  	s20 =	sadd.s32 $0x800, s19;
	[smem:$0x7E1] =	sst s2  }
0x91: {  	s21 =	sadd.s32 $0x120000, s19;
	[smem:$0x7E2] =	sst s20  }
0x92: {  	s28 =	simm.s32 $0x400;
	s22 =	sadd.s32 $0x120400, s19;
	[smem:$0x7E3] =	sst s21  }
0x93: {  	s29 =	simm.s32 $0x800;
	s23 =	sadd.s32 $0x120800, s19;
	[smem:$0x7E4] =	sst s22  }
0x94: {  	s31 =	simm.s32 $0x1;
	s24 =	sadd.s32 $0x240000, s19;
	[smem:$0x7E5] =	sst s23  }
0x95: {  	s1 =	ssub.s32 $0x2, s1;
	s25 =	sadd.s32 $0x240400, s19;
	[smem:$0x7E6] =	sst s24  }
0x96: {  	s11 =	simm.s32 $0xE;
	s26 =	sadd.s32 $0x240800, s19;
	[smem:$0x7E7] =	sst s25  }
0x97: {  	s12 =	simm.s32 $0x4;
	s30 =	sadd.s32 $0x360000, s19;
	[smem:$0x7E8] =	sst s26  }
0x98: {  	s9 =	simm.s32 $0x5;
	s4 =	sadd.s32 $0x360400, s19;
	[smem:$0x7E9] =	sst s30  }
0x99: {  	s14 =	sshrl.u32 s1, $0x1;
	s6 =	sadd.s32 $0x360800, s19;
	[smem:$0x7EA] =	sst s4  }
0x9a: {  	s19 =	sshll.u32 s16, $0xF;
	[smem:$0x7EC] =	sst s6;
	s20 =	simm.s32 $0x1C900  }
0x9b: {  	s10 =	simm.s32 $0xD;
	s4 =	sadd.s32 s19, s0;
	[smem:$0x7F6] =	sst s20  }
0x9c: {  	s1 =	ssub.s32 s1, s14;
	s21 =	simm.s32 $0x1CD00;
	[smem:$0x7F7] =	sst s4  }
0x9d: {  	s15 =	simm.s32 $0x1C000;
	s23 =	simm.s32 $0x1CA00;
	[smem:$0x7F8] =	sst s21  }
0x9e: {  	s8 =	simm.s32 $0x2000;
	s25 =	sadd.s32 $0x20, s17;
	[smem:$0x7F9] =	sst s23  }
0x9f: {  	s1 =	smax.u32 s1, $0x1;
	s24 =	simm.s32 $0x1CE00;
	[smem:$0x7FA] =	sst s25  }
0xa0: {  	s16 =	simm.s32 $0xF;
	s26 =	simm.s32 $0x1CB00;
	[smem:$0x7FB] =	sst s24  }
0xa1: {  	s30 =	simm.s32 $0x1CF00;
	s2 =	simm.s32 $0x2;
	[smem:$0x7FC] =	sst s26  }
0xa2: {  	s22 =	sadd.s32 $0x4000, s4;
	[smem:$0x7FD] =	sst s30;
	s24 =	simm.s32 $0x4800  }
0xa3: {  	s25 =	simm.s32 $0x40;
	s26 =	simm.s32 $0x900;
	s4 =	simm.s32 $0x6  }
0xa4: {  	s23 =	simm.s32 $0x7;
	s21 =	simm.s32 $0x9;
	s20 =	sshrl.u32 s22, $0x3  }
.LBB2_1:
0xa5: {  	s30 =	sld [smem:$0x7ED]  }
0xa6: {  	s7 =	rddreg [dreg:$0x1]  }
0xa7: {  	s13 =	sld [smem:$0x7FA]  }
0xa8: {  	[tilespmem:s15], [sflag:$0xF] =	stream.linear.gather [hbm4b:s7+s3], $0x100, $0x38;
	[tilespmem:$0x1D000] =	vst v63  }
0xa9: {  	s18 =	sld [smem:$0x7EE]  }
0xaa: {  	[tilespmem:s30], [sflag:$0xF] =	stream.linear.gather [hbm4b:s13+s3], $0x100, $0x38;
	[tilespmem:$0x1D000] =	vst v63  }
0xab: {  	s0 =	sld [smem:$0x7EF]  }
0xac: {  	[tilespmem:s18], [sflag:$0xF] =	stream.linear.gather [hbm4b:s7+s3], $0x100, $0x38;
	[tilespmem:$0x1D000] =	vst v63  }
0xad: {  	s5 =	sld [smem:$0x7F0]  }
0xae: {  	[tilespmem:s0], [sflag:$0xF] =	stream.linear.gather [hbm4b:s13+s3], $0x100, $0x38;
	[tilespmem:$0x1D000] =	vst v63  }
0xaf: {  	s6 =	sld [smem:$0x7F1]  }
0xb0: {  	[tilespmem:s5], [sflag:$0xF] =	stream.linear.gather [hbm4b:s7+s3], $0x100, $0x38;
	[tilespmem:$0x1D000] =	vst v63  }
0xb1: {  	s14 =	sld [smem:$0x7F2]  }
0xb2: {  	[tilespmem:s6], [sflag:$0xF] =	stream.linear.gather [hbm4b:s13+s3], $0x100, $0x38;
	[tilespmem:$0x1D000] =	vst v63  }
0xb3: {  	s17 =	sld [smem:$0x7F3]  }
0xb4: {  	[tilespmem:s14], [sflag:$0xF] =	stream.linear.gather [hbm4b:s7+s3], $0x100, $0x38;
	[tilespmem:$0x1D000] =	vst v63  }
0xb5: {  	s19 =	sld [smem:$0x7F4]  }
0xb6: {  	[tilespmem:s17], [sflag:$0xF] =	stream.linear.gather [hbm4b:s13+s3], $0x100, $0x38;
	[tilespmem:$0x1D000] =	vst v63  }
0xb7: {  	s22 =	sld [smem:$0x7F5]  }
0xb8: {  	[tilespmem:s19], [sflag:$0xF] =	stream.linear.gather [hbm4b:s7+s3], $0x100, $0x38;
	[tilespmem:$0x1D000] =	vst v63  }
0xb9: {  	s30 =	sld [smem:$0x7F6]  }
0xba: {  	[tilespmem:s22], [sflag:$0xF] =	stream.linear.gather [hbm4b:s13+s3], $0x100, $0x38;
	[tilespmem:$0x1D000] =	vst v63  }
0xbb: {  	s0 =	sld [smem:$0x7F8]  }
0xbc: {  	[tilespmem:s30], [sflag:$0xF] =	stream.linear.gather [hbm4b:s7+s3], $0x100, $0x38;
	[tilespmem:$0x1D000] =	vst v63  }
0xbd: {  	s5 =	sld [smem:$0x7F9]  }
0xbe: {  	[tilespmem:s0], [sflag:$0xF] =	stream.linear.gather [hbm4b:s13+s3], $0x100, $0x38;
	[tilespmem:$0x1D000] =	vst v63  }
0xbf: {  	s6 =	sld [smem:$0x7FB]  }
0xc0: {  	[tilespmem:s5], [sflag:$0xF] =	stream.linear.gather [hbm4b:s7+s3], $0x100, $0x38;
	[tilespmem:$0x1D000] =	vst v63  }
0xc1: {  	s14 =	sld [smem:$0x7FC]  }
0xc2: {  	[tilespmem:s6], [sflag:$0xF] =	stream.linear.gather [hbm4b:s13+s3], $0x100, $0x38;
	[tilespmem:$0x1D000] =	vst v63  }
0xc3: {  	s17 =	sld [smem:$0x7FD]  }
0xc4: {  	[tilespmem:s14], [sflag:$0xF] =	stream.linear.gather [hbm4b:s7+s3], $0x100, $0x38;
	[tilespmem:$0x1D000] =	vst v63  }
0xc5: {  	[smem:$0x77E] =	sst s1  }
0xc6: {  	[tilespmem:s17], [sflag:$0xF] =	stream.linear.gather [hbm4b:s13+s3], $0x100, $0x38;
	[tilespmem:$0x1D000] =	vst v63  }
0xc7: {  	_ =	swait.ge [sflag:s16], $0x200  }
0xc8: {  	[sflag:s16] =	ssyncset.done $0x0  }
0xc9: {  	[sflag:s16] =	ssyncadd.s32 $0xFFFFFE00  }
0xca: {  	_ =	swait.ge [sflag:s16], $0x200  }
0xcb: {  	[sflag:s16] =	ssyncset.done $0x0  }
0xcc: {  	[sflag:s16] =	ssyncadd.s32 $0xFFFFFE00  }
0xcd: {  	_ =	swait.ge [sflag:s16], $0x200  }
0xce: {  	[sflag:s16] =	ssyncset.done $0x0  }
0xcf: {  	[sflag:s16] =	ssyncadd.s32 $0xFFFFFE00  }
0xd0: {  	_ =	swait.ge [sflag:s16], $0x200  }
0xd1: {  	[sflag:s16] =	ssyncset.done $0x0  }
0xd2: {  	[sflag:s16] =	ssyncadd.s32 $0xFFFFFE00  }
0xd3: {  	_ =	swait.ge [sflag:s16], $0x200  }
0xd4: {  	[sflag:s16] =	ssyncset.done $0x0  }
0xd5: {  	[sflag:s16] =	ssyncadd.s32 $0xFFFFFE00  }
0xd6: {  	_ =	swait.ge [sflag:s16], $0x200  }
0xd7: {  	[sflag:s16] =	ssyncset.done $0x0  }
0xd8: {  	[sflag:s16] =	ssyncadd.s32 $0xFFFFFE00  }
0xd9: {  	_ =	swait.ge [sflag:s16], $0x200  }
0xda: {  	[sflag:s16] =	ssyncset.done $0x0  }
0xdb: {  	[sflag:s16] =	ssyncadd.s32 $0xFFFFFE00  }
0xdc: {  	_ =	swait.ge [sflag:s16], $0x200  }
0xdd: {  	[sflag:s16] =	ssyncset.done $0x0  }
0xde: {  	s18 =	rddreg [dreg:$0x6];
	[sflag:s16] =	ssyncadd.s32 $0xFFFFFE00  }
0xdf: {  	[tilespmem:s3], [sflag:$0x1] =	stream.linear.gather [hbm4b:s18+s3], $0x4000, $0x38;
	[tilespmem:$0x1D000] =	vst v63  }
0xe0: {  	s0 =	simm.s32 $0x4000;
	s19 =	rddreg [dreg:$0x7]  }
0xe1: {  	[tilespmem:s0], [sflag:$0x2] =	stream.linear.gather [hbm4b:s19+s3], $0x4000, $0x38;
	[tilespmem:$0x1D000] =	vst v63  }
0xe2: {  	s6 =	simm.s32 $0x8000;
	s22 =	rddreg [dreg:$0x8]  }
0xe3: {  	[tilespmem:s6], [sflag:$0x3] =	stream.linear.gather [hbm4b:s22+s3], $0x4000, $0x38;
	[tilespmem:$0x1D000] =	vst v63  }
0xe4: {  	s7 =	simm.s32 $0xC000;
	s30 =	rddreg [dreg:$0x9]  }
0xe5: {  	[tilespmem:s7], [sflag:$0x4] =	stream.linear.gather [hbm4b:s30+s3], $0x4000, $0x38;
	[tilespmem:$0x1D000] =	vst v63  }
0xe6: {  	s18 =	rddreg [dreg:$0xa]  }
0xe7: {  	s14 =	sld [smem:$0x7F7]  }
0xe8: {  	s13 =	stileid.u32  }
0xe9: {  	s22 =	sshll.u32 s13, $0x6  }
0xea: {  	s17 =	sor.u32 $0x1C0B, s22;
	s1 =	sshrl.u32 s14, $0x3  }
0xeb: {  	[spmem:s1], [sflag:s17] =	dma.local [hbm:s18], $0x800  }
0xec: {  	[smem:$0x77D] =	sst s17  }
0xed: {  	s14 =	sor.u32 $0x1C0C, s22;
	s18 =	rddreg [dreg:$0xb]  }
0xee: {  	[spmem:s20], [sflag:s14] =	dma.local [hbm:s18], $0x800  }
0xef: {  	_ =	swait.ge [sflag:s31], $0x4000  }
0xf0: {  	[sflag:s31] =	ssyncset.done $0x0  }
0xf1: {  	s19 =	simm.s32 $0xB;
	[sflag:s31] =	ssyncadd.s32 $0xFFFFC000  }
0xf2: {  	_ =	swait.ge [sflag:s19], $0x800  }
0xf3: {  	s0 =	sld [smem:$0x77F]  }
0xf4: {  	[sflag:s19] =	ssyncset.done $0x0  }
0xf5: {  	s18 =	sor.u32 $0x1C0D, s22;
	s30 =	rddreg [dreg:$0xc];
	[sflag:s19] =	ssyncadd.s32 $0xFFFFF800  }
0xf6: {  	[hbm4b:s0+s8] =	stream.strided.scatter [tilespmem:s3], [sflag:$0x6], $0x4000, s24, s8, $0x38;
	[tilespmem:$0x1D000] =	vst v63  }
0xf7: {  	[hbm:s30@s26], [sflag:s18] =	dma.strided [spmem:s1@s28], $0x800, s25, $0x10   }
0xf8: {  	s7 =	rddreg [dreg:$0xd]  }
0xf9: {  	[hbm4b:s7+s29] =	stream.strided.scatter [tilespmem:s15], [sflag:$0xF], $0x1000, s24, s29, $0x38;
	[tilespmem:$0x1D000] =	vst v63  }
0xfa: {  	s19 =	simm.s32 $0x10000;
	s6 =	rddreg [dreg:$0xe]  }
0xfb: {  	[tilespmem:s19], [sflag:$0x5] =	stream.linear.gather [hbm4b:s6+s3], $0x4000, $0x38;
	[tilespmem:$0x1D000] =	vst v63  }
0xfc: {  	_ =	swait.ge [sflag:s2], $0x4000  }
0xfd: {  	s30 =	rddreg [dreg:$0xf];
	[sflag:s2] =	ssyncset.done $0x0  }
0xfe: {  	s5 =	simm.s32 $0x4000;
	s0 =	rddreg [dreg:$0x10];
	[sflag:s2] =	ssyncadd.s32 $0xFFFFC000  }
0xff: {  	[hbm4b:s30+s8] =	stream.strided.scatter [tilespmem:s5], [sflag:$0x7], $0x4000, s24, s8, $0x38;
	[tilespmem:$0x1D000] =	vst v63  }
0x100: {  	[hbm:s0@s26], [sflag:s18] =	dma.strided [spmem:s1@s28], $0x800, s25, $0x10   }
0x101: {  	s6 =	rddreg [dreg:$0x11]  }
0x102: {  	[hbm4b:s6+s29] =	stream.strided.scatter [tilespmem:s15], [sflag:$0xF], $0x1000, s24, s29, $0x38;
	[tilespmem:$0x1D000] =	vst v63  }
0x103: {  	_ =	swait.ge [sflag:s4], $0x4000  }
0x104: {  	[sflag:s4] =	ssyncset.done $0x0  }
0x105: {  	s6 =	simm.s32 $0x3;
	s13 =	rddreg [dreg:$0x12];
	[sflag:s4] =	ssyncadd.s32 $0xFFFFC000  }
0x106: {  	[tilespmem:s3], [sflag:$0x1] =	stream.linear.gather [hbm4b:s13+s3], $0x4000, $0x38;
	[tilespmem:$0x1D000] =	vst v63  }
0x107: {  	_ =	swait.ge [sflag:s6], $0x4000  }
0x108: {  	s19 =	rddreg [dreg:$0x13];
	[sflag:s6] =	ssyncset.done $0x0  }
0x109: {  	s0 =	simm.s32 $0x8000;
	s30 =	rddreg [dreg:$0x14];
	[sflag:s6] =	ssyncadd.s32 $0xFFFFC000  }
0x10a: {  	[hbm4b:s19+s8] =	stream.strided.scatter [tilespmem:s0], [sflag:$0x8], $0x4000, s24, s8, $0x38;
	[tilespmem:$0x1D000] =	vst v63  }
0x10b: {  	[hbm:s30@s26], [sflag:s18] =	dma.strided [spmem:s1@s28], $0x800, s25, $0x10   }
0x10c: {  	s19 =	rddreg [dreg:$0x15]  }
0x10d: {  	[hbm4b:s19+s29] =	stream.strided.scatter [tilespmem:s15], [sflag:$0xF], $0x1000, s24, s29, $0x38;
	[tilespmem:$0x1D000] =	vst v63  }
0x10e: {  	_ =	swait.ge [sflag:s23], $0x4000  }
0x10f: {  	[sflag:s23] =	ssyncset.done $0x0  }
0x110: {  	s5 =	simm.s32 $0x4000;
	s30 =	rddreg [dreg:$0x16];
	[sflag:s23] =	ssyncadd.s32 $0xFFFFC000  }
0x111: {  	[tilespmem:s5], [sflag:$0x2] =	stream.linear.gather [hbm4b:s30+s3], $0x4000, $0x38;
	[tilespmem:$0x1D000] =	vst v63  }
0x112: {  	_ =	swait.ge [sflag:s12], $0x4000  }
0x113: {  	s13 =	rddreg [dreg:$0x17];
	[sflag:s12] =	ssyncset.done $0x0  }
0x114: {  	s30 =	simm.s32 $0xC000;
	s19 =	rddreg [dreg:$0x18];
	[sflag:s12] =	ssyncadd.s32 $0xFFFFC000  }
0x115: {  	[hbm4b:s13+s8] =	stream.strided.scatter [tilespmem:s30], [sflag:$0x9], $0x4000, s24, s8, $0x38;
	[tilespmem:$0x1D000] =	vst v63  }
0x116: {  	[hbm:s19@s26], [sflag:s18] =	dma.strided [spmem:s1@s28], $0x800, s25, $0x10   }
0x117: {  	s7 =	simm.s32 $0x8;
	s5 =	rddreg [dreg:$0x19]  }
0x118: {  	[hbm4b:s5+s29] =	stream.strided.scatter [tilespmem:s15], [sflag:$0xF], $0x1000, s24, s29, $0x38;
	[tilespmem:$0x1D000] =	vst v63  }
0x119: {  	_ =	swait.ge [sflag:s7], $0x4000  }
0x11a: {  	[sflag:s7] =	ssyncset.done $0x0  }
0x11b: {  	s13 =	rddreg [dreg:$0x1a];
	[sflag:s7] =	ssyncadd.s32 $0xFFFFC000  }
0x11c: {  	[tilespmem:s0], [sflag:$0x3] =	stream.linear.gather [hbm4b:s13+s3], $0x4000, $0x38;
	[tilespmem:$0x1D000] =	vst v63  }
0x11d: {  	_ =	swait.ge [sflag:s9], $0x4000  }
0x11e: {  	[sflag:s9] =	ssyncset.done $0x0  }
0x11f: {  	s7 =	simm.s32 $0xC;
	[sflag:s9] =	ssyncadd.s32 $0xFFFFC000  }
0x120: {  	_ =	swait.ge [sflag:s7], $0x800  }
0x121: {  	s13 =	sld [smem:$0x789]  }
0x122: {  	s22 =	sor.u32 $0x1C0E, s22;
	[sflag:s7] =	ssyncset.done $0x0  }
0x123: {  	s5 =	simm.s32 $0x10000;
	[sflag:s7] =	ssyncadd.s32 $0xFFFFF800;
	s7 =	rddreg [dreg:$0x1b]  }
0x124: {  	[hbm4b:s13+s8] =	stream.strided.scatter [tilespmem:s5], [sflag:$0xA], $0x4000, s24, s8, $0x38;
	[tilespmem:$0x1D000] =	vst v63  }
0x125: {  	[hbm:s7@s26], [sflag:s22] =	dma.strided [spmem:s20@s28], $0x800, s25, $0x10   }
0x126: {  	s7 =	rddreg [dreg:$0x1c]  }
0x127: {  	[hbm4b:s7+s29] =	stream.strided.scatter [tilespmem:s15], [sflag:$0xF], $0x1000, s24, s29, $0x38;
	[tilespmem:$0x1D000] =	vst v63  }
0x128: {  	_ =	swait.ge [sflag:s21], $0x4000  }
0x129: {  	[sflag:s21] =	ssyncset.done $0x0  }
0x12a: {  	s13 =	rddreg [dreg:$0x1d];
	[sflag:s21] =	ssyncadd.s32 $0xFFFFC000  }
0x12b: {  	[tilespmem:s30], [sflag:$0x4] =	stream.linear.gather [hbm4b:s13+s3], $0x4000, $0x38;
	[tilespmem:$0x1D000] =	vst v63  }
0x12c: {  	_ =	swait.ge [sflag:s31], $0x4000  }
0x12d: {  	s13 =	rddreg [dreg:$0x1e];
	[sflag:s31] =	ssyncset.done $0x0  }
0x12e: {  	s30 =	rddreg [dreg:$0x1f];
	[sflag:s31] =	ssyncadd.s32 $0xFFFFC000  }
0x12f: {  	[hbm4b:s13+s8] =	stream.strided.scatter [tilespmem:s3], [sflag:$0x6], $0x4000, s24, s8, $0x38;
	[tilespmem:$0x1D000] =	vst v63  }
0x130: {  	[hbm:s30@s26], [sflag:s22] =	dma.strided [spmem:s20@s28], $0x800, s25, $0x10   }
0x131: {  	s30 =	sld [smem:$0x780];
	_ =	sdelay $0x2  }
0x132: {  	[hbm4b:s30+s29] =	stream.strided.scatter [tilespmem:s15], [sflag:$0xF], $0x1000, s24, s29, $0x38;
	[tilespmem:$0x1D000] =	vst v63  }
0x133: {  	s30 =	simm.s32 $0xA  }
0x134: {  	_ =	swait.ge [sflag:s30], $0x4000  }
0x135: {  	s13 =	sld [smem:$0x781]  }
0x136: {  	[sflag:s30] =	ssyncset.done $0x0  }
0x137: {  	[sflag:s30] =	ssyncadd.s32 $0xFFFFC000  }
0x138: {  	[tilespmem:s5], [sflag:$0x5] =	stream.linear.gather [hbm4b:s13+s3], $0x4000, $0x38;
	[tilespmem:$0x1D000] =	vst v63  }
0x139: {  	_ =	swait.ge [sflag:s10], $0x800  }
0x13a: {  	[sflag:s10] =	ssyncset.done $0x0  }
0x13b: {  	[sflag:s10] =	ssyncadd.s32 $0xFFFFF800  }
0x13c: {  	_ =	swait.ge [sflag:s10], $0x800  }
0x13d: {  	[sflag:s10] =	ssyncset.done $0x0  }
0x13e: {  	[sflag:s10] =	ssyncadd.s32 $0xFFFFF800  }
0x13f: {  	_ =	swait.ge [sflag:s10], $0x800  }
0x140: {  	[sflag:s10] =	ssyncset.done $0x0  }
0x141: {  	[sflag:s10] =	ssyncadd.s32 $0xFFFFF800  }
0x142: {  	_ =	swait.ge [sflag:s10], $0x800  }
0x143: {  	s5 =	sld [smem:$0x782]  }
0x144: {  	[sflag:s10] =	ssyncset.done $0x0  }
0x145: {  	[sflag:s10] =	ssyncadd.s32 $0xFFFFF800  }
0x146: {  	[spmem:s1], [sflag:s17] =	dma.local [hbm:s5], $0x800  }
0x147: {  	_ =	swait.ge [sflag:s2], $0x4000  }
0x148: {  	s13 =	sld [smem:$0x783]  }
0x149: {  	[sflag:s2] =	ssyncset.done $0x0;
	s5 =	sld [smem:$0x784]  }
0x14a: {  	s17 =	simm.s32 $0x4000;
	[sflag:s2] =	ssyncadd.s32 $0xFFFFC000  }
0x14b: {  	[hbm4b:s13+s8] =	stream.strided.scatter [tilespmem:s17], [sflag:$0x7], $0x4000, s24, s8, $0x38;
	[tilespmem:$0x1D000] =	vst v63  }
0x14c: {  	[hbm:s5@s26], [sflag:s22] =	dma.strided [spmem:s20@s28], $0x800, s25, $0x10   }
0x14d: {  	s13 =	sld [smem:$0x785];
	_ =	sdelay $0x2  }
0x14e: {  	[hbm4b:s13+s29] =	stream.strided.scatter [tilespmem:s15], [sflag:$0xF], $0x1000, s24, s29, $0x38;
	[tilespmem:$0x1D000] =	vst v63  }
0x14f: {  	_ =	swait.ge [sflag:s4], $0x4000  }
0x150: {  	s5 =	sld [smem:$0x786]  }
0x151: {  	[sflag:s4] =	ssyncset.done $0x0  }
0x152: {  	[sflag:s4] =	ssyncadd.s32 $0xFFFFC000  }
0x153: {  	[tilespmem:s3], [sflag:$0x1] =	stream.linear.gather [hbm4b:s5+s3], $0x4000, $0x38;
	[tilespmem:$0x1D000] =	vst v63  }
0x154: {  	_ =	swait.ge [sflag:s6], $0x4000  }
0x155: {  	s7 =	sld [smem:$0x787]  }
0x156: {  	[sflag:s6] =	ssyncset.done $0x0;
	s13 =	sld [smem:$0x788]  }
0x157: {  	s5 =	simm.s32 $0x8000;
	[sflag:s6] =	ssyncadd.s32 $0xFFFFC000  }
0x158: {  	[hbm4b:s7+s8] =	stream.strided.scatter [tilespmem:s5], [sflag:$0x8], $0x4000, s24, s8, $0x38;
	[tilespmem:$0x1D000] =	vst v63  }
0x159: {  	[hbm:s13@s26], [sflag:s22] =	dma.strided [spmem:s20@s28], $0x800, s25, $0x10   }
0x15a: {  	s13 =	sld [smem:$0x78A];
	_ =	sdelay $0x2  }
0x15b: {  	[hbm4b:s13+s29] =	stream.strided.scatter [tilespmem:s15], [sflag:$0xF], $0x1000, s24, s29, $0x38;
	[tilespmem:$0x1D000] =	vst v63  }
0x15c: {  	_ =	swait.ge [sflag:s23], $0x4000  }
0x15d: {  	s13 =	sld [smem:$0x78B]  }
0x15e: {  	[sflag:s23] =	ssyncset.done $0x0  }
0x15f: {  	[sflag:s23] =	ssyncadd.s32 $0xFFFFC000  }
0x160: {  	[tilespmem:s17], [sflag:$0x2] =	stream.linear.gather [hbm4b:s13+s3], $0x4000, $0x38;
	[tilespmem:$0x1D000] =	vst v63  }
0x161: {  	_ =	swait.ge [sflag:s12], $0x4000  }
0x162: {  	[sflag:s12] =	ssyncset.done $0x0  }
0x163: {  	s17 =	simm.s32 $0xB;
	[sflag:s12] =	ssyncadd.s32 $0xFFFFC000  }
0x164: {  	_ =	swait.ge [sflag:s17], $0x800  }
0x165: {  	s13 =	sld [smem:$0x79A]  }
0x166: {  	[sflag:s17] =	ssyncset.done $0x0;
	s7 =	sld [smem:$0x78C]  }
0x167: {  	[sflag:s17] =	ssyncadd.s32 $0xFFFFF800;
	s17 =	simm.s32 $0xC000  }
0x168: {  	[hbm4b:s13+s8] =	stream.strided.scatter [tilespmem:s17], [sflag:$0x9], $0x4000, s24, s8, $0x38;
	[tilespmem:$0x1D000] =	vst v63  }
0x169: {  	[hbm:s7@s26], [sflag:s18] =	dma.strided [spmem:s1@s28], $0x800, s25, $0x10   }
0x16a: {  	s7 =	sld [smem:$0x78D];
	_ =	sdelay $0x1  }
0x16b: {  	s19 =	simm.s32 $0x8  }
0x16c: {  	[hbm4b:s7+s29] =	stream.strided.scatter [tilespmem:s15], [sflag:$0xF], $0x1000, s24, s29, $0x38;
	[tilespmem:$0x1D000] =	vst v63  }
0x16d: {  	_ =	swait.ge [sflag:s19], $0x4000  }
0x16e: {  	s13 =	sld [smem:$0x78E]  }
0x16f: {  	[sflag:s19] =	ssyncset.done $0x0  }
0x170: {  	[sflag:s19] =	ssyncadd.s32 $0xFFFFC000  }
0x171: {  	[tilespmem:s5], [sflag:$0x3] =	stream.linear.gather [hbm4b:s13+s3], $0x4000, $0x38;
	[tilespmem:$0x1D000] =	vst v63  }
0x172: {  	_ =	swait.ge [sflag:s9], $0x4000  }
0x173: {  	s5 =	sld [smem:$0x78F]  }
0x174: {  	[sflag:s9] =	ssyncset.done $0x0;
	s13 =	sld [smem:$0x790]  }
0x175: {  	s19 =	simm.s32 $0x10000;
	[sflag:s9] =	ssyncadd.s32 $0xFFFFC000  }
0x176: {  	[hbm4b:s5+s8] =	stream.strided.scatter [tilespmem:s19], [sflag:$0xA], $0x4000, s24, s8, $0x38;
	[tilespmem:$0x1D000] =	vst v63  }
0x177: {  	[hbm:s13@s26], [sflag:s18] =	dma.strided [spmem:s1@s28], $0x800, s25, $0x10   }
0x178: {  	s19 =	sld [smem:$0x791];
	_ =	sdelay $0x2  }
0x179: {  	[hbm4b:s19+s29] =	stream.strided.scatter [tilespmem:s15], [sflag:$0xF], $0x1000, s24, s29, $0x38;
	[tilespmem:$0x1D000] =	vst v63  }
0x17a: {  	_ =	swait.ge [sflag:s21], $0x4000  }
0x17b: {  	s5 =	sld [smem:$0x792]  }
0x17c: {  	[sflag:s21] =	ssyncset.done $0x0  }
0x17d: {  	[sflag:s21] =	ssyncadd.s32 $0xFFFFC000  }
0x17e: {  	[tilespmem:s17], [sflag:$0x4] =	stream.linear.gather [hbm4b:s5+s3], $0x4000, $0x38;
	[tilespmem:$0x1D000] =	vst v63  }
0x17f: {  	_ =	swait.ge [sflag:s11], $0x800  }
0x180: {  	[sflag:s11] =	ssyncset.done $0x0  }
0x181: {  	[sflag:s11] =	ssyncadd.s32 $0xFFFFF800  }
0x182: {  	_ =	swait.ge [sflag:s11], $0x800  }
0x183: {  	[sflag:s11] =	ssyncset.done $0x0  }
0x184: {  	[sflag:s11] =	ssyncadd.s32 $0xFFFFF800  }
0x185: {  	_ =	swait.ge [sflag:s11], $0x800  }
0x186: {  	[sflag:s11] =	ssyncset.done $0x0  }
0x187: {  	[sflag:s11] =	ssyncadd.s32 $0xFFFFF800  }
0x188: {  	_ =	swait.ge [sflag:s11], $0x800  }
0x189: {  	s13 =	sld [smem:$0x793]  }
0x18a: {  	[sflag:s11] =	ssyncset.done $0x0  }
0x18b: {  	[sflag:s11] =	ssyncadd.s32 $0xFFFFF800  }
0x18c: {  	[spmem:s20], [sflag:s14] =	dma.local [hbm:s13], $0x800  }
0x18d: {  	_ =	swait.ge [sflag:s31], $0x4000  }
0x18e: {  	s17 =	sld [smem:$0x794]  }
0x18f: {  	[sflag:s31] =	ssyncset.done $0x0;
	s19 =	sld [smem:$0x795]  }
0x190: {  	[sflag:s31] =	ssyncadd.s32 $0xFFFFC000  }
0x191: {  	[hbm4b:s17+s8] =	stream.strided.scatter [tilespmem:s3], [sflag:$0x6], $0x4000, s24, s8, $0x38;
	[tilespmem:$0x1D000] =	vst v63  }
0x192: {  	[hbm:s19@s26], [sflag:s18] =	dma.strided [spmem:s1@s28], $0x800, s25, $0x10   }
0x193: {  	s5 =	smov.u32 s14;
	s14 =	sld [smem:$0x796];
	_ =	sdelay $0x2  }
0x194: {  	[hbm4b:s14+s29] =	stream.strided.scatter [tilespmem:s15], [sflag:$0xF], $0x1000, s24, s29, $0x38;
	[tilespmem:$0x1D000] =	vst v63  }
0x195: {  	_ =	swait.ge [sflag:s30], $0x4000  }
0x196: {  	s17 =	sld [smem:$0x797]  }
0x197: {  	[sflag:s30] =	ssyncset.done $0x0  }
0x198: {  	s19 =	simm.s32 $0x10000;
	[sflag:s30] =	ssyncadd.s32 $0xFFFFC000  }
0x199: {  	[tilespmem:s19], [sflag:$0x5] =	stream.linear.gather [hbm4b:s17+s3], $0x4000, $0x38;
	[tilespmem:$0x1D000] =	vst v63  }
0x19a: {  	_ =	swait.ge [sflag:s2], $0x4000  }
0x19b: {  	s13 =	sld [smem:$0x798]  }
0x19c: {  	[sflag:s2] =	ssyncset.done $0x0;
	s17 =	sld [smem:$0x799]  }
0x19d: {  	s14 =	simm.s32 $0x4000;
	[sflag:s2] =	ssyncadd.s32 $0xFFFFC000  }
0x19e: {  	[hbm4b:s13+s8] =	stream.strided.scatter [tilespmem:s14], [sflag:$0x7], $0x4000, s24, s8, $0x38;
	[tilespmem:$0x1D000] =	vst v63  }
0x19f: {  	[hbm:s17@s26], [sflag:s18] =	dma.strided [spmem:s1@s28], $0x800, s25, $0x10   }
0x1a0: {  	s19 =	sld [smem:$0x79B];
	_ =	sdelay $0x2  }
0x1a1: {  	[hbm4b:s19+s29] =	stream.strided.scatter [tilespmem:s15], [sflag:$0xF], $0x1000, s24, s29, $0x38;
	[tilespmem:$0x1D000] =	vst v63  }
0x1a2: {  	_ =	swait.ge [sflag:s4], $0x4000  }
0x1a3: {  	s13 =	sld [smem:$0x79C]  }
0x1a4: {  	[sflag:s4] =	ssyncset.done $0x0  }
0x1a5: {  	[sflag:s4] =	ssyncadd.s32 $0xFFFFC000  }
0x1a6: {  	[tilespmem:s3], [sflag:$0x1] =	stream.linear.gather [hbm4b:s13+s3], $0x4000, $0x38;
	[tilespmem:$0x1D000] =	vst v63  }
0x1a7: {  	_ =	swait.ge [sflag:s6], $0x4000  }
0x1a8: {  	[sflag:s6] =	ssyncset.done $0x0  }
0x1a9: {  	s0 =	simm.s32 $0xC;
	[sflag:s6] =	ssyncadd.s32 $0xFFFFC000  }
0x1aa: {  	_ =	swait.ge [sflag:s0], $0x800  }
0x1ab: {  	s19 =	sld [smem:$0x7AB]  }
0x1ac: {  	[sflag:s0] =	ssyncset.done $0x0;
	s17 =	sld [smem:$0x79D]  }
0x1ad: {  	[sflag:s0] =	ssyncadd.s32 $0xFFFFF800;
	s0 =	simm.s32 $0x8000  }
0x1ae: {  	[hbm4b:s19+s8] =	stream.strided.scatter [tilespmem:s0], [sflag:$0x8], $0x4000, s24, s8, $0x38;
	[tilespmem:$0x1D000] =	vst v63  }
0x1af: {  	[hbm:s17@s26], [sflag:s22] =	dma.strided [spmem:s20@s28], $0x800, s25, $0x10   }
0x1b0: {  	s7 =	sld [smem:$0x79E];
	_ =	sdelay $0x2  }
0x1b1: {  	[hbm4b:s7+s29] =	stream.strided.scatter [tilespmem:s15], [sflag:$0xF], $0x1000, s24, s29, $0x38;
	[tilespmem:$0x1D000] =	vst v63  }
0x1b2: {  	_ =	swait.ge [sflag:s23], $0x4000  }
0x1b3: {  	s13 =	sld [smem:$0x79F]  }
0x1b4: {  	[sflag:s23] =	ssyncset.done $0x0  }
0x1b5: {  	[sflag:s23] =	ssyncadd.s32 $0xFFFFC000  }
0x1b6: {  	[tilespmem:s14], [sflag:$0x2] =	stream.linear.gather [hbm4b:s13+s3], $0x4000, $0x38;
	[tilespmem:$0x1D000] =	vst v63  }
0x1b7: {  	_ =	swait.ge [sflag:s12], $0x4000  }
0x1b8: {  	s17 =	sld [smem:$0x7A0]  }
0x1b9: {  	[sflag:s12] =	ssyncset.done $0x0;
	s19 =	sld [smem:$0x7A1]  }
0x1ba: {  	s14 =	simm.s32 $0xC000;
	[sflag:s12] =	ssyncadd.s32 $0xFFFFC000  }
0x1bb: {  	[hbm4b:s17+s8] =	stream.strided.scatter [tilespmem:s14], [sflag:$0x9], $0x4000, s24, s8, $0x38;
	[tilespmem:$0x1D000] =	vst v63  }
0x1bc: {  	[hbm:s19@s26], [sflag:s22] =	dma.strided [spmem:s20@s28], $0x800, s25, $0x10   }
0x1bd: {  	s13 =	sld [smem:$0x7A2];
	_ =	sdelay $0x1  }
0x1be: {  	s17 =	simm.s32 $0x8  }
0x1bf: {  	[hbm4b:s13+s29] =	stream.strided.scatter [tilespmem:s15], [sflag:$0xF], $0x1000, s24, s29, $0x38;
	[tilespmem:$0x1D000] =	vst v63  }
0x1c0: {  	_ =	swait.ge [sflag:s17], $0x4000  }
0x1c1: {  	s19 =	sld [smem:$0x7A3]  }
0x1c2: {  	[sflag:s17] =	ssyncset.done $0x0  }
0x1c3: {  	[sflag:s17] =	ssyncadd.s32 $0xFFFFC000  }
0x1c4: {  	[tilespmem:s0], [sflag:$0x3] =	stream.linear.gather [hbm4b:s19+s3], $0x4000, $0x38;
	[tilespmem:$0x1D000] =	vst v63  }
0x1c5: {  	_ =	swait.ge [sflag:s10], $0x800  }
0x1c6: {  	[sflag:s10] =	ssyncset.done $0x0  }
0x1c7: {  	[sflag:s10] =	ssyncadd.s32 $0xFFFFF800  }
0x1c8: {  	_ =	swait.ge [sflag:s10], $0x800  }
0x1c9: {  	[sflag:s10] =	ssyncset.done $0x0  }
0x1ca: {  	[sflag:s10] =	ssyncadd.s32 $0xFFFFF800  }
0x1cb: {  	_ =	swait.ge [sflag:s10], $0x800  }
0x1cc: {  	[sflag:s10] =	ssyncset.done $0x0  }
0x1cd: {  	[sflag:s10] =	ssyncadd.s32 $0xFFFFF800  }
0x1ce: {  	_ =	swait.ge [sflag:s10], $0x800  }
0x1cf: {  	s0 =	sld [smem:$0x7A4]  }
0x1d0: {  	s17 =	sld [smem:$0x77D]  }
0x1d1: {  	[sflag:s10] =	ssyncset.done $0x0  }
0x1d2: {  	[sflag:s10] =	ssyncadd.s32 $0xFFFFF800  }
0x1d3: {  	[spmem:s1], [sflag:s17] =	dma.local [hbm:s0], $0x800  }
0x1d4: {  	_ =	swait.ge [sflag:s9], $0x4000  }
0x1d5: {  	s13 =	sld [smem:$0x7A5]  }
0x1d6: {  	[sflag:s9] =	ssyncset.done $0x0;
	s19 =	sld [smem:$0x7A6]  }
0x1d7: {  	s0 =	simm.s32 $0x10000;
	[sflag:s9] =	ssyncadd.s32 $0xFFFFC000  }
0x1d8: {  	[hbm4b:s13+s8] =	stream.strided.scatter [tilespmem:s0], [sflag:$0xA], $0x4000, s24, s8, $0x38;
	[tilespmem:$0x1D000] =	vst v63  }
0x1d9: {  	[hbm:s19@s26], [sflag:s22] =	dma.strided [spmem:s20@s28], $0x800, s25, $0x10   }
0x1da: {  	s19 =	sld [smem:$0x7A7];
	_ =	sdelay $0x2  }
0x1db: {  	[hbm4b:s19+s29] =	stream.strided.scatter [tilespmem:s15], [sflag:$0xF], $0x1000, s24, s29, $0x38;
	[tilespmem:$0x1D000] =	vst v63  }
0x1dc: {  	_ =	swait.ge [sflag:s21], $0x4000  }
0x1dd: {  	s13 =	sld [smem:$0x7A8]  }
0x1de: {  	[sflag:s21] =	ssyncset.done $0x0  }
0x1df: {  	[sflag:s21] =	ssyncadd.s32 $0xFFFFC000  }
0x1e0: {  	[tilespmem:s14], [sflag:$0x4] =	stream.linear.gather [hbm4b:s13+s3], $0x4000, $0x38;
	[tilespmem:$0x1D000] =	vst v63  }
0x1e1: {  	_ =	swait.ge [sflag:s31], $0x4000  }
0x1e2: {  	s14 =	sld [smem:$0x7A9]  }
0x1e3: {  	[sflag:s31] =	ssyncset.done $0x0;
	s19 =	sld [smem:$0x7AA]  }
0x1e4: {  	[sflag:s31] =	ssyncadd.s32 $0xFFFFC000  }
0x1e5: {  	[hbm4b:s14+s8] =	stream.strided.scatter [tilespmem:s3], [sflag:$0x6], $0x4000, s24, s8, $0x38;
	[tilespmem:$0x1D000] =	vst v63  }
0x1e6: {  	[hbm:s19@s26], [sflag:s22] =	dma.strided [spmem:s20@s28], $0x800, s25, $0x10   }
0x1e7: {  	s14 =	sld [smem:$0x7AC];
	_ =	sdelay $0x2  }
0x1e8: {  	[hbm4b:s14+s29] =	stream.strided.scatter [tilespmem:s15], [sflag:$0xF], $0x1000, s24, s29, $0x38;
	[tilespmem:$0x1D000] =	vst v63  }
0x1e9: {  	_ =	swait.ge [sflag:s30], $0x4000  }
0x1ea: {  	s19 =	sld [smem:$0x7AD]  }
0x1eb: {  	[sflag:s30] =	ssyncset.done $0x0  }
0x1ec: {  	[sflag:s30] =	ssyncadd.s32 $0xFFFFC000  }
0x1ed: {  	[tilespmem:s0], [sflag:$0x5] =	stream.linear.gather [hbm4b:s19+s3], $0x4000, $0x38;
	[tilespmem:$0x1D000] =	vst v63  }
0x1ee: {  	_ =	swait.ge [sflag:s2], $0x4000  }
0x1ef: {  	[sflag:s2] =	ssyncset.done $0x0  }
0x1f0: {  	s13 =	simm.s32 $0xB;
	[sflag:s2] =	ssyncadd.s32 $0xFFFFC000  }
0x1f1: {  	_ =	swait.ge [sflag:s13], $0x800  }
0x1f2: {  	s19 =	sld [smem:$0x7BC]  }
0x1f3: {  	[sflag:s13] =	ssyncset.done $0x0;
	s7 =	sld [smem:$0x7AE]  }
0x1f4: {  	s0 =	simm.s32 $0x4000;
	[sflag:s13] =	ssyncadd.s32 $0xFFFFF800  }
0x1f5: {  	[hbm4b:s19+s8] =	stream.strided.scatter [tilespmem:s0], [sflag:$0x7], $0x4000, s24, s8, $0x38;
	[tilespmem:$0x1D000] =	vst v63  }
0x1f6: {  	[hbm:s7@s26], [sflag:s18] =	dma.strided [spmem:s1@s28], $0x800, s25, $0x10   }
0x1f7: {  	s7 =	sld [smem:$0x7AF];
	_ =	sdelay $0x2  }
0x1f8: {  	[hbm4b:s7+s29] =	stream.strided.scatter [tilespmem:s15], [sflag:$0xF], $0x1000, s24, s29, $0x38;
	[tilespmem:$0x1D000] =	vst v63  }
0x1f9: {  	_ =	swait.ge [sflag:s4], $0x4000  }
0x1fa: {  	s19 =	sld [smem:$0x7B0]  }
0x1fb: {  	[sflag:s4] =	ssyncset.done $0x0  }
0x1fc: {  	[sflag:s4] =	ssyncadd.s32 $0xFFFFC000  }
0x1fd: {  	[tilespmem:s3], [sflag:$0x1] =	stream.linear.gather [hbm4b:s19+s3], $0x4000, $0x38;
	[tilespmem:$0x1D000] =	vst v63  }
0x1fe: {  	_ =	swait.ge [sflag:s6], $0x4000  }
0x1ff: {  	s7 =	sld [smem:$0x7B1]  }
0x200: {  	[sflag:s6] =	ssyncset.done $0x0;
	s13 =	sld [smem:$0x7B2]  }
0x201: {  	s19 =	simm.s32 $0x8000;
	[sflag:s6] =	ssyncadd.s32 $0xFFFFC000  }
0x202: {  	[hbm4b:s7+s8] =	stream.strided.scatter [tilespmem:s19], [sflag:$0x8], $0x4000, s24, s8, $0x38;
	[tilespmem:$0x1D000] =	vst v63  }
0x203: {  	[hbm:s13@s26], [sflag:s18] =	dma.strided [spmem:s1@s28], $0x800, s25, $0x10   }
0x204: {  	s13 =	sld [smem:$0x7B3];
	_ =	sdelay $0x2  }
0x205: {  	[hbm4b:s13+s29] =	stream.strided.scatter [tilespmem:s15], [sflag:$0xF], $0x1000, s24, s29, $0x38;
	[tilespmem:$0x1D000] =	vst v63  }
0x206: {  	_ =	swait.ge [sflag:s23], $0x4000  }
0x207: {  	s13 =	sld [smem:$0x7B4]  }
0x208: {  	[sflag:s23] =	ssyncset.done $0x0  }
0x209: {  	[sflag:s23] =	ssyncadd.s32 $0xFFFFC000  }
0x20a: {  	[tilespmem:s0], [sflag:$0x2] =	stream.linear.gather [hbm4b:s13+s3], $0x4000, $0x38;
	[tilespmem:$0x1D000] =	vst v63  }
0x20b: {  	_ =	swait.ge [sflag:s11], $0x800  }
0x20c: {  	[sflag:s11] =	ssyncset.done $0x0  }
0x20d: {  	[sflag:s11] =	ssyncadd.s32 $0xFFFFF800  }
0x20e: {  	_ =	swait.ge [sflag:s11], $0x800  }
0x20f: {  	[sflag:s11] =	ssyncset.done $0x0  }
0x210: {  	[sflag:s11] =	ssyncadd.s32 $0xFFFFF800  }
0x211: {  	_ =	swait.ge [sflag:s11], $0x800  }
0x212: {  	[sflag:s11] =	ssyncset.done $0x0  }
0x213: {  	[sflag:s11] =	ssyncadd.s32 $0xFFFFF800  }
0x214: {  	_ =	swait.ge [sflag:s11], $0x800  }
0x215: {  	s0 =	sld [smem:$0x7B5]  }
0x216: {  	[sflag:s11] =	ssyncset.done $0x0  }
0x217: {  	[sflag:s11] =	ssyncadd.s32 $0xFFFFF800  }
0x218: {  	[spmem:s20], [sflag:s5] =	dma.local [hbm:s0], $0x800  }
0x219: {  	_ =	swait.ge [sflag:s12], $0x4000  }
0x21a: {  	s7 =	sld [smem:$0x7B6]  }
0x21b: {  	[sflag:s12] =	ssyncset.done $0x0;
	s13 =	sld [smem:$0x7B7]  }
0x21c: {  	s0 =	simm.s32 $0xC000;
	[sflag:s12] =	ssyncadd.s32 $0xFFFFC000  }
0x21d: {  	[hbm4b:s7+s8] =	stream.strided.scatter [tilespmem:s0], [sflag:$0x9], $0x4000, s24, s8, $0x38;
	[tilespmem:$0x1D000] =	vst v63  }
0x21e: {  	[hbm:s13@s26], [sflag:s18] =	dma.strided [spmem:s1@s28], $0x800, s25, $0x10   }
0x21f: {  	s13 =	sld [smem:$0x7B8];
	_ =	sdelay $0x2  }
0x220: {  	[hbm4b:s13+s29] =	stream.strided.scatter [tilespmem:s15], [sflag:$0xF], $0x1000, s24, s29, $0x38;
	[tilespmem:$0x1D000] =	vst v63  }
0x221: {  	s13 =	simm.s32 $0x8  }
0x222: {  	_ =	swait.ge [sflag:s13], $0x4000  }
0x223: {  	s7 =	sld [smem:$0x7B9]  }
0x224: {  	[sflag:s13] =	ssyncset.done $0x0  }
0x225: {  	[sflag:s13] =	ssyncadd.s32 $0xFFFFC000  }
0x226: {  	[tilespmem:s19], [sflag:$0x3] =	stream.linear.gather [hbm4b:s7+s3], $0x4000, $0x38;
	[tilespmem:$0x1D000] =	vst v63  }
0x227: {  	_ =	swait.ge [sflag:s9], $0x4000  }
0x228: {  	s13 =	sld [smem:$0x7BA]  }
0x229: {  	[sflag:s9] =	ssyncset.done $0x0;
	s19 =	sld [smem:$0x7BB]  }
0x22a: {  	s14 =	simm.s32 $0x10000;
	[sflag:s9] =	ssyncadd.s32 $0xFFFFC000  }
0x22b: {  	[hbm4b:s13+s8] =	stream.strided.scatter [tilespmem:s14], [sflag:$0xA], $0x4000, s24, s8, $0x38;
	[tilespmem:$0x1D000] =	vst v63  }
0x22c: {  	[hbm:s19@s26], [sflag:s18] =	dma.strided [spmem:s1@s28], $0x800, s25, $0x10   }
0x22d: {  	s13 =	sld [smem:$0x7BD];
	_ =	sdelay $0x2  }
0x22e: {  	[hbm4b:s13+s29] =	stream.strided.scatter [tilespmem:s15], [sflag:$0xF], $0x1000, s24, s29, $0x38;
	[tilespmem:$0x1D000] =	vst v63  }
0x22f: {  	_ =	swait.ge [sflag:s21], $0x4000  }
0x230: {  	s19 =	sld [smem:$0x7BE]  }
0x231: {  	[sflag:s21] =	ssyncset.done $0x0  }
0x232: {  	[sflag:s21] =	ssyncadd.s32 $0xFFFFC000  }
0x233: {  	[tilespmem:s0], [sflag:$0x4] =	stream.linear.gather [hbm4b:s19+s3], $0x4000, $0x38;
	[tilespmem:$0x1D000] =	vst v63  }
0x234: {  	_ =	swait.ge [sflag:s31], $0x4000  }
0x235: {  	[sflag:s31] =	ssyncset.done $0x0  }
0x236: {  	s13 =	simm.s32 $0xC;
	[sflag:s31] =	ssyncadd.s32 $0xFFFFC000  }
0x237: {  	_ =	swait.ge [sflag:s13], $0x800  }
0x238: {  	s19 =	sld [smem:$0x7CD]  }
0x239: {  	[sflag:s13] =	ssyncset.done $0x0;
	s7 =	sld [smem:$0x7BF]  }
0x23a: {  	[sflag:s13] =	ssyncadd.s32 $0xFFFFF800  }
0x23b: {  	[hbm4b:s19+s8] =	stream.strided.scatter [tilespmem:s3], [sflag:$0x6], $0x4000, s24, s8, $0x38;
	[tilespmem:$0x1D000] =	vst v63  }
0x23c: {  	[hbm:s7@s26], [sflag:s22] =	dma.strided [spmem:s20@s28], $0x800, s25, $0x10   }
0x23d: {  	s7 =	sld [smem:$0x7C0];
	_ =	sdelay $0x2  }
0x23e: {  	[hbm4b:s7+s29] =	stream.strided.scatter [tilespmem:s15], [sflag:$0xF], $0x1000, s24, s29, $0x38;
	[tilespmem:$0x1D000] =	vst v63  }
0x23f: {  	_ =	swait.ge [sflag:s30], $0x4000  }
0x240: {  	s0 =	sld [smem:$0x7C1]  }
0x241: {  	[sflag:s30] =	ssyncset.done $0x0  }
0x242: {  	[sflag:s30] =	ssyncadd.s32 $0xFFFFC000  }
0x243: {  	[tilespmem:s14], [sflag:$0x5] =	stream.linear.gather [hbm4b:s0+s3], $0x4000, $0x38;
	[tilespmem:$0x1D000] =	vst v63  }
0x244: {  	_ =	swait.ge [sflag:s2], $0x4000  }
0x245: {  	s13 =	sld [smem:$0x7C2]  }
0x246: {  	[sflag:s2] =	ssyncset.done $0x0;
	s19 =	sld [smem:$0x7C3]  }
0x247: {  	s0 =	simm.s32 $0x4000;
	[sflag:s2] =	ssyncadd.s32 $0xFFFFC000  }
0x248: {  	[hbm4b:s13+s8] =	stream.strided.scatter [tilespmem:s0], [sflag:$0x7], $0x4000, s24, s8, $0x38;
	[tilespmem:$0x1D000] =	vst v63  }
0x249: {  	[hbm:s19@s26], [sflag:s22] =	dma.strided [spmem:s20@s28], $0x800, s25, $0x10   }
0x24a: {  	s19 =	sld [smem:$0x7C4];
	_ =	sdelay $0x2  }
0x24b: {  	[hbm4b:s19+s29] =	stream.strided.scatter [tilespmem:s15], [sflag:$0xF], $0x1000, s24, s29, $0x38;
	[tilespmem:$0x1D000] =	vst v63  }
0x24c: {  	_ =	swait.ge [sflag:s4], $0x4000  }
0x24d: {  	s13 =	sld [smem:$0x7C5]  }
0x24e: {  	[sflag:s4] =	ssyncset.done $0x0  }
0x24f: {  	[sflag:s4] =	ssyncadd.s32 $0xFFFFC000  }
0x250: {  	[tilespmem:s3], [sflag:$0x1] =	stream.linear.gather [hbm4b:s13+s3], $0x4000, $0x38;
	[tilespmem:$0x1D000] =	vst v63  }
0x251: {  	_ =	swait.ge [sflag:s10], $0x800  }
0x252: {  	[sflag:s10] =	ssyncset.done $0x0  }
0x253: {  	[sflag:s10] =	ssyncadd.s32 $0xFFFFF800  }
0x254: {  	_ =	swait.ge [sflag:s10], $0x800  }
0x255: {  	[sflag:s10] =	ssyncset.done $0x0  }
0x256: {  	[sflag:s10] =	ssyncadd.s32 $0xFFFFF800  }
0x257: {  	_ =	swait.ge [sflag:s10], $0x800  }
0x258: {  	[sflag:s10] =	ssyncset.done $0x0  }
0x259: {  	[sflag:s10] =	ssyncadd.s32 $0xFFFFF800  }
0x25a: {  	_ =	swait.ge [sflag:s10], $0x800  }
0x25b: {  	s19 =	sld [smem:$0x7C6]  }
0x25c: {  	[sflag:s10] =	ssyncset.done $0x0  }
0x25d: {  	[sflag:s10] =	ssyncadd.s32 $0xFFFFF800  }
0x25e: {  	[spmem:s1], [sflag:s17] =	dma.local [hbm:s19], $0x800  }
0x25f: {  	_ =	swait.ge [sflag:s6], $0x4000  }
0x260: {  	s13 =	sld [smem:$0x7C7]  }
0x261: {  	[sflag:s6] =	ssyncset.done $0x0;
	s19 =	sld [smem:$0x7C8]  }
0x262: {  	s17 =	simm.s32 $0x8000;
	[sflag:s6] =	ssyncadd.s32 $0xFFFFC000  }
0x263: {  	[hbm4b:s13+s8] =	stream.strided.scatter [tilespmem:s17], [sflag:$0x8], $0x4000, s24, s8, $0x38;
	[tilespmem:$0x1D000] =	vst v63  }
0x264: {  	[hbm:s19@s26], [sflag:s22] =	dma.strided [spmem:s20@s28], $0x800, s25, $0x10   }
0x265: {  	s13 =	sld [smem:$0x7C9];
	_ =	sdelay $0x2  }
0x266: {  	[hbm4b:s13+s29] =	stream.strided.scatter [tilespmem:s15], [sflag:$0xF], $0x1000, s24, s29, $0x38;
	[tilespmem:$0x1D000] =	vst v63  }
0x267: {  	_ =	swait.ge [sflag:s23], $0x4000  }
0x268: {  	s19 =	sld [smem:$0x7CA]  }
0x269: {  	[sflag:s23] =	ssyncset.done $0x0  }
0x26a: {  	[sflag:s23] =	ssyncadd.s32 $0xFFFFC000  }
0x26b: {  	[tilespmem:s0], [sflag:$0x2] =	stream.linear.gather [hbm4b:s19+s3], $0x4000, $0x38;
	[tilespmem:$0x1D000] =	vst v63  }
0x26c: {  	_ =	swait.ge [sflag:s12], $0x4000  }
0x26d: {  	s13 =	sld [smem:$0x7CB]  }
0x26e: {  	[sflag:s12] =	ssyncset.done $0x0;
	s19 =	sld [smem:$0x7CC]  }
0x26f: {  	s0 =	simm.s32 $0xC000;
	[sflag:s12] =	ssyncadd.s32 $0xFFFFC000  }
0x270: {  	[hbm4b:s13+s8] =	stream.strided.scatter [tilespmem:s0], [sflag:$0x9], $0x4000, s24, s8, $0x38;
	[tilespmem:$0x1D000] =	vst v63  }
0x271: {  	[hbm:s19@s26], [sflag:s22] =	dma.strided [spmem:s20@s28], $0x800, s25, $0x10   }
0x272: {  	s13 =	sld [smem:$0x7CE];
	_ =	sdelay $0x1  }
0x273: {  	s19 =	simm.s32 $0x8  }
0x274: {  	[hbm4b:s13+s29] =	stream.strided.scatter [tilespmem:s15], [sflag:$0xF], $0x1000, s24, s29, $0x38;
	[tilespmem:$0x1D000] =	vst v63  }
0x275: {  	_ =	swait.ge [sflag:s19], $0x4000  }
0x276: {  	s7 =	sld [smem:$0x7CF]  }
0x277: {  	[sflag:s19] =	ssyncset.done $0x0  }
0x278: {  	[sflag:s19] =	ssyncadd.s32 $0xFFFFC000  }
0x279: {  	[tilespmem:s17], [sflag:$0x3] =	stream.linear.gather [hbm4b:s7+s3], $0x4000, $0x38;
	[tilespmem:$0x1D000] =	vst v63  }
0x27a: {  	_ =	swait.ge [sflag:s9], $0x4000  }
0x27b: {  	[sflag:s9] =	ssyncset.done $0x0  }
0x27c: {  	s13 =	simm.s32 $0xB;
	[sflag:s9] =	ssyncadd.s32 $0xFFFFC000  }
0x27d: {  	_ =	swait.ge [sflag:s13], $0x800  }
0x27e: {  	s17 =	simm.s32 $0xB;
	[sflag:s13] =	ssyncset.done $0x0  }
0x27f: {  	[sflag:s17] =	ssyncadd.s32 $0xFFFFF800;
	s17 =	sld [smem:$0x7DE]  }
0x280: {  	s7 =	sld [smem:$0x7D0];
	_ =	sdelay $0x1  }
0x281: {  	[hbm4b:s17+s8] =	stream.strided.scatter [tilespmem:s14], [sflag:$0xA], $0x4000, s24, s8, $0x38;
	[tilespmem:$0x1D000] =	vst v63  }
0x282: {  	[hbm:s7@s26], [sflag:s18] =	dma.strided [spmem:s1@s28], $0x800, s25, $0x10   }
0x283: {  	s7 =	sld [smem:$0x7D1];
	_ =	sdelay $0x2  }
0x284: {  	[hbm4b:s7+s29] =	stream.strided.scatter [tilespmem:s15], [sflag:$0xF], $0x1000, s24, s29, $0x38;
	[tilespmem:$0x1D000] =	vst v63  }
0x285: {  	_ =	swait.ge [sflag:s21], $0x4000  }
0x286: {  	s17 =	sld [smem:$0x7D2]  }
0x287: {  	[sflag:s21] =	ssyncset.done $0x0  }
0x288: {  	[sflag:s21] =	ssyncadd.s32 $0xFFFFC000  }
0x289: {  	[tilespmem:s0], [sflag:$0x4] =	stream.linear.gather [hbm4b:s17+s3], $0x4000, $0x38;
	[tilespmem:$0x1D000] =	vst v63  }
0x28a: {  	_ =	swait.ge [sflag:s31], $0x4000  }
0x28b: {  	s13 =	sld [smem:$0x7D3]  }
0x28c: {  	[sflag:s31] =	ssyncset.done $0x0;
	s17 =	sld [smem:$0x7D4]  }
0x28d: {  	[sflag:s31] =	ssyncadd.s32 $0xFFFFC000  }
0x28e: {  	[hbm4b:s13+s8] =	stream.strided.scatter [tilespmem:s3], [sflag:$0x6], $0x4000, s24, s8, $0x38;
	[tilespmem:$0x1D000] =	vst v63  }
0x28f: {  	[hbm:s17@s26], [sflag:s18] =	dma.strided [spmem:s1@s28], $0x800, s25, $0x10   }
0x290: {  	s17 =	sld [smem:$0x7D5];
	_ =	sdelay $0x2  }
0x291: {  	[hbm4b:s17+s29] =	stream.strided.scatter [tilespmem:s15], [sflag:$0xF], $0x1000, s24, s29, $0x38;
	[tilespmem:$0x1D000] =	vst v63  }
0x292: {  	_ =	swait.ge [sflag:s30], $0x4000  }
0x293: {  	s13 =	sld [smem:$0x7D6]  }
0x294: {  	[sflag:s30] =	ssyncset.done $0x0  }
0x295: {  	[sflag:s30] =	ssyncadd.s32 $0xFFFFC000  }
0x296: {  	[tilespmem:s14], [sflag:$0x5] =	stream.linear.gather [hbm4b:s13+s3], $0x4000, $0x38;
	[tilespmem:$0x1D000] =	vst v63  }
0x297: {  	_ =	swait.ge [sflag:s11], $0x800  }
0x298: {  	[sflag:s11] =	ssyncset.done $0x0  }
0x299: {  	[sflag:s11] =	ssyncadd.s32 $0xFFFFF800  }
0x29a: {  	_ =	swait.ge [sflag:s11], $0x800  }
0x29b: {  	[sflag:s11] =	ssyncset.done $0x0  }
0x29c: {  	[sflag:s11] =	ssyncadd.s32 $0xFFFFF800  }
0x29d: {  	_ =	swait.ge [sflag:s11], $0x800  }
0x29e: {  	[sflag:s11] =	ssyncset.done $0x0  }
0x29f: {  	[sflag:s11] =	ssyncadd.s32 $0xFFFFF800  }
0x2a0: {  	_ =	swait.ge [sflag:s11], $0x800  }
0x2a1: {  	s14 =	sld [smem:$0x7D7]  }
0x2a2: {  	[sflag:s11] =	ssyncset.done $0x0  }
0x2a3: {  	[sflag:s11] =	ssyncadd.s32 $0xFFFFF800  }
0x2a4: {  	[spmem:s20], [sflag:s5] =	dma.local [hbm:s14], $0x800  }
0x2a5: {  	_ =	swait.ge [sflag:s2], $0x4000  }
0x2a6: {  	s5 =	sld [smem:$0x7D8]  }
0x2a7: {  	[sflag:s2] =	ssyncset.done $0x0;
	s13 =	sld [smem:$0x7D9]  }
0x2a8: {  	s14 =	simm.s32 $0x4000;
	[sflag:s2] =	ssyncadd.s32 $0xFFFFC000  }
0x2a9: {  	[hbm4b:s5+s8] =	stream.strided.scatter [tilespmem:s14], [sflag:$0x7], $0x4000, s24, s8, $0x38;
	[tilespmem:$0x1D000] =	vst v63  }
0x2aa: {  	[hbm:s13@s26], [sflag:s18] =	dma.strided [spmem:s1@s28], $0x800, s25, $0x10   }
0x2ab: {  	s14 =	sld [smem:$0x7DA];
	_ =	sdelay $0x2  }
0x2ac: {  	[hbm4b:s14+s29] =	stream.strided.scatter [tilespmem:s15], [sflag:$0xF], $0x1000, s24, s29, $0x38;
	[tilespmem:$0x1D000] =	vst v63  }
0x2ad: {  	_ =	swait.ge [sflag:s4], $0x4000  }
0x2ae: {  	s5 =	sld [smem:$0x7DB]  }
0x2af: {  	[sflag:s4] =	ssyncset.done $0x0  }
0x2b0: {  	[sflag:s4] =	ssyncadd.s32 $0xFFFFC000  }
0x2b1: {  	[tilespmem:s3], [sflag:$0x1] =	stream.linear.gather [hbm4b:s5+s3], $0x4000, $0x38;
	[tilespmem:$0x1D000] =	vst v63  }
0x2b2: {  	_ =	swait.ge [sflag:s6], $0x4000  }
0x2b3: {  	s13 =	sld [smem:$0x7DC]  }
0x2b4: {  	[sflag:s6] =	ssyncset.done $0x0;
	s14 =	sld [smem:$0x7DD]  }
0x2b5: {  	[sflag:s6] =	ssyncadd.s32 $0xFFFFC000;
	s6 =	simm.s32 $0x8000  }
0x2b6: {  	[hbm4b:s13+s8] =	stream.strided.scatter [tilespmem:s6], [sflag:$0x8], $0x4000, s24, s8, $0x38;
	[tilespmem:$0x1D000] =	vst v63  }
0x2b7: {  	[hbm:s14@s26], [sflag:s18] =	dma.strided [spmem:s1@s28], $0x800, s25, $0x10   }
0x2b8: {  	s1 =	sld [smem:$0x7DF];
	_ =	sdelay $0x2  }
0x2b9: {  	[hbm4b:s1+s29] =	stream.strided.scatter [tilespmem:s15], [sflag:$0xF], $0x1000, s24, s29, $0x38;
	[tilespmem:$0x1D000] =	vst v63  }
0x2ba: {  	_ =	swait.ge [sflag:s23], $0x4000  }
0x2bb: {  	s7 =	sld [smem:$0x7E0]  }
0x2bc: {  	[sflag:s23] =	ssyncset.done $0x0  }
0x2bd: {  	s5 =	simm.s32 $0x4000;
	[sflag:s23] =	ssyncadd.s32 $0xFFFFC000  }
0x2be: {  	[tilespmem:s5], [sflag:$0x2] =	stream.linear.gather [hbm4b:s7+s3], $0x4000, $0x38;
	[tilespmem:$0x1D000] =	vst v63  }
0x2bf: {  	_ =	swait.ge [sflag:s12], $0x4000  }
0x2c0: {  	[sflag:s12] =	ssyncset.done $0x0  }
0x2c1: {  	s13 =	simm.s32 $0xC;
	[sflag:s12] =	ssyncadd.s32 $0xFFFFC000  }
0x2c2: {  	_ =	swait.ge [sflag:s13], $0x800  }
0x2c3: {  	s6 =	sld [smem:$0x7EB]  }
0x2c4: {  	s14 =	simm.s32 $0xC;
	[sflag:s13] =	ssyncset.done $0x0;
	s18 =	sld [smem:$0x7E1]  }
0x2c5: {  	s0 =	simm.s32 $0xC000;
	[sflag:s14] =	ssyncadd.s32 $0xFFFFF800  }
0x2c6: {  	[hbm4b:s6+s8] =	stream.strided.scatter [tilespmem:s0], [sflag:$0x9], $0x4000, s24, s8, $0x38;
	[tilespmem:$0x1D000] =	vst v63  }
0x2c7: {  	[hbm:s18@s26], [sflag:s22] =	dma.strided [spmem:s20@s28], $0x800, s25, $0x10   }
0x2c8: {  	s1 =	sld [smem:$0x7E2];
	_ =	sdelay $0x2  }
0x2c9: {  	[hbm4b:s1+s29] =	stream.strided.scatter [tilespmem:s15], [sflag:$0xF], $0x1000, s24, s29, $0x38;
	[tilespmem:$0x1D000] =	vst v63  }
0x2ca: {  	_ =	swait.ge [sflag:s9], $0x4000  }
0x2cb: {  	s13 =	sld [smem:$0x7E3]  }
0x2cc: {  	[sflag:s9] =	ssyncset.done $0x0;
	s14 =	sld [smem:$0x7E4]  }
0x2cd: {  	s17 =	simm.s32 $0x10000;
	[sflag:s9] =	ssyncadd.s32 $0xFFFFC000  }
0x2ce: {  	[hbm4b:s13+s8] =	stream.strided.scatter [tilespmem:s17], [sflag:$0xA], $0x4000, s24, s8, $0x38;
	[tilespmem:$0x1D000] =	vst v63  }
0x2cf: {  	[hbm:s14@s26], [sflag:s22] =	dma.strided [spmem:s20@s28], $0x800, s25, $0x10   }
0x2d0: {  	s18 =	sld [smem:$0x7E5];
	_ =	sdelay $0x2  }
0x2d1: {  	[hbm4b:s18+s29] =	stream.strided.scatter [tilespmem:s15], [sflag:$0xF], $0x1000, s24, s29, $0x38;
	[tilespmem:$0x1D000] =	vst v63  }
0x2d2: {  	_ =	swait.ge [sflag:s31], $0x4000  }
0x2d3: {  	s0 =	sld [smem:$0x7E6]  }
0x2d4: {  	[sflag:s31] =	ssyncset.done $0x0;
	s6 =	sld [smem:$0x7E7]  }
0x2d5: {  	[sflag:s31] =	ssyncadd.s32 $0xFFFFC000  }
0x2d6: {  	[hbm4b:s0+s8] =	stream.strided.scatter [tilespmem:s3], [sflag:$0x6], $0x4000, s24, s8, $0x38;
	[tilespmem:$0x1D000] =	vst v63  }
0x2d7: {  	[hbm:s6@s26], [sflag:s22] =	dma.strided [spmem:s20@s28], $0x800, s25, $0x10   }
0x2d8: {  	s13 =	sld [smem:$0x7E8];
	_ =	sdelay $0x2  }
0x2d9: {  	[hbm4b:s13+s29] =	stream.strided.scatter [tilespmem:s15], [sflag:$0xF], $0x1000, s24, s29, $0x38;
	[tilespmem:$0x1D000] =	vst v63  }
0x2da: {  	_ =	swait.ge [sflag:s2], $0x4000  }
0x2db: {  	s14 =	sld [smem:$0x7E9]  }
0x2dc: {  	[sflag:s2] =	ssyncset.done $0x0;
	s17 =	sld [smem:$0x7EA]  }
0x2dd: {  	[sflag:s2] =	ssyncadd.s32 $0xFFFFC000  }
0x2de: {  	[hbm4b:s14+s8] =	stream.strided.scatter [tilespmem:s5], [sflag:$0x7], $0x4000, s24, s8, $0x38;
	[tilespmem:$0x1D000] =	vst v63  }
0x2df: {  	[hbm:s17@s26], [sflag:s22] =	dma.strided [spmem:s20@s28], $0x800, s25, $0x10   }
0x2e0: {  	s18 =	sld [smem:$0x7EC];
	_ =	sdelay $0x1  }
0x2e1: {  	s19 =	simm.s32 $0x8  }
0x2e2: {  	[hbm4b:s18+s29] =	stream.strided.scatter [tilespmem:s15], [sflag:$0xF], $0x1000, s24, s29, $0x38;
	[tilespmem:$0x1D000] =	vst v63  }
0x2e3: {  	s22 =	sld [smem:$0x77E];
	_ =	swait.ge [sflag:s19], $0x4000  }
0x2e4: {  	[sflag:s19] =	ssyncset.done $0x0  }
0x2e5: {  	[sflag:s19] =	ssyncadd.s32 $0xFFFFC000  }
0x2e6: {  	_ =	swait.ge [sflag:s21], $0x4000  }
0x2e7: {  	[sflag:s21] =	ssyncset.done $0x0  }
0x2e8: {  	[sflag:s21] =	ssyncadd.s32 $0xFFFFC000  }
0x2e9: {  	_ =	swait.ge [sflag:s30], $0x4000  }
0x2ea: {  	[sflag:s30] =	ssyncset.done $0x0  }
0x2eb: {  	[sflag:s30] =	ssyncadd.s32 $0xFFFFC000  }
0x2ec: {  	_ =	swait.ge [sflag:s4], $0x4000  }
0x2ed: {  	[sflag:s4] =	ssyncset.done $0x0  }
0x2ee: {  	[sflag:s4] =	ssyncadd.s32 $0xFFFFC000  }
0x2ef: {  	_ =	swait.ge [sflag:s23], $0x4000  }
0x2f0: {  	[sflag:s23] =	ssyncset.done $0x0  }
0x2f1: {  	[sflag:s23] =	ssyncadd.s32 $0xFFFFC000  }
0x2f2: {  	_ =	swait.ge [sflag:s10], $0x800  }
0x2f3: {  	[sflag:s10] =	ssyncset.done $0x0  }
0x2f4: {  	[sflag:s10] =	ssyncadd.s32 $0xFFFFF800  }
0x2f5: {  	_ =	swait.ge [sflag:s10], $0x800  }
0x2f6: {  	[sflag:s10] =	ssyncset.done $0x0  }
0x2f7: {  	[sflag:s10] =	ssyncadd.s32 $0xFFFFF800  }
0x2f8: {  	_ =	swait.ge [sflag:s10], $0x800  }
0x2f9: {  	[sflag:s10] =	ssyncset.done $0x0  }
0x2fa: {  	[sflag:s10] =	ssyncadd.s32 $0xFFFFF800  }
0x2fb: {  	_ =	swait.ge [sflag:s10], $0x800  }
0x2fc: {  	[sflag:s10] =	ssyncset.done $0x0  }
0x2fd: {  	[sflag:s10] =	ssyncadd.s32 $0xFFFFF800  }
0x2fe: {  	_ =	swait.ge [sflag:s11], $0x800  }
0x2ff: {  	[sflag:s11] =	ssyncset.done $0x0  }
0x300: {  	[sflag:s11] =	ssyncadd.s32 $0xFFFFF800  }
0x301: {  	_ =	swait.ge [sflag:s11], $0x800  }
0x302: {  	[sflag:s11] =	ssyncset.done $0x0  }
0x303: {  	[sflag:s11] =	ssyncadd.s32 $0xFFFFF800  }
0x304: {  	_ =	swait.ge [sflag:s11], $0x800  }
0x305: {  	[sflag:s11] =	ssyncset.done $0x0  }
0x306: {  	[sflag:s11] =	ssyncadd.s32 $0xFFFFF800  }
0x307: {  	_ =	swait.ge [sflag:s11], $0x800  }
0x308: {  	[sflag:s11] =	ssyncset.done $0x0  }
0x309: {  	[sflag:s11] =	ssyncadd.s32 $0xFFFFF800  }
0x30a: {  	_ =	swait.ge [sflag:s16], $0x1000  }
0x30b: {  	[sflag:s16] =	ssyncset.done $0x0  }
0x30c: {  	[sflag:s16] =	ssyncadd.s32 $0xFFFFF000  }
0x30d: {  	_ =	swait.ge [sflag:s16], $0x1000  }
0x30e: {  	[sflag:s16] =	ssyncset.done $0x0  }
0x30f: {  	[sflag:s16] =	ssyncadd.s32 $0xFFFFF000  }
0x310: {  	_ =	swait.ge [sflag:s16], $0x1000  }
0x311: {  	[sflag:s16] =	ssyncset.done $0x0  }
0x312: {  	[sflag:s16] =	ssyncadd.s32 $0xFFFFF000  }
0x313: {  	_ =	swait.ge [sflag:s16], $0x1000  }
0x314: {  	[sflag:s16] =	ssyncset.done $0x0  }
0x315: {  	[sflag:s16] =	ssyncadd.s32 $0xFFFFF000  }
0x316: {  	_ =	swait.ge [sflag:s16], $0x1000  }
0x317: {  	[sflag:s16] =	ssyncset.done $0x0  }
0x318: {  	[sflag:s16] =	ssyncadd.s32 $0xFFFFF000  }
0x319: {  	_ =	swait.ge [sflag:s16], $0x1000  }
0x31a: {  	[sflag:s16] =	ssyncset.done $0x0  }
0x31b: {  	[sflag:s16] =	ssyncadd.s32 $0xFFFFF000  }
0x31c: {  	_ =	swait.ge [sflag:s16], $0x1000  }
0x31d: {  	[sflag:s16] =	ssyncset.done $0x0  }
0x31e: {  	[sflag:s16] =	ssyncadd.s32 $0xFFFFF000  }
0x31f: {  	_ =	swait.ge [sflag:s16], $0x1000  }
0x320: {  	[sflag:s16] =	ssyncset.done $0x0  }
0x321: {  	[sflag:s16] =	ssyncadd.s32 $0xFFFFF000  }
0x322: {  	_ =	swait.ge [sflag:s16], $0x1000  }
0x323: {  	[sflag:s16] =	ssyncset.done $0x0  }
0x324: {  	[sflag:s16] =	ssyncadd.s32 $0xFFFFF000  }
0x325: {  	_ =	swait.ge [sflag:s16], $0x1000  }
0x326: {  	[sflag:s16] =	ssyncset.done $0x0  }
0x327: {  	[sflag:s16] =	ssyncadd.s32 $0xFFFFF000  }
0x328: {  	_ =	swait.ge [sflag:s16], $0x1000  }
0x329: {  	[sflag:s16] =	ssyncset.done $0x0  }
0x32a: {  	[sflag:s16] =	ssyncadd.s32 $0xFFFFF000  }
0x32b: {  	_ =	swait.ge [sflag:s16], $0x1000  }
0x32c: {  	[sflag:s16] =	ssyncset.done $0x0  }
0x32d: {  	[sflag:s16] =	ssyncadd.s32 $0xFFFFF000  }
0x32e: {  	_ =	swait.ge [sflag:s16], $0x1000  }
0x32f: {  	[sflag:s16] =	ssyncset.done $0x0  }
0x330: {  	[sflag:s16] =	ssyncadd.s32 $0xFFFFF000  }
0x331: {  	_ =	swait.ge [sflag:s16], $0x1000  }
0x332: {  	[sflag:s16] =	ssyncset.done $0x0  }
0x333: {  	[sflag:s16] =	ssyncadd.s32 $0xFFFFF000  }
0x334: {  	_ =	swait.ge [sflag:s16], $0x1000  }
0x335: {  	[sflag:s16] =	ssyncset.done $0x0  }
0x336: {  	[sflag:s16] =	ssyncadd.s32 $0xFFFFF000  }
0x337: {  	_ =	swait.ge [sflag:s16], $0x1000  }
0x338: {  	[sflag:s16] =	ssyncset.done $0x0  }
0x339: {  	[sflag:s16] =	ssyncadd.s32 $0xFFFFF000  }
0x33a: {  	_ =	swait.ge [sflag:s16], $0x1000  }
0x33b: {  	[sflag:s16] =	ssyncset.done $0x0  }
0x33c: {  	[sflag:s16] =	ssyncadd.s32 $0xFFFFF000  }
0x33d: {  	_ =	swait.ge [sflag:s16], $0x1000  }
0x33e: {  	[sflag:s16] =	ssyncset.done $0x0  }
0x33f: {  	[sflag:s16] =	ssyncadd.s32 $0xFFFFF000  }
0x340: {  	_ =	swait.ge [sflag:s16], $0x1000  }
0x341: {  	[sflag:s16] =	ssyncset.done $0x0  }
0x342: {  	[sflag:s16] =	ssyncadd.s32 $0xFFFFF000  }
0x343: {  	_ =	swait.ge [sflag:s16], $0x1000  }
0x344: {  	[sflag:s16] =	ssyncset.done $0x0  }
0x345: {  	[sflag:s16] =	ssyncadd.s32 $0xFFFFF000  }
0x346: {  	_ =	swait.ge [sflag:s16], $0x1000  }
0x347: {  	[sflag:s16] =	ssyncset.done $0x0  }
0x348: {  	[sflag:s16] =	ssyncadd.s32 $0xFFFFF000  }
0x349: {  	_ =	swait.ge [sflag:s16], $0x1000  }
0x34a: {  	[sflag:s16] =	ssyncset.done $0x0  }
0x34b: {  	[sflag:s16] =	ssyncadd.s32 $0xFFFFF000  }
0x34c: {  	_ =	swait.ge [sflag:s16], $0x1000  }
0x34d: {  	[sflag:s16] =	ssyncset.done $0x0  }
0x34e: {  	[sflag:s16] =	ssyncadd.s32 $0xFFFFF000  }
0x34f: {  	_ =	swait.ge [sflag:s16], $0x1000  }
0x350: {  	[sflag:s16] =	ssyncset.done $0x0  }
0x351: {  	[sflag:s16] =	ssyncadd.s32 $0xFFFFF000  }
0x352: {  	_ =	swait.ge [sflag:s16], $0x1000  }
0x353: {  	[sflag:s16] =	ssyncset.done $0x0  }
0x354: {  	[sflag:s16] =	ssyncadd.s32 $0xFFFFF000  }
0x355: {  	_ =	swait.ge [sflag:s16], $0x1000  }
0x356: {  	[sflag:s16] =	ssyncset.done $0x0  }
0x357: {  	[sflag:s16] =	ssyncadd.s32 $0xFFFFF000  }
0x358: {  	_ =	swait.ge [sflag:s16], $0x1000  }
0x359: {  	[sflag:s16] =	ssyncset.done $0x0  }
0x35a: {  	[sflag:s16] =	ssyncadd.s32 $0xFFFFF000  }
0x35b: {  	_ =	swait.ge [sflag:s16], $0x1000  }
0x35c: {  	[sflag:s16] =	ssyncset.done $0x0  }
0x35d: {  	[sflag:s16] =	ssyncadd.s32 $0xFFFFF000  }
0x35e: {  	_ =	swait.ge [sflag:s16], $0x1000  }
0x35f: {  	[sflag:s16] =	ssyncset.done $0x0  }
0x360: {  	[sflag:s16] =	ssyncadd.s32 $0xFFFFF000  }
0x361: {  	_ =	swait.ge [sflag:s16], $0x1000  }
0x362: {  	[sflag:s16] =	ssyncset.done $0x0  }
0x363: {  	[sflag:s16] =	ssyncadd.s32 $0xFFFFF000  }
0x364: {  	p0 =	sne.s32 s22, $0x1;
	_ =	swait.ge [sflag:s16], $0x1000  }
.Ltmp0:
0x365: {  	[sflag:s16] =	ssyncset.done $0x0;
	(pc) =	sbr.rel @p0 .LBB2_1-.Ltmp0, $4  }
0x366: {  	[sflag:s16] =	ssyncadd.s32 $0xFFFFF000  }
0x367: {  	_ =	swait.ge [sflag:s16], $0x1000  }
0x368: {  	[sflag:s16] =	ssyncset.done $0x0  }
0x369: {  	s1 =	sadd.s32 $0xFFFFFFFF, s22;
	[sflag:s16] =	ssyncadd.s32 $0xFFFFF000  }
0x36a: {  	_ =	sfence.sel $0x180000  }
0x36b: {  	[bflag:$0x0] =	sbarrier.arrive $0xFFFF  }
0x36c: {  	_ =	strace $0x90000047  }
0x36d: {  	s0 =	stileid.u32;
	[bflag:$0x2] =	sbarrier.arrive $0xFFFF  }
0x36e: {  	p0 =	sne.s32 s0, $0x0;
	s0 =	rddreg [dreg:$0x5]  }
0x36f: {  	s0 =	sadd.s32 @!p0 $0x100000, s0  }
0x370: {  	[sflag:s0] =	ssyncadd.tile.s32 @!p0 $0x1;
	_ =	shalt  }
.Lfunc_end2:
_tile_overlayer_lowered:
.L_overlay_start_2:
0x371: {  	(tag) =	ssettag $0x2  }
0x372: {  	s0 =	rddreg [dreg:$0x0];
	s2 =	stileid.u32  }
0x373: {  	s1 =	rddreg [dreg:$0x1];
	p0 =	sne.s32 s2, $0x0  }
0x374: {  	s3 =	rddreg [dreg:$0x2];
	[bflag:$0x3] =	sbarrier.arrive $0xFFFF;
	s2 =	simm.s32 @!p0 $0x1C10  }
0x375: {  	[timem:s3], [sflag:s2] =	dma.local @!p0 [hbm:s0], s1  }
0x376: {  	s0 =	simm.s32 @!p0 $0x10  }
0x377: {  	_ =	swait.ge @!p0 [sflag:s0], s1  }
0x378: {  	s1 =	ssub.s32 @!p0 $0x0, s1;
	[sflag:s0] =	ssyncset.done @!p0 $0x0  }
0x379: {  	[sflag:s0] =	ssyncadd.s32 @!p0 s1  }
0x37a: {  	[bflag:$0x3] =	sbarrier.arrive $0xFFFF  }
0x37b: {  	_ =	shalt  }

</sc_bundles>
